<compile_context>
chip_gen: v7x
topology: tpu7x:2x2x1
jax: 0.10.2.dev20260603
libtpu: 0.0.44.dev20260713+nightly
codegen_flags: <defaults>
</compile_context>

<pallas_src>
import functools

import jax
import jax.numpy as jnp
from jax import lax
from jax.experimental import pallas as pl
from jax.experimental.pallas import tpu as pltpu
from jax.experimental.pallas import tpu_sc as plsc

B, H, W = 64, 256, 256
NI = 110
NIP = 112
LSTG = 128
THRESH = 0.2
LMIN = 0.0235
NC, NS, L = 2, 16, 16
NW = NC * NS
BPW = B // NW
NJC = W // L
UCW = 8192
NUC = (H * W) // UCW


def _sc_loss(up3, left2, vals):
    mesh = plsc.VectorSubcoreMesh(core_axis_name="c", subcore_axis_name="s")

    @functools.partial(
        pl.kernel,
        out_type=jax.ShapeDtypeStruct((NW, L), jnp.float32),
        mesh=mesh,
        compiler_params=pltpu.CompilerParams(needs_layout_passes=False),
        scratch_types=[
            pltpu.VMEM((H * W,), jnp.float32),
            pltpu.VMEM((H, LSTG), jnp.float32),
            pltpu.VMEM((UCW,), jnp.float32),
            pltpu.VMEM((UCW,), jnp.float32),
            pltpu.VMEM((UCW,), jnp.float32),
            pltpu.VMEM((NIP,), jnp.float32),
            pltpu.VMEM((L,), jnp.float32),
            pltpu.SemaphoreType.DMA,
            pltpu.SemaphoreType.DMA,
            pltpu.SemaphoreType.DMA,
            pltpu.SemaphoreType.DMA,
        ],
    )
    def run(up_hbm, left_hbm, vals_hbm, out_hbm, s_ref, l_ref, upa, upb, upc, vals_ref, acc_ref, sema, semb, semc, seml):
        cid = lax.axis_index("c")
        sid = lax.axis_index("s")
        wid = sid * NC + cid
        lane = lax.iota(jnp.int32, L)
        zero16 = jnp.zeros((L,), jnp.float32)

        pltpu.sync_copy(vals_hbm, vals_ref)
        b0 = wid * BPW
        pltpu.async_copy(left_hbm.at[b0, :, pl.ds(0, LSTG)], l_ref, seml)

        @plsc.parallel_loop(0, (H * W) // (8 * L), 1, unroll=4)
        def _zero(k):
            base = k * (8 * L)
            for q in range(8):
                s_ref[pl.ds(base + q * L, L)] = zero16
        pltpu.make_async_copy(left_hbm.at[b0, :, pl.ds(0, LSTG)], l_ref, seml).wait()

        accs = (zero16, zero16, zero16, zero16)
        for t in range(BPW):
            b = b0 + t

            pltpu.async_copy(up_hbm.at[b, 0], upa, sema)
            pltpu.async_copy(up_hbm.at[b, 1], upb, semb)

            def ibody(k, carry):
                i = NI - 1 - k
                ii = jnp.full((L,), i, jnp.int32)
                vv = plsc.load_gather(vals_ref, [ii])

                @plsc.parallel_loop(0, NJC, 1, unroll=NJC)
                def _chunks(jc):
                    jv = jc * L + lane
                    lv = plsc.load_gather(l_ref, [jv, ii])
                    x = jnp.float32(128.0) - lv * jnp.float32(60.0)
                    rf = (x + jnp.float32(8388608.0)) - jnp.float32(8388608.0)
                    r = rf.astype(jnp.int32)
                    flat = r * W + jv
                    wm = lv >= jnp.float32(LMIN)
                    plsc.store_scatter(s_ref, [flat], vv, mask=wm)

                return carry

            lax.fori_loop(0, NI, ibody, 0)

            if t + 1 < BPW:
                pltpu.async_copy(left_hbm.at[b + 1, :, pl.ds(0, LSTG)], l_ref, seml)

            bufs = [(upa, sema), (upb, semb), (upc, semc)]
            for c in range(NUC):
                cur, sem = bufs[c % 3]
                if c + 2 < NUC:
                    nxt, nsem = bufs[(c + 2) % 3]
                    pltpu.async_copy(up_hbm.at[b, c + 2], nxt, nsem)
                pltpu.make_async_copy(up_hbm.at[b, c], cur, sem).wait()
                choff = c * UCW

                @plsc.parallel_loop(0, UCW // (4 * L), 1, unroll=4, carry=accs)
                def kloop(k, a4, cur=cur, choff=choff):
                    base = k * (4 * L)
                    outs = []
                    for q in range(4):
                        off = base + q * L
                        sv = s_ref[pl.ds(choff + off, L)]
                        uv = cur[pl.ds(off, L)]
                        d = jnp.abs(sv - uv)
                        outs.append(a4[q] + jnp.where(d < jnp.float32(THRESH), d, jnp.float32(0.0)))
                        s_ref[pl.ds(choff + off, L)] = zero16
                    return tuple(outs)

                accs = kloop

            if t + 1 < BPW:
                pltpu.make_async_copy(left_hbm.at[b + 1, :, pl.ds(0, LSTG)], l_ref, seml).wait()

        acc_ref[...] = (accs[0] + accs[1]) + (accs[2] + accs[3])
        pltpu.sync_copy(acc_ref, out_hbm.at[wid])

    return run(up3, left2, vals)


@jax.jit
def kernel(up, left, right):
    del right
    up3 = up.reshape(B, NUC, UCW)
    left2 = left.reshape(B, H, W)
    ivec = jnp.arange(NIP, dtype=jnp.float32)
    vals = (jnp.float32(110.0) - ivec) / jnp.float32(50.0)
    partials = _sc_loss(up3, left2, vals)
    return jnp.sum(partials) / jnp.float32(B * H * W)

# --- scband reference (transcript-rebuilt; emitter-appended) ---
"""Pipeline reference for scband-consistent-loss-left-25288767439318 (READ-ONLY COPY).

The authoritative reference and input builder live on the scoring server;
editing this copy changes nothing except your own understanding.
"""

import jax, jax.numpy as jnp
import numpy as np


def setup_inputs(seed: int = 0) -> dict:
    key = jax.random.key(seed)
    k1, k2, k3 = jax.random.split(key, 3)
    B, C, H, W = 64, 1, 256, 256
    up = jax.random.uniform(k1, (B, C, H, W), dtype=jnp.float32)
    left = jax.random.uniform(k2, (B, C, H, W), dtype=jnp.float32)
    right = jax.random.uniform(k3, (B, C, H, W), dtype=jnp.float32)
    return {"up": up, "left": left, "right": right}


def reference(up, left, right):
    # Faithful vectorized translation of Consistent_loss_left.forward.
    # Original: for each batch k, for each (j, i) pixel of left[k,0],
    #   skip if left < 0.0235; else row = round(128 - left*60), col = j,
    #   and if i < 110, overwrite up_k[0, row, col] with (110 - i)/50 if
    #   current value is smaller. Starting from zeros with positive values,
    #   this is exactly a scatter-max into a zero-initialized buffer.
    threshold = 0.2
    B, C, H, W = up.shape
    l = left[:, 0, :, :]  # [B, H, W]
    i_idx = jnp.arange(W)  # column index i (iterates up.shape[3])
    mask = (l >= 0.0235) & (i_idx[None, None, :] < 110)  # keep pixels
    rows = jnp.round(128.0 - l * 60.0).astype(jnp.int32)  # [B, H, W]
    rows = jnp.clip(rows, 0, H - 1)
    rows = jnp.where(mask, rows, 0)
    cols = jnp.broadcast_to(jnp.arange(H)[None, :, None], (B, H, W))  # col = j
    vals = jnp.where(
        mask,
        (110.0 - i_idx.astype(jnp.float32))[None, None, :] / 50.0,
        0.0,
    )  # masked-out entries write 0, which never beats the zero init
    b_idx = jnp.broadcast_to(jnp.arange(B)[:, None, None], (B, H, W))
    left2up = jnp.zeros(up.shape, dtype=up.dtype)
    left2up = left2up.at[b_idx, 0, rows, cols].max(vals)
    pixel_diff_l2u = jnp.abs(left2up - up)
    masked_diff_l2u = jnp.where(
        pixel_diff_l2u < threshold, pixel_diff_l2u, jnp.zeros_like(pixel_diff_l2u)
    )
    l1_loss_l2u = jnp.mean(masked_diff_l2u)
    return l1_loss_l2u

if __name__ == "__main__":
    import jax
    _d = setup_inputs()
    print(jax.jit(kernel)(*tuple(_d.values())))

</pallas_src>

<mosaic_0001>
#map = affine_map<(d0, d1) -> (0, 0, 0)>
#map1 = affine_map<(d0, d1) -> (0)>
#map2 = affine_map<(d0, d1) -> (0, 0)>
module attributes {stable_mosaic.version = 14 : i64} {
  func.func @run(%arg0: i32, %arg1: i32, %arg2: memref<64x8x8192xf32, #tpu.memory_space<hbm>>, %arg3: memref<64x256x256xf32, #tpu.memory_space<hbm>>, %arg4: memref<112xf32, #tpu.memory_space<hbm>>, %arg5: memref<32x16xf32, #tpu.memory_space<hbm>>, %arg6: memref<65536xf32, #tpu.memory_space<vmem>>, %arg7: memref<256x128xf32, #tpu.memory_space<vmem>>, %arg8: memref<8192xf32, #tpu.memory_space<vmem>>, %arg9: memref<8192xf32, #tpu.memory_space<vmem>>, %arg10: memref<8192xf32, #tpu.memory_space<vmem>>, %arg11: memref<112xf32, #tpu.memory_space<vmem>>, %arg12: memref<16xf32, #tpu.memory_space<vmem>>, %arg13: memref<!tpu.dma_semaphore, #tpu.memory_space<semaphore_mem>>, %arg14: memref<!tpu.dma_semaphore, #tpu.memory_space<semaphore_mem>>, %arg15: memref<!tpu.dma_semaphore, #tpu.memory_space<semaphore_mem>>, %arg16: memref<!tpu.dma_semaphore, #tpu.memory_space<semaphore_mem>>) attributes {dimension_semantics = [#tpu.dimension_semantics<core_parallel>, #tpu.dimension_semantics<subcore_parallel>], iteration_bounds = array<i64: 2, 16>, scalar_prefetch = 0 : i64, scratch_operands = 11 : i64, tpu.core_type = #tpu.core_type<sc_vector_subcore>, window_params = [{transform_indices = #map}, {transform_indices = #map}, {transform_indices = #map1}, {transform_indices = #map2}]} {
    %mul3A = arith.constant 2 : i32
    %mul3A_0 = arith.muli %arg1, %mul3A : i32
    %add3A = arith.addi %mul3A_0, %arg0 : i32
    %iota3A = tpu.iota {dimensions = array<i32: 0>} : vector<16xi32>
    %broadcast_in_dim3A = arith.constant 0.000000e+00 : f32
    %broadcast_in_dim3A_1 = vector.broadcast %broadcast_in_dim3A : f32 to vector<16xf32>
    "tpu.region"() ({
      %run_scoped3A = tpu.sem_alloc : memref<!tpu.dma_semaphore, #tpu.memory_space<semaphore_mem>>
      tpu.enqueue_dma source(%arg4 : memref<112xf32, #tpu.memory_space<hbm>>) target(%arg11 : memref<112xf32, #tpu.memory_space<vmem>>) target_semaphore(%run_scoped3A : memref<!tpu.dma_semaphore, #tpu.memory_space<semaphore_mem>>)
      tpu.wait_dma2 semaphore(%run_scoped3A : memref<!tpu.dma_semaphore, #tpu.memory_space<semaphore_mem>>) src(%arg4 : memref<112xf32, #tpu.memory_space<hbm>>) dst(%arg11 : memref<112xf32, #tpu.memory_space<vmem>>)
      tpu.yield
    }) : () -> ()
    %mul3A_2 = arith.constant 2 : i32
    %mul3A_3 = arith.muli %add3A, %mul3A_2 : i32
    %dma_start3A = arith.constant 0 : i32
    %dma_start3A_4 = arith.constant 0 : i32
    %dma_start3A_5 = tpu.memref_slice %arg3[%mul3A_3, %dma_start3A, %dma_start3A_4] : memref<64x256x256xf32, #tpu.memory_space<hbm>> -> memref<1x256x128xf32, #tpu.memory_space<hbm>>
    %dma_start3A_6 = tpu.memref_squeeze %dma_start3A_5 : memref<1x256x128xf32, #tpu.memory_space<hbm>> -> memref<256x128xf32, #tpu.memory_space<hbm>>
    %dma_start3A_7 = arith.constant 0 : i32
    %dma_start3A_8 = arith.constant 0 : i32
    %dma_start3A_9 = tpu.memref_slice %arg3[%mul3A_3, %dma_start3A_7, %dma_start3A_8] : memref<64x256x256xf32, #tpu.memory_space<hbm>> -> memref<1x256x128xf32, #tpu.memory_space<hbm>>
    %dma_start3A_10 = tpu.memref_squeeze %dma_start3A_9 : memref<1x256x128xf32, #tpu.memory_space<hbm>> -> memref<256x128xf32, #tpu.memory_space<hbm>>
    tpu.enqueue_dma source(%dma_start3A_10 : memref<256x128xf32, #tpu.memory_space<hbm>>) target(%arg7 : memref<256x128xf32, #tpu.memory_space<vmem>>) target_semaphore(%arg16 : memref<!tpu.dma_semaphore, #tpu.memory_space<semaphore_mem>>)
    %parallel_loop3A = arith.constant 0 : i32
    %parallel_loop3A_11 = arith.constant 512 : i32
    %parallel_loop3A_12 = arith.constant 1 : i32
    scf.for %parallel_loop3A_347 = %parallel_loop3A to %parallel_loop3A_11 step %parallel_loop3A_12  : i32 {
      %parallel_loop3A_348 = arith.constant 128 : i32
      %parallel_loop3A_349 = arith.muli %parallel_loop3A_347, %parallel_loop3A_348 : i32
      %parallel_loop3A_350 = arith.constant 0 : i32
      %parallel_loop3A_351 = arith.addi %parallel_loop3A_349, %parallel_loop3A_350 : i32
      %parallel_loop3A_352 = arith.index_cast %parallel_loop3A_351 : i32 to index
      %parallel_loop3A_353 = tpu.vector_load %arg6[%parallel_loop3A_352] {strides = array<i32>} : memref<65536xf32, #tpu.memory_space<vmem>>, vector<16xf32>,
      tpu.vector_store %arg6[%parallel_loop3A_352], %broadcast_in_dim3A_1 {strides = array<i32>} : memref<65536xf32, #tpu.memory_space<vmem>>, vector<16xf32>,
      %parallel_loop3A_354 = arith.constant 16 : i32
      %parallel_loop3A_355 = arith.addi %parallel_loop3A_349, %parallel_loop3A_354 : i32
      %parallel_loop3A_356 = arith.index_cast %parallel_loop3A_355 : i32 to index
      %parallel_loop3A_357 = tpu.vector_load %arg6[%parallel_loop3A_356] {strides = array<i32>} : memref<65536xf32, #tpu.memory_space<vmem>>, vector<16xf32>,
      tpu.vector_store %arg6[%parallel_loop3A_356], %broadcast_in_dim3A_1 {strides = array<i32>} : memref<65536xf32, #tpu.memory_space<vmem>>, vector<16xf32>,
      %parallel_loop3A_358 = arith.constant 32 : i32
      %parallel_loop3A_359 = arith.addi %parallel_loop3A_349, %parallel_loop3A_358 : i32
      %parallel_loop3A_360 = arith.index_cast %parallel_loop3A_359 : i32 to index
      %parallel_loop3A_361 = tpu.vector_load %arg6[%parallel_loop3A_360] {strides = array<i32>} : memref<65536xf32, #tpu.memory_space<vmem>>, vector<16xf32>,
      tpu.vector_store %arg6[%parallel_loop3A_360], %broadcast_in_dim3A_1 {strides = array<i32>} : memref<65536xf32, #tpu.memory_space<vmem>>, vector<16xf32>,
      %parallel_loop3A_362 = arith.constant 48 : i32
      %parallel_loop3A_363 = arith.addi %parallel_loop3A_349, %parallel_loop3A_362 : i32
      %parallel_loop3A_364 = arith.index_cast %parallel_loop3A_363 : i32 to index
      %parallel_loop3A_365 = tpu.vector_load %arg6[%parallel_loop3A_364] {strides = array<i32>} : memref<65536xf32, #tpu.memory_space<vmem>>, vector<16xf32>,
      tpu.vector_store %arg6[%parallel_loop3A_364], %broadcast_in_dim3A_1 {strides = array<i32>} : memref<65536xf32, #tpu.memory_space<vmem>>, vector<16xf32>,
      %parallel_loop3A_366 = arith.constant 64 : i32
      %parallel_loop3A_367 = arith.addi %parallel_loop3A_349, %parallel_loop3A_366 : i32
      %parallel_loop3A_368 = arith.index_cast %parallel_loop3A_367 : i32 to index
      %parallel_loop3A_369 = tpu.vector_load %arg6[%parallel_loop3A_368] {strides = array<i32>} : memref<65536xf32, #tpu.memory_space<vmem>>, vector<16xf32>,
      tpu.vector_store %arg6[%parallel_loop3A_368], %broadcast_in_dim3A_1 {strides = array<i32>} : memref<65536xf32, #tpu.memory_space<vmem>>, vector<16xf32>,
      %parallel_loop3A_370 = arith.constant 80 : i32
      %parallel_loop3A_371 = arith.addi %parallel_loop3A_349, %parallel_loop3A_370 : i32
      %parallel_loop3A_372 = arith.index_cast %parallel_loop3A_371 : i32 to index
      %parallel_loop3A_373 = tpu.vector_load %arg6[%parallel_loop3A_372] {strides = array<i32>} : memref<65536xf32, #tpu.memory_space<vmem>>, vector<16xf32>,
      tpu.vector_store %arg6[%parallel_loop3A_372], %broadcast_in_dim3A_1 {strides = array<i32>} : memref<65536xf32, #tpu.memory_space<vmem>>, vector<16xf32>,
      %parallel_loop3A_374 = arith.constant 96 : i32
      %parallel_loop3A_375 = arith.addi %parallel_loop3A_349, %parallel_loop3A_374 : i32
      %parallel_loop3A_376 = arith.index_cast %parallel_loop3A_375 : i32 to index
      %parallel_loop3A_377 = tpu.vector_load %arg6[%parallel_loop3A_376] {strides = array<i32>} : memref<65536xf32, #tpu.memory_space<vmem>>, vector<16xf32>,
      tpu.vector_store %arg6[%parallel_loop3A_376], %broadcast_in_dim3A_1 {strides = array<i32>} : memref<65536xf32, #tpu.memory_space<vmem>>, vector<16xf32>,
      %parallel_loop3A_378 = arith.constant 112 : i32
      %parallel_loop3A_379 = arith.addi %parallel_loop3A_349, %parallel_loop3A_378 : i32
      %parallel_loop3A_380 = arith.index_cast %parallel_loop3A_379 : i32 to index
      %parallel_loop3A_381 = tpu.vector_load %arg6[%parallel_loop3A_380] {strides = array<i32>} : memref<65536xf32, #tpu.memory_space<vmem>>, vector<16xf32>,
      tpu.vector_store %arg6[%parallel_loop3A_380], %broadcast_in_dim3A_1 {strides = array<i32>} : memref<65536xf32, #tpu.memory_space<vmem>>, vector<16xf32>,
    } {sc.loop_unroll_factor = 4 : i64, sc.parallel_access}
    %dma_wait3A = arith.constant 0 : i32
    %dma_wait3A_13 = arith.constant 0 : i32
    %dma_wait3A_14 = tpu.memref_slice %arg3[%mul3A_3, %dma_wait3A, %dma_wait3A_13] : memref<64x256x256xf32, #tpu.memory_space<hbm>> -> memref<1x256x128xf32, #tpu.memory_space<hbm>>
    %dma_wait3A_15 = tpu.memref_squeeze %dma_wait3A_14 : memref<1x256x128xf32, #tpu.memory_space<hbm>> -> memref<256x128xf32, #tpu.memory_space<hbm>>
    %dma_wait3A_16 = arith.constant 0 : i32
    %dma_wait3A_17 = arith.constant 0 : i32
    %dma_wait3A_18 = tpu.memref_slice %arg3[%mul3A_3, %dma_wait3A_16, %dma_wait3A_17] : memref<64x256x256xf32, #tpu.memory_space<hbm>> -> memref<1x256x128xf32, #tpu.memory_space<hbm>>
    %dma_wait3A_19 = tpu.memref_squeeze %dma_wait3A_18 : memref<1x256x128xf32, #tpu.memory_space<hbm>> -> memref<256x128xf32, #tpu.memory_space<hbm>>
    tpu.wait_dma2 semaphore(%arg16 : memref<!tpu.dma_semaphore, #tpu.memory_space<semaphore_mem>>) src(%dma_wait3A_19 : memref<256x128xf32, #tpu.memory_space<hbm>>) dst(%arg7 : memref<256x128xf32, #tpu.memory_space<vmem>>)
    %add3A_20 = arith.constant 0 : i32
    %add3A_21 = arith.addi %mul3A_3, %add3A_20 : i32
    %dma_start3A_22 = arith.constant 0 : i32
    %dma_start3A_23 = arith.constant 0 : i32
    %dma_start3A_24 = tpu.memref_slice %arg2[%add3A_21, %dma_start3A_22, %dma_start3A_23] : memref<64x8x8192xf32, #tpu.memory_space<hbm>> -> memref<1x1x8192xf32, #tpu.memory_space<hbm>>
    %dma_start3A_25 = tpu.memref_squeeze %dma_start3A_24 : memref<1x1x8192xf32, #tpu.memory_space<hbm>> -> memref<8192xf32, #tpu.memory_space<hbm>>
    %dma_start3A_26 = arith.constant 0 : i32
    %dma_start3A_27 = tpu.memref_slice %arg2[%add3A_21, %dma_start3A_22, %dma_start3A_26] : memref<64x8x8192xf32, #tpu.memory_space<hbm>> -> memref<1x1x8192xf32, #tpu.memory_space<hbm>>
    %dma_start3A_28 = tpu.memref_squeeze %dma_start3A_27 : memref<1x1x8192xf32, #tpu.memory_space<hbm>> -> memref<8192xf32, #tpu.memory_space<hbm>>
    tpu.enqueue_dma source(%dma_start3A_28 : memref<8192xf32, #tpu.memory_space<hbm>>) target(%arg8 : memref<8192xf32, #tpu.memory_space<vmem>>) target_semaphore(%arg13 : memref<!tpu.dma_semaphore, #tpu.memory_space<semaphore_mem>>)
    %dma_start3A_29 = arith.constant 1 : i32
    %dma_start3A_30 = arith.constant 0 : i32
    %dma_start3A_31 = tpu.memref_slice %arg2[%add3A_21, %dma_start3A_29, %dma_start3A_30] : memref<64x8x8192xf32, #tpu.memory_space<hbm>> -> memref<1x1x8192xf32, #tpu.memory_space<hbm>>
    %dma_start3A_32 = tpu.memref_squeeze %dma_start3A_31 : memref<1x1x8192xf32, #tpu.memory_space<hbm>> -> memref<8192xf32, #tpu.memory_space<hbm>>
    %dma_start3A_33 = arith.constant 0 : i32
    %dma_start3A_34 = tpu.memref_slice %arg2[%add3A_21, %dma_start3A_29, %dma_start3A_33] : memref<64x8x8192xf32, #tpu.memory_space<hbm>> -> memref<1x1x8192xf32, #tpu.memory_space<hbm>>
    %dma_start3A_35 = tpu.memref_squeeze %dma_start3A_34 : memref<1x1x8192xf32, #tpu.memory_space<hbm>> -> memref<8192xf32, #tpu.memory_space<hbm>>
    tpu.enqueue_dma source(%dma_start3A_35 : memref<8192xf32, #tpu.memory_space<hbm>>) target(%arg9 : memref<8192xf32, #tpu.memory_space<vmem>>) target_semaphore(%arg14 : memref<!tpu.dma_semaphore, #tpu.memory_space<semaphore_mem>>)
    %scan3A = arith.constant 0 : i32
    %scan3A_36 = arith.constant 0 : i32
    %scan3A_37 = arith.constant 110 : i32
    %scan3A_38 = arith.addi %scan3A_36, %scan3A_37 : i32
    %scan3A_39 = arith.constant 1 : i32
    scf.for %scan3A_347 = %scan3A_36 to %scan3A_38 step %scan3A_39  : i32 {
      %sub3A = arith.constant 109 : i32
      %sub3A_348 = arith.subi %sub3A, %scan3A_347 : i32
      %broadcast_in_dim3A_349 = vector.broadcast %sub3A_348 : i32 to vector<16xi32>
      %gather3A = tpu.vector_load_idx %arg11[%broadcast_in_dim3A_349] : memref<112xf32, #tpu.memory_space<vmem>>[vector<16xi32>], vector<16xf32>,
      %parallel_loop3A_350 = arith.constant 0 : i32
      %parallel_loop3A_351 = arith.constant 16 : i32
      %parallel_loop3A_352 = arith.constant 1 : i32
      scf.for %parallel_loop3A_353 = %parallel_loop3A_350 to %parallel_loop3A_351 step %parallel_loop3A_352  : i32 {
        %parallel_loop3A_354 = arith.constant 16 : i32
        %parallel_loop3A_355 = arith.muli %parallel_loop3A_353, %parallel_loop3A_354 : i32
        %parallel_loop3A_356 = vector.broadcast %parallel_loop3A_355 : i32 to vector<16xi32>
        %parallel_loop3A_357 = arith.addi %parallel_loop3A_356, %iota3A : vector<16xi32>
        %parallel_loop3A_358 = tpu.vector_load_idx %arg7[%parallel_loop3A_357, %broadcast_in_dim3A_349] : memref<256x128xf32, #tpu.memory_space<vmem>>[vector<16xi32>, vector<16xi32>], vector<16xf32>,
        %parallel_loop3A_359 = arith.constant 6.000000e+01 : f32
        %parallel_loop3A_360 = vector.broadcast %parallel_loop3A_359 : f32 to vector<16xf32>
        %parallel_loop3A_361 = arith.mulf %parallel_loop3A_358, %parallel_loop3A_360 : vector<16xf32>
        %parallel_loop3A_362 = arith.constant 1.280000e+02 : f32
        %parallel_loop3A_363 = vector.broadcast %parallel_loop3A_362 : f32 to vector<16xf32>
        %parallel_loop3A_364 = arith.subf %parallel_loop3A_363, %parallel_loop3A_361 : vector<16xf32>
        %parallel_loop3A_365 = arith.constant 0x4B000000 : f32
        %parallel_loop3A_366 = vector.broadcast %parallel_loop3A_365 : f32 to vector<16xf32>
        %parallel_loop3A_367 = arith.addf %parallel_loop3A_364, %parallel_loop3A_366 : vector<16xf32>
        %parallel_loop3A_368 = arith.constant 0x4B000000 : f32
        %parallel_loop3A_369 = vector.broadcast %parallel_loop3A_368 : f32 to vector<16xf32>
        %parallel_loop3A_370 = arith.subf %parallel_loop3A_367, %parallel_loop3A_369 : vector<16xf32>
        %parallel_loop3A_371 = arith.fptosi %parallel_loop3A_370 : vector<16xf32> to vector<16xi32>
        %parallel_loop3A_372 = arith.constant 256 : i32
        %parallel_loop3A_373 = vector.broadcast %parallel_loop3A_372 : i32 to vector<16xi32>
        %parallel_loop3A_374 = arith.muli %parallel_loop3A_371, %parallel_loop3A_373 : vector<16xi32>
        %parallel_loop3A_375 = arith.addi %parallel_loop3A_374, %parallel_loop3A_357 : vector<16xi32>
        %parallel_loop3A_376 = arith.constant 2.350000e-02 : f32
        %parallel_loop3A_377 = vector.broadcast %parallel_loop3A_376 : f32 to vector<16xf32>
        %parallel_loop3A_378 = arith.cmpf oge, %parallel_loop3A_358, %parallel_loop3A_377 : vector<16xf32>
        tpu.vector_store_idx %arg6[%parallel_loop3A_375], %gather3A masked %parallel_loop3A_378 : memref<65536xf32, #tpu.memory_space<vmem>>[vector<16xi32>], vector<16xf32>, vector<16xi1>
      } {sc.loop_unroll_factor = 16 : i64, sc.parallel_access}
    }
    %scan3A_40 = arith.constant 110 : i32
    %add3A_41 = arith.constant 1 : i32
    %add3A_42 = arith.addi %add3A_21, %add3A_41 : i32
    %dma_start3A_43 = arith.constant 0 : i32
    %dma_start3A_44 = arith.constant 0 : i32
    %dma_start3A_45 = tpu.memref_slice %arg3[%add3A_42, %dma_start3A_43, %dma_start3A_44] : memref<64x256x256xf32, #tpu.memory_space<hbm>> -> memref<1x256x128xf32, #tpu.memory_space<hbm>>
    %dma_start3A_46 = tpu.memref_squeeze %dma_start3A_45 : memref<1x256x128xf32, #tpu.memory_space<hbm>> -> memref<256x128xf32, #tpu.memory_space<hbm>>
    %dma_start3A_47 = arith.constant 0 : i32
    %dma_start3A_48 = arith.constant 0 : i32
    %dma_start3A_49 = tpu.memref_slice %arg3[%add3A_42, %dma_start3A_47, %dma_start3A_48] : memref<64x256x256xf32, #tpu.memory_space<hbm>> -> memref<1x256x128xf32, #tpu.memory_space<hbm>>
    %dma_start3A_50 = tpu.memref_squeeze %dma_start3A_49 : memref<1x256x128xf32, #tpu.memory_space<hbm>> -> memref<256x128xf32, #tpu.memory_space<hbm>>
    tpu.enqueue_dma source(%dma_start3A_50 : memref<256x128xf32, #tpu.memory_space<hbm>>) target(%arg7 : memref<256x128xf32, #tpu.memory_space<vmem>>) target_semaphore(%arg16 : memref<!tpu.dma_semaphore, #tpu.memory_space<semaphore_mem>>)
    %dma_start3A_51 = arith.constant 2 : i32
    %dma_start3A_52 = arith.constant 0 : i32
    %dma_start3A_53 = tpu.memref_slice %arg2[%add3A_21, %dma_start3A_51, %dma_start3A_52] : memref<64x8x8192xf32, #tpu.memory_space<hbm>> -> memref<1x1x8192xf32, #tpu.memory_space<hbm>>
    %dma_start3A_54 = tpu.memref_squeeze %dma_start3A_53 : memref<1x1x8192xf32, #tpu.memory_space<hbm>> -> memref<8192xf32, #tpu.memory_space<hbm>>
    %dma_start3A_55 = arith.constant 0 : i32
    %dma_start3A_56 = tpu.memref_slice %arg2[%add3A_21, %dma_start3A_51, %dma_start3A_55] : memref<64x8x8192xf32, #tpu.memory_space<hbm>> -> memref<1x1x8192xf32, #tpu.memory_space<hbm>>
    %dma_start3A_57 = tpu.memref_squeeze %dma_start3A_56 : memref<1x1x8192xf32, #tpu.memory_space<hbm>> -> memref<8192xf32, #tpu.memory_space<hbm>>
    tpu.enqueue_dma source(%dma_start3A_57 : memref<8192xf32, #tpu.memory_space<hbm>>) target(%arg10 : memref<8192xf32, #tpu.memory_space<vmem>>) target_semaphore(%arg15 : memref<!tpu.dma_semaphore, #tpu.memory_space<semaphore_mem>>)
    %dma_wait3A_58 = arith.constant 0 : i32
    %dma_wait3A_59 = arith.constant 0 : i32
    %dma_wait3A_60 = tpu.memref_slice %arg2[%add3A_21, %dma_wait3A_58, %dma_wait3A_59] : memref<64x8x8192xf32, #tpu.memory_space<hbm>> -> memref<1x1x8192xf32, #tpu.memory_space<hbm>>
    %dma_wait3A_61 = tpu.memref_squeeze %dma_wait3A_60 : memref<1x1x8192xf32, #tpu.memory_space<hbm>> -> memref<8192xf32, #tpu.memory_space<hbm>>
    %dma_wait3A_62 = arith.constant 0 : i32
    %dma_wait3A_63 = tpu.memref_slice %arg2[%add3A_21, %dma_wait3A_58, %dma_wait3A_62] : memref<64x8x8192xf32, #tpu.memory_space<hbm>> -> memref<1x1x8192xf32, #tpu.memory_space<hbm>>
    %dma_wait3A_64 = tpu.memref_squeeze %dma_wait3A_63 : memref<1x1x8192xf32, #tpu.memory_space<hbm>> -> memref<8192xf32, #tpu.memory_space<hbm>>
    tpu.wait_dma2 semaphore(%arg13 : memref<!tpu.dma_semaphore, #tpu.memory_space<semaphore_mem>>) src(%dma_wait3A_64 : memref<8192xf32, #tpu.memory_space<hbm>>) dst(%arg8 : memref<8192xf32, #tpu.memory_space<vmem>>)
    %parallel_loop3A_65 = arith.constant 0 : i32
    %parallel_loop3A_66 = arith.constant 128 : i32
    %parallel_loop3A_67 = arith.constant 1 : i32
    %parallel_loop3A_68:4 = scf.for %parallel_loop3A_347 = %parallel_loop3A_65 to %parallel_loop3A_66 step %parallel_loop3A_67 iter_args(%parallel_loop3A_348 = %broadcast_in_dim3A_1, %parallel_loop3A_349 = %broadcast_in_dim3A_1, %parallel_loop3A_350 = %broadcast_in_dim3A_1, %parallel_loop3A_351 = %broadcast_in_dim3A_1) -> (vector<16xf32>, vector<16xf32>, vector<16xf32>, vector<16xf32>)  : i32 {
      %parallel_loop3A_352 = arith.constant 64 : i32
      %parallel_loop3A_353 = arith.muli %parallel_loop3A_347, %parallel_loop3A_352 : i32
      %parallel_loop3A_354 = arith.constant 0 : i32
      %parallel_loop3A_355 = arith.addi %parallel_loop3A_353, %parallel_loop3A_354 : i32
      %parallel_loop3A_356 = arith.constant 0 : i32
      %parallel_loop3A_357 = arith.addi %parallel_loop3A_356, %parallel_loop3A_355 : i32
      %parallel_loop3A_358 = arith.index_cast %parallel_loop3A_357 : i32 to index
      %parallel_loop3A_359 = tpu.vector_load %arg6[%parallel_loop3A_358] {strides = array<i32>} : memref<65536xf32, #tpu.memory_space<vmem>>, vector<16xf32>,
      %parallel_loop3A_360 = arith.index_cast %parallel_loop3A_355 : i32 to index
      %parallel_loop3A_361 = tpu.vector_load %arg8[%parallel_loop3A_360] {strides = array<i32>} : memref<8192xf32, #tpu.memory_space<vmem>>, vector<16xf32>,
      %parallel_loop3A_362 = arith.subf %parallel_loop3A_359, %parallel_loop3A_361 : vector<16xf32>
      %parallel_loop3A_363 = math.absf %parallel_loop3A_362 : vector<16xf32>
      %parallel_loop3A_364 = arith.constant 2.000000e-01 : f32
      %parallel_loop3A_365 = vector.broadcast %parallel_loop3A_364 : f32 to vector<16xf32>
      %parallel_loop3A_366 = arith.cmpf olt, %parallel_loop3A_363, %parallel_loop3A_365 : vector<16xf32>
      %parallel_loop3A_367 = arith.constant 0.000000e+00 : f32
      %parallel_loop3A_368 = vector.broadcast %parallel_loop3A_367 : f32 to vector<16xf32>
      %parallel_loop3A_369 = arith.select %parallel_loop3A_366, %parallel_loop3A_363, %parallel_loop3A_368 : vector<16xi1>, vector<16xf32>
      %parallel_loop3A_370 = arith.addf %parallel_loop3A_348, %parallel_loop3A_369 : vector<16xf32>
      %parallel_loop3A_371 = arith.constant 0 : i32
      %parallel_loop3A_372 = arith.addi %parallel_loop3A_371, %parallel_loop3A_355 : i32
      %parallel_loop3A_373 = arith.index_cast %parallel_loop3A_372 : i32 to index
      %parallel_loop3A_374 = tpu.vector_load %arg6[%parallel_loop3A_373] {strides = array<i32>} : memref<65536xf32, #tpu.memory_space<vmem>>, vector<16xf32>,
      tpu.vector_store %arg6[%parallel_loop3A_373], %broadcast_in_dim3A_1 {strides = array<i32>} : memref<65536xf32, #tpu.memory_space<vmem>>, vector<16xf32>,
      %parallel_loop3A_375 = arith.constant 16 : i32
      %parallel_loop3A_376 = arith.addi %parallel_loop3A_353, %parallel_loop3A_375 : i32
      %parallel_loop3A_377 = arith.constant 0 : i32
      %parallel_loop3A_378 = arith.addi %parallel_loop3A_377, %parallel_loop3A_376 : i32
      %parallel_loop3A_379 = arith.index_cast %parallel_loop3A_378 : i32 to index
      %parallel_loop3A_380 = tpu.vector_load %arg6[%parallel_loop3A_379] {strides = array<i32>} : memref<65536xf32, #tpu.memory_space<vmem>>, vector<16xf32>,
      %parallel_loop3A_381 = arith.index_cast %parallel_loop3A_376 : i32 to index
      %parallel_loop3A_382 = tpu.vector_load %arg8[%parallel_loop3A_381] {strides = array<i32>} : memref<8192xf32, #tpu.memory_space<vmem>>, vector<16xf32>,
      %parallel_loop3A_383 = arith.subf %parallel_loop3A_380, %parallel_loop3A_382 : vector<16xf32>
      %parallel_loop3A_384 = math.absf %parallel_loop3A_383 : vector<16xf32>
      %parallel_loop3A_385 = arith.constant 2.000000e-01 : f32
      %parallel_loop3A_386 = vector.broadcast %parallel_loop3A_385 : f32 to vector<16xf32>
      %parallel_loop3A_387 = arith.cmpf olt, %parallel_loop3A_384, %parallel_loop3A_386 : vector<16xf32>
      %parallel_loop3A_388 = arith.constant 0.000000e+00 : f32
      %parallel_loop3A_389 = vector.broadcast %parallel_loop3A_388 : f32 to vector<16xf32>
      %parallel_loop3A_390 = arith.select %parallel_loop3A_387, %parallel_loop3A_384, %parallel_loop3A_389 : vector<16xi1>, vector<16xf32>
      %parallel_loop3A_391 = arith.addf %parallel_loop3A_349, %parallel_loop3A_390 : vector<16xf32>
      %parallel_loop3A_392 = arith.constant 0 : i32
      %parallel_loop3A_393 = arith.addi %parallel_loop3A_392, %parallel_loop3A_376 : i32
      %parallel_loop3A_394 = arith.index_cast %parallel_loop3A_393 : i32 to index
      %parallel_loop3A_395 = tpu.vector_load %arg6[%parallel_loop3A_394] {strides = array<i32>} : memref<65536xf32, #tpu.memory_space<vmem>>, vector<16xf32>,
      tpu.vector_store %arg6[%parallel_loop3A_394], %broadcast_in_dim3A_1 {strides = array<i32>} : memref<65536xf32, #tpu.memory_space<vmem>>, vector<16xf32>,
      %parallel_loop3A_396 = arith.constant 32 : i32
      %parallel_loop3A_397 = arith.addi %parallel_loop3A_353, %parallel_loop3A_396 : i32
      %parallel_loop3A_398 = arith.constant 0 : i32
      %parallel_loop3A_399 = arith.addi %parallel_loop3A_398, %parallel_loop3A_397 : i32
      %parallel_loop3A_400 = arith.index_cast %parallel_loop3A_399 : i32 to index
      %parallel_loop3A_401 = tpu.vector_load %arg6[%parallel_loop3A_400] {strides = array<i32>} : memref<65536xf32, #tpu.memory_space<vmem>>, vector<16xf32>,
      %parallel_loop3A_402 = arith.index_cast %parallel_loop3A_397 : i32 to index
      %parallel_loop3A_403 = tpu.vector_load %arg8[%parallel_loop3A_402] {strides = array<i32>} : memref<8192xf32, #tpu.memory_space<vmem>>, vector<16xf32>,
      %parallel_loop3A_404 = arith.subf %parallel_loop3A_401, %parallel_loop3A_403 : vector<16xf32>
      %parallel_loop3A_405 = math.absf %parallel_loop3A_404 : vector<16xf32>
      %parallel_loop3A_406 = arith.constant 2.000000e-01 : f32
      %parallel_loop3A_407 = vector.broadcast %parallel_loop3A_406 : f32 to vector<16xf32>
      %parallel_loop3A_408 = arith.cmpf olt, %parallel_loop3A_405, %parallel_loop3A_407 : vector<16xf32>
      %parallel_loop3A_409 = arith.constant 0.000000e+00 : f32
      %parallel_loop3A_410 = vector.broadcast %parallel_loop3A_409 : f32 to vector<16xf32>
      %parallel_loop3A_411 = arith.select %parallel_loop3A_408, %parallel_loop3A_405, %parallel_loop3A_410 : vector<16xi1>, vector<16xf32>
      %parallel_loop3A_412 = arith.addf %parallel_loop3A_350, %parallel_loop3A_411 : vector<16xf32>
      %parallel_loop3A_413 = arith.constant 0 : i32
      %parallel_loop3A_414 = arith.addi %parallel_loop3A_413, %parallel_loop3A_397 : i32
      %parallel_loop3A_415 = arith.index_cast %parallel_loop3A_414 : i32 to index
      %parallel_loop3A_416 = tpu.vector_load %arg6[%parallel_loop3A_415] {strides = array<i32>} : memref<65536xf32, #tpu.memory_space<vmem>>, vector<16xf32>,
      tpu.vector_store %arg6[%parallel_loop3A_415], %broadcast_in_dim3A_1 {strides = array<i32>} : memref<65536xf32, #tpu.memory_space<vmem>>, vector<16xf32>,
      %parallel_loop3A_417 = arith.constant 48 : i32
      %parallel_loop3A_418 = arith.addi %parallel_loop3A_353, %parallel_loop3A_417 : i32
      %parallel_loop3A_419 = arith.constant 0 : i32
      %parallel_loop3A_420 = arith.addi %parallel_loop3A_419, %parallel_loop3A_418 : i32
      %parallel_loop3A_421 = arith.index_cast %parallel_loop3A_420 : i32 to index
      %parallel_loop3A_422 = tpu.vector_load %arg6[%parallel_loop3A_421] {strides = array<i32>} : memref<65536xf32, #tpu.memory_space<vmem>>, vector<16xf32>,
      %parallel_loop3A_423 = arith.index_cast %parallel_loop3A_418 : i32 to index
      %parallel_loop3A_424 = tpu.vector_load %arg8[%parallel_loop3A_423] {strides = array<i32>} : memref<8192xf32, #tpu.memory_space<vmem>>, vector<16xf32>,
      %parallel_loop3A_425 = arith.subf %parallel_loop3A_422, %parallel_loop3A_424 : vector<16xf32>
      %parallel_loop3A_426 = math.absf %parallel_loop3A_425 : vector<16xf32>
      %parallel_loop3A_427 = arith.constant 2.000000e-01 : f32
      %parallel_loop3A_428 = vector.broadcast %parallel_loop3A_427 : f32 to vector<16xf32>
      %parallel_loop3A_429 = arith.cmpf olt, %parallel_loop3A_426, %parallel_loop3A_428 : vector<16xf32>
      %parallel_loop3A_430 = arith.constant 0.000000e+00 : f32
      %parallel_loop3A_431 = vector.broadcast %parallel_loop3A_430 : f32 to vector<16xf32>
      %parallel_loop3A_432 = arith.select %parallel_loop3A_429, %parallel_loop3A_426, %parallel_loop3A_431 : vector<16xi1>, vector<16xf32>
      %parallel_loop3A_433 = arith.addf %parallel_loop3A_351, %parallel_loop3A_432 : vector<16xf32>
      %parallel_loop3A_434 = arith.constant 0 : i32
      %parallel_loop3A_435 = arith.addi %parallel_loop3A_434, %parallel_loop3A_418 : i32
      %parallel_loop3A_436 = arith.index_cast %parallel_loop3A_435 : i32 to index
      %parallel_loop3A_437 = tpu.vector_load %arg6[%parallel_loop3A_436] {strides = array<i32>} : memref<65536xf32, #tpu.memory_space<vmem>>, vector<16xf32>,
      tpu.vector_store %arg6[%parallel_loop3A_436], %broadcast_in_dim3A_1 {strides = array<i32>} : memref<65536xf32, #tpu.memory_space<vmem>>, vector<16xf32>,
      scf.yield %parallel_loop3A_370, %parallel_loop3A_391, %parallel_loop3A_412, %parallel_loop3A_433 : vector<16xf32>, vector<16xf32>, vector<16xf32>, vector<16xf32>
    } {sc.loop_unroll_factor = 4 : i64, sc.parallel_access}
    %dma_start3A_69 = arith.constant 3 : i32
    %dma_start3A_70 = arith.constant 0 : i32
    %dma_start3A_71 = tpu.memref_slice %arg2[%add3A_21, %dma_start3A_69, %dma_start3A_70] : memref<64x8x8192xf32, #tpu.memory_space<hbm>> -> memref<1x1x8192xf32, #tpu.memory_space<hbm>>
    %dma_start3A_72 = tpu.memref_squeeze %dma_start3A_71 : memref<1x1x8192xf32, #tpu.memory_space<hbm>> -> memref<8192xf32, #tpu.memory_space<hbm>>
    %dma_start3A_73 = arith.constant 0 : i32
    %dma_start3A_74 = tpu.memref_slice %arg2[%add3A_21, %dma_start3A_69, %dma_start3A_73] : memref<64x8x8192xf32, #tpu.memory_space<hbm>> -> memref<1x1x8192xf32, #tpu.memory_space<hbm>>
    %dma_start3A_75 = tpu.memref_squeeze %dma_start3A_74 : memref<1x1x8192xf32, #tpu.memory_space<hbm>> -> memref<8192xf32, #tpu.memory_space<hbm>>
    tpu.enqueue_dma source(%dma_start3A_75 : memref<8192xf32, #tpu.memory_space<hbm>>) target(%arg8 : memref<8192xf32, #tpu.memory_space<vmem>>) target_semaphore(%arg13 : memref<!tpu.dma_semaphore, #tpu.memory_space<semaphore_mem>>)
    %dma_wait3A_76 = arith.constant 1 : i32
    %dma_wait3A_77 = arith.constant 0 : i32
    %dma_wait3A_78 = tpu.memref_slice %arg2[%add3A_21, %dma_wait3A_76, %dma_wait3A_77] : memref<64x8x8192xf32, #tpu.memory_space<hbm>> -> memref<1x1x8192xf32, #tpu.memory_space<hbm>>
    %dma_wait3A_79 = tpu.memref_squeeze %dma_wait3A_78 : memref<1x1x8192xf32, #tpu.memory_space<hbm>> -> memref<8192xf32, #tpu.memory_space<hbm>>
    %dma_wait3A_80 = arith.constant 0 : i32
    %dma_wait3A_81 = tpu.memref_slice %arg2[%add3A_21, %dma_wait3A_76, %dma_wait3A_80] : memref<64x8x8192xf32, #tpu.memory_space<hbm>> -> memref<1x1x8192xf32, #tpu.memory_space<hbm>>
    %dma_wait3A_82 = tpu.memref_squeeze %dma_wait3A_81 : memref<1x1x8192xf32, #tpu.memory_space<hbm>> -> memref<8192xf32, #tpu.memory_space<hbm>>
    tpu.wait_dma2 semaphore(%arg14 : memref<!tpu.dma_semaphore, #tpu.memory_space<semaphore_mem>>) src(%dma_wait3A_82 : memref<8192xf32, #tpu.memory_space<hbm>>) dst(%arg9 : memref<8192xf32, #tpu.memory_space<vmem>>)
    %parallel_loop3A_83 = arith.constant 0 : i32
    %parallel_loop3A_84 = arith.constant 128 : i32
    %parallel_loop3A_85 = arith.constant 1 : i32
    %parallel_loop3A_86:4 = scf.for %parallel_loop3A_347 = %parallel_loop3A_83 to %parallel_loop3A_84 step %parallel_loop3A_85 iter_args(%parallel_loop3A_348 = %parallel_loop3A_68#0, %parallel_loop3A_349 = %parallel_loop3A_68#1, %parallel_loop3A_350 = %parallel_loop3A_68#2, %parallel_loop3A_351 = %parallel_loop3A_68#3) -> (vector<16xf32>, vector<16xf32>, vector<16xf32>, vector<16xf32>)  : i32 {
      %parallel_loop3A_352 = arith.constant 64 : i32
      %parallel_loop3A_353 = arith.muli %parallel_loop3A_347, %parallel_loop3A_352 : i32
      %parallel_loop3A_354 = arith.constant 0 : i32
      %parallel_loop3A_355 = arith.addi %parallel_loop3A_353, %parallel_loop3A_354 : i32
      %parallel_loop3A_356 = arith.constant 8192 : i32
      %parallel_loop3A_357 = arith.addi %parallel_loop3A_356, %parallel_loop3A_355 : i32
      %parallel_loop3A_358 = arith.index_cast %parallel_loop3A_357 : i32 to index
      %parallel_loop3A_359 = tpu.vector_load %arg6[%parallel_loop3A_358] {strides = array<i32>} : memref<65536xf32, #tpu.memory_space<vmem>>, vector<16xf32>,
      %parallel_loop3A_360 = arith.index_cast %parallel_loop3A_355 : i32 to index
      %parallel_loop3A_361 = tpu.vector_load %arg9[%parallel_loop3A_360] {strides = array<i32>} : memref<8192xf32, #tpu.memory_space<vmem>>, vector<16xf32>,
      %parallel_loop3A_362 = arith.subf %parallel_loop3A_359, %parallel_loop3A_361 : vector<16xf32>
      %parallel_loop3A_363 = math.absf %parallel_loop3A_362 : vector<16xf32>
      %parallel_loop3A_364 = arith.constant 2.000000e-01 : f32
      %parallel_loop3A_365 = vector.broadcast %parallel_loop3A_364 : f32 to vector<16xf32>
      %parallel_loop3A_366 = arith.cmpf olt, %parallel_loop3A_363, %parallel_loop3A_365 : vector<16xf32>
      %parallel_loop3A_367 = arith.constant 0.000000e+00 : f32
      %parallel_loop3A_368 = vector.broadcast %parallel_loop3A_367 : f32 to vector<16xf32>
      %parallel_loop3A_369 = arith.select %parallel_loop3A_366, %parallel_loop3A_363, %parallel_loop3A_368 : vector<16xi1>, vector<16xf32>
      %parallel_loop3A_370 = arith.addf %parallel_loop3A_348, %parallel_loop3A_369 : vector<16xf32>
      %parallel_loop3A_371 = arith.constant 8192 : i32
      %parallel_loop3A_372 = arith.addi %parallel_loop3A_371, %parallel_loop3A_355 : i32
      %parallel_loop3A_373 = arith.index_cast %parallel_loop3A_372 : i32 to index
      %parallel_loop3A_374 = tpu.vector_load %arg6[%parallel_loop3A_373] {strides = array<i32>} : memref<65536xf32, #tpu.memory_space<vmem>>, vector<16xf32>,
      tpu.vector_store %arg6[%parallel_loop3A_373], %broadcast_in_dim3A_1 {strides = array<i32>} : memref<65536xf32, #tpu.memory_space<vmem>>, vector<16xf32>,
      %parallel_loop3A_375 = arith.constant 16 : i32
      %parallel_loop3A_376 = arith.addi %parallel_loop3A_353, %parallel_loop3A_375 : i32
      %parallel_loop3A_377 = arith.constant 8192 : i32
      %parallel_loop3A_378 = arith.addi %parallel_loop3A_377, %parallel_loop3A_376 : i32
      %parallel_loop3A_379 = arith.index_cast %parallel_loop3A_378 : i32 to index
      %parallel_loop3A_380 = tpu.vector_load %arg6[%parallel_loop3A_379] {strides = array<i32>} : memref<65536xf32, #tpu.memory_space<vmem>>, vector<16xf32>,
      %parallel_loop3A_381 = arith.index_cast %parallel_loop3A_376 : i32 to index
      %parallel_loop3A_382 = tpu.vector_load %arg9[%parallel_loop3A_381] {strides = array<i32>} : memref<8192xf32, #tpu.memory_space<vmem>>, vector<16xf32>,
      %parallel_loop3A_383 = arith.subf %parallel_loop3A_380, %parallel_loop3A_382 : vector<16xf32>
      %parallel_loop3A_384 = math.absf %parallel_loop3A_383 : vector<16xf32>
      %parallel_loop3A_385 = arith.constant 2.000000e-01 : f32
      %parallel_loop3A_386 = vector.broadcast %parallel_loop3A_385 : f32 to vector<16xf32>
      %parallel_loop3A_387 = arith.cmpf olt, %parallel_loop3A_384, %parallel_loop3A_386 : vector<16xf32>
      %parallel_loop3A_388 = arith.constant 0.000000e+00 : f32
      %parallel_loop3A_389 = vector.broadcast %parallel_loop3A_388 : f32 to vector<16xf32>
      %parallel_loop3A_390 = arith.select %parallel_loop3A_387, %parallel_loop3A_384, %parallel_loop3A_389 : vector<16xi1>, vector<16xf32>
      %parallel_loop3A_391 = arith.addf %parallel_loop3A_349, %parallel_loop3A_390 : vector<16xf32>
      %parallel_loop3A_392 = arith.constant 8192 : i32
      %parallel_loop3A_393 = arith.addi %parallel_loop3A_392, %parallel_loop3A_376 : i32
      %parallel_loop3A_394 = arith.index_cast %parallel_loop3A_393 : i32 to index
      %parallel_loop3A_395 = tpu.vector_load %arg6[%parallel_loop3A_394] {strides = array<i32>} : memref<65536xf32, #tpu.memory_space<vmem>>, vector<16xf32>,
      tpu.vector_store %arg6[%parallel_loop3A_394], %broadcast_in_dim3A_1 {strides = array<i32>} : memref<65536xf32, #tpu.memory_space<vmem>>, vector<16xf32>,
      %parallel_loop3A_396 = arith.constant 32 : i32
      %parallel_loop3A_397 = arith.addi %parallel_loop3A_353, %parallel_loop3A_396 : i32
      %parallel_loop3A_398 = arith.constant 8192 : i32
      %parallel_loop3A_399 = arith.addi %parallel_loop3A_398, %parallel_loop3A_397 : i32
      %parallel_loop3A_400 = arith.index_cast %parallel_loop3A_399 : i32 to index
      %parallel_loop3A_401 = tpu.vector_load %arg6[%parallel_loop3A_400] {strides = array<i32>} : memref<65536xf32, #tpu.memory_space<vmem>>, vector<16xf32>,
      %parallel_loop3A_402 = arith.index_cast %parallel_loop3A_397 : i32 to index
      %parallel_loop3A_403 = tpu.vector_load %arg9[%parallel_loop3A_402] {strides = array<i32>} : memref<8192xf32, #tpu.memory_space<vmem>>, vector<16xf32>,
      %parallel_loop3A_404 = arith.subf %parallel_loop3A_401, %parallel_loop3A_403 : vector<16xf32>
      %parallel_loop3A_405 = math.absf %parallel_loop3A_404 : vector<16xf32>
      %parallel_loop3A_406 = arith.constant 2.000000e-01 : f32
      %parallel_loop3A_407 = vector.broadcast %parallel_loop3A_406 : f32 to vector<16xf32>
      %parallel_loop3A_408 = arith.cmpf olt, %parallel_loop3A_405, %parallel_loop3A_407 : vector<16xf32>
      %parallel_loop3A_409 = arith.constant 0.000000e+00 : f32
      %parallel_loop3A_410 = vector.broadcast %parallel_loop3A_409 : f32 to vector<16xf32>
      %parallel_loop3A_411 = arith.select %parallel_loop3A_408, %parallel_loop3A_405, %parallel_loop3A_410 : vector<16xi1>, vector<16xf32>
      %parallel_loop3A_412 = arith.addf %parallel_loop3A_350, %parallel_loop3A_411 : vector<16xf32>
      %parallel_loop3A_413 = arith.constant 8192 : i32
      %parallel_loop3A_414 = arith.addi %parallel_loop3A_413, %parallel_loop3A_397 : i32
      %parallel_loop3A_415 = arith.index_cast %parallel_loop3A_414 : i32 to index
      %parallel_loop3A_416 = tpu.vector_load %arg6[%parallel_loop3A_415] {strides = array<i32>} : memref<65536xf32, #tpu.memory_space<vmem>>, vector<16xf32>,
      tpu.vector_store %arg6[%parallel_loop3A_415], %broadcast_in_dim3A_1 {strides = array<i32>} : memref<65536xf32, #tpu.memory_space<vmem>>, vector<16xf32>,
      %parallel_loop3A_417 = arith.constant 48 : i32
      %parallel_loop3A_418 = arith.addi %parallel_loop3A_353, %parallel_loop3A_417 : i32
      %parallel_loop3A_419 = arith.constant 8192 : i32
      %parallel_loop3A_420 = arith.addi %parallel_loop3A_419, %parallel_loop3A_418 : i32
      %parallel_loop3A_421 = arith.index_cast %parallel_loop3A_420 : i32 to index
      %parallel_loop3A_422 = tpu.vector_load %arg6[%parallel_loop3A_421] {strides = array<i32>} : memref<65536xf32, #tpu.memory_space<vmem>>, vector<16xf32>,
      %parallel_loop3A_423 = arith.index_cast %parallel_loop3A_418 : i32 to index
      %parallel_loop3A_424 = tpu.vector_load %arg9[%parallel_loop3A_423] {strides = array<i32>} : memref<8192xf32, #tpu.memory_space<vmem>>, vector<16xf32>,
      %parallel_loop3A_425 = arith.subf %parallel_loop3A_422, %parallel_loop3A_424 : vector<16xf32>
      %parallel_loop3A_426 = math.absf %parallel_loop3A_425 : vector<16xf32>
      %parallel_loop3A_427 = arith.constant 2.000000e-01 : f32
      %parallel_loop3A_428 = vector.broadcast %parallel_loop3A_427 : f32 to vector<16xf32>
      %parallel_loop3A_429 = arith.cmpf olt, %parallel_loop3A_426, %parallel_loop3A_428 : vector<16xf32>
      %parallel_loop3A_430 = arith.constant 0.000000e+00 : f32
      %parallel_loop3A_431 = vector.broadcast %parallel_loop3A_430 : f32 to vector<16xf32>
      %parallel_loop3A_432 = arith.select %parallel_loop3A_429, %parallel_loop3A_426, %parallel_loop3A_431 : vector<16xi1>, vector<16xf32>
      %parallel_loop3A_433 = arith.addf %parallel_loop3A_351, %parallel_loop3A_432 : vector<16xf32>
      %parallel_loop3A_434 = arith.constant 8192 : i32
      %parallel_loop3A_435 = arith.addi %parallel_loop3A_434, %parallel_loop3A_418 : i32
      %parallel_loop3A_436 = arith.index_cast %parallel_loop3A_435 : i32 to index
      %parallel_loop3A_437 = tpu.vector_load %arg6[%parallel_loop3A_436] {strides = array<i32>} : memref<65536xf32, #tpu.memory_space<vmem>>, vector<16xf32>,
      tpu.vector_store %arg6[%parallel_loop3A_436], %broadcast_in_dim3A_1 {strides = array<i32>} : memref<65536xf32, #tpu.memory_space<vmem>>, vector<16xf32>,
      scf.yield %parallel_loop3A_370, %parallel_loop3A_391, %parallel_loop3A_412, %parallel_loop3A_433 : vector<16xf32>, vector<16xf32>, vector<16xf32>, vector<16xf32>
    } {sc.loop_unroll_factor = 4 : i64, sc.parallel_access}
    %dma_start3A_87 = arith.constant 4 : i32
    %dma_start3A_88 = arith.constant 0 : i32
    %dma_start3A_89 = tpu.memref_slice %arg2[%add3A_21, %dma_start3A_87, %dma_start3A_88] : memref<64x8x8192xf32, #tpu.memory_space<hbm>> -> memref<1x1x8192xf32, #tpu.memory_space<hbm>>
    %dma_start3A_90 = tpu.memref_squeeze %dma_start3A_89 : memref<1x1x8192xf32, #tpu.memory_space<hbm>> -> memref<8192xf32, #tpu.memory_space<hbm>>
    %dma_start3A_91 = arith.constant 0 : i32
    %dma_start3A_92 = tpu.memref_slice %arg2[%add3A_21, %dma_start3A_87, %dma_start3A_91] : memref<64x8x8192xf32, #tpu.memory_space<hbm>> -> memref<1x1x8192xf32, #tpu.memory_space<hbm>>
    %dma_start3A_93 = tpu.memref_squeeze %dma_start3A_92 : memref<1x1x8192xf32, #tpu.memory_space<hbm>> -> memref<8192xf32, #tpu.memory_space<hbm>>
    tpu.enqueue_dma source(%dma_start3A_93 : memref<8192xf32, #tpu.memory_space<hbm>>) target(%arg9 : memref<8192xf32, #tpu.memory_space<vmem>>) target_semaphore(%arg14 : memref<!tpu.dma_semaphore, #tpu.memory_space<semaphore_mem>>)
    %dma_wait3A_94 = arith.constant 2 : i32
    %dma_wait3A_95 = arith.constant 0 : i32
    %dma_wait3A_96 = tpu.memref_slice %arg2[%add3A_21, %dma_wait3A_94, %dma_wait3A_95] : memref<64x8x8192xf32, #tpu.memory_space<hbm>> -> memref<1x1x8192xf32, #tpu.memory_space<hbm>>
    %dma_wait3A_97 = tpu.memref_squeeze %dma_wait3A_96 : memref<1x1x8192xf32, #tpu.memory_space<hbm>> -> memref<8192xf32, #tpu.memory_space<hbm>>
    %dma_wait3A_98 = arith.constant 0 : i32
    %dma_wait3A_99 = tpu.memref_slice %arg2[%add3A_21, %dma_wait3A_94, %dma_wait3A_98] : memref<64x8x8192xf32, #tpu.memory_space<hbm>> -> memref<1x1x8192xf32, #tpu.memory_space<hbm>>
    %dma_wait3A_100 = tpu.memref_squeeze %dma_wait3A_99 : memref<1x1x8192xf32, #tpu.memory_space<hbm>> -> memref<8192xf32, #tpu.memory_space<hbm>>
    tpu.wait_dma2 semaphore(%arg15 : memref<!tpu.dma_semaphore, #tpu.memory_space<semaphore_mem>>) src(%dma_wait3A_100 : memref<8192xf32, #tpu.memory_space<hbm>>) dst(%arg10 : memref<8192xf32, #tpu.memory_space<vmem>>)
    %parallel_loop3A_101 = arith.constant 0 : i32
    %parallel_loop3A_102 = arith.constant 128 : i32
    %parallel_loop3A_103 = arith.constant 1 : i32
    %parallel_loop3A_104:4 = scf.for %parallel_loop3A_347 = %parallel_loop3A_101 to %parallel_loop3A_102 step %parallel_loop3A_103 iter_args(%parallel_loop3A_348 = %parallel_loop3A_86#0, %parallel_loop3A_349 = %parallel_loop3A_86#1, %parallel_loop3A_350 = %parallel_loop3A_86#2, %parallel_loop3A_351 = %parallel_loop3A_86#3) -> (vector<16xf32>, vector<16xf32>, vector<16xf32>, vector<16xf32>)  : i32 {
      %parallel_loop3A_352 = arith.constant 64 : i32
      %parallel_loop3A_353 = arith.muli %parallel_loop3A_347, %parallel_loop3A_352 : i32
      %parallel_loop3A_354 = arith.constant 0 : i32
      %parallel_loop3A_355 = arith.addi %parallel_loop3A_353, %parallel_loop3A_354 : i32
      %parallel_loop3A_356 = arith.constant 16384 : i32
      %parallel_loop3A_357 = arith.addi %parallel_loop3A_356, %parallel_loop3A_355 : i32
      %parallel_loop3A_358 = arith.index_cast %parallel_loop3A_357 : i32 to index
      %parallel_loop3A_359 = tpu.vector_load %arg6[%parallel_loop3A_358] {strides = array<i32>} : memref<65536xf32, #tpu.memory_space<vmem>>, vector<16xf32>,
      %parallel_loop3A_360 = arith.index_cast %parallel_loop3A_355 : i32 to index
      %parallel_loop3A_361 = tpu.vector_load %arg10[%parallel_loop3A_360] {strides = array<i32>} : memref<8192xf32, #tpu.memory_space<vmem>>, vector<16xf32>,
      %parallel_loop3A_362 = arith.subf %parallel_loop3A_359, %parallel_loop3A_361 : vector<16xf32>
      %parallel_loop3A_363 = math.absf %parallel_loop3A_362 : vector<16xf32>
      %parallel_loop3A_364 = arith.constant 2.000000e-01 : f32
      %parallel_loop3A_365 = vector.broadcast %parallel_loop3A_364 : f32 to vector<16xf32>
      %parallel_loop3A_366 = arith.cmpf olt, %parallel_loop3A_363, %parallel_loop3A_365 : vector<16xf32>
      %parallel_loop3A_367 = arith.constant 0.000000e+00 : f32
      %parallel_loop3A_368 = vector.broadcast %parallel_loop3A_367 : f32 to vector<16xf32>
      %parallel_loop3A_369 = arith.select %parallel_loop3A_366, %parallel_loop3A_363, %parallel_loop3A_368 : vector<16xi1>, vector<16xf32>
      %parallel_loop3A_370 = arith.addf %parallel_loop3A_348, %parallel_loop3A_369 : vector<16xf32>
      %parallel_loop3A_371 = arith.constant 16384 : i32
      %parallel_loop3A_372 = arith.addi %parallel_loop3A_371, %parallel_loop3A_355 : i32
      %parallel_loop3A_373 = arith.index_cast %parallel_loop3A_372 : i32 to index
      %parallel_loop3A_374 = tpu.vector_load %arg6[%parallel_loop3A_373] {strides = array<i32>} : memref<65536xf32, #tpu.memory_space<vmem>>, vector<16xf32>,
      tpu.vector_store %arg6[%parallel_loop3A_373], %broadcast_in_dim3A_1 {strides = array<i32>} : memref<65536xf32, #tpu.memory_space<vmem>>, vector<16xf32>,
      %parallel_loop3A_375 = arith.constant 16 : i32
      %parallel_loop3A_376 = arith.addi %parallel_loop3A_353, %parallel_loop3A_375 : i32
      %parallel_loop3A_377 = arith.constant 16384 : i32
      %parallel_loop3A_378 = arith.addi %parallel_loop3A_377, %parallel_loop3A_376 : i32
      %parallel_loop3A_379 = arith.index_cast %parallel_loop3A_378 : i32 to index
      %parallel_loop3A_380 = tpu.vector_load %arg6[%parallel_loop3A_379] {strides = array<i32>} : memref<65536xf32, #tpu.memory_space<vmem>>, vector<16xf32>,
      %parallel_loop3A_381 = arith.index_cast %parallel_loop3A_376 : i32 to index
      %parallel_loop3A_382 = tpu.vector_load %arg10[%parallel_loop3A_381] {strides = array<i32>} : memref<8192xf32, #tpu.memory_space<vmem>>, vector<16xf32>,
      %parallel_loop3A_383 = arith.subf %parallel_loop3A_380, %parallel_loop3A_382 : vector<16xf32>
      %parallel_loop3A_384 = math.absf %parallel_loop3A_383 : vector<16xf32>
      %parallel_loop3A_385 = arith.constant 2.000000e-01 : f32
      %parallel_loop3A_386 = vector.broadcast %parallel_loop3A_385 : f32 to vector<16xf32>
      %parallel_loop3A_387 = arith.cmpf olt, %parallel_loop3A_384, %parallel_loop3A_386 : vector<16xf32>
      %parallel_loop3A_388 = arith.constant 0.000000e+00 : f32
      %parallel_loop3A_389 = vector.broadcast %parallel_loop3A_388 : f32 to vector<16xf32>
      %parallel_loop3A_390 = arith.select %parallel_loop3A_387, %parallel_loop3A_384, %parallel_loop3A_389 : vector<16xi1>, vector<16xf32>
      %parallel_loop3A_391 = arith.addf %parallel_loop3A_349, %parallel_loop3A_390 : vector<16xf32>
      %parallel_loop3A_392 = arith.constant 16384 : i32
      %parallel_loop3A_393 = arith.addi %parallel_loop3A_392, %parallel_loop3A_376 : i32
      %parallel_loop3A_394 = arith.index_cast %parallel_loop3A_393 : i32 to index
      %parallel_loop3A_395 = tpu.vector_load %arg6[%parallel_loop3A_394] {strides = array<i32>} : memref<65536xf32, #tpu.memory_space<vmem>>, vector<16xf32>,
      tpu.vector_store %arg6[%parallel_loop3A_394], %broadcast_in_dim3A_1 {strides = array<i32>} : memref<65536xf32, #tpu.memory_space<vmem>>, vector<16xf32>,
      %parallel_loop3A_396 = arith.constant 32 : i32
      %parallel_loop3A_397 = arith.addi %parallel_loop3A_353, %parallel_loop3A_396 : i32
      %parallel_loop3A_398 = arith.constant 16384 : i32
      %parallel_loop3A_399 = arith.addi %parallel_loop3A_398, %parallel_loop3A_397 : i32
      %parallel_loop3A_400 = arith.index_cast %parallel_loop3A_399 : i32 to index
      %parallel_loop3A_401 = tpu.vector_load %arg6[%parallel_loop3A_400] {strides = array<i32>} : memref<65536xf32, #tpu.memory_space<vmem>>, vector<16xf32>,
      %parallel_loop3A_402 = arith.index_cast %parallel_loop3A_397 : i32 to index
      %parallel_loop3A_403 = tpu.vector_load %arg10[%parallel_loop3A_402] {strides = array<i32>} : memref<8192xf32, #tpu.memory_space<vmem>>, vector<16xf32>,
      %parallel_loop3A_404 = arith.subf %parallel_loop3A_401, %parallel_loop3A_403 : vector<16xf32>
      %parallel_loop3A_405 = math.absf %parallel_loop3A_404 : vector<16xf32>
      %parallel_loop3A_406 = arith.constant 2.000000e-01 : f32
      %parallel_loop3A_407 = vector.broadcast %parallel_loop3A_406 : f32 to vector<16xf32>
      %parallel_loop3A_408 = arith.cmpf olt, %parallel_loop3A_405, %parallel_loop3A_407 : vector<16xf32>
      %parallel_loop3A_409 = arith.constant 0.000000e+00 : f32
      %parallel_loop3A_410 = vector.broadcast %parallel_loop3A_409 : f32 to vector<16xf32>
      %parallel_loop3A_411 = arith.select %parallel_loop3A_408, %parallel_loop3A_405, %parallel_loop3A_410 : vector<16xi1>, vector<16xf32>
      %parallel_loop3A_412 = arith.addf %parallel_loop3A_350, %parallel_loop3A_411 : vector<16xf32>
      %parallel_loop3A_413 = arith.constant 16384 : i32
      %parallel_loop3A_414 = arith.addi %parallel_loop3A_413, %parallel_loop3A_397 : i32
      %parallel_loop3A_415 = arith.index_cast %parallel_loop3A_414 : i32 to index
      %parallel_loop3A_416 = tpu.vector_load %arg6[%parallel_loop3A_415] {strides = array<i32>} : memref<65536xf32, #tpu.memory_space<vmem>>, vector<16xf32>,
      tpu.vector_store %arg6[%parallel_loop3A_415], %broadcast_in_dim3A_1 {strides = array<i32>} : memref<65536xf32, #tpu.memory_space<vmem>>, vector<16xf32>,
      %parallel_loop3A_417 = arith.constant 48 : i32
      %parallel_loop3A_418 = arith.addi %parallel_loop3A_353, %parallel_loop3A_417 : i32
      %parallel_loop3A_419 = arith.constant 16384 : i32
      %parallel_loop3A_420 = arith.addi %parallel_loop3A_419, %parallel_loop3A_418 : i32
      %parallel_loop3A_421 = arith.index_cast %parallel_loop3A_420 : i32 to index
      %parallel_loop3A_422 = tpu.vector_load %arg6[%parallel_loop3A_421] {strides = array<i32>} : memref<65536xf32, #tpu.memory_space<vmem>>, vector<16xf32>,
      %parallel_loop3A_423 = arith.index_cast %parallel_loop3A_418 : i32 to index
      %parallel_loop3A_424 = tpu.vector_load %arg10[%parallel_loop3A_423] {strides = array<i32>} : memref<8192xf32, #tpu.memory_space<vmem>>, vector<16xf32>,
      %parallel_loop3A_425 = arith.subf %parallel_loop3A_422, %parallel_loop3A_424 : vector<16xf32>
      %parallel_loop3A_426 = math.absf %parallel_loop3A_425 : vector<16xf32>
      %parallel_loop3A_427 = arith.constant 2.000000e-01 : f32
      %parallel_loop3A_428 = vector.broadcast %parallel_loop3A_427 : f32 to vector<16xf32>
      %parallel_loop3A_429 = arith.cmpf olt, %parallel_loop3A_426, %parallel_loop3A_428 : vector<16xf32>
      %parallel_loop3A_430 = arith.constant 0.000000e+00 : f32
      %parallel_loop3A_431 = vector.broadcast %parallel_loop3A_430 : f32 to vector<16xf32>
      %parallel_loop3A_432 = arith.select %parallel_loop3A_429, %parallel_loop3A_426, %parallel_loop3A_431 : vector<16xi1>, vector<16xf32>
      %parallel_loop3A_433 = arith.addf %parallel_loop3A_351, %parallel_loop3A_432 : vector<16xf32>
      %parallel_loop3A_434 = arith.constant 16384 : i32
      %parallel_loop3A_435 = arith.addi %parallel_loop3A_434, %parallel_loop3A_418 : i32
      %parallel_loop3A_436 = arith.index_cast %parallel_loop3A_435 : i32 to index
      %parallel_loop3A_437 = tpu.vector_load %arg6[%parallel_loop3A_436] {strides = array<i32>} : memref<65536xf32, #tpu.memory_space<vmem>>, vector<16xf32>,
      tpu.vector_store %arg6[%parallel_loop3A_436], %broadcast_in_dim3A_1 {strides = array<i32>} : memref<65536xf32, #tpu.memory_space<vmem>>, vector<16xf32>,
      scf.yield %parallel_loop3A_370, %parallel_loop3A_391, %parallel_loop3A_412, %parallel_loop3A_433 : vector<16xf32>, vector<16xf32>, vector<16xf32>, vector<16xf32>
    } {sc.loop_unroll_factor = 4 : i64, sc.parallel_access}
    %dma_start3A_105 = arith.constant 5 : i32
    %dma_start3A_106 = arith.constant 0 : i32
    %dma_start3A_107 = tpu.memref_slice %arg2[%add3A_21, %dma_start3A_105, %dma_start3A_106] : memref<64x8x8192xf32, #tpu.memory_space<hbm>> -> memref<1x1x8192xf32, #tpu.memory_space<hbm>>
    %dma_start3A_108 = tpu.memref_squeeze %dma_start3A_107 : memref<1x1x8192xf32, #tpu.memory_space<hbm>> -> memref<8192xf32, #tpu.memory_space<hbm>>
    %dma_start3A_109 = arith.constant 0 : i32
    %dma_start3A_110 = tpu.memref_slice %arg2[%add3A_21, %dma_start3A_105, %dma_start3A_109] : memref<64x8x8192xf32, #tpu.memory_space<hbm>> -> memref<1x1x8192xf32, #tpu.memory_space<hbm>>
    %dma_start3A_111 = tpu.memref_squeeze %dma_start3A_110 : memref<1x1x8192xf32, #tpu.memory_space<hbm>> -> memref<8192xf32, #tpu.memory_space<hbm>>
    tpu.enqueue_dma source(%dma_start3A_111 : memref<8192xf32, #tpu.memory_space<hbm>>) target(%arg10 : memref<8192xf32, #tpu.memory_space<vmem>>) target_semaphore(%arg15 : memref<!tpu.dma_semaphore, #tpu.memory_space<semaphore_mem>>)
    %dma_wait3A_112 = arith.constant 3 : i32
    %dma_wait3A_113 = arith.constant 0 : i32
    %dma_wait3A_114 = tpu.memref_slice %arg2[%add3A_21, %dma_wait3A_112, %dma_wait3A_113] : memref<64x8x8192xf32, #tpu.memory_space<hbm>> -> memref<1x1x8192xf32, #tpu.memory_space<hbm>>
    %dma_wait3A_115 = tpu.memref_squeeze %dma_wait3A_114 : memref<1x1x8192xf32, #tpu.memory_space<hbm>> -> memref<8192xf32, #tpu.memory_space<hbm>>
    %dma_wait3A_116 = arith.constant 0 : i32
    %dma_wait3A_117 = tpu.memref_slice %arg2[%add3A_21, %dma_wait3A_112, %dma_wait3A_116] : memref<64x8x8192xf32, #tpu.memory_space<hbm>> -> memref<1x1x8192xf32, #tpu.memory_space<hbm>>
    %dma_wait3A_118 = tpu.memref_squeeze %dma_wait3A_117 : memref<1x1x8192xf32, #tpu.memory_space<hbm>> -> memref<8192xf32, #tpu.memory_space<hbm>>
    tpu.wait_dma2 semaphore(%arg13 : memref<!tpu.dma_semaphore, #tpu.memory_space<semaphore_mem>>) src(%dma_wait3A_118 : memref<8192xf32, #tpu.memory_space<hbm>>) dst(%arg8 : memref<8192xf32, #tpu.memory_space<vmem>>)
    %parallel_loop3A_119 = arith.constant 0 : i32
    %parallel_loop3A_120 = arith.constant 128 : i32
    %parallel_loop3A_121 = arith.constant 1 : i32
    %parallel_loop3A_122:4 = scf.for %parallel_loop3A_347 = %parallel_loop3A_119 to %parallel_loop3A_120 step %parallel_loop3A_121 iter_args(%parallel_loop3A_348 = %parallel_loop3A_104#0, %parallel_loop3A_349 = %parallel_loop3A_104#1, %parallel_loop3A_350 = %parallel_loop3A_104#2, %parallel_loop3A_351 = %parallel_loop3A_104#3) -> (vector<16xf32>, vector<16xf32>, vector<16xf32>, vector<16xf32>)  : i32 {
      %parallel_loop3A_352 = arith.constant 64 : i32
      %parallel_loop3A_353 = arith.muli %parallel_loop3A_347, %parallel_loop3A_352 : i32
      %parallel_loop3A_354 = arith.constant 0 : i32
      %parallel_loop3A_355 = arith.addi %parallel_loop3A_353, %parallel_loop3A_354 : i32
      %parallel_loop3A_356 = arith.constant 24576 : i32
      %parallel_loop3A_357 = arith.addi %parallel_loop3A_356, %parallel_loop3A_355 : i32
      %parallel_loop3A_358 = arith.index_cast %parallel_loop3A_357 : i32 to index
      %parallel_loop3A_359 = tpu.vector_load %arg6[%parallel_loop3A_358] {strides = array<i32>} : memref<65536xf32, #tpu.memory_space<vmem>>, vector<16xf32>,
      %parallel_loop3A_360 = arith.index_cast %parallel_loop3A_355 : i32 to index
      %parallel_loop3A_361 = tpu.vector_load %arg8[%parallel_loop3A_360] {strides = array<i32>} : memref<8192xf32, #tpu.memory_space<vmem>>, vector<16xf32>,
      %parallel_loop3A_362 = arith.subf %parallel_loop3A_359, %parallel_loop3A_361 : vector<16xf32>
      %parallel_loop3A_363 = math.absf %parallel_loop3A_362 : vector<16xf32>
      %parallel_loop3A_364 = arith.constant 2.000000e-01 : f32
      %parallel_loop3A_365 = vector.broadcast %parallel_loop3A_364 : f32 to vector<16xf32>
      %parallel_loop3A_366 = arith.cmpf olt, %parallel_loop3A_363, %parallel_loop3A_365 : vector<16xf32>
      %parallel_loop3A_367 = arith.constant 0.000000e+00 : f32
      %parallel_loop3A_368 = vector.broadcast %parallel_loop3A_367 : f32 to vector<16xf32>
      %parallel_loop3A_369 = arith.select %parallel_loop3A_366, %parallel_loop3A_363, %parallel_loop3A_368 : vector<16xi1>, vector<16xf32>
      %parallel_loop3A_370 = arith.addf %parallel_loop3A_348, %parallel_loop3A_369 : vector<16xf32>
      %parallel_loop3A_371 = arith.constant 24576 : i32
      %parallel_loop3A_372 = arith.addi %parallel_loop3A_371, %parallel_loop3A_355 : i32
      %parallel_loop3A_373 = arith.index_cast %parallel_loop3A_372 : i32 to index
      %parallel_loop3A_374 = tpu.vector_load %arg6[%parallel_loop3A_373] {strides = array<i32>} : memref<65536xf32, #tpu.memory_space<vmem>>, vector<16xf32>,
      tpu.vector_store %arg6[%parallel_loop3A_373], %broadcast_in_dim3A_1 {strides = array<i32>} : memref<65536xf32, #tpu.memory_space<vmem>>, vector<16xf32>,
      %parallel_loop3A_375 = arith.constant 16 : i32
      %parallel_loop3A_376 = arith.addi %parallel_loop3A_353, %parallel_loop3A_375 : i32
      %parallel_loop3A_377 = arith.constant 24576 : i32
      %parallel_loop3A_378 = arith.addi %parallel_loop3A_377, %parallel_loop3A_376 : i32
      %parallel_loop3A_379 = arith.index_cast %parallel_loop3A_378 : i32 to index
      %parallel_loop3A_380 = tpu.vector_load %arg6[%parallel_loop3A_379] {strides = array<i32>} : memref<65536xf32, #tpu.memory_space<vmem>>, vector<16xf32>,
      %parallel_loop3A_381 = arith.index_cast %parallel_loop3A_376 : i32 to index
      %parallel_loop3A_382 = tpu.vector_load %arg8[%parallel_loop3A_381] {strides = array<i32>} : memref<8192xf32, #tpu.memory_space<vmem>>, vector<16xf32>,
      %parallel_loop3A_383 = arith.subf %parallel_loop3A_380, %parallel_loop3A_382 : vector<16xf32>
      %parallel_loop3A_384 = math.absf %parallel_loop3A_383 : vector<16xf32>
      %parallel_loop3A_385 = arith.constant 2.000000e-01 : f32
      %parallel_loop3A_386 = vector.broadcast %parallel_loop3A_385 : f32 to vector<16xf32>
      %parallel_loop3A_387 = arith.cmpf olt, %parallel_loop3A_384, %parallel_loop3A_386 : vector<16xf32>
      %parallel_loop3A_388 = arith.constant 0.000000e+00 : f32
      %parallel_loop3A_389 = vector.broadcast %parallel_loop3A_388 : f32 to vector<16xf32>
      %parallel_loop3A_390 = arith.select %parallel_loop3A_387, %parallel_loop3A_384, %parallel_loop3A_389 : vector<16xi1>, vector<16xf32>
      %parallel_loop3A_391 = arith.addf %parallel_loop3A_349, %parallel_loop3A_390 : vector<16xf32>
      %parallel_loop3A_392 = arith.constant 24576 : i32
      %parallel_loop3A_393 = arith.addi %parallel_loop3A_392, %parallel_loop3A_376 : i32
      %parallel_loop3A_394 = arith.index_cast %parallel_loop3A_393 : i32 to index
      %parallel_loop3A_395 = tpu.vector_load %arg6[%parallel_loop3A_394] {strides = array<i32>} : memref<65536xf32, #tpu.memory_space<vmem>>, vector<16xf32>,
      tpu.vector_store %arg6[%parallel_loop3A_394], %broadcast_in_dim3A_1 {strides = array<i32>} : memref<65536xf32, #tpu.memory_space<vmem>>, vector<16xf32>,
      %parallel_loop3A_396 = arith.constant 32 : i32
      %parallel_loop3A_397 = arith.addi %parallel_loop3A_353, %parallel_loop3A_396 : i32
      %parallel_loop3A_398 = arith.constant 24576 : i32
      %parallel_loop3A_399 = arith.addi %parallel_loop3A_398, %parallel_loop3A_397 : i32
      %parallel_loop3A_400 = arith.index_cast %parallel_loop3A_399 : i32 to index
      %parallel_loop3A_401 = tpu.vector_load %arg6[%parallel_loop3A_400] {strides = array<i32>} : memref<65536xf32, #tpu.memory_space<vmem>>, vector<16xf32>,
      %parallel_loop3A_402 = arith.index_cast %parallel_loop3A_397 : i32 to index
      %parallel_loop3A_403 = tpu.vector_load %arg8[%parallel_loop3A_402] {strides = array<i32>} : memref<8192xf32, #tpu.memory_space<vmem>>, vector<16xf32>,
      %parallel_loop3A_404 = arith.subf %parallel_loop3A_401, %parallel_loop3A_403 : vector<16xf32>
      %parallel_loop3A_405 = math.absf %parallel_loop3A_404 : vector<16xf32>
      %parallel_loop3A_406 = arith.constant 2.000000e-01 : f32
      %parallel_loop3A_407 = vector.broadcast %parallel_loop3A_406 : f32 to vector<16xf32>
      %parallel_loop3A_408 = arith.cmpf olt, %parallel_loop3A_405, %parallel_loop3A_407 : vector<16xf32>
      %parallel_loop3A_409 = arith.constant 0.000000e+00 : f32
      %parallel_loop3A_410 = vector.broadcast %parallel_loop3A_409 : f32 to vector<16xf32>
      %parallel_loop3A_411 = arith.select %parallel_loop3A_408, %parallel_loop3A_405, %parallel_loop3A_410 : vector<16xi1>, vector<16xf32>
      %parallel_loop3A_412 = arith.addf %parallel_loop3A_350, %parallel_loop3A_411 : vector<16xf32>
      %parallel_loop3A_413 = arith.constant 24576 : i32
      %parallel_loop3A_414 = arith.addi %parallel_loop3A_413, %parallel_loop3A_397 : i32
      %parallel_loop3A_415 = arith.index_cast %parallel_loop3A_414 : i32 to index
      %parallel_loop3A_416 = tpu.vector_load %arg6[%parallel_loop3A_415] {strides = array<i32>} : memref<65536xf32, #tpu.memory_space<vmem>>, vector<16xf32>,
      tpu.vector_store %arg6[%parallel_loop3A_415], %broadcast_in_dim3A_1 {strides = array<i32>} : memref<65536xf32, #tpu.memory_space<vmem>>, vector<16xf32>,
      %parallel_loop3A_417 = arith.constant 48 : i32
      %parallel_loop3A_418 = arith.addi %parallel_loop3A_353, %parallel_loop3A_417 : i32
      %parallel_loop3A_419 = arith.constant 24576 : i32
      %parallel_loop3A_420 = arith.addi %parallel_loop3A_419, %parallel_loop3A_418 : i32
      %parallel_loop3A_421 = arith.index_cast %parallel_loop3A_420 : i32 to index
      %parallel_loop3A_422 = tpu.vector_load %arg6[%parallel_loop3A_421] {strides = array<i32>} : memref<65536xf32, #tpu.memory_space<vmem>>, vector<16xf32>,
      %parallel_loop3A_423 = arith.index_cast %parallel_loop3A_418 : i32 to index
      %parallel_loop3A_424 = tpu.vector_load %arg8[%parallel_loop3A_423] {strides = array<i32>} : memref<8192xf32, #tpu.memory_space<vmem>>, vector<16xf32>,
      %parallel_loop3A_425 = arith.subf %parallel_loop3A_422, %parallel_loop3A_424 : vector<16xf32>
      %parallel_loop3A_426 = math.absf %parallel_loop3A_425 : vector<16xf32>
      %parallel_loop3A_427 = arith.constant 2.000000e-01 : f32
      %parallel_loop3A_428 = vector.broadcast %parallel_loop3A_427 : f32 to vector<16xf32>
      %parallel_loop3A_429 = arith.cmpf olt, %parallel_loop3A_426, %parallel_loop3A_428 : vector<16xf32>
      %parallel_loop3A_430 = arith.constant 0.000000e+00 : f32
      %parallel_loop3A_431 = vector.broadcast %parallel_loop3A_430 : f32 to vector<16xf32>
      %parallel_loop3A_432 = arith.select %parallel_loop3A_429, %parallel_loop3A_426, %parallel_loop3A_431 : vector<16xi1>, vector<16xf32>
      %parallel_loop3A_433 = arith.addf %parallel_loop3A_351, %parallel_loop3A_432 : vector<16xf32>
      %parallel_loop3A_434 = arith.constant 24576 : i32
      %parallel_loop3A_435 = arith.addi %parallel_loop3A_434, %parallel_loop3A_418 : i32
      %parallel_loop3A_436 = arith.index_cast %parallel_loop3A_435 : i32 to index
      %parallel_loop3A_437 = tpu.vector_load %arg6[%parallel_loop3A_436] {strides = array<i32>} : memref<65536xf32, #tpu.memory_space<vmem>>, vector<16xf32>,
      tpu.vector_store %arg6[%parallel_loop3A_436], %broadcast_in_dim3A_1 {strides = array<i32>} : memref<65536xf32, #tpu.memory_space<vmem>>, vector<16xf32>,
      scf.yield %parallel_loop3A_370, %parallel_loop3A_391, %parallel_loop3A_412, %parallel_loop3A_433 : vector<16xf32>, vector<16xf32>, vector<16xf32>, vector<16xf32>
    } {sc.loop_unroll_factor = 4 : i64, sc.parallel_access}
    %dma_start3A_123 = arith.constant 6 : i32
    %dma_start3A_124 = arith.constant 0 : i32
    %dma_start3A_125 = tpu.memref_slice %arg2[%add3A_21, %dma_start3A_123, %dma_start3A_124] : memref<64x8x8192xf32, #tpu.memory_space<hbm>> -> memref<1x1x8192xf32, #tpu.memory_space<hbm>>
    %dma_start3A_126 = tpu.memref_squeeze %dma_start3A_125 : memref<1x1x8192xf32, #tpu.memory_space<hbm>> -> memref<8192xf32, #tpu.memory_space<hbm>>
    %dma_start3A_127 = arith.constant 0 : i32
    %dma_start3A_128 = tpu.memref_slice %arg2[%add3A_21, %dma_start3A_123, %dma_start3A_127] : memref<64x8x8192xf32, #tpu.memory_space<hbm>> -> memref<1x1x8192xf32, #tpu.memory_space<hbm>>
    %dma_start3A_129 = tpu.memref_squeeze %dma_start3A_128 : memref<1x1x8192xf32, #tpu.memory_space<hbm>> -> memref<8192xf32, #tpu.memory_space<hbm>>
    tpu.enqueue_dma source(%dma_start3A_129 : memref<8192xf32, #tpu.memory_space<hbm>>) target(%arg8 : memref<8192xf32, #tpu.memory_space<vmem>>) target_semaphore(%arg13 : memref<!tpu.dma_semaphore, #tpu.memory_space<semaphore_mem>>)
    %dma_wait3A_130 = arith.constant 4 : i32
    %dma_wait3A_131 = arith.constant 0 : i32
    %dma_wait3A_132 = tpu.memref_slice %arg2[%add3A_21, %dma_wait3A_130, %dma_wait3A_131] : memref<64x8x8192xf32, #tpu.memory_space<hbm>> -> memref<1x1x8192xf32, #tpu.memory_space<hbm>>
    %dma_wait3A_133 = tpu.memref_squeeze %dma_wait3A_132 : memref<1x1x8192xf32, #tpu.memory_space<hbm>> -> memref<8192xf32, #tpu.memory_space<hbm>>
    %dma_wait3A_134 = arith.constant 0 : i32
    %dma_wait3A_135 = tpu.memref_slice %arg2[%add3A_21, %dma_wait3A_130, %dma_wait3A_134] : memref<64x8x8192xf32, #tpu.memory_space<hbm>> -> memref<1x1x8192xf32, #tpu.memory_space<hbm>>
    %dma_wait3A_136 = tpu.memref_squeeze %dma_wait3A_135 : memref<1x1x8192xf32, #tpu.memory_space<hbm>> -> memref<8192xf32, #tpu.memory_space<hbm>>
    tpu.wait_dma2 semaphore(%arg14 : memref<!tpu.dma_semaphore, #tpu.memory_space<semaphore_mem>>) src(%dma_wait3A_136 : memref<8192xf32, #tpu.memory_space<hbm>>) dst(%arg9 : memref<8192xf32, #tpu.memory_space<vmem>>)
    %parallel_loop3A_137 = arith.constant 0 : i32
    %parallel_loop3A_138 = arith.constant 128 : i32
    %parallel_loop3A_139 = arith.constant 1 : i32
    %parallel_loop3A_140:4 = scf.for %parallel_loop3A_347 = %parallel_loop3A_137 to %parallel_loop3A_138 step %parallel_loop3A_139 iter_args(%parallel_loop3A_348 = %parallel_loop3A_122#0, %parallel_loop3A_349 = %parallel_loop3A_122#1, %parallel_loop3A_350 = %parallel_loop3A_122#2, %parallel_loop3A_351 = %parallel_loop3A_122#3) -> (vector<16xf32>, vector<16xf32>, vector<16xf32>, vector<16xf32>)  : i32 {
      %parallel_loop3A_352 = arith.constant 64 : i32
      %parallel_loop3A_353 = arith.muli %parallel_loop3A_347, %parallel_loop3A_352 : i32
      %parallel_loop3A_354 = arith.constant 0 : i32
      %parallel_loop3A_355 = arith.addi %parallel_loop3A_353, %parallel_loop3A_354 : i32
      %parallel_loop3A_356 = arith.constant 32768 : i32
      %parallel_loop3A_357 = arith.addi %parallel_loop3A_356, %parallel_loop3A_355 : i32
      %parallel_loop3A_358 = arith.index_cast %parallel_loop3A_357 : i32 to index
      %parallel_loop3A_359 = tpu.vector_load %arg6[%parallel_loop3A_358] {strides = array<i32>} : memref<65536xf32, #tpu.memory_space<vmem>>, vector<16xf32>,
      %parallel_loop3A_360 = arith.index_cast %parallel_loop3A_355 : i32 to index
      %parallel_loop3A_361 = tpu.vector_load %arg9[%parallel_loop3A_360] {strides = array<i32>} : memref<8192xf32, #tpu.memory_space<vmem>>, vector<16xf32>,
      %parallel_loop3A_362 = arith.subf %parallel_loop3A_359, %parallel_loop3A_361 : vector<16xf32>
      %parallel_loop3A_363 = math.absf %parallel_loop3A_362 : vector<16xf32>
      %parallel_loop3A_364 = arith.constant 2.000000e-01 : f32
      %parallel_loop3A_365 = vector.broadcast %parallel_loop3A_364 : f32 to vector<16xf32>
      %parallel_loop3A_366 = arith.cmpf olt, %parallel_loop3A_363, %parallel_loop3A_365 : vector<16xf32>
      %parallel_loop3A_367 = arith.constant 0.000000e+00 : f32
      %parallel_loop3A_368 = vector.broadcast %parallel_loop3A_367 : f32 to vector<16xf32>
      %parallel_loop3A_369 = arith.select %parallel_loop3A_366, %parallel_loop3A_363, %parallel_loop3A_368 : vector<16xi1>, vector<16xf32>
      %parallel_loop3A_370 = arith.addf %parallel_loop3A_348, %parallel_loop3A_369 : vector<16xf32>
      %parallel_loop3A_371 = arith.constant 32768 : i32
      %parallel_loop3A_372 = arith.addi %parallel_loop3A_371, %parallel_loop3A_355 : i32
      %parallel_loop3A_373 = arith.index_cast %parallel_loop3A_372 : i32 to index
      %parallel_loop3A_374 = tpu.vector_load %arg6[%parallel_loop3A_373] {strides = array<i32>} : memref<65536xf32, #tpu.memory_space<vmem>>, vector<16xf32>,
      tpu.vector_store %arg6[%parallel_loop3A_373], %broadcast_in_dim3A_1 {strides = array<i32>} : memref<65536xf32, #tpu.memory_space<vmem>>, vector<16xf32>,
      %parallel_loop3A_375 = arith.constant 16 : i32
      %parallel_loop3A_376 = arith.addi %parallel_loop3A_353, %parallel_loop3A_375 : i32
      %parallel_loop3A_377 = arith.constant 32768 : i32
      %parallel_loop3A_378 = arith.addi %parallel_loop3A_377, %parallel_loop3A_376 : i32
      %parallel_loop3A_379 = arith.index_cast %parallel_loop3A_378 : i32 to index
      %parallel_loop3A_380 = tpu.vector_load %arg6[%parallel_loop3A_379] {strides = array<i32>} : memref<65536xf32, #tpu.memory_space<vmem>>, vector<16xf32>,
      %parallel_loop3A_381 = arith.index_cast %parallel_loop3A_376 : i32 to index
      %parallel_loop3A_382 = tpu.vector_load %arg9[%parallel_loop3A_381] {strides = array<i32>} : memref<8192xf32, #tpu.memory_space<vmem>>, vector<16xf32>,
      %parallel_loop3A_383 = arith.subf %parallel_loop3A_380, %parallel_loop3A_382 : vector<16xf32>
      %parallel_loop3A_384 = math.absf %parallel_loop3A_383 : vector<16xf32>
      %parallel_loop3A_385 = arith.constant 2.000000e-01 : f32
      %parallel_loop3A_386 = vector.broadcast %parallel_loop3A_385 : f32 to vector<16xf32>
      %parallel_loop3A_387 = arith.cmpf olt, %parallel_loop3A_384, %parallel_loop3A_386 : vector<16xf32>
      %parallel_loop3A_388 = arith.constant 0.000000e+00 : f32
      %parallel_loop3A_389 = vector.broadcast %parallel_loop3A_388 : f32 to vector<16xf32>
      %parallel_loop3A_390 = arith.select %parallel_loop3A_387, %parallel_loop3A_384, %parallel_loop3A_389 : vector<16xi1>, vector<16xf32>
      %parallel_loop3A_391 = arith.addf %parallel_loop3A_349, %parallel_loop3A_390 : vector<16xf32>
      %parallel_loop3A_392 = arith.constant 32768 : i32
      %parallel_loop3A_393 = arith.addi %parallel_loop3A_392, %parallel_loop3A_376 : i32
      %parallel_loop3A_394 = arith.index_cast %parallel_loop3A_393 : i32 to index
      %parallel_loop3A_395 = tpu.vector_load %arg6[%parallel_loop3A_394] {strides = array<i32>} : memref<65536xf32, #tpu.memory_space<vmem>>, vector<16xf32>,
      tpu.vector_store %arg6[%parallel_loop3A_394], %broadcast_in_dim3A_1 {strides = array<i32>} : memref<65536xf32, #tpu.memory_space<vmem>>, vector<16xf32>,
      %parallel_loop3A_396 = arith.constant 32 : i32
      %parallel_loop3A_397 = arith.addi %parallel_loop3A_353, %parallel_loop3A_396 : i32
      %parallel_loop3A_398 = arith.constant 32768 : i32
      %parallel_loop3A_399 = arith.addi %parallel_loop3A_398, %parallel_loop3A_397 : i32
      %parallel_loop3A_400 = arith.index_cast %parallel_loop3A_399 : i32 to index
      %parallel_loop3A_401 = tpu.vector_load %arg6[%parallel_loop3A_400] {strides = array<i32>} : memref<65536xf32, #tpu.memory_space<vmem>>, vector<16xf32>,
      %parallel_loop3A_402 = arith.index_cast %parallel_loop3A_397 : i32 to index
      %parallel_loop3A_403 = tpu.vector_load %arg9[%parallel_loop3A_402] {strides = array<i32>} : memref<8192xf32, #tpu.memory_space<vmem>>, vector<16xf32>,
      %parallel_loop3A_404 = arith.subf %parallel_loop3A_401, %parallel_loop3A_403 : vector<16xf32>
      %parallel_loop3A_405 = math.absf %parallel_loop3A_404 : vector<16xf32>
      %parallel_loop3A_406 = arith.constant 2.000000e-01 : f32
      %parallel_loop3A_407 = vector.broadcast %parallel_loop3A_406 : f32 to vector<16xf32>
      %parallel_loop3A_408 = arith.cmpf olt, %parallel_loop3A_405, %parallel_loop3A_407 : vector<16xf32>
      %parallel_loop3A_409 = arith.constant 0.000000e+00 : f32
      %parallel_loop3A_410 = vector.broadcast %parallel_loop3A_409 : f32 to vector<16xf32>
      %parallel_loop3A_411 = arith.select %parallel_loop3A_408, %parallel_loop3A_405, %parallel_loop3A_410 : vector<16xi1>, vector<16xf32>
      %parallel_loop3A_412 = arith.addf %parallel_loop3A_350, %parallel_loop3A_411 : vector<16xf32>
      %parallel_loop3A_413 = arith.constant 32768 : i32
      %parallel_loop3A_414 = arith.addi %parallel_loop3A_413, %parallel_loop3A_397 : i32
      %parallel_loop3A_415 = arith.index_cast %parallel_loop3A_414 : i32 to index
      %parallel_loop3A_416 = tpu.vector_load %arg6[%parallel_loop3A_415] {strides = array<i32>} : memref<65536xf32, #tpu.memory_space<vmem>>, vector<16xf32>,
      tpu.vector_store %arg6[%parallel_loop3A_415], %broadcast_in_dim3A_1 {strides = array<i32>} : memref<65536xf32, #tpu.memory_space<vmem>>, vector<16xf32>,
      %parallel_loop3A_417 = arith.constant 48 : i32
      %parallel_loop3A_418 = arith.addi %parallel_loop3A_353, %parallel_loop3A_417 : i32
      %parallel_loop3A_419 = arith.constant 32768 : i32
      %parallel_loop3A_420 = arith.addi %parallel_loop3A_419, %parallel_loop3A_418 : i32
      %parallel_loop3A_421 = arith.index_cast %parallel_loop3A_420 : i32 to index
      %parallel_loop3A_422 = tpu.vector_load %arg6[%parallel_loop3A_421] {strides = array<i32>} : memref<65536xf32, #tpu.memory_space<vmem>>, vector<16xf32>,
      %parallel_loop3A_423 = arith.index_cast %parallel_loop3A_418 : i32 to index
      %parallel_loop3A_424 = tpu.vector_load %arg9[%parallel_loop3A_423] {strides = array<i32>} : memref<8192xf32, #tpu.memory_space<vmem>>, vector<16xf32>,
      %parallel_loop3A_425 = arith.subf %parallel_loop3A_422, %parallel_loop3A_424 : vector<16xf32>
      %parallel_loop3A_426 = math.absf %parallel_loop3A_425 : vector<16xf32>
      %parallel_loop3A_427 = arith.constant 2.000000e-01 : f32
      %parallel_loop3A_428 = vector.broadcast %parallel_loop3A_427 : f32 to vector<16xf32>
      %parallel_loop3A_429 = arith.cmpf olt, %parallel_loop3A_426, %parallel_loop3A_428 : vector<16xf32>
      %parallel_loop3A_430 = arith.constant 0.000000e+00 : f32
      %parallel_loop3A_431 = vector.broadcast %parallel_loop3A_430 : f32 to vector<16xf32>
      %parallel_loop3A_432 = arith.select %parallel_loop3A_429, %parallel_loop3A_426, %parallel_loop3A_431 : vector<16xi1>, vector<16xf32>
      %parallel_loop3A_433 = arith.addf %parallel_loop3A_351, %parallel_loop3A_432 : vector<16xf32>
      %parallel_loop3A_434 = arith.constant 32768 : i32
      %parallel_loop3A_435 = arith.addi %parallel_loop3A_434, %parallel_loop3A_418 : i32
      %parallel_loop3A_436 = arith.index_cast %parallel_loop3A_435 : i32 to index
      %parallel_loop3A_437 = tpu.vector_load %arg6[%parallel_loop3A_436] {strides = array<i32>} : memref<65536xf32, #tpu.memory_space<vmem>>, vector<16xf32>,
      tpu.vector_store %arg6[%parallel_loop3A_436], %broadcast_in_dim3A_1 {strides = array<i32>} : memref<65536xf32, #tpu.memory_space<vmem>>, vector<16xf32>,
      scf.yield %parallel_loop3A_370, %parallel_loop3A_391, %parallel_loop3A_412, %parallel_loop3A_433 : vector<16xf32>, vector<16xf32>, vector<16xf32>, vector<16xf32>
    } {sc.loop_unroll_factor = 4 : i64, sc.parallel_access}
    %dma_start3A_141 = arith.constant 7 : i32
    %dma_start3A_142 = arith.constant 0 : i32
    %dma_start3A_143 = tpu.memref_slice %arg2[%add3A_21, %dma_start3A_141, %dma_start3A_142] : memref<64x8x8192xf32, #tpu.memory_space<hbm>> -> memref<1x1x8192xf32, #tpu.memory_space<hbm>>
    %dma_start3A_144 = tpu.memref_squeeze %dma_start3A_143 : memref<1x1x8192xf32, #tpu.memory_space<hbm>> -> memref<8192xf32, #tpu.memory_space<hbm>>
    %dma_start3A_145 = arith.constant 0 : i32
    %dma_start3A_146 = tpu.memref_slice %arg2[%add3A_21, %dma_start3A_141, %dma_start3A_145] : memref<64x8x8192xf32, #tpu.memory_space<hbm>> -> memref<1x1x8192xf32, #tpu.memory_space<hbm>>
    %dma_start3A_147 = tpu.memref_squeeze %dma_start3A_146 : memref<1x1x8192xf32, #tpu.memory_space<hbm>> -> memref<8192xf32, #tpu.memory_space<hbm>>
    tpu.enqueue_dma source(%dma_start3A_147 : memref<8192xf32, #tpu.memory_space<hbm>>) target(%arg9 : memref<8192xf32, #tpu.memory_space<vmem>>) target_semaphore(%arg14 : memref<!tpu.dma_semaphore, #tpu.memory_space<semaphore_mem>>)
    %dma_wait3A_148 = arith.constant 5 : i32
    %dma_wait3A_149 = arith.constant 0 : i32
    %dma_wait3A_150 = tpu.memref_slice %arg2[%add3A_21, %dma_wait3A_148, %dma_wait3A_149] : memref<64x8x8192xf32, #tpu.memory_space<hbm>> -> memref<1x1x8192xf32, #tpu.memory_space<hbm>>
    %dma_wait3A_151 = tpu.memref_squeeze %dma_wait3A_150 : memref<1x1x8192xf32, #tpu.memory_space<hbm>> -> memref<8192xf32, #tpu.memory_space<hbm>>
    %dma_wait3A_152 = arith.constant 0 : i32
    %dma_wait3A_153 = tpu.memref_slice %arg2[%add3A_21, %dma_wait3A_148, %dma_wait3A_152] : memref<64x8x8192xf32, #tpu.memory_space<hbm>> -> memref<1x1x8192xf32, #tpu.memory_space<hbm>>
    %dma_wait3A_154 = tpu.memref_squeeze %dma_wait3A_153 : memref<1x1x8192xf32, #tpu.memory_space<hbm>> -> memref<8192xf32, #tpu.memory_space<hbm>>
    tpu.wait_dma2 semaphore(%arg15 : memref<!tpu.dma_semaphore, #tpu.memory_space<semaphore_mem>>) src(%dma_wait3A_154 : memref<8192xf32, #tpu.memory_space<hbm>>) dst(%arg10 : memref<8192xf32, #tpu.memory_space<vmem>>)
    %parallel_loop3A_155 = arith.constant 0 : i32
    %parallel_loop3A_156 = arith.constant 128 : i32
    %parallel_loop3A_157 = arith.constant 1 : i32
    %parallel_loop3A_158:4 = scf.for %parallel_loop3A_347 = %parallel_loop3A_155 to %parallel_loop3A_156 step %parallel_loop3A_157 iter_args(%parallel_loop3A_348 = %parallel_loop3A_140#0, %parallel_loop3A_349 = %parallel_loop3A_140#1, %parallel_loop3A_350 = %parallel_loop3A_140#2, %parallel_loop3A_351 = %parallel_loop3A_140#3) -> (vector<16xf32>, vector<16xf32>, vector<16xf32>, vector<16xf32>)  : i32 {
      %parallel_loop3A_352 = arith.constant 64 : i32
      %parallel_loop3A_353 = arith.muli %parallel_loop3A_347, %parallel_loop3A_352 : i32
      %parallel_loop3A_354 = arith.constant 0 : i32
      %parallel_loop3A_355 = arith.addi %parallel_loop3A_353, %parallel_loop3A_354 : i32
      %parallel_loop3A_356 = arith.constant 40960 : i32
      %parallel_loop3A_357 = arith.addi %parallel_loop3A_356, %parallel_loop3A_355 : i32
      %parallel_loop3A_358 = arith.index_cast %parallel_loop3A_357 : i32 to index
      %parallel_loop3A_359 = tpu.vector_load %arg6[%parallel_loop3A_358] {strides = array<i32>} : memref<65536xf32, #tpu.memory_space<vmem>>, vector<16xf32>,
      %parallel_loop3A_360 = arith.index_cast %parallel_loop3A_355 : i32 to index
      %parallel_loop3A_361 = tpu.vector_load %arg10[%parallel_loop3A_360] {strides = array<i32>} : memref<8192xf32, #tpu.memory_space<vmem>>, vector<16xf32>,
      %parallel_loop3A_362 = arith.subf %parallel_loop3A_359, %parallel_loop3A_361 : vector<16xf32>
      %parallel_loop3A_363 = math.absf %parallel_loop3A_362 : vector<16xf32>
      %parallel_loop3A_364 = arith.constant 2.000000e-01 : f32
      %parallel_loop3A_365 = vector.broadcast %parallel_loop3A_364 : f32 to vector<16xf32>
      %parallel_loop3A_366 = arith.cmpf olt, %parallel_loop3A_363, %parallel_loop3A_365 : vector<16xf32>
      %parallel_loop3A_367 = arith.constant 0.000000e+00 : f32
      %parallel_loop3A_368 = vector.broadcast %parallel_loop3A_367 : f32 to vector<16xf32>
      %parallel_loop3A_369 = arith.select %parallel_loop3A_366, %parallel_loop3A_363, %parallel_loop3A_368 : vector<16xi1>, vector<16xf32>
      %parallel_loop3A_370 = arith.addf %parallel_loop3A_348, %parallel_loop3A_369 : vector<16xf32>
      %parallel_loop3A_371 = arith.constant 40960 : i32
      %parallel_loop3A_372 = arith.addi %parallel_loop3A_371, %parallel_loop3A_355 : i32
      %parallel_loop3A_373 = arith.index_cast %parallel_loop3A_372 : i32 to index
      %parallel_loop3A_374 = tpu.vector_load %arg6[%parallel_loop3A_373] {strides = array<i32>} : memref<65536xf32, #tpu.memory_space<vmem>>, vector<16xf32>,
      tpu.vector_store %arg6[%parallel_loop3A_373], %broadcast_in_dim3A_1 {strides = array<i32>} : memref<65536xf32, #tpu.memory_space<vmem>>, vector<16xf32>,
      %parallel_loop3A_375 = arith.constant 16 : i32
      %parallel_loop3A_376 = arith.addi %parallel_loop3A_353, %parallel_loop3A_375 : i32
      %parallel_loop3A_377 = arith.constant 40960 : i32
      %parallel_loop3A_378 = arith.addi %parallel_loop3A_377, %parallel_loop3A_376 : i32
      %parallel_loop3A_379 = arith.index_cast %parallel_loop3A_378 : i32 to index
      %parallel_loop3A_380 = tpu.vector_load %arg6[%parallel_loop3A_379] {strides = array<i32>} : memref<65536xf32, #tpu.memory_space<vmem>>, vector<16xf32>,
      %parallel_loop3A_381 = arith.index_cast %parallel_loop3A_376 : i32 to index
      %parallel_loop3A_382 = tpu.vector_load %arg10[%parallel_loop3A_381] {strides = array<i32>} : memref<8192xf32, #tpu.memory_space<vmem>>, vector<16xf32>,
      %parallel_loop3A_383 = arith.subf %parallel_loop3A_380, %parallel_loop3A_382 : vector<16xf32>
      %parallel_loop3A_384 = math.absf %parallel_loop3A_383 : vector<16xf32>
      %parallel_loop3A_385 = arith.constant 2.000000e-01 : f32
      %parallel_loop3A_386 = vector.broadcast %parallel_loop3A_385 : f32 to vector<16xf32>
      %parallel_loop3A_387 = arith.cmpf olt, %parallel_loop3A_384, %parallel_loop3A_386 : vector<16xf32>
      %parallel_loop3A_388 = arith.constant 0.000000e+00 : f32
      %parallel_loop3A_389 = vector.broadcast %parallel_loop3A_388 : f32 to vector<16xf32>
      %parallel_loop3A_390 = arith.select %parallel_loop3A_387, %parallel_loop3A_384, %parallel_loop3A_389 : vector<16xi1>, vector<16xf32>
      %parallel_loop3A_391 = arith.addf %parallel_loop3A_349, %parallel_loop3A_390 : vector<16xf32>
      %parallel_loop3A_392 = arith.constant 40960 : i32
      %parallel_loop3A_393 = arith.addi %parallel_loop3A_392, %parallel_loop3A_376 : i32
      %parallel_loop3A_394 = arith.index_cast %parallel_loop3A_393 : i32 to index
      %parallel_loop3A_395 = tpu.vector_load %arg6[%parallel_loop3A_394] {strides = array<i32>} : memref<65536xf32, #tpu.memory_space<vmem>>, vector<16xf32>,
      tpu.vector_store %arg6[%parallel_loop3A_394], %broadcast_in_dim3A_1 {strides = array<i32>} : memref<65536xf32, #tpu.memory_space<vmem>>, vector<16xf32>,
      %parallel_loop3A_396 = arith.constant 32 : i32
      %parallel_loop3A_397 = arith.addi %parallel_loop3A_353, %parallel_loop3A_396 : i32
      %parallel_loop3A_398 = arith.constant 40960 : i32
      %parallel_loop3A_399 = arith.addi %parallel_loop3A_398, %parallel_loop3A_397 : i32
      %parallel_loop3A_400 = arith.index_cast %parallel_loop3A_399 : i32 to index
      %parallel_loop3A_401 = tpu.vector_load %arg6[%parallel_loop3A_400] {strides = array<i32>} : memref<65536xf32, #tpu.memory_space<vmem>>, vector<16xf32>,
      %parallel_loop3A_402 = arith.index_cast %parallel_loop3A_397 : i32 to index
      %parallel_loop3A_403 = tpu.vector_load %arg10[%parallel_loop3A_402] {strides = array<i32>} : memref<8192xf32, #tpu.memory_space<vmem>>, vector<16xf32>,
      %parallel_loop3A_404 = arith.subf %parallel_loop3A_401, %parallel_loop3A_403 : vector<16xf32>
      %parallel_loop3A_405 = math.absf %parallel_loop3A_404 : vector<16xf32>
      %parallel_loop3A_406 = arith.constant 2.000000e-01 : f32
      %parallel_loop3A_407 = vector.broadcast %parallel_loop3A_406 : f32 to vector<16xf32>
      %parallel_loop3A_408 = arith.cmpf olt, %parallel_loop3A_405, %parallel_loop3A_407 : vector<16xf32>
      %parallel_loop3A_409 = arith.constant 0.000000e+00 : f32
      %parallel_loop3A_410 = vector.broadcast %parallel_loop3A_409 : f32 to vector<16xf32>
      %parallel_loop3A_411 = arith.select %parallel_loop3A_408, %parallel_loop3A_405, %parallel_loop3A_410 : vector<16xi1>, vector<16xf32>
      %parallel_loop3A_412 = arith.addf %parallel_loop3A_350, %parallel_loop3A_411 : vector<16xf32>
      %parallel_loop3A_413 = arith.constant 40960 : i32
      %parallel_loop3A_414 = arith.addi %parallel_loop3A_413, %parallel_loop3A_397 : i32
      %parallel_loop3A_415 = arith.index_cast %parallel_loop3A_414 : i32 to index
      %parallel_loop3A_416 = tpu.vector_load %arg6[%parallel_loop3A_415] {strides = array<i32>} : memref<65536xf32, #tpu.memory_space<vmem>>, vector<16xf32>,
      tpu.vector_store %arg6[%parallel_loop3A_415], %broadcast_in_dim3A_1 {strides = array<i32>} : memref<65536xf32, #tpu.memory_space<vmem>>, vector<16xf32>,
      %parallel_loop3A_417 = arith.constant 48 : i32
      %parallel_loop3A_418 = arith.addi %parallel_loop3A_353, %parallel_loop3A_417 : i32
      %parallel_loop3A_419 = arith.constant 40960 : i32
      %parallel_loop3A_420 = arith.addi %parallel_loop3A_419, %parallel_loop3A_418 : i32
      %parallel_loop3A_421 = arith.index_cast %parallel_loop3A_420 : i32 to index
      %parallel_loop3A_422 = tpu.vector_load %arg6[%parallel_loop3A_421] {strides = array<i32>} : memref<65536xf32, #tpu.memory_space<vmem>>, vector<16xf32>,
      %parallel_loop3A_423 = arith.index_cast %parallel_loop3A_418 : i32 to index
      %parallel_loop3A_424 = tpu.vector_load %arg10[%parallel_loop3A_423] {strides = array<i32>} : memref<8192xf32, #tpu.memory_space<vmem>>, vector<16xf32>,
      %parallel_loop3A_425 = arith.subf %parallel_loop3A_422, %parallel_loop3A_424 : vector<16xf32>
      %parallel_loop3A_426 = math.absf %parallel_loop3A_425 : vector<16xf32>
      %parallel_loop3A_427 = arith.constant 2.000000e-01 : f32
      %parallel_loop3A_428 = vector.broadcast %parallel_loop3A_427 : f32 to vector<16xf32>
      %parallel_loop3A_429 = arith.cmpf olt, %parallel_loop3A_426, %parallel_loop3A_428 : vector<16xf32>
      %parallel_loop3A_430 = arith.constant 0.000000e+00 : f32
      %parallel_loop3A_431 = vector.broadcast %parallel_loop3A_430 : f32 to vector<16xf32>
      %parallel_loop3A_432 = arith.select %parallel_loop3A_429, %parallel_loop3A_426, %parallel_loop3A_431 : vector<16xi1>, vector<16xf32>
      %parallel_loop3A_433 = arith.addf %parallel_loop3A_351, %parallel_loop3A_432 : vector<16xf32>
      %parallel_loop3A_434 = arith.constant 40960 : i32
      %parallel_loop3A_435 = arith.addi %parallel_loop3A_434, %parallel_loop3A_418 : i32
      %parallel_loop3A_436 = arith.index_cast %parallel_loop3A_435 : i32 to index
      %parallel_loop3A_437 = tpu.vector_load %arg6[%parallel_loop3A_436] {strides = array<i32>} : memref<65536xf32, #tpu.memory_space<vmem>>, vector<16xf32>,
      tpu.vector_store %arg6[%parallel_loop3A_436], %broadcast_in_dim3A_1 {strides = array<i32>} : memref<65536xf32, #tpu.memory_space<vmem>>, vector<16xf32>,
      scf.yield %parallel_loop3A_370, %parallel_loop3A_391, %parallel_loop3A_412, %parallel_loop3A_433 : vector<16xf32>, vector<16xf32>, vector<16xf32>, vector<16xf32>
    } {sc.loop_unroll_factor = 4 : i64, sc.parallel_access}
    %dma_wait3A_159 = arith.constant 6 : i32
    %dma_wait3A_160 = arith.constant 0 : i32
    %dma_wait3A_161 = tpu.memref_slice %arg2[%add3A_21, %dma_wait3A_159, %dma_wait3A_160] : memref<64x8x8192xf32, #tpu.memory_space<hbm>> -> memref<1x1x8192xf32, #tpu.memory_space<hbm>>
    %dma_wait3A_162 = tpu.memref_squeeze %dma_wait3A_161 : memref<1x1x8192xf32, #tpu.memory_space<hbm>> -> memref<8192xf32, #tpu.memory_space<hbm>>
    %dma_wait3A_163 = arith.constant 0 : i32
    %dma_wait3A_164 = tpu.memref_slice %arg2[%add3A_21, %dma_wait3A_159, %dma_wait3A_163] : memref<64x8x8192xf32, #tpu.memory_space<hbm>> -> memref<1x1x8192xf32, #tpu.memory_space<hbm>>
    %dma_wait3A_165 = tpu.memref_squeeze %dma_wait3A_164 : memref<1x1x8192xf32, #tpu.memory_space<hbm>> -> memref<8192xf32, #tpu.memory_space<hbm>>
    tpu.wait_dma2 semaphore(%arg13 : memref<!tpu.dma_semaphore, #tpu.memory_space<semaphore_mem>>) src(%dma_wait3A_165 : memref<8192xf32, #tpu.memory_space<hbm>>) dst(%arg8 : memref<8192xf32, #tpu.memory_space<vmem>>)
    %parallel_loop3A_166 = arith.constant 0 : i32
    %parallel_loop3A_167 = arith.constant 128 : i32
    %parallel_loop3A_168 = arith.constant 1 : i32
    %parallel_loop3A_169:4 = scf.for %parallel_loop3A_347 = %parallel_loop3A_166 to %parallel_loop3A_167 step %parallel_loop3A_168 iter_args(%parallel_loop3A_348 = %parallel_loop3A_158#0, %parallel_loop3A_349 = %parallel_loop3A_158#1, %parallel_loop3A_350 = %parallel_loop3A_158#2, %parallel_loop3A_351 = %parallel_loop3A_158#3) -> (vector<16xf32>, vector<16xf32>, vector<16xf32>, vector<16xf32>)  : i32 {
      %parallel_loop3A_352 = arith.constant 64 : i32
      %parallel_loop3A_353 = arith.muli %parallel_loop3A_347, %parallel_loop3A_352 : i32
      %parallel_loop3A_354 = arith.constant 0 : i32
      %parallel_loop3A_355 = arith.addi %parallel_loop3A_353, %parallel_loop3A_354 : i32
      %parallel_loop3A_356 = arith.constant 49152 : i32
      %parallel_loop3A_357 = arith.addi %parallel_loop3A_356, %parallel_loop3A_355 : i32
      %parallel_loop3A_358 = arith.index_cast %parallel_loop3A_357 : i32 to index
      %parallel_loop3A_359 = tpu.vector_load %arg6[%parallel_loop3A_358] {strides = array<i32>} : memref<65536xf32, #tpu.memory_space<vmem>>, vector<16xf32>,
      %parallel_loop3A_360 = arith.index_cast %parallel_loop3A_355 : i32 to index
      %parallel_loop3A_361 = tpu.vector_load %arg8[%parallel_loop3A_360] {strides = array<i32>} : memref<8192xf32, #tpu.memory_space<vmem>>, vector<16xf32>,
      %parallel_loop3A_362 = arith.subf %parallel_loop3A_359, %parallel_loop3A_361 : vector<16xf32>
      %parallel_loop3A_363 = math.absf %parallel_loop3A_362 : vector<16xf32>
      %parallel_loop3A_364 = arith.constant 2.000000e-01 : f32
      %parallel_loop3A_365 = vector.broadcast %parallel_loop3A_364 : f32 to vector<16xf32>
      %parallel_loop3A_366 = arith.cmpf olt, %parallel_loop3A_363, %parallel_loop3A_365 : vector<16xf32>
      %parallel_loop3A_367 = arith.constant 0.000000e+00 : f32
      %parallel_loop3A_368 = vector.broadcast %parallel_loop3A_367 : f32 to vector<16xf32>
      %parallel_loop3A_369 = arith.select %parallel_loop3A_366, %parallel_loop3A_363, %parallel_loop3A_368 : vector<16xi1>, vector<16xf32>
      %parallel_loop3A_370 = arith.addf %parallel_loop3A_348, %parallel_loop3A_369 : vector<16xf32>
      %parallel_loop3A_371 = arith.constant 49152 : i32
      %parallel_loop3A_372 = arith.addi %parallel_loop3A_371, %parallel_loop3A_355 : i32
      %parallel_loop3A_373 = arith.index_cast %parallel_loop3A_372 : i32 to index
      %parallel_loop3A_374 = tpu.vector_load %arg6[%parallel_loop3A_373] {strides = array<i32>} : memref<65536xf32, #tpu.memory_space<vmem>>, vector<16xf32>,
      tpu.vector_store %arg6[%parallel_loop3A_373], %broadcast_in_dim3A_1 {strides = array<i32>} : memref<65536xf32, #tpu.memory_space<vmem>>, vector<16xf32>,
      %parallel_loop3A_375 = arith.constant 16 : i32
      %parallel_loop3A_376 = arith.addi %parallel_loop3A_353, %parallel_loop3A_375 : i32
      %parallel_loop3A_377 = arith.constant 49152 : i32
      %parallel_loop3A_378 = arith.addi %parallel_loop3A_377, %parallel_loop3A_376 : i32
      %parallel_loop3A_379 = arith.index_cast %parallel_loop3A_378 : i32 to index
      %parallel_loop3A_380 = tpu.vector_load %arg6[%parallel_loop3A_379] {strides = array<i32>} : memref<65536xf32, #tpu.memory_space<vmem>>, vector<16xf32>,
      %parallel_loop3A_381 = arith.index_cast %parallel_loop3A_376 : i32 to index
      %parallel_loop3A_382 = tpu.vector_load %arg8[%parallel_loop3A_381] {strides = array<i32>} : memref<8192xf32, #tpu.memory_space<vmem>>, vector<16xf32>,
      %parallel_loop3A_383 = arith.subf %parallel_loop3A_380, %parallel_loop3A_382 : vector<16xf32>
      %parallel_loop3A_384 = math.absf %parallel_loop3A_383 : vector<16xf32>
      %parallel_loop3A_385 = arith.constant 2.000000e-01 : f32
      %parallel_loop3A_386 = vector.broadcast %parallel_loop3A_385 : f32 to vector<16xf32>
      %parallel_loop3A_387 = arith.cmpf olt, %parallel_loop3A_384, %parallel_loop3A_386 : vector<16xf32>
      %parallel_loop3A_388 = arith.constant 0.000000e+00 : f32
      %parallel_loop3A_389 = vector.broadcast %parallel_loop3A_388 : f32 to vector<16xf32>
      %parallel_loop3A_390 = arith.select %parallel_loop3A_387, %parallel_loop3A_384, %parallel_loop3A_389 : vector<16xi1>, vector<16xf32>
      %parallel_loop3A_391 = arith.addf %parallel_loop3A_349, %parallel_loop3A_390 : vector<16xf32>
      %parallel_loop3A_392 = arith.constant 49152 : i32
      %parallel_loop3A_393 = arith.addi %parallel_loop3A_392, %parallel_loop3A_376 : i32
      %parallel_loop3A_394 = arith.index_cast %parallel_loop3A_393 : i32 to index
      %parallel_loop3A_395 = tpu.vector_load %arg6[%parallel_loop3A_394] {strides = array<i32>} : memref<65536xf32, #tpu.memory_space<vmem>>, vector<16xf32>,
      tpu.vector_store %arg6[%parallel_loop3A_394], %broadcast_in_dim3A_1 {strides = array<i32>} : memref<65536xf32, #tpu.memory_space<vmem>>, vector<16xf32>,
      %parallel_loop3A_396 = arith.constant 32 : i32
      %parallel_loop3A_397 = arith.addi %parallel_loop3A_353, %parallel_loop3A_396 : i32
      %parallel_loop3A_398 = arith.constant 49152 : i32
      %parallel_loop3A_399 = arith.addi %parallel_loop3A_398, %parallel_loop3A_397 : i32
      %parallel_loop3A_400 = arith.index_cast %parallel_loop3A_399 : i32 to index
      %parallel_loop3A_401 = tpu.vector_load %arg6[%parallel_loop3A_400] {strides = array<i32>} : memref<65536xf32, #tpu.memory_space<vmem>>, vector<16xf32>,
      %parallel_loop3A_402 = arith.index_cast %parallel_loop3A_397 : i32 to index
      %parallel_loop3A_403 = tpu.vector_load %arg8[%parallel_loop3A_402] {strides = array<i32>} : memref<8192xf32, #tpu.memory_space<vmem>>, vector<16xf32>,
      %parallel_loop3A_404 = arith.subf %parallel_loop3A_401, %parallel_loop3A_403 : vector<16xf32>
      %parallel_loop3A_405 = math.absf %parallel_loop3A_404 : vector<16xf32>
      %parallel_loop3A_406 = arith.constant 2.000000e-01 : f32
      %parallel_loop3A_407 = vector.broadcast %parallel_loop3A_406 : f32 to vector<16xf32>
      %parallel_loop3A_408 = arith.cmpf olt, %parallel_loop3A_405, %parallel_loop3A_407 : vector<16xf32>
      %parallel_loop3A_409 = arith.constant 0.000000e+00 : f32
      %parallel_loop3A_410 = vector.broadcast %parallel_loop3A_409 : f32 to vector<16xf32>
      %parallel_loop3A_411 = arith.select %parallel_loop3A_408, %parallel_loop3A_405, %parallel_loop3A_410 : vector<16xi1>, vector<16xf32>
      %parallel_loop3A_412 = arith.addf %parallel_loop3A_350, %parallel_loop3A_411 : vector<16xf32>
      %parallel_loop3A_413 = arith.constant 49152 : i32
      %parallel_loop3A_414 = arith.addi %parallel_loop3A_413, %parallel_loop3A_397 : i32
      %parallel_loop3A_415 = arith.index_cast %parallel_loop3A_414 : i32 to index
      %parallel_loop3A_416 = tpu.vector_load %arg6[%parallel_loop3A_415] {strides = array<i32>} : memref<65536xf32, #tpu.memory_space<vmem>>, vector<16xf32>,
      tpu.vector_store %arg6[%parallel_loop3A_415], %broadcast_in_dim3A_1 {strides = array<i32>} : memref<65536xf32, #tpu.memory_space<vmem>>, vector<16xf32>,
      %parallel_loop3A_417 = arith.constant 48 : i32
      %parallel_loop3A_418 = arith.addi %parallel_loop3A_353, %parallel_loop3A_417 : i32
      %parallel_loop3A_419 = arith.constant 49152 : i32
      %parallel_loop3A_420 = arith.addi %parallel_loop3A_419, %parallel_loop3A_418 : i32
      %parallel_loop3A_421 = arith.index_cast %parallel_loop3A_420 : i32 to index
      %parallel_loop3A_422 = tpu.vector_load %arg6[%parallel_loop3A_421] {strides = array<i32>} : memref<65536xf32, #tpu.memory_space<vmem>>, vector<16xf32>,
      %parallel_loop3A_423 = arith.index_cast %parallel_loop3A_418 : i32 to index
      %parallel_loop3A_424 = tpu.vector_load %arg8[%parallel_loop3A_423] {strides = array<i32>} : memref<8192xf32, #tpu.memory_space<vmem>>, vector<16xf32>,
      %parallel_loop3A_425 = arith.subf %parallel_loop3A_422, %parallel_loop3A_424 : vector<16xf32>
      %parallel_loop3A_426 = math.absf %parallel_loop3A_425 : vector<16xf32>
      %parallel_loop3A_427 = arith.constant 2.000000e-01 : f32
      %parallel_loop3A_428 = vector.broadcast %parallel_loop3A_427 : f32 to vector<16xf32>
      %parallel_loop3A_429 = arith.cmpf olt, %parallel_loop3A_426, %parallel_loop3A_428 : vector<16xf32>
      %parallel_loop3A_430 = arith.constant 0.000000e+00 : f32
      %parallel_loop3A_431 = vector.broadcast %parallel_loop3A_430 : f32 to vector<16xf32>
      %parallel_loop3A_432 = arith.select %parallel_loop3A_429, %parallel_loop3A_426, %parallel_loop3A_431 : vector<16xi1>, vector<16xf32>
      %parallel_loop3A_433 = arith.addf %parallel_loop3A_351, %parallel_loop3A_432 : vector<16xf32>
      %parallel_loop3A_434 = arith.constant 49152 : i32
      %parallel_loop3A_435 = arith.addi %parallel_loop3A_434, %parallel_loop3A_418 : i32
      %parallel_loop3A_436 = arith.index_cast %parallel_loop3A_435 : i32 to index
      %parallel_loop3A_437 = tpu.vector_load %arg6[%parallel_loop3A_436] {strides = array<i32>} : memref<65536xf32, #tpu.memory_space<vmem>>, vector<16xf32>,
      tpu.vector_store %arg6[%parallel_loop3A_436], %broadcast_in_dim3A_1 {strides = array<i32>} : memref<65536xf32, #tpu.memory_space<vmem>>, vector<16xf32>,
      scf.yield %parallel_loop3A_370, %parallel_loop3A_391, %parallel_loop3A_412, %parallel_loop3A_433 : vector<16xf32>, vector<16xf32>, vector<16xf32>, vector<16xf32>
    } {sc.loop_unroll_factor = 4 : i64, sc.parallel_access}
    %dma_wait3A_170 = arith.constant 7 : i32
    %dma_wait3A_171 = arith.constant 0 : i32
    %dma_wait3A_172 = tpu.memref_slice %arg2[%add3A_21, %dma_wait3A_170, %dma_wait3A_171] : memref<64x8x8192xf32, #tpu.memory_space<hbm>> -> memref<1x1x8192xf32, #tpu.memory_space<hbm>>
    %dma_wait3A_173 = tpu.memref_squeeze %dma_wait3A_172 : memref<1x1x8192xf32, #tpu.memory_space<hbm>> -> memref<8192xf32, #tpu.memory_space<hbm>>
    %dma_wait3A_174 = arith.constant 0 : i32
    %dma_wait3A_175 = tpu.memref_slice %arg2[%add3A_21, %dma_wait3A_170, %dma_wait3A_174] : memref<64x8x8192xf32, #tpu.memory_space<hbm>> -> memref<1x1x8192xf32, #tpu.memory_space<hbm>>
    %dma_wait3A_176 = tpu.memref_squeeze %dma_wait3A_175 : memref<1x1x8192xf32, #tpu.memory_space<hbm>> -> memref<8192xf32, #tpu.memory_space<hbm>>
    tpu.wait_dma2 semaphore(%arg14 : memref<!tpu.dma_semaphore, #tpu.memory_space<semaphore_mem>>) src(%dma_wait3A_176 : memref<8192xf32, #tpu.memory_space<hbm>>) dst(%arg9 : memref<8192xf32, #tpu.memory_space<vmem>>)
    %parallel_loop3A_177 = arith.constant 0 : i32
    %parallel_loop3A_178 = arith.constant 128 : i32
    %parallel_loop3A_179 = arith.constant 1 : i32
    %parallel_loop3A_180:4 = scf.for %parallel_loop3A_347 = %parallel_loop3A_177 to %parallel_loop3A_178 step %parallel_loop3A_179 iter_args(%parallel_loop3A_348 = %parallel_loop3A_169#0, %parallel_loop3A_349 = %parallel_loop3A_169#1, %parallel_loop3A_350 = %parallel_loop3A_169#2, %parallel_loop3A_351 = %parallel_loop3A_169#3) -> (vector<16xf32>, vector<16xf32>, vector<16xf32>, vector<16xf32>)  : i32 {
      %parallel_loop3A_352 = arith.constant 64 : i32
      %parallel_loop3A_353 = arith.muli %parallel_loop3A_347, %parallel_loop3A_352 : i32
      %parallel_loop3A_354 = arith.constant 0 : i32
      %parallel_loop3A_355 = arith.addi %parallel_loop3A_353, %parallel_loop3A_354 : i32
      %parallel_loop3A_356 = arith.constant 57344 : i32
      %parallel_loop3A_357 = arith.addi %parallel_loop3A_356, %parallel_loop3A_355 : i32
      %parallel_loop3A_358 = arith.index_cast %parallel_loop3A_357 : i32 to index
      %parallel_loop3A_359 = tpu.vector_load %arg6[%parallel_loop3A_358] {strides = array<i32>} : memref<65536xf32, #tpu.memory_space<vmem>>, vector<16xf32>,
      %parallel_loop3A_360 = arith.index_cast %parallel_loop3A_355 : i32 to index
      %parallel_loop3A_361 = tpu.vector_load %arg9[%parallel_loop3A_360] {strides = array<i32>} : memref<8192xf32, #tpu.memory_space<vmem>>, vector<16xf32>,
      %parallel_loop3A_362 = arith.subf %parallel_loop3A_359, %parallel_loop3A_361 : vector<16xf32>
      %parallel_loop3A_363 = math.absf %parallel_loop3A_362 : vector<16xf32>
      %parallel_loop3A_364 = arith.constant 2.000000e-01 : f32
      %parallel_loop3A_365 = vector.broadcast %parallel_loop3A_364 : f32 to vector<16xf32>
      %parallel_loop3A_366 = arith.cmpf olt, %parallel_loop3A_363, %parallel_loop3A_365 : vector<16xf32>
      %parallel_loop3A_367 = arith.constant 0.000000e+00 : f32
      %parallel_loop3A_368 = vector.broadcast %parallel_loop3A_367 : f32 to vector<16xf32>
      %parallel_loop3A_369 = arith.select %parallel_loop3A_366, %parallel_loop3A_363, %parallel_loop3A_368 : vector<16xi1>, vector<16xf32>
      %parallel_loop3A_370 = arith.addf %parallel_loop3A_348, %parallel_loop3A_369 : vector<16xf32>
      %parallel_loop3A_371 = arith.constant 57344 : i32
      %parallel_loop3A_372 = arith.addi %parallel_loop3A_371, %parallel_loop3A_355 : i32
      %parallel_loop3A_373 = arith.index_cast %parallel_loop3A_372 : i32 to index
      %parallel_loop3A_374 = tpu.vector_load %arg6[%parallel_loop3A_373] {strides = array<i32>} : memref<65536xf32, #tpu.memory_space<vmem>>, vector<16xf32>,
      tpu.vector_store %arg6[%parallel_loop3A_373], %broadcast_in_dim3A_1 {strides = array<i32>} : memref<65536xf32, #tpu.memory_space<vmem>>, vector<16xf32>,
      %parallel_loop3A_375 = arith.constant 16 : i32
      %parallel_loop3A_376 = arith.addi %parallel_loop3A_353, %parallel_loop3A_375 : i32
      %parallel_loop3A_377 = arith.constant 57344 : i32
      %parallel_loop3A_378 = arith.addi %parallel_loop3A_377, %parallel_loop3A_376 : i32
      %parallel_loop3A_379 = arith.index_cast %parallel_loop3A_378 : i32 to index
      %parallel_loop3A_380 = tpu.vector_load %arg6[%parallel_loop3A_379] {strides = array<i32>} : memref<65536xf32, #tpu.memory_space<vmem>>, vector<16xf32>,
      %parallel_loop3A_381 = arith.index_cast %parallel_loop3A_376 : i32 to index
      %parallel_loop3A_382 = tpu.vector_load %arg9[%parallel_loop3A_381] {strides = array<i32>} : memref<8192xf32, #tpu.memory_space<vmem>>, vector<16xf32>,
      %parallel_loop3A_383 = arith.subf %parallel_loop3A_380, %parallel_loop3A_382 : vector<16xf32>
      %parallel_loop3A_384 = math.absf %parallel_loop3A_383 : vector<16xf32>
      %parallel_loop3A_385 = arith.constant 2.000000e-01 : f32
      %parallel_loop3A_386 = vector.broadcast %parallel_loop3A_385 : f32 to vector<16xf32>
      %parallel_loop3A_387 = arith.cmpf olt, %parallel_loop3A_384, %parallel_loop3A_386 : vector<16xf32>
      %parallel_loop3A_388 = arith.constant 0.000000e+00 : f32
      %parallel_loop3A_389 = vector.broadcast %parallel_loop3A_388 : f32 to vector<16xf32>
      %parallel_loop3A_390 = arith.select %parallel_loop3A_387, %parallel_loop3A_384, %parallel_loop3A_389 : vector<16xi1>, vector<16xf32>
      %parallel_loop3A_391 = arith.addf %parallel_loop3A_349, %parallel_loop3A_390 : vector<16xf32>
      %parallel_loop3A_392 = arith.constant 57344 : i32
      %parallel_loop3A_393 = arith.addi %parallel_loop3A_392, %parallel_loop3A_376 : i32
      %parallel_loop3A_394 = arith.index_cast %parallel_loop3A_393 : i32 to index
      %parallel_loop3A_395 = tpu.vector_load %arg6[%parallel_loop3A_394] {strides = array<i32>} : memref<65536xf32, #tpu.memory_space<vmem>>, vector<16xf32>,
      tpu.vector_store %arg6[%parallel_loop3A_394], %broadcast_in_dim3A_1 {strides = array<i32>} : memref<65536xf32, #tpu.memory_space<vmem>>, vector<16xf32>,
      %parallel_loop3A_396 = arith.constant 32 : i32
      %parallel_loop3A_397 = arith.addi %parallel_loop3A_353, %parallel_loop3A_396 : i32
      %parallel_loop3A_398 = arith.constant 57344 : i32
      %parallel_loop3A_399 = arith.addi %parallel_loop3A_398, %parallel_loop3A_397 : i32
      %parallel_loop3A_400 = arith.index_cast %parallel_loop3A_399 : i32 to index
      %parallel_loop3A_401 = tpu.vector_load %arg6[%parallel_loop3A_400] {strides = array<i32>} : memref<65536xf32, #tpu.memory_space<vmem>>, vector<16xf32>,
      %parallel_loop3A_402 = arith.index_cast %parallel_loop3A_397 : i32 to index
      %parallel_loop3A_403 = tpu.vector_load %arg9[%parallel_loop3A_402] {strides = array<i32>} : memref<8192xf32, #tpu.memory_space<vmem>>, vector<16xf32>,
      %parallel_loop3A_404 = arith.subf %parallel_loop3A_401, %parallel_loop3A_403 : vector<16xf32>
      %parallel_loop3A_405 = math.absf %parallel_loop3A_404 : vector<16xf32>
      %parallel_loop3A_406 = arith.constant 2.000000e-01 : f32
      %parallel_loop3A_407 = vector.broadcast %parallel_loop3A_406 : f32 to vector<16xf32>
      %parallel_loop3A_408 = arith.cmpf olt, %parallel_loop3A_405, %parallel_loop3A_407 : vector<16xf32>
      %parallel_loop3A_409 = arith.constant 0.000000e+00 : f32
      %parallel_loop3A_410 = vector.broadcast %parallel_loop3A_409 : f32 to vector<16xf32>
      %parallel_loop3A_411 = arith.select %parallel_loop3A_408, %parallel_loop3A_405, %parallel_loop3A_410 : vector<16xi1>, vector<16xf32>
      %parallel_loop3A_412 = arith.addf %parallel_loop3A_350, %parallel_loop3A_411 : vector<16xf32>
      %parallel_loop3A_413 = arith.constant 57344 : i32
      %parallel_loop3A_414 = arith.addi %parallel_loop3A_413, %parallel_loop3A_397 : i32
      %parallel_loop3A_415 = arith.index_cast %parallel_loop3A_414 : i32 to index
      %parallel_loop3A_416 = tpu.vector_load %arg6[%parallel_loop3A_415] {strides = array<i32>} : memref<65536xf32, #tpu.memory_space<vmem>>, vector<16xf32>,
      tpu.vector_store %arg6[%parallel_loop3A_415], %broadcast_in_dim3A_1 {strides = array<i32>} : memref<65536xf32, #tpu.memory_space<vmem>>, vector<16xf32>,
      %parallel_loop3A_417 = arith.constant 48 : i32
      %parallel_loop3A_418 = arith.addi %parallel_loop3A_353, %parallel_loop3A_417 : i32
      %parallel_loop3A_419 = arith.constant 57344 : i32
      %parallel_loop3A_420 = arith.addi %parallel_loop3A_419, %parallel_loop3A_418 : i32
      %parallel_loop3A_421 = arith.index_cast %parallel_loop3A_420 : i32 to index
      %parallel_loop3A_422 = tpu.vector_load %arg6[%parallel_loop3A_421] {strides = array<i32>} : memref<65536xf32, #tpu.memory_space<vmem>>, vector<16xf32>,
      %parallel_loop3A_423 = arith.index_cast %parallel_loop3A_418 : i32 to index
      %parallel_loop3A_424 = tpu.vector_load %arg9[%parallel_loop3A_423] {strides = array<i32>} : memref<8192xf32, #tpu.memory_space<vmem>>, vector<16xf32>,
      %parallel_loop3A_425 = arith.subf %parallel_loop3A_422, %parallel_loop3A_424 : vector<16xf32>
      %parallel_loop3A_426 = math.absf %parallel_loop3A_425 : vector<16xf32>
      %parallel_loop3A_427 = arith.constant 2.000000e-01 : f32
      %parallel_loop3A_428 = vector.broadcast %parallel_loop3A_427 : f32 to vector<16xf32>
      %parallel_loop3A_429 = arith.cmpf olt, %parallel_loop3A_426, %parallel_loop3A_428 : vector<16xf32>
      %parallel_loop3A_430 = arith.constant 0.000000e+00 : f32
      %parallel_loop3A_431 = vector.broadcast %parallel_loop3A_430 : f32 to vector<16xf32>
      %parallel_loop3A_432 = arith.select %parallel_loop3A_429, %parallel_loop3A_426, %parallel_loop3A_431 : vector<16xi1>, vector<16xf32>
      %parallel_loop3A_433 = arith.addf %parallel_loop3A_351, %parallel_loop3A_432 : vector<16xf32>
      %parallel_loop3A_434 = arith.constant 57344 : i32
      %parallel_loop3A_435 = arith.addi %parallel_loop3A_434, %parallel_loop3A_418 : i32
      %parallel_loop3A_436 = arith.index_cast %parallel_loop3A_435 : i32 to index
      %parallel_loop3A_437 = tpu.vector_load %arg6[%parallel_loop3A_436] {strides = array<i32>} : memref<65536xf32, #tpu.memory_space<vmem>>, vector<16xf32>,
      tpu.vector_store %arg6[%parallel_loop3A_436], %broadcast_in_dim3A_1 {strides = array<i32>} : memref<65536xf32, #tpu.memory_space<vmem>>, vector<16xf32>,
      scf.yield %parallel_loop3A_370, %parallel_loop3A_391, %parallel_loop3A_412, %parallel_loop3A_433 : vector<16xf32>, vector<16xf32>, vector<16xf32>, vector<16xf32>
    } {sc.loop_unroll_factor = 4 : i64, sc.parallel_access}
    %add3A_181 = arith.constant 1 : i32
    %add3A_182 = arith.addi %add3A_21, %add3A_181 : i32
    %dma_wait3A_183 = arith.constant 0 : i32
    %dma_wait3A_184 = arith.constant 0 : i32
    %dma_wait3A_185 = tpu.memref_slice %arg3[%add3A_182, %dma_wait3A_183, %dma_wait3A_184] : memref<64x256x256xf32, #tpu.memory_space<hbm>> -> memref<1x256x128xf32, #tpu.memory_space<hbm>>
    %dma_wait3A_186 = tpu.memref_squeeze %dma_wait3A_185 : memref<1x256x128xf32, #tpu.memory_space<hbm>> -> memref<256x128xf32, #tpu.memory_space<hbm>>
    %dma_wait3A_187 = arith.constant 0 : i32
    %dma_wait3A_188 = arith.constant 0 : i32
    %dma_wait3A_189 = tpu.memref_slice %arg3[%add3A_182, %dma_wait3A_187, %dma_wait3A_188] : memref<64x256x256xf32, #tpu.memory_space<hbm>> -> memref<1x256x128xf32, #tpu.memory_space<hbm>>
    %dma_wait3A_190 = tpu.memref_squeeze %dma_wait3A_189 : memref<1x256x128xf32, #tpu.memory_space<hbm>> -> memref<256x128xf32, #tpu.memory_space<hbm>>
    tpu.wait_dma2 semaphore(%arg16 : memref<!tpu.dma_semaphore, #tpu.memory_space<semaphore_mem>>) src(%dma_wait3A_190 : memref<256x128xf32, #tpu.memory_space<hbm>>) dst(%arg7 : memref<256x128xf32, #tpu.memory_space<vmem>>)
    %add3A_191 = arith.constant 1 : i32
    %add3A_192 = arith.addi %mul3A_3, %add3A_191 : i32
    %dma_start3A_193 = arith.constant 0 : i32
    %dma_start3A_194 = arith.constant 0 : i32
    %dma_start3A_195 = tpu.memref_slice %arg2[%add3A_192, %dma_start3A_193, %dma_start3A_194] : memref<64x8x8192xf32, #tpu.memory_space<hbm>> -> memref<1x1x8192xf32, #tpu.memory_space<hbm>>
    %dma_start3A_196 = tpu.memref_squeeze %dma_start3A_195 : memref<1x1x8192xf32, #tpu.memory_space<hbm>> -> memref<8192xf32, #tpu.memory_space<hbm>>
    %dma_start3A_197 = arith.constant 0 : i32
    %dma_start3A_198 = tpu.memref_slice %arg2[%add3A_192, %dma_start3A_193, %dma_start3A_197] : memref<64x8x8192xf32, #tpu.memory_space<hbm>> -> memref<1x1x8192xf32, #tpu.memory_space<hbm>>
    %dma_start3A_199 = tpu.memref_squeeze %dma_start3A_198 : memref<1x1x8192xf32, #tpu.memory_space<hbm>> -> memref<8192xf32, #tpu.memory_space<hbm>>
    tpu.enqueue_dma source(%dma_start3A_199 : memref<8192xf32, #tpu.memory_space<hbm>>) target(%arg8 : memref<8192xf32, #tpu.memory_space<vmem>>) target_semaphore(%arg13 : memref<!tpu.dma_semaphore, #tpu.memory_space<semaphore_mem>>)
    %dma_start3A_200 = arith.constant 1 : i32
    %dma_start3A_201 = arith.constant 0 : i32
    %dma_start3A_202 = tpu.memref_slice %arg2[%add3A_192, %dma_start3A_200, %dma_start3A_201] : memref<64x8x8192xf32, #tpu.memory_space<hbm>> -> memref<1x1x8192xf32, #tpu.memory_space<hbm>>
    %dma_start3A_203 = tpu.memref_squeeze %dma_start3A_202 : memref<1x1x8192xf32, #tpu.memory_space<hbm>> -> memref<8192xf32, #tpu.memory_space<hbm>>
    %dma_start3A_204 = arith.constant 0 : i32
    %dma_start3A_205 = tpu.memref_slice %arg2[%add3A_192, %dma_start3A_200, %dma_start3A_204] : memref<64x8x8192xf32, #tpu.memory_space<hbm>> -> memref<1x1x8192xf32, #tpu.memory_space<hbm>>
    %dma_start3A_206 = tpu.memref_squeeze %dma_start3A_205 : memref<1x1x8192xf32, #tpu.memory_space<hbm>> -> memref<8192xf32, #tpu.memory_space<hbm>>
    tpu.enqueue_dma source(%dma_start3A_206 : memref<8192xf32, #tpu.memory_space<hbm>>) target(%arg9 : memref<8192xf32, #tpu.memory_space<vmem>>) target_semaphore(%arg14 : memref<!tpu.dma_semaphore, #tpu.memory_space<semaphore_mem>>)
    %scan3A_207 = arith.constant 0 : i32
    %scan3A_208 = arith.constant 0 : i32
    %scan3A_209 = arith.constant 110 : i32
    %scan3A_210 = arith.addi %scan3A_208, %scan3A_209 : i32
    %scan3A_211 = arith.constant 1 : i32
    scf.for %scan3A_347 = %scan3A_208 to %scan3A_210 step %scan3A_211  : i32 {
      %sub3A = arith.constant 109 : i32
      %sub3A_348 = arith.subi %sub3A, %scan3A_347 : i32
      %broadcast_in_dim3A_349 = vector.broadcast %sub3A_348 : i32 to vector<16xi32>
      %gather3A = tpu.vector_load_idx %arg11[%broadcast_in_dim3A_349] : memref<112xf32, #tpu.memory_space<vmem>>[vector<16xi32>], vector<16xf32>,
      %parallel_loop3A_350 = arith.constant 0 : i32
      %parallel_loop3A_351 = arith.constant 16 : i32
      %parallel_loop3A_352 = arith.constant 1 : i32
      scf.for %parallel_loop3A_353 = %parallel_loop3A_350 to %parallel_loop3A_351 step %parallel_loop3A_352  : i32 {
        %parallel_loop3A_354 = arith.constant 16 : i32
        %parallel_loop3A_355 = arith.muli %parallel_loop3A_353, %parallel_loop3A_354 : i32
        %parallel_loop3A_356 = vector.broadcast %parallel_loop3A_355 : i32 to vector<16xi32>
        %parallel_loop3A_357 = arith.addi %parallel_loop3A_356, %iota3A : vector<16xi32>
        %parallel_loop3A_358 = tpu.vector_load_idx %arg7[%parallel_loop3A_357, %broadcast_in_dim3A_349] : memref<256x128xf32, #tpu.memory_space<vmem>>[vector<16xi32>, vector<16xi32>], vector<16xf32>,
        %parallel_loop3A_359 = arith.constant 6.000000e+01 : f32
        %parallel_loop3A_360 = vector.broadcast %parallel_loop3A_359 : f32 to vector<16xf32>
        %parallel_loop3A_361 = arith.mulf %parallel_loop3A_358, %parallel_loop3A_360 : vector<16xf32>
        %parallel_loop3A_362 = arith.constant 1.280000e+02 : f32
        %parallel_loop3A_363 = vector.broadcast %parallel_loop3A_362 : f32 to vector<16xf32>
        %parallel_loop3A_364 = arith.subf %parallel_loop3A_363, %parallel_loop3A_361 : vector<16xf32>
        %parallel_loop3A_365 = arith.constant 0x4B000000 : f32
        %parallel_loop3A_366 = vector.broadcast %parallel_loop3A_365 : f32 to vector<16xf32>
        %parallel_loop3A_367 = arith.addf %parallel_loop3A_364, %parallel_loop3A_366 : vector<16xf32>
        %parallel_loop3A_368 = arith.constant 0x4B000000 : f32
        %parallel_loop3A_369 = vector.broadcast %parallel_loop3A_368 : f32 to vector<16xf32>
        %parallel_loop3A_370 = arith.subf %parallel_loop3A_367, %parallel_loop3A_369 : vector<16xf32>
        %parallel_loop3A_371 = arith.fptosi %parallel_loop3A_370 : vector<16xf32> to vector<16xi32>
        %parallel_loop3A_372 = arith.constant 256 : i32
        %parallel_loop3A_373 = vector.broadcast %parallel_loop3A_372 : i32 to vector<16xi32>
        %parallel_loop3A_374 = arith.muli %parallel_loop3A_371, %parallel_loop3A_373 : vector<16xi32>
        %parallel_loop3A_375 = arith.addi %parallel_loop3A_374, %parallel_loop3A_357 : vector<16xi32>
        %parallel_loop3A_376 = arith.constant 2.350000e-02 : f32
        %parallel_loop3A_377 = vector.broadcast %parallel_loop3A_376 : f32 to vector<16xf32>
        %parallel_loop3A_378 = arith.cmpf oge, %parallel_loop3A_358, %parallel_loop3A_377 : vector<16xf32>
        tpu.vector_store_idx %arg6[%parallel_loop3A_375], %gather3A masked %parallel_loop3A_378 : memref<65536xf32, #tpu.memory_space<vmem>>[vector<16xi32>], vector<16xf32>, vector<16xi1>
      } {sc.loop_unroll_factor = 16 : i64, sc.parallel_access}
    }
    %scan3A_212 = arith.constant 110 : i32
    %dma_start3A_213 = arith.constant 2 : i32
    %dma_start3A_214 = arith.constant 0 : i32
    %dma_start3A_215 = tpu.memref_slice %arg2[%add3A_192, %dma_start3A_213, %dma_start3A_214] : memref<64x8x8192xf32, #tpu.memory_space<hbm>> -> memref<1x1x8192xf32, #tpu.memory_space<hbm>>
    %dma_start3A_216 = tpu.memref_squeeze %dma_start3A_215 : memref<1x1x8192xf32, #tpu.memory_space<hbm>> -> memref<8192xf32, #tpu.memory_space<hbm>>
    %dma_start3A_217 = arith.constant 0 : i32
    %dma_start3A_218 = tpu.memref_slice %arg2[%add3A_192, %dma_start3A_213, %dma_start3A_217] : memref<64x8x8192xf32, #tpu.memory_space<hbm>> -> memref<1x1x8192xf32, #tpu.memory_space<hbm>>
    %dma_start3A_219 = tpu.memref_squeeze %dma_start3A_218 : memref<1x1x8192xf32, #tpu.memory_space<hbm>> -> memref<8192xf32, #tpu.memory_space<hbm>>
    tpu.enqueue_dma source(%dma_start3A_219 : memref<8192xf32, #tpu.memory_space<hbm>>) target(%arg10 : memref<8192xf32, #tpu.memory_space<vmem>>) target_semaphore(%arg15 : memref<!tpu.dma_semaphore, #tpu.memory_space<semaphore_mem>>)
    %dma_wait3A_220 = arith.constant 0 : i32
    %dma_wait3A_221 = arith.constant 0 : i32
    %dma_wait3A_222 = tpu.memref_slice %arg2[%add3A_192, %dma_wait3A_220, %dma_wait3A_221] : memref<64x8x8192xf32, #tpu.memory_space<hbm>> -> memref<1x1x8192xf32, #tpu.memory_space<hbm>>
    %dma_wait3A_223 = tpu.memref_squeeze %dma_wait3A_222 : memref<1x1x8192xf32, #tpu.memory_space<hbm>> -> memref<8192xf32, #tpu.memory_space<hbm>>
    %dma_wait3A_224 = arith.constant 0 : i32
    %dma_wait3A_225 = tpu.memref_slice %arg2[%add3A_192, %dma_wait3A_220, %dma_wait3A_224] : memref<64x8x8192xf32, #tpu.memory_space<hbm>> -> memref<1x1x8192xf32, #tpu.memory_space<hbm>>
    %dma_wait3A_226 = tpu.memref_squeeze %dma_wait3A_225 : memref<1x1x8192xf32, #tpu.memory_space<hbm>> -> memref<8192xf32, #tpu.memory_space<hbm>>
    tpu.wait_dma2 semaphore(%arg13 : memref<!tpu.dma_semaphore, #tpu.memory_space<semaphore_mem>>) src(%dma_wait3A_226 : memref<8192xf32, #tpu.memory_space<hbm>>) dst(%arg8 : memref<8192xf32, #tpu.memory_space<vmem>>)
    %parallel_loop3A_227 = arith.constant 0 : i32
    %parallel_loop3A_228 = arith.constant 128 : i32
    %parallel_loop3A_229 = arith.constant 1 : i32
    %parallel_loop3A_230:4 = scf.for %parallel_loop3A_347 = %parallel_loop3A_227 to %parallel_loop3A_228 step %parallel_loop3A_229 iter_args(%parallel_loop3A_348 = %parallel_loop3A_180#0, %parallel_loop3A_349 = %parallel_loop3A_180#1, %parallel_loop3A_350 = %parallel_loop3A_180#2, %parallel_loop3A_351 = %parallel_loop3A_180#3) -> (vector<16xf32>, vector<16xf32>, vector<16xf32>, vector<16xf32>)  : i32 {
      %parallel_loop3A_352 = arith.constant 64 : i32
      %parallel_loop3A_353 = arith.muli %parallel_loop3A_347, %parallel_loop3A_352 : i32
      %parallel_loop3A_354 = arith.constant 0 : i32
      %parallel_loop3A_355 = arith.addi %parallel_loop3A_353, %parallel_loop3A_354 : i32
      %parallel_loop3A_356 = arith.constant 0 : i32
      %parallel_loop3A_357 = arith.addi %parallel_loop3A_356, %parallel_loop3A_355 : i32
      %parallel_loop3A_358 = arith.index_cast %parallel_loop3A_357 : i32 to index
      %parallel_loop3A_359 = tpu.vector_load %arg6[%parallel_loop3A_358] {strides = array<i32>} : memref<65536xf32, #tpu.memory_space<vmem>>, vector<16xf32>,
      %parallel_loop3A_360 = arith.index_cast %parallel_loop3A_355 : i32 to index
      %parallel_loop3A_361 = tpu.vector_load %arg8[%parallel_loop3A_360] {strides = array<i32>} : memref<8192xf32, #tpu.memory_space<vmem>>, vector<16xf32>,
      %parallel_loop3A_362 = arith.subf %parallel_loop3A_359, %parallel_loop3A_361 : vector<16xf32>
      %parallel_loop3A_363 = math.absf %parallel_loop3A_362 : vector<16xf32>
      %parallel_loop3A_364 = arith.constant 2.000000e-01 : f32
      %parallel_loop3A_365 = vector.broadcast %parallel_loop3A_364 : f32 to vector<16xf32>
      %parallel_loop3A_366 = arith.cmpf olt, %parallel_loop3A_363, %parallel_loop3A_365 : vector<16xf32>
      %parallel_loop3A_367 = arith.constant 0.000000e+00 : f32
      %parallel_loop3A_368 = vector.broadcast %parallel_loop3A_367 : f32 to vector<16xf32>
      %parallel_loop3A_369 = arith.select %parallel_loop3A_366, %parallel_loop3A_363, %parallel_loop3A_368 : vector<16xi1>, vector<16xf32>
      %parallel_loop3A_370 = arith.addf %parallel_loop3A_348, %parallel_loop3A_369 : vector<16xf32>
      %parallel_loop3A_371 = arith.constant 0 : i32
      %parallel_loop3A_372 = arith.addi %parallel_loop3A_371, %parallel_loop3A_355 : i32
      %parallel_loop3A_373 = arith.index_cast %parallel_loop3A_372 : i32 to index
      %parallel_loop3A_374 = tpu.vector_load %arg6[%parallel_loop3A_373] {strides = array<i32>} : memref<65536xf32, #tpu.memory_space<vmem>>, vector<16xf32>,
      tpu.vector_store %arg6[%parallel_loop3A_373], %broadcast_in_dim3A_1 {strides = array<i32>} : memref<65536xf32, #tpu.memory_space<vmem>>, vector<16xf32>,
      %parallel_loop3A_375 = arith.constant 16 : i32
      %parallel_loop3A_376 = arith.addi %parallel_loop3A_353, %parallel_loop3A_375 : i32
      %parallel_loop3A_377 = arith.constant 0 : i32
      %parallel_loop3A_378 = arith.addi %parallel_loop3A_377, %parallel_loop3A_376 : i32
      %parallel_loop3A_379 = arith.index_cast %parallel_loop3A_378 : i32 to index
      %parallel_loop3A_380 = tpu.vector_load %arg6[%parallel_loop3A_379] {strides = array<i32>} : memref<65536xf32, #tpu.memory_space<vmem>>, vector<16xf32>,
      %parallel_loop3A_381 = arith.index_cast %parallel_loop3A_376 : i32 to index
      %parallel_loop3A_382 = tpu.vector_load %arg8[%parallel_loop3A_381] {strides = array<i32>} : memref<8192xf32, #tpu.memory_space<vmem>>, vector<16xf32>,
      %parallel_loop3A_383 = arith.subf %parallel_loop3A_380, %parallel_loop3A_382 : vector<16xf32>
      %parallel_loop3A_384 = math.absf %parallel_loop3A_383 : vector<16xf32>
      %parallel_loop3A_385 = arith.constant 2.000000e-01 : f32
      %parallel_loop3A_386 = vector.broadcast %parallel_loop3A_385 : f32 to vector<16xf32>
      %parallel_loop3A_387 = arith.cmpf olt, %parallel_loop3A_384, %parallel_loop3A_386 : vector<16xf32>
      %parallel_loop3A_388 = arith.constant 0.000000e+00 : f32
      %parallel_loop3A_389 = vector.broadcast %parallel_loop3A_388 : f32 to vector<16xf32>
      %parallel_loop3A_390 = arith.select %parallel_loop3A_387, %parallel_loop3A_384, %parallel_loop3A_389 : vector<16xi1>, vector<16xf32>
      %parallel_loop3A_391 = arith.addf %parallel_loop3A_349, %parallel_loop3A_390 : vector<16xf32>
      %parallel_loop3A_392 = arith.constant 0 : i32
      %parallel_loop3A_393 = arith.addi %parallel_loop3A_392, %parallel_loop3A_376 : i32
      %parallel_loop3A_394 = arith.index_cast %parallel_loop3A_393 : i32 to index
      %parallel_loop3A_395 = tpu.vector_load %arg6[%parallel_loop3A_394] {strides = array<i32>} : memref<65536xf32, #tpu.memory_space<vmem>>, vector<16xf32>,
      tpu.vector_store %arg6[%parallel_loop3A_394], %broadcast_in_dim3A_1 {strides = array<i32>} : memref<65536xf32, #tpu.memory_space<vmem>>, vector<16xf32>,
      %parallel_loop3A_396 = arith.constant 32 : i32
      %parallel_loop3A_397 = arith.addi %parallel_loop3A_353, %parallel_loop3A_396 : i32
      %parallel_loop3A_398 = arith.constant 0 : i32
      %parallel_loop3A_399 = arith.addi %parallel_loop3A_398, %parallel_loop3A_397 : i32
      %parallel_loop3A_400 = arith.index_cast %parallel_loop3A_399 : i32 to index
      %parallel_loop3A_401 = tpu.vector_load %arg6[%parallel_loop3A_400] {strides = array<i32>} : memref<65536xf32, #tpu.memory_space<vmem>>, vector<16xf32>,
      %parallel_loop3A_402 = arith.index_cast %parallel_loop3A_397 : i32 to index
      %parallel_loop3A_403 = tpu.vector_load %arg8[%parallel_loop3A_402] {strides = array<i32>} : memref<8192xf32, #tpu.memory_space<vmem>>, vector<16xf32>,
      %parallel_loop3A_404 = arith.subf %parallel_loop3A_401, %parallel_loop3A_403 : vector<16xf32>
      %parallel_loop3A_405 = math.absf %parallel_loop3A_404 : vector<16xf32>
      %parallel_loop3A_406 = arith.constant 2.000000e-01 : f32
      %parallel_loop3A_407 = vector.broadcast %parallel_loop3A_406 : f32 to vector<16xf32>
      %parallel_loop3A_408 = arith.cmpf olt, %parallel_loop3A_405, %parallel_loop3A_407 : vector<16xf32>
      %parallel_loop3A_409 = arith.constant 0.000000e+00 : f32
      %parallel_loop3A_410 = vector.broadcast %parallel_loop3A_409 : f32 to vector<16xf32>
      %parallel_loop3A_411 = arith.select %parallel_loop3A_408, %parallel_loop3A_405, %parallel_loop3A_410 : vector<16xi1>, vector<16xf32>
      %parallel_loop3A_412 = arith.addf %parallel_loop3A_350, %parallel_loop3A_411 : vector<16xf32>
      %parallel_loop3A_413 = arith.constant 0 : i32
      %parallel_loop3A_414 = arith.addi %parallel_loop3A_413, %parallel_loop3A_397 : i32
      %parallel_loop3A_415 = arith.index_cast %parallel_loop3A_414 : i32 to index
      %parallel_loop3A_416 = tpu.vector_load %arg6[%parallel_loop3A_415] {strides = array<i32>} : memref<65536xf32, #tpu.memory_space<vmem>>, vector<16xf32>,
      tpu.vector_store %arg6[%parallel_loop3A_415], %broadcast_in_dim3A_1 {strides = array<i32>} : memref<65536xf32, #tpu.memory_space<vmem>>, vector<16xf32>,
      %parallel_loop3A_417 = arith.constant 48 : i32
      %parallel_loop3A_418 = arith.addi %parallel_loop3A_353, %parallel_loop3A_417 : i32
      %parallel_loop3A_419 = arith.constant 0 : i32
      %parallel_loop3A_420 = arith.addi %parallel_loop3A_419, %parallel_loop3A_418 : i32
      %parallel_loop3A_421 = arith.index_cast %parallel_loop3A_420 : i32 to index
      %parallel_loop3A_422 = tpu.vector_load %arg6[%parallel_loop3A_421] {strides = array<i32>} : memref<65536xf32, #tpu.memory_space<vmem>>, vector<16xf32>,
      %parallel_loop3A_423 = arith.index_cast %parallel_loop3A_418 : i32 to index
      %parallel_loop3A_424 = tpu.vector_load %arg8[%parallel_loop3A_423] {strides = array<i32>} : memref<8192xf32, #tpu.memory_space<vmem>>, vector<16xf32>,
      %parallel_loop3A_425 = arith.subf %parallel_loop3A_422, %parallel_loop3A_424 : vector<16xf32>
      %parallel_loop3A_426 = math.absf %parallel_loop3A_425 : vector<16xf32>
      %parallel_loop3A_427 = arith.constant 2.000000e-01 : f32
      %parallel_loop3A_428 = vector.broadcast %parallel_loop3A_427 : f32 to vector<16xf32>
      %parallel_loop3A_429 = arith.cmpf olt, %parallel_loop3A_426, %parallel_loop3A_428 : vector<16xf32>
      %parallel_loop3A_430 = arith.constant 0.000000e+00 : f32
      %parallel_loop3A_431 = vector.broadcast %parallel_loop3A_430 : f32 to vector<16xf32>
      %parallel_loop3A_432 = arith.select %parallel_loop3A_429, %parallel_loop3A_426, %parallel_loop3A_431 : vector<16xi1>, vector<16xf32>
      %parallel_loop3A_433 = arith.addf %parallel_loop3A_351, %parallel_loop3A_432 : vector<16xf32>
      %parallel_loop3A_434 = arith.constant 0 : i32
      %parallel_loop3A_435 = arith.addi %parallel_loop3A_434, %parallel_loop3A_418 : i32
      %parallel_loop3A_436 = arith.index_cast %parallel_loop3A_435 : i32 to index
      %parallel_loop3A_437 = tpu.vector_load %arg6[%parallel_loop3A_436] {strides = array<i32>} : memref<65536xf32, #tpu.memory_space<vmem>>, vector<16xf32>,
      tpu.vector_store %arg6[%parallel_loop3A_436], %broadcast_in_dim3A_1 {strides = array<i32>} : memref<65536xf32, #tpu.memory_space<vmem>>, vector<16xf32>,
      scf.yield %parallel_loop3A_370, %parallel_loop3A_391, %parallel_loop3A_412, %parallel_loop3A_433 : vector<16xf32>, vector<16xf32>, vector<16xf32>, vector<16xf32>
    } {sc.loop_unroll_factor = 4 : i64, sc.parallel_access}
    %dma_start3A_231 = arith.constant 3 : i32
    %dma_start3A_232 = arith.constant 0 : i32
    %dma_start3A_233 = tpu.memref_slice %arg2[%add3A_192, %dma_start3A_231, %dma_start3A_232] : memref<64x8x8192xf32, #tpu.memory_space<hbm>> -> memref<1x1x8192xf32, #tpu.memory_space<hbm>>
    %dma_start3A_234 = tpu.memref_squeeze %dma_start3A_233 : memref<1x1x8192xf32, #tpu.memory_space<hbm>> -> memref<8192xf32, #tpu.memory_space<hbm>>
    %dma_start3A_235 = arith.constant 0 : i32
    %dma_start3A_236 = tpu.memref_slice %arg2[%add3A_192, %dma_start3A_231, %dma_start3A_235] : memref<64x8x8192xf32, #tpu.memory_space<hbm>> -> memref<1x1x8192xf32, #tpu.memory_space<hbm>>
    %dma_start3A_237 = tpu.memref_squeeze %dma_start3A_236 : memref<1x1x8192xf32, #tpu.memory_space<hbm>> -> memref<8192xf32, #tpu.memory_space<hbm>>
    tpu.enqueue_dma source(%dma_start3A_237 : memref<8192xf32, #tpu.memory_space<hbm>>) target(%arg8 : memref<8192xf32, #tpu.memory_space<vmem>>) target_semaphore(%arg13 : memref<!tpu.dma_semaphore, #tpu.memory_space<semaphore_mem>>)
    %dma_wait3A_238 = arith.constant 1 : i32
    %dma_wait3A_239 = arith.constant 0 : i32
    %dma_wait3A_240 = tpu.memref_slice %arg2[%add3A_192, %dma_wait3A_238, %dma_wait3A_239] : memref<64x8x8192xf32, #tpu.memory_space<hbm>> -> memref<1x1x8192xf32, #tpu.memory_space<hbm>>
    %dma_wait3A_241 = tpu.memref_squeeze %dma_wait3A_240 : memref<1x1x8192xf32, #tpu.memory_space<hbm>> -> memref<8192xf32, #tpu.memory_space<hbm>>
    %dma_wait3A_242 = arith.constant 0 : i32
    %dma_wait3A_243 = tpu.memref_slice %arg2[%add3A_192, %dma_wait3A_238, %dma_wait3A_242] : memref<64x8x8192xf32, #tpu.memory_space<hbm>> -> memref<1x1x8192xf32, #tpu.memory_space<hbm>>
    %dma_wait3A_244 = tpu.memref_squeeze %dma_wait3A_243 : memref<1x1x8192xf32, #tpu.memory_space<hbm>> -> memref<8192xf32, #tpu.memory_space<hbm>>
    tpu.wait_dma2 semaphore(%arg14 : memref<!tpu.dma_semaphore, #tpu.memory_space<semaphore_mem>>) src(%dma_wait3A_244 : memref<8192xf32, #tpu.memory_space<hbm>>) dst(%arg9 : memref<8192xf32, #tpu.memory_space<vmem>>)
    %parallel_loop3A_245 = arith.constant 0 : i32
    %parallel_loop3A_246 = arith.constant 128 : i32
    %parallel_loop3A_247 = arith.constant 1 : i32
    %parallel_loop3A_248:4 = scf.for %parallel_loop3A_347 = %parallel_loop3A_245 to %parallel_loop3A_246 step %parallel_loop3A_247 iter_args(%parallel_loop3A_348 = %parallel_loop3A_230#0, %parallel_loop3A_349 = %parallel_loop3A_230#1, %parallel_loop3A_350 = %parallel_loop3A_230#2, %parallel_loop3A_351 = %parallel_loop3A_230#3) -> (vector<16xf32>, vector<16xf32>, vector<16xf32>, vector<16xf32>)  : i32 {
      %parallel_loop3A_352 = arith.constant 64 : i32
      %parallel_loop3A_353 = arith.muli %parallel_loop3A_347, %parallel_loop3A_352 : i32
      %parallel_loop3A_354 = arith.constant 0 : i32
      %parallel_loop3A_355 = arith.addi %parallel_loop3A_353, %parallel_loop3A_354 : i32
      %parallel_loop3A_356 = arith.constant 8192 : i32
      %parallel_loop3A_357 = arith.addi %parallel_loop3A_356, %parallel_loop3A_355 : i32
      %parallel_loop3A_358 = arith.index_cast %parallel_loop3A_357 : i32 to index
      %parallel_loop3A_359 = tpu.vector_load %arg6[%parallel_loop3A_358] {strides = array<i32>} : memref<65536xf32, #tpu.memory_space<vmem>>, vector<16xf32>,
      %parallel_loop3A_360 = arith.index_cast %parallel_loop3A_355 : i32 to index
      %parallel_loop3A_361 = tpu.vector_load %arg9[%parallel_loop3A_360] {strides = array<i32>} : memref<8192xf32, #tpu.memory_space<vmem>>, vector<16xf32>,
      %parallel_loop3A_362 = arith.subf %parallel_loop3A_359, %parallel_loop3A_361 : vector<16xf32>
      %parallel_loop3A_363 = math.absf %parallel_loop3A_362 : vector<16xf32>
      %parallel_loop3A_364 = arith.constant 2.000000e-01 : f32
      %parallel_loop3A_365 = vector.broadcast %parallel_loop3A_364 : f32 to vector<16xf32>
      %parallel_loop3A_366 = arith.cmpf olt, %parallel_loop3A_363, %parallel_loop3A_365 : vector<16xf32>
      %parallel_loop3A_367 = arith.constant 0.000000e+00 : f32
      %parallel_loop3A_368 = vector.broadcast %parallel_loop3A_367 : f32 to vector<16xf32>
      %parallel_loop3A_369 = arith.select %parallel_loop3A_366, %parallel_loop3A_363, %parallel_loop3A_368 : vector<16xi1>, vector<16xf32>
      %parallel_loop3A_370 = arith.addf %parallel_loop3A_348, %parallel_loop3A_369 : vector<16xf32>
      %parallel_loop3A_371 = arith.constant 8192 : i32
      %parallel_loop3A_372 = arith.addi %parallel_loop3A_371, %parallel_loop3A_355 : i32
      %parallel_loop3A_373 = arith.index_cast %parallel_loop3A_372 : i32 to index
      %parallel_loop3A_374 = tpu.vector_load %arg6[%parallel_loop3A_373] {strides = array<i32>} : memref<65536xf32, #tpu.memory_space<vmem>>, vector<16xf32>,
      tpu.vector_store %arg6[%parallel_loop3A_373], %broadcast_in_dim3A_1 {strides = array<i32>} : memref<65536xf32, #tpu.memory_space<vmem>>, vector<16xf32>,
      %parallel_loop3A_375 = arith.constant 16 : i32
      %parallel_loop3A_376 = arith.addi %parallel_loop3A_353, %parallel_loop3A_375 : i32
      %parallel_loop3A_377 = arith.constant 8192 : i32
      %parallel_loop3A_378 = arith.addi %parallel_loop3A_377, %parallel_loop3A_376 : i32
      %parallel_loop3A_379 = arith.index_cast %parallel_loop3A_378 : i32 to index
      %parallel_loop3A_380 = tpu.vector_load %arg6[%parallel_loop3A_379] {strides = array<i32>} : memref<65536xf32, #tpu.memory_space<vmem>>, vector<16xf32>,
      %parallel_loop3A_381 = arith.index_cast %parallel_loop3A_376 : i32 to index
      %parallel_loop3A_382 = tpu.vector_load %arg9[%parallel_loop3A_381] {strides = array<i32>} : memref<8192xf32, #tpu.memory_space<vmem>>, vector<16xf32>,
      %parallel_loop3A_383 = arith.subf %parallel_loop3A_380, %parallel_loop3A_382 : vector<16xf32>
      %parallel_loop3A_384 = math.absf %parallel_loop3A_383 : vector<16xf32>
      %parallel_loop3A_385 = arith.constant 2.000000e-01 : f32
      %parallel_loop3A_386 = vector.broadcast %parallel_loop3A_385 : f32 to vector<16xf32>
      %parallel_loop3A_387 = arith.cmpf olt, %parallel_loop3A_384, %parallel_loop3A_386 : vector<16xf32>
      %parallel_loop3A_388 = arith.constant 0.000000e+00 : f32
      %parallel_loop3A_389 = vector.broadcast %parallel_loop3A_388 : f32 to vector<16xf32>
      %parallel_loop3A_390 = arith.select %parallel_loop3A_387, %parallel_loop3A_384, %parallel_loop3A_389 : vector<16xi1>, vector<16xf32>
      %parallel_loop3A_391 = arith.addf %parallel_loop3A_349, %parallel_loop3A_390 : vector<16xf32>
      %parallel_loop3A_392 = arith.constant 8192 : i32
      %parallel_loop3A_393 = arith.addi %parallel_loop3A_392, %parallel_loop3A_376 : i32
      %parallel_loop3A_394 = arith.index_cast %parallel_loop3A_393 : i32 to index
      %parallel_loop3A_395 = tpu.vector_load %arg6[%parallel_loop3A_394] {strides = array<i32>} : memref<65536xf32, #tpu.memory_space<vmem>>, vector<16xf32>,
      tpu.vector_store %arg6[%parallel_loop3A_394], %broadcast_in_dim3A_1 {strides = array<i32>} : memref<65536xf32, #tpu.memory_space<vmem>>, vector<16xf32>,
      %parallel_loop3A_396 = arith.constant 32 : i32
      %parallel_loop3A_397 = arith.addi %parallel_loop3A_353, %parallel_loop3A_396 : i32
      %parallel_loop3A_398 = arith.constant 8192 : i32
      %parallel_loop3A_399 = arith.addi %parallel_loop3A_398, %parallel_loop3A_397 : i32
      %parallel_loop3A_400 = arith.index_cast %parallel_loop3A_399 : i32 to index
      %parallel_loop3A_401 = tpu.vector_load %arg6[%parallel_loop3A_400] {strides = array<i32>} : memref<65536xf32, #tpu.memory_space<vmem>>, vector<16xf32>,
      %parallel_loop3A_402 = arith.index_cast %parallel_loop3A_397 : i32 to index
      %parallel_loop3A_403 = tpu.vector_load %arg9[%parallel_loop3A_402] {strides = array<i32>} : memref<8192xf32, #tpu.memory_space<vmem>>, vector<16xf32>,
      %parallel_loop3A_404 = arith.subf %parallel_loop3A_401, %parallel_loop3A_403 : vector<16xf32>
      %parallel_loop3A_405 = math.absf %parallel_loop3A_404 : vector<16xf32>
      %parallel_loop3A_406 = arith.constant 2.000000e-01 : f32
      %parallel_loop3A_407 = vector.broadcast %parallel_loop3A_406 : f32 to vector<16xf32>
      %parallel_loop3A_408 = arith.cmpf olt, %parallel_loop3A_405, %parallel_loop3A_407 : vector<16xf32>
      %parallel_loop3A_409 = arith.constant 0.000000e+00 : f32
      %parallel_loop3A_410 = vector.broadcast %parallel_loop3A_409 : f32 to vector<16xf32>
      %parallel_loop3A_411 = arith.select %parallel_loop3A_408, %parallel_loop3A_405, %parallel_loop3A_410 : vector<16xi1>, vector<16xf32>
      %parallel_loop3A_412 = arith.addf %parallel_loop3A_350, %parallel_loop3A_411 : vector<16xf32>
      %parallel_loop3A_413 = arith.constant 8192 : i32
      %parallel_loop3A_414 = arith.addi %parallel_loop3A_413, %parallel_loop3A_397 : i32
      %parallel_loop3A_415 = arith.index_cast %parallel_loop3A_414 : i32 to index
      %parallel_loop3A_416 = tpu.vector_load %arg6[%parallel_loop3A_415] {strides = array<i32>} : memref<65536xf32, #tpu.memory_space<vmem>>, vector<16xf32>,
      tpu.vector_store %arg6[%parallel_loop3A_415], %broadcast_in_dim3A_1 {strides = array<i32>} : memref<65536xf32, #tpu.memory_space<vmem>>, vector<16xf32>,
      %parallel_loop3A_417 = arith.constant 48 : i32
      %parallel_loop3A_418 = arith.addi %parallel_loop3A_353, %parallel_loop3A_417 : i32
      %parallel_loop3A_419 = arith.constant 8192 : i32
      %parallel_loop3A_420 = arith.addi %parallel_loop3A_419, %parallel_loop3A_418 : i32
      %parallel_loop3A_421 = arith.index_cast %parallel_loop3A_420 : i32 to index
      %parallel_loop3A_422 = tpu.vector_load %arg6[%parallel_loop3A_421] {strides = array<i32>} : memref<65536xf32, #tpu.memory_space<vmem>>, vector<16xf32>,
      %parallel_loop3A_423 = arith.index_cast %parallel_loop3A_418 : i32 to index
      %parallel_loop3A_424 = tpu.vector_load %arg9[%parallel_loop3A_423] {strides = array<i32>} : memref<8192xf32, #tpu.memory_space<vmem>>, vector<16xf32>,
      %parallel_loop3A_425 = arith.subf %parallel_loop3A_422, %parallel_loop3A_424 : vector<16xf32>
      %parallel_loop3A_426 = math.absf %parallel_loop3A_425 : vector<16xf32>
      %parallel_loop3A_427 = arith.constant 2.000000e-01 : f32
      %parallel_loop3A_428 = vector.broadcast %parallel_loop3A_427 : f32 to vector<16xf32>
      %parallel_loop3A_429 = arith.cmpf olt, %parallel_loop3A_426, %parallel_loop3A_428 : vector<16xf32>
      %parallel_loop3A_430 = arith.constant 0.000000e+00 : f32
      %parallel_loop3A_431 = vector.broadcast %parallel_loop3A_430 : f32 to vector<16xf32>
      %parallel_loop3A_432 = arith.select %parallel_loop3A_429, %parallel_loop3A_426, %parallel_loop3A_431 : vector<16xi1>, vector<16xf32>
      %parallel_loop3A_433 = arith.addf %parallel_loop3A_351, %parallel_loop3A_432 : vector<16xf32>
      %parallel_loop3A_434 = arith.constant 8192 : i32
      %parallel_loop3A_435 = arith.addi %parallel_loop3A_434, %parallel_loop3A_418 : i32
      %parallel_loop3A_436 = arith.index_cast %parallel_loop3A_435 : i32 to index
      %parallel_loop3A_437 = tpu.vector_load %arg6[%parallel_loop3A_436] {strides = array<i32>} : memref<65536xf32, #tpu.memory_space<vmem>>, vector<16xf32>,
      tpu.vector_store %arg6[%parallel_loop3A_436], %broadcast_in_dim3A_1 {strides = array<i32>} : memref<65536xf32, #tpu.memory_space<vmem>>, vector<16xf32>,
      scf.yield %parallel_loop3A_370, %parallel_loop3A_391, %parallel_loop3A_412, %parallel_loop3A_433 : vector<16xf32>, vector<16xf32>, vector<16xf32>, vector<16xf32>
    } {sc.loop_unroll_factor = 4 : i64, sc.parallel_access}
    %dma_start3A_249 = arith.constant 4 : i32
    %dma_start3A_250 = arith.constant 0 : i32
    %dma_start3A_251 = tpu.memref_slice %arg2[%add3A_192, %dma_start3A_249, %dma_start3A_250] : memref<64x8x8192xf32, #tpu.memory_space<hbm>> -> memref<1x1x8192xf32, #tpu.memory_space<hbm>>
    %dma_start3A_252 = tpu.memref_squeeze %dma_start3A_251 : memref<1x1x8192xf32, #tpu.memory_space<hbm>> -> memref<8192xf32, #tpu.memory_space<hbm>>
    %dma_start3A_253 = arith.constant 0 : i32
    %dma_start3A_254 = tpu.memref_slice %arg2[%add3A_192, %dma_start3A_249, %dma_start3A_253] : memref<64x8x8192xf32, #tpu.memory_space<hbm>> -> memref<1x1x8192xf32, #tpu.memory_space<hbm>>
    %dma_start3A_255 = tpu.memref_squeeze %dma_start3A_254 : memref<1x1x8192xf32, #tpu.memory_space<hbm>> -> memref<8192xf32, #tpu.memory_space<hbm>>
    tpu.enqueue_dma source(%dma_start3A_255 : memref<8192xf32, #tpu.memory_space<hbm>>) target(%arg9 : memref<8192xf32, #tpu.memory_space<vmem>>) target_semaphore(%arg14 : memref<!tpu.dma_semaphore, #tpu.memory_space<semaphore_mem>>)
    %dma_wait3A_256 = arith.constant 2 : i32
    %dma_wait3A_257 = arith.constant 0 : i32
    %dma_wait3A_258 = tpu.memref_slice %arg2[%add3A_192, %dma_wait3A_256, %dma_wait3A_257] : memref<64x8x8192xf32, #tpu.memory_space<hbm>> -> memref<1x1x8192xf32, #tpu.memory_space<hbm>>
    %dma_wait3A_259 = tpu.memref_squeeze %dma_wait3A_258 : memref<1x1x8192xf32, #tpu.memory_space<hbm>> -> memref<8192xf32, #tpu.memory_space<hbm>>
    %dma_wait3A_260 = arith.constant 0 : i32
    %dma_wait3A_261 = tpu.memref_slice %arg2[%add3A_192, %dma_wait3A_256, %dma_wait3A_260] : memref<64x8x8192xf32, #tpu.memory_space<hbm>> -> memref<1x1x8192xf32, #tpu.memory_space<hbm>>
    %dma_wait3A_262 = tpu.memref_squeeze %dma_wait3A_261 : memref<1x1x8192xf32, #tpu.memory_space<hbm>> -> memref<8192xf32, #tpu.memory_space<hbm>>
    tpu.wait_dma2 semaphore(%arg15 : memref<!tpu.dma_semaphore, #tpu.memory_space<semaphore_mem>>) src(%dma_wait3A_262 : memref<8192xf32, #tpu.memory_space<hbm>>) dst(%arg10 : memref<8192xf32, #tpu.memory_space<vmem>>)
    %parallel_loop3A_263 = arith.constant 0 : i32
    %parallel_loop3A_264 = arith.constant 128 : i32
    %parallel_loop3A_265 = arith.constant 1 : i32
    %parallel_loop3A_266:4 = scf.for %parallel_loop3A_347 = %parallel_loop3A_263 to %parallel_loop3A_264 step %parallel_loop3A_265 iter_args(%parallel_loop3A_348 = %parallel_loop3A_248#0, %parallel_loop3A_349 = %parallel_loop3A_248#1, %parallel_loop3A_350 = %parallel_loop3A_248#2, %parallel_loop3A_351 = %parallel_loop3A_248#3) -> (vector<16xf32>, vector<16xf32>, vector<16xf32>, vector<16xf32>)  : i32 {
      %parallel_loop3A_352 = arith.constant 64 : i32
      %parallel_loop3A_353 = arith.muli %parallel_loop3A_347, %parallel_loop3A_352 : i32
      %parallel_loop3A_354 = arith.constant 0 : i32
      %parallel_loop3A_355 = arith.addi %parallel_loop3A_353, %parallel_loop3A_354 : i32
      %parallel_loop3A_356 = arith.constant 16384 : i32
      %parallel_loop3A_357 = arith.addi %parallel_loop3A_356, %parallel_loop3A_355 : i32
      %parallel_loop3A_358 = arith.index_cast %parallel_loop3A_357 : i32 to index
      %parallel_loop3A_359 = tpu.vector_load %arg6[%parallel_loop3A_358] {strides = array<i32>} : memref<65536xf32, #tpu.memory_space<vmem>>, vector<16xf32>,
      %parallel_loop3A_360 = arith.index_cast %parallel_loop3A_355 : i32 to index
      %parallel_loop3A_361 = tpu.vector_load %arg10[%parallel_loop3A_360] {strides = array<i32>} : memref<8192xf32, #tpu.memory_space<vmem>>, vector<16xf32>,
      %parallel_loop3A_362 = arith.subf %parallel_loop3A_359, %parallel_loop3A_361 : vector<16xf32>
      %parallel_loop3A_363 = math.absf %parallel_loop3A_362 : vector<16xf32>
      %parallel_loop3A_364 = arith.constant 2.000000e-01 : f32
      %parallel_loop3A_365 = vector.broadcast %parallel_loop3A_364 : f32 to vector<16xf32>
      %parallel_loop3A_366 = arith.cmpf olt, %parallel_loop3A_363, %parallel_loop3A_365 : vector<16xf32>
      %parallel_loop3A_367 = arith.constant 0.000000e+00 : f32
      %parallel_loop3A_368 = vector.broadcast %parallel_loop3A_367 : f32 to vector<16xf32>
      %parallel_loop3A_369 = arith.select %parallel_loop3A_366, %parallel_loop3A_363, %parallel_loop3A_368 : vector<16xi1>, vector<16xf32>
      %parallel_loop3A_370 = arith.addf %parallel_loop3A_348, %parallel_loop3A_369 : vector<16xf32>
      %parallel_loop3A_371 = arith.constant 16384 : i32
      %parallel_loop3A_372 = arith.addi %parallel_loop3A_371, %parallel_loop3A_355 : i32
      %parallel_loop3A_373 = arith.index_cast %parallel_loop3A_372 : i32 to index
      %parallel_loop3A_374 = tpu.vector_load %arg6[%parallel_loop3A_373] {strides = array<i32>} : memref<65536xf32, #tpu.memory_space<vmem>>, vector<16xf32>,
      tpu.vector_store %arg6[%parallel_loop3A_373], %broadcast_in_dim3A_1 {strides = array<i32>} : memref<65536xf32, #tpu.memory_space<vmem>>, vector<16xf32>,
      %parallel_loop3A_375 = arith.constant 16 : i32
      %parallel_loop3A_376 = arith.addi %parallel_loop3A_353, %parallel_loop3A_375 : i32
      %parallel_loop3A_377 = arith.constant 16384 : i32
      %parallel_loop3A_378 = arith.addi %parallel_loop3A_377, %parallel_loop3A_376 : i32
      %parallel_loop3A_379 = arith.index_cast %parallel_loop3A_378 : i32 to index
      %parallel_loop3A_380 = tpu.vector_load %arg6[%parallel_loop3A_379] {strides = array<i32>} : memref<65536xf32, #tpu.memory_space<vmem>>, vector<16xf32>,
      %parallel_loop3A_381 = arith.index_cast %parallel_loop3A_376 : i32 to index
      %parallel_loop3A_382 = tpu.vector_load %arg10[%parallel_loop3A_381] {strides = array<i32>} : memref<8192xf32, #tpu.memory_space<vmem>>, vector<16xf32>,
      %parallel_loop3A_383 = arith.subf %parallel_loop3A_380, %parallel_loop3A_382 : vector<16xf32>
      %parallel_loop3A_384 = math.absf %parallel_loop3A_383 : vector<16xf32>
      %parallel_loop3A_385 = arith.constant 2.000000e-01 : f32
      %parallel_loop3A_386 = vector.broadcast %parallel_loop3A_385 : f32 to vector<16xf32>
      %parallel_loop3A_387 = arith.cmpf olt, %parallel_loop3A_384, %parallel_loop3A_386 : vector<16xf32>
      %parallel_loop3A_388 = arith.constant 0.000000e+00 : f32
      %parallel_loop3A_389 = vector.broadcast %parallel_loop3A_388 : f32 to vector<16xf32>
      %parallel_loop3A_390 = arith.select %parallel_loop3A_387, %parallel_loop3A_384, %parallel_loop3A_389 : vector<16xi1>, vector<16xf32>
      %parallel_loop3A_391 = arith.addf %parallel_loop3A_349, %parallel_loop3A_390 : vector<16xf32>
      %parallel_loop3A_392 = arith.constant 16384 : i32
      %parallel_loop3A_393 = arith.addi %parallel_loop3A_392, %parallel_loop3A_376 : i32
      %parallel_loop3A_394 = arith.index_cast %parallel_loop3A_393 : i32 to index
      %parallel_loop3A_395 = tpu.vector_load %arg6[%parallel_loop3A_394] {strides = array<i32>} : memref<65536xf32, #tpu.memory_space<vmem>>, vector<16xf32>,
      tpu.vector_store %arg6[%parallel_loop3A_394], %broadcast_in_dim3A_1 {strides = array<i32>} : memref<65536xf32, #tpu.memory_space<vmem>>, vector<16xf32>,
      %parallel_loop3A_396 = arith.constant 32 : i32
      %parallel_loop3A_397 = arith.addi %parallel_loop3A_353, %parallel_loop3A_396 : i32
      %parallel_loop3A_398 = arith.constant 16384 : i32
      %parallel_loop3A_399 = arith.addi %parallel_loop3A_398, %parallel_loop3A_397 : i32
      %parallel_loop3A_400 = arith.index_cast %parallel_loop3A_399 : i32 to index
      %parallel_loop3A_401 = tpu.vector_load %arg6[%parallel_loop3A_400] {strides = array<i32>} : memref<65536xf32, #tpu.memory_space<vmem>>, vector<16xf32>,
      %parallel_loop3A_402 = arith.index_cast %parallel_loop3A_397 : i32 to index
      %parallel_loop3A_403 = tpu.vector_load %arg10[%parallel_loop3A_402] {strides = array<i32>} : memref<8192xf32, #tpu.memory_space<vmem>>, vector<16xf32>,
      %parallel_loop3A_404 = arith.subf %parallel_loop3A_401, %parallel_loop3A_403 : vector<16xf32>
      %parallel_loop3A_405 = math.absf %parallel_loop3A_404 : vector<16xf32>
      %parallel_loop3A_406 = arith.constant 2.000000e-01 : f32
      %parallel_loop3A_407 = vector.broadcast %parallel_loop3A_406 : f32 to vector<16xf32>
      %parallel_loop3A_408 = arith.cmpf olt, %parallel_loop3A_405, %parallel_loop3A_407 : vector<16xf32>
      %parallel_loop3A_409 = arith.constant 0.000000e+00 : f32
      %parallel_loop3A_410 = vector.broadcast %parallel_loop3A_409 : f32 to vector<16xf32>
      %parallel_loop3A_411 = arith.select %parallel_loop3A_408, %parallel_loop3A_405, %parallel_loop3A_410 : vector<16xi1>, vector<16xf32>
      %parallel_loop3A_412 = arith.addf %parallel_loop3A_350, %parallel_loop3A_411 : vector<16xf32>
      %parallel_loop3A_413 = arith.constant 16384 : i32
      %parallel_loop3A_414 = arith.addi %parallel_loop3A_413, %parallel_loop3A_397 : i32
      %parallel_loop3A_415 = arith.index_cast %parallel_loop3A_414 : i32 to index
      %parallel_loop3A_416 = tpu.vector_load %arg6[%parallel_loop3A_415] {strides = array<i32>} : memref<65536xf32, #tpu.memory_space<vmem>>, vector<16xf32>,
      tpu.vector_store %arg6[%parallel_loop3A_415], %broadcast_in_dim3A_1 {strides = array<i32>} : memref<65536xf32, #tpu.memory_space<vmem>>, vector<16xf32>,
      %parallel_loop3A_417 = arith.constant 48 : i32
      %parallel_loop3A_418 = arith.addi %parallel_loop3A_353, %parallel_loop3A_417 : i32
      %parallel_loop3A_419 = arith.constant 16384 : i32
      %parallel_loop3A_420 = arith.addi %parallel_loop3A_419, %parallel_loop3A_418 : i32
      %parallel_loop3A_421 = arith.index_cast %parallel_loop3A_420 : i32 to index
      %parallel_loop3A_422 = tpu.vector_load %arg6[%parallel_loop3A_421] {strides = array<i32>} : memref<65536xf32, #tpu.memory_space<vmem>>, vector<16xf32>,
      %parallel_loop3A_423 = arith.index_cast %parallel_loop3A_418 : i32 to index
      %parallel_loop3A_424 = tpu.vector_load %arg10[%parallel_loop3A_423] {strides = array<i32>} : memref<8192xf32, #tpu.memory_space<vmem>>, vector<16xf32>,
      %parallel_loop3A_425 = arith.subf %parallel_loop3A_422, %parallel_loop3A_424 : vector<16xf32>
      %parallel_loop3A_426 = math.absf %parallel_loop3A_425 : vector<16xf32>
      %parallel_loop3A_427 = arith.constant 2.000000e-01 : f32
      %parallel_loop3A_428 = vector.broadcast %parallel_loop3A_427 : f32 to vector<16xf32>
      %parallel_loop3A_429 = arith.cmpf olt, %parallel_loop3A_426, %parallel_loop3A_428 : vector<16xf32>
      %parallel_loop3A_430 = arith.constant 0.000000e+00 : f32
      %parallel_loop3A_431 = vector.broadcast %parallel_loop3A_430 : f32 to vector<16xf32>
      %parallel_loop3A_432 = arith.select %parallel_loop3A_429, %parallel_loop3A_426, %parallel_loop3A_431 : vector<16xi1>, vector<16xf32>
      %parallel_loop3A_433 = arith.addf %parallel_loop3A_351, %parallel_loop3A_432 : vector<16xf32>
      %parallel_loop3A_434 = arith.constant 16384 : i32
      %parallel_loop3A_435 = arith.addi %parallel_loop3A_434, %parallel_loop3A_418 : i32
      %parallel_loop3A_436 = arith.index_cast %parallel_loop3A_435 : i32 to index
      %parallel_loop3A_437 = tpu.vector_load %arg6[%parallel_loop3A_436] {strides = array<i32>} : memref<65536xf32, #tpu.memory_space<vmem>>, vector<16xf32>,
      tpu.vector_store %arg6[%parallel_loop3A_436], %broadcast_in_dim3A_1 {strides = array<i32>} : memref<65536xf32, #tpu.memory_space<vmem>>, vector<16xf32>,
      scf.yield %parallel_loop3A_370, %parallel_loop3A_391, %parallel_loop3A_412, %parallel_loop3A_433 : vector<16xf32>, vector<16xf32>, vector<16xf32>, vector<16xf32>
    } {sc.loop_unroll_factor = 4 : i64, sc.parallel_access}
    %dma_start3A_267 = arith.constant 5 : i32
    %dma_start3A_268 = arith.constant 0 : i32
    %dma_start3A_269 = tpu.memref_slice %arg2[%add3A_192, %dma_start3A_267, %dma_start3A_268] : memref<64x8x8192xf32, #tpu.memory_space<hbm>> -> memref<1x1x8192xf32, #tpu.memory_space<hbm>>
    %dma_start3A_270 = tpu.memref_squeeze %dma_start3A_269 : memref<1x1x8192xf32, #tpu.memory_space<hbm>> -> memref<8192xf32, #tpu.memory_space<hbm>>
    %dma_start3A_271 = arith.constant 0 : i32
    %dma_start3A_272 = tpu.memref_slice %arg2[%add3A_192, %dma_start3A_267, %dma_start3A_271] : memref<64x8x8192xf32, #tpu.memory_space<hbm>> -> memref<1x1x8192xf32, #tpu.memory_space<hbm>>
    %dma_start3A_273 = tpu.memref_squeeze %dma_start3A_272 : memref<1x1x8192xf32, #tpu.memory_space<hbm>> -> memref<8192xf32, #tpu.memory_space<hbm>>
    tpu.enqueue_dma source(%dma_start3A_273 : memref<8192xf32, #tpu.memory_space<hbm>>) target(%arg10 : memref<8192xf32, #tpu.memory_space<vmem>>) target_semaphore(%arg15 : memref<!tpu.dma_semaphore, #tpu.memory_space<semaphore_mem>>)
    %dma_wait3A_274 = arith.constant 3 : i32
    %dma_wait3A_275 = arith.constant 0 : i32
    %dma_wait3A_276 = tpu.memref_slice %arg2[%add3A_192, %dma_wait3A_274, %dma_wait3A_275] : memref<64x8x8192xf32, #tpu.memory_space<hbm>> -> memref<1x1x8192xf32, #tpu.memory_space<hbm>>
    %dma_wait3A_277 = tpu.memref_squeeze %dma_wait3A_276 : memref<1x1x8192xf32, #tpu.memory_space<hbm>> -> memref<8192xf32, #tpu.memory_space<hbm>>
    %dma_wait3A_278 = arith.constant 0 : i32
    %dma_wait3A_279 = tpu.memref_slice %arg2[%add3A_192, %dma_wait3A_274, %dma_wait3A_278] : memref<64x8x8192xf32, #tpu.memory_space<hbm>> -> memref<1x1x8192xf32, #tpu.memory_space<hbm>>
    %dma_wait3A_280 = tpu.memref_squeeze %dma_wait3A_279 : memref<1x1x8192xf32, #tpu.memory_space<hbm>> -> memref<8192xf32, #tpu.memory_space<hbm>>
    tpu.wait_dma2 semaphore(%arg13 : memref<!tpu.dma_semaphore, #tpu.memory_space<semaphore_mem>>) src(%dma_wait3A_280 : memref<8192xf32, #tpu.memory_space<hbm>>) dst(%arg8 : memref<8192xf32, #tpu.memory_space<vmem>>)
    %parallel_loop3A_281 = arith.constant 0 : i32
    %parallel_loop3A_282 = arith.constant 128 : i32
    %parallel_loop3A_283 = arith.constant 1 : i32
    %parallel_loop3A_284:4 = scf.for %parallel_loop3A_347 = %parallel_loop3A_281 to %parallel_loop3A_282 step %parallel_loop3A_283 iter_args(%parallel_loop3A_348 = %parallel_loop3A_266#0, %parallel_loop3A_349 = %parallel_loop3A_266#1, %parallel_loop3A_350 = %parallel_loop3A_266#2, %parallel_loop3A_351 = %parallel_loop3A_266#3) -> (vector<16xf32>, vector<16xf32>, vector<16xf32>, vector<16xf32>)  : i32 {
      %parallel_loop3A_352 = arith.constant 64 : i32
      %parallel_loop3A_353 = arith.muli %parallel_loop3A_347, %parallel_loop3A_352 : i32
      %parallel_loop3A_354 = arith.constant 0 : i32
      %parallel_loop3A_355 = arith.addi %parallel_loop3A_353, %parallel_loop3A_354 : i32
      %parallel_loop3A_356 = arith.constant 24576 : i32
      %parallel_loop3A_357 = arith.addi %parallel_loop3A_356, %parallel_loop3A_355 : i32
      %parallel_loop3A_358 = arith.index_cast %parallel_loop3A_357 : i32 to index
      %parallel_loop3A_359 = tpu.vector_load %arg6[%parallel_loop3A_358] {strides = array<i32>} : memref<65536xf32, #tpu.memory_space<vmem>>, vector<16xf32>,
      %parallel_loop3A_360 = arith.index_cast %parallel_loop3A_355 : i32 to index
      %parallel_loop3A_361 = tpu.vector_load %arg8[%parallel_loop3A_360] {strides = array<i32>} : memref<8192xf32, #tpu.memory_space<vmem>>, vector<16xf32>,
      %parallel_loop3A_362 = arith.subf %parallel_loop3A_359, %parallel_loop3A_361 : vector<16xf32>
      %parallel_loop3A_363 = math.absf %parallel_loop3A_362 : vector<16xf32>
      %parallel_loop3A_364 = arith.constant 2.000000e-01 : f32
      %parallel_loop3A_365 = vector.broadcast %parallel_loop3A_364 : f32 to vector<16xf32>
      %parallel_loop3A_366 = arith.cmpf olt, %parallel_loop3A_363, %parallel_loop3A_365 : vector<16xf32>
      %parallel_loop3A_367 = arith.constant 0.000000e+00 : f32
      %parallel_loop3A_368 = vector.broadcast %parallel_loop3A_367 : f32 to vector<16xf32>
      %parallel_loop3A_369 = arith.select %parallel_loop3A_366, %parallel_loop3A_363, %parallel_loop3A_368 : vector<16xi1>, vector<16xf32>
      %parallel_loop3A_370 = arith.addf %parallel_loop3A_348, %parallel_loop3A_369 : vector<16xf32>
      %parallel_loop3A_371 = arith.constant 24576 : i32
      %parallel_loop3A_372 = arith.addi %parallel_loop3A_371, %parallel_loop3A_355 : i32
      %parallel_loop3A_373 = arith.index_cast %parallel_loop3A_372 : i32 to index
      %parallel_loop3A_374 = tpu.vector_load %arg6[%parallel_loop3A_373] {strides = array<i32>} : memref<65536xf32, #tpu.memory_space<vmem>>, vector<16xf32>,
      tpu.vector_store %arg6[%parallel_loop3A_373], %broadcast_in_dim3A_1 {strides = array<i32>} : memref<65536xf32, #tpu.memory_space<vmem>>, vector<16xf32>,
      %parallel_loop3A_375 = arith.constant 16 : i32
      %parallel_loop3A_376 = arith.addi %parallel_loop3A_353, %parallel_loop3A_375 : i32
      %parallel_loop3A_377 = arith.constant 24576 : i32
      %parallel_loop3A_378 = arith.addi %parallel_loop3A_377, %parallel_loop3A_376 : i32
      %parallel_loop3A_379 = arith.index_cast %parallel_loop3A_378 : i32 to index
      %parallel_loop3A_380 = tpu.vector_load %arg6[%parallel_loop3A_379] {strides = array<i32>} : memref<65536xf32, #tpu.memory_space<vmem>>, vector<16xf32>,
      %parallel_loop3A_381 = arith.index_cast %parallel_loop3A_376 : i32 to index
      %parallel_loop3A_382 = tpu.vector_load %arg8[%parallel_loop3A_381] {strides = array<i32>} : memref<8192xf32, #tpu.memory_space<vmem>>, vector<16xf32>,
      %parallel_loop3A_383 = arith.subf %parallel_loop3A_380, %parallel_loop3A_382 : vector<16xf32>
      %parallel_loop3A_384 = math.absf %parallel_loop3A_383 : vector<16xf32>
      %parallel_loop3A_385 = arith.constant 2.000000e-01 : f32
      %parallel_loop3A_386 = vector.broadcast %parallel_loop3A_385 : f32 to vector<16xf32>
      %parallel_loop3A_387 = arith.cmpf olt, %parallel_loop3A_384, %parallel_loop3A_386 : vector<16xf32>
      %parallel_loop3A_388 = arith.constant 0.000000e+00 : f32
      %parallel_loop3A_389 = vector.broadcast %parallel_loop3A_388 : f32 to vector<16xf32>
      %parallel_loop3A_390 = arith.select %parallel_loop3A_387, %parallel_loop3A_384, %parallel_loop3A_389 : vector<16xi1>, vector<16xf32>
      %parallel_loop3A_391 = arith.addf %parallel_loop3A_349, %parallel_loop3A_390 : vector<16xf32>
      %parallel_loop3A_392 = arith.constant 24576 : i32
      %parallel_loop3A_393 = arith.addi %parallel_loop3A_392, %parallel_loop3A_376 : i32
      %parallel_loop3A_394 = arith.index_cast %parallel_loop3A_393 : i32 to index
      %parallel_loop3A_395 = tpu.vector_load %arg6[%parallel_loop3A_394] {strides = array<i32>} : memref<65536xf32, #tpu.memory_space<vmem>>, vector<16xf32>,
      tpu.vector_store %arg6[%parallel_loop3A_394], %broadcast_in_dim3A_1 {strides = array<i32>} : memref<65536xf32, #tpu.memory_space<vmem>>, vector<16xf32>,
      %parallel_loop3A_396 = arith.constant 32 : i32
      %parallel_loop3A_397 = arith.addi %parallel_loop3A_353, %parallel_loop3A_396 : i32
      %parallel_loop3A_398 = arith.constant 24576 : i32
      %parallel_loop3A_399 = arith.addi %parallel_loop3A_398, %parallel_loop3A_397 : i32
      %parallel_loop3A_400 = arith.index_cast %parallel_loop3A_399 : i32 to index
      %parallel_loop3A_401 = tpu.vector_load %arg6[%parallel_loop3A_400] {strides = array<i32>} : memref<65536xf32, #tpu.memory_space<vmem>>, vector<16xf32>,
      %parallel_loop3A_402 = arith.index_cast %parallel_loop3A_397 : i32 to index
      %parallel_loop3A_403 = tpu.vector_load %arg8[%parallel_loop3A_402] {strides = array<i32>} : memref<8192xf32, #tpu.memory_space<vmem>>, vector<16xf32>,
      %parallel_loop3A_404 = arith.subf %parallel_loop3A_401, %parallel_loop3A_403 : vector<16xf32>
      %parallel_loop3A_405 = math.absf %parallel_loop3A_404 : vector<16xf32>
      %parallel_loop3A_406 = arith.constant 2.000000e-01 : f32
      %parallel_loop3A_407 = vector.broadcast %parallel_loop3A_406 : f32 to vector<16xf32>
      %parallel_loop3A_408 = arith.cmpf olt, %parallel_loop3A_405, %parallel_loop3A_407 : vector<16xf32>
      %parallel_loop3A_409 = arith.constant 0.000000e+00 : f32
      %parallel_loop3A_410 = vector.broadcast %parallel_loop3A_409 : f32 to vector<16xf32>
      %parallel_loop3A_411 = arith.select %parallel_loop3A_408, %parallel_loop3A_405, %parallel_loop3A_410 : vector<16xi1>, vector<16xf32>
      %parallel_loop3A_412 = arith.addf %parallel_loop3A_350, %parallel_loop3A_411 : vector<16xf32>
      %parallel_loop3A_413 = arith.constant 24576 : i32
      %parallel_loop3A_414 = arith.addi %parallel_loop3A_413, %parallel_loop3A_397 : i32
      %parallel_loop3A_415 = arith.index_cast %parallel_loop3A_414 : i32 to index
      %parallel_loop3A_416 = tpu.vector_load %arg6[%parallel_loop3A_415] {strides = array<i32>} : memref<65536xf32, #tpu.memory_space<vmem>>, vector<16xf32>,
      tpu.vector_store %arg6[%parallel_loop3A_415], %broadcast_in_dim3A_1 {strides = array<i32>} : memref<65536xf32, #tpu.memory_space<vmem>>, vector<16xf32>,
      %parallel_loop3A_417 = arith.constant 48 : i32
      %parallel_loop3A_418 = arith.addi %parallel_loop3A_353, %parallel_loop3A_417 : i32
      %parallel_loop3A_419 = arith.constant 24576 : i32
      %parallel_loop3A_420 = arith.addi %parallel_loop3A_419, %parallel_loop3A_418 : i32
      %parallel_loop3A_421 = arith.index_cast %parallel_loop3A_420 : i32 to index
      %parallel_loop3A_422 = tpu.vector_load %arg6[%parallel_loop3A_421] {strides = array<i32>} : memref<65536xf32, #tpu.memory_space<vmem>>, vector<16xf32>,
      %parallel_loop3A_423 = arith.index_cast %parallel_loop3A_418 : i32 to index
      %parallel_loop3A_424 = tpu.vector_load %arg8[%parallel_loop3A_423] {strides = array<i32>} : memref<8192xf32, #tpu.memory_space<vmem>>, vector<16xf32>,
      %parallel_loop3A_425 = arith.subf %parallel_loop3A_422, %parallel_loop3A_424 : vector<16xf32>
      %parallel_loop3A_426 = math.absf %parallel_loop3A_425 : vector<16xf32>
      %parallel_loop3A_427 = arith.constant 2.000000e-01 : f32
      %parallel_loop3A_428 = vector.broadcast %parallel_loop3A_427 : f32 to vector<16xf32>
      %parallel_loop3A_429 = arith.cmpf olt, %parallel_loop3A_426, %parallel_loop3A_428 : vector<16xf32>
      %parallel_loop3A_430 = arith.constant 0.000000e+00 : f32
      %parallel_loop3A_431 = vector.broadcast %parallel_loop3A_430 : f32 to vector<16xf32>
      %parallel_loop3A_432 = arith.select %parallel_loop3A_429, %parallel_loop3A_426, %parallel_loop3A_431 : vector<16xi1>, vector<16xf32>
      %parallel_loop3A_433 = arith.addf %parallel_loop3A_351, %parallel_loop3A_432 : vector<16xf32>
      %parallel_loop3A_434 = arith.constant 24576 : i32
      %parallel_loop3A_435 = arith.addi %parallel_loop3A_434, %parallel_loop3A_418 : i32
      %parallel_loop3A_436 = arith.index_cast %parallel_loop3A_435 : i32 to index
      %parallel_loop3A_437 = tpu.vector_load %arg6[%parallel_loop3A_436] {strides = array<i32>} : memref<65536xf32, #tpu.memory_space<vmem>>, vector<16xf32>,
      tpu.vector_store %arg6[%parallel_loop3A_436], %broadcast_in_dim3A_1 {strides = array<i32>} : memref<65536xf32, #tpu.memory_space<vmem>>, vector<16xf32>,
      scf.yield %parallel_loop3A_370, %parallel_loop3A_391, %parallel_loop3A_412, %parallel_loop3A_433 : vector<16xf32>, vector<16xf32>, vector<16xf32>, vector<16xf32>
    } {sc.loop_unroll_factor = 4 : i64, sc.parallel_access}
    %dma_start3A_285 = arith.constant 6 : i32
    %dma_start3A_286 = arith.constant 0 : i32
    %dma_start3A_287 = tpu.memref_slice %arg2[%add3A_192, %dma_start3A_285, %dma_start3A_286] : memref<64x8x8192xf32, #tpu.memory_space<hbm>> -> memref<1x1x8192xf32, #tpu.memory_space<hbm>>
    %dma_start3A_288 = tpu.memref_squeeze %dma_start3A_287 : memref<1x1x8192xf32, #tpu.memory_space<hbm>> -> memref<8192xf32, #tpu.memory_space<hbm>>
    %dma_start3A_289 = arith.constant 0 : i32
    %dma_start3A_290 = tpu.memref_slice %arg2[%add3A_192, %dma_start3A_285, %dma_start3A_289] : memref<64x8x8192xf32, #tpu.memory_space<hbm>> -> memref<1x1x8192xf32, #tpu.memory_space<hbm>>
    %dma_start3A_291 = tpu.memref_squeeze %dma_start3A_290 : memref<1x1x8192xf32, #tpu.memory_space<hbm>> -> memref<8192xf32, #tpu.memory_space<hbm>>
    tpu.enqueue_dma source(%dma_start3A_291 : memref<8192xf32, #tpu.memory_space<hbm>>) target(%arg8 : memref<8192xf32, #tpu.memory_space<vmem>>) target_semaphore(%arg13 : memref<!tpu.dma_semaphore, #tpu.memory_space<semaphore_mem>>)
    %dma_wait3A_292 = arith.constant 4 : i32
    %dma_wait3A_293 = arith.constant 0 : i32
    %dma_wait3A_294 = tpu.memref_slice %arg2[%add3A_192, %dma_wait3A_292, %dma_wait3A_293] : memref<64x8x8192xf32, #tpu.memory_space<hbm>> -> memref<1x1x8192xf32, #tpu.memory_space<hbm>>
    %dma_wait3A_295 = tpu.memref_squeeze %dma_wait3A_294 : memref<1x1x8192xf32, #tpu.memory_space<hbm>> -> memref<8192xf32, #tpu.memory_space<hbm>>
    %dma_wait3A_296 = arith.constant 0 : i32
    %dma_wait3A_297 = tpu.memref_slice %arg2[%add3A_192, %dma_wait3A_292, %dma_wait3A_296] : memref<64x8x8192xf32, #tpu.memory_space<hbm>> -> memref<1x1x8192xf32, #tpu.memory_space<hbm>>
    %dma_wait3A_298 = tpu.memref_squeeze %dma_wait3A_297 : memref<1x1x8192xf32, #tpu.memory_space<hbm>> -> memref<8192xf32, #tpu.memory_space<hbm>>
    tpu.wait_dma2 semaphore(%arg14 : memref<!tpu.dma_semaphore, #tpu.memory_space<semaphore_mem>>) src(%dma_wait3A_298 : memref<8192xf32, #tpu.memory_space<hbm>>) dst(%arg9 : memref<8192xf32, #tpu.memory_space<vmem>>)
    %parallel_loop3A_299 = arith.constant 0 : i32
    %parallel_loop3A_300 = arith.constant 128 : i32
    %parallel_loop3A_301 = arith.constant 1 : i32
    %parallel_loop3A_302:4 = scf.for %parallel_loop3A_347 = %parallel_loop3A_299 to %parallel_loop3A_300 step %parallel_loop3A_301 iter_args(%parallel_loop3A_348 = %parallel_loop3A_284#0, %parallel_loop3A_349 = %parallel_loop3A_284#1, %parallel_loop3A_350 = %parallel_loop3A_284#2, %parallel_loop3A_351 = %parallel_loop3A_284#3) -> (vector<16xf32>, vector<16xf32>, vector<16xf32>, vector<16xf32>)  : i32 {
      %parallel_loop3A_352 = arith.constant 64 : i32
      %parallel_loop3A_353 = arith.muli %parallel_loop3A_347, %parallel_loop3A_352 : i32
      %parallel_loop3A_354 = arith.constant 0 : i32
      %parallel_loop3A_355 = arith.addi %parallel_loop3A_353, %parallel_loop3A_354 : i32
      %parallel_loop3A_356 = arith.constant 32768 : i32
      %parallel_loop3A_357 = arith.addi %parallel_loop3A_356, %parallel_loop3A_355 : i32
      %parallel_loop3A_358 = arith.index_cast %parallel_loop3A_357 : i32 to index
      %parallel_loop3A_359 = tpu.vector_load %arg6[%parallel_loop3A_358] {strides = array<i32>} : memref<65536xf32, #tpu.memory_space<vmem>>, vector<16xf32>,
      %parallel_loop3A_360 = arith.index_cast %parallel_loop3A_355 : i32 to index
      %parallel_loop3A_361 = tpu.vector_load %arg9[%parallel_loop3A_360] {strides = array<i32>} : memref<8192xf32, #tpu.memory_space<vmem>>, vector<16xf32>,
      %parallel_loop3A_362 = arith.subf %parallel_loop3A_359, %parallel_loop3A_361 : vector<16xf32>
      %parallel_loop3A_363 = math.absf %parallel_loop3A_362 : vector<16xf32>
      %parallel_loop3A_364 = arith.constant 2.000000e-01 : f32
      %parallel_loop3A_365 = vector.broadcast %parallel_loop3A_364 : f32 to vector<16xf32>
      %parallel_loop3A_366 = arith.cmpf olt, %parallel_loop3A_363, %parallel_loop3A_365 : vector<16xf32>
      %parallel_loop3A_367 = arith.constant 0.000000e+00 : f32
      %parallel_loop3A_368 = vector.broadcast %parallel_loop3A_367 : f32 to vector<16xf32>
      %parallel_loop3A_369 = arith.select %parallel_loop3A_366, %parallel_loop3A_363, %parallel_loop3A_368 : vector<16xi1>, vector<16xf32>
      %parallel_loop3A_370 = arith.addf %parallel_loop3A_348, %parallel_loop3A_369 : vector<16xf32>
      %parallel_loop3A_371 = arith.constant 32768 : i32
      %parallel_loop3A_372 = arith.addi %parallel_loop3A_371, %parallel_loop3A_355 : i32
      %parallel_loop3A_373 = arith.index_cast %parallel_loop3A_372 : i32 to index
      %parallel_loop3A_374 = tpu.vector_load %arg6[%parallel_loop3A_373] {strides = array<i32>} : memref<65536xf32, #tpu.memory_space<vmem>>, vector<16xf32>,
      tpu.vector_store %arg6[%parallel_loop3A_373], %broadcast_in_dim3A_1 {strides = array<i32>} : memref<65536xf32, #tpu.memory_space<vmem>>, vector<16xf32>,
      %parallel_loop3A_375 = arith.constant 16 : i32
      %parallel_loop3A_376 = arith.addi %parallel_loop3A_353, %parallel_loop3A_375 : i32
      %parallel_loop3A_377 = arith.constant 32768 : i32
      %parallel_loop3A_378 = arith.addi %parallel_loop3A_377, %parallel_loop3A_376 : i32
      %parallel_loop3A_379 = arith.index_cast %parallel_loop3A_378 : i32 to index
      %parallel_loop3A_380 = tpu.vector_load %arg6[%parallel_loop3A_379] {strides = array<i32>} : memref<65536xf32, #tpu.memory_space<vmem>>, vector<16xf32>,
      %parallel_loop3A_381 = arith.index_cast %parallel_loop3A_376 : i32 to index
      %parallel_loop3A_382 = tpu.vector_load %arg9[%parallel_loop3A_381] {strides = array<i32>} : memref<8192xf32, #tpu.memory_space<vmem>>, vector<16xf32>,
      %parallel_loop3A_383 = arith.subf %parallel_loop3A_380, %parallel_loop3A_382 : vector<16xf32>
      %parallel_loop3A_384 = math.absf %parallel_loop3A_383 : vector<16xf32>
      %parallel_loop3A_385 = arith.constant 2.000000e-01 : f32
      %parallel_loop3A_386 = vector.broadcast %parallel_loop3A_385 : f32 to vector<16xf32>
      %parallel_loop3A_387 = arith.cmpf olt, %parallel_loop3A_384, %parallel_loop3A_386 : vector<16xf32>
      %parallel_loop3A_388 = arith.constant 0.000000e+00 : f32
      %parallel_loop3A_389 = vector.broadcast %parallel_loop3A_388 : f32 to vector<16xf32>
      %parallel_loop3A_390 = arith.select %parallel_loop3A_387, %parallel_loop3A_384, %parallel_loop3A_389 : vector<16xi1>, vector<16xf32>
      %parallel_loop3A_391 = arith.addf %parallel_loop3A_349, %parallel_loop3A_390 : vector<16xf32>
      %parallel_loop3A_392 = arith.constant 32768 : i32
      %parallel_loop3A_393 = arith.addi %parallel_loop3A_392, %parallel_loop3A_376 : i32
      %parallel_loop3A_394 = arith.index_cast %parallel_loop3A_393 : i32 to index
      %parallel_loop3A_395 = tpu.vector_load %arg6[%parallel_loop3A_394] {strides = array<i32>} : memref<65536xf32, #tpu.memory_space<vmem>>, vector<16xf32>,
      tpu.vector_store %arg6[%parallel_loop3A_394], %broadcast_in_dim3A_1 {strides = array<i32>} : memref<65536xf32, #tpu.memory_space<vmem>>, vector<16xf32>,
      %parallel_loop3A_396 = arith.constant 32 : i32
      %parallel_loop3A_397 = arith.addi %parallel_loop3A_353, %parallel_loop3A_396 : i32
      %parallel_loop3A_398 = arith.constant 32768 : i32
      %parallel_loop3A_399 = arith.addi %parallel_loop3A_398, %parallel_loop3A_397 : i32
      %parallel_loop3A_400 = arith.index_cast %parallel_loop3A_399 : i32 to index
      %parallel_loop3A_401 = tpu.vector_load %arg6[%parallel_loop3A_400] {strides = array<i32>} : memref<65536xf32, #tpu.memory_space<vmem>>, vector<16xf32>,
      %parallel_loop3A_402 = arith.index_cast %parallel_loop3A_397 : i32 to index
      %parallel_loop3A_403 = tpu.vector_load %arg9[%parallel_loop3A_402] {strides = array<i32>} : memref<8192xf32, #tpu.memory_space<vmem>>, vector<16xf32>,
      %parallel_loop3A_404 = arith.subf %parallel_loop3A_401, %parallel_loop3A_403 : vector<16xf32>
      %parallel_loop3A_405 = math.absf %parallel_loop3A_404 : vector<16xf32>
      %parallel_loop3A_406 = arith.constant 2.000000e-01 : f32
      %parallel_loop3A_407 = vector.broadcast %parallel_loop3A_406 : f32 to vector<16xf32>
      %parallel_loop3A_408 = arith.cmpf olt, %parallel_loop3A_405, %parallel_loop3A_407 : vector<16xf32>
      %parallel_loop3A_409 = arith.constant 0.000000e+00 : f32
      %parallel_loop3A_410 = vector.broadcast %parallel_loop3A_409 : f32 to vector<16xf32>
      %parallel_loop3A_411 = arith.select %parallel_loop3A_408, %parallel_loop3A_405, %parallel_loop3A_410 : vector<16xi1>, vector<16xf32>
      %parallel_loop3A_412 = arith.addf %parallel_loop3A_350, %parallel_loop3A_411 : vector<16xf32>
      %parallel_loop3A_413 = arith.constant 32768 : i32
      %parallel_loop3A_414 = arith.addi %parallel_loop3A_413, %parallel_loop3A_397 : i32
      %parallel_loop3A_415 = arith.index_cast %parallel_loop3A_414 : i32 to index
      %parallel_loop3A_416 = tpu.vector_load %arg6[%parallel_loop3A_415] {strides = array<i32>} : memref<65536xf32, #tpu.memory_space<vmem>>, vector<16xf32>,
      tpu.vector_store %arg6[%parallel_loop3A_415], %broadcast_in_dim3A_1 {strides = array<i32>} : memref<65536xf32, #tpu.memory_space<vmem>>, vector<16xf32>,
      %parallel_loop3A_417 = arith.constant 48 : i32
      %parallel_loop3A_418 = arith.addi %parallel_loop3A_353, %parallel_loop3A_417 : i32
      %parallel_loop3A_419 = arith.constant 32768 : i32
      %parallel_loop3A_420 = arith.addi %parallel_loop3A_419, %parallel_loop3A_418 : i32
      %parallel_loop3A_421 = arith.index_cast %parallel_loop3A_420 : i32 to index
      %parallel_loop3A_422 = tpu.vector_load %arg6[%parallel_loop3A_421] {strides = array<i32>} : memref<65536xf32, #tpu.memory_space<vmem>>, vector<16xf32>,
      %parallel_loop3A_423 = arith.index_cast %parallel_loop3A_418 : i32 to index
      %parallel_loop3A_424 = tpu.vector_load %arg9[%parallel_loop3A_423] {strides = array<i32>} : memref<8192xf32, #tpu.memory_space<vmem>>, vector<16xf32>,
      %parallel_loop3A_425 = arith.subf %parallel_loop3A_422, %parallel_loop3A_424 : vector<16xf32>
      %parallel_loop3A_426 = math.absf %parallel_loop3A_425 : vector<16xf32>
      %parallel_loop3A_427 = arith.constant 2.000000e-01 : f32
      %parallel_loop3A_428 = vector.broadcast %parallel_loop3A_427 : f32 to vector<16xf32>
      %parallel_loop3A_429 = arith.cmpf olt, %parallel_loop3A_426, %parallel_loop3A_428 : vector<16xf32>
      %parallel_loop3A_430 = arith.constant 0.000000e+00 : f32
      %parallel_loop3A_431 = vector.broadcast %parallel_loop3A_430 : f32 to vector<16xf32>
      %parallel_loop3A_432 = arith.select %parallel_loop3A_429, %parallel_loop3A_426, %parallel_loop3A_431 : vector<16xi1>, vector<16xf32>
      %parallel_loop3A_433 = arith.addf %parallel_loop3A_351, %parallel_loop3A_432 : vector<16xf32>
      %parallel_loop3A_434 = arith.constant 32768 : i32
      %parallel_loop3A_435 = arith.addi %parallel_loop3A_434, %parallel_loop3A_418 : i32
      %parallel_loop3A_436 = arith.index_cast %parallel_loop3A_435 : i32 to index
      %parallel_loop3A_437 = tpu.vector_load %arg6[%parallel_loop3A_436] {strides = array<i32>} : memref<65536xf32, #tpu.memory_space<vmem>>, vector<16xf32>,
      tpu.vector_store %arg6[%parallel_loop3A_436], %broadcast_in_dim3A_1 {strides = array<i32>} : memref<65536xf32, #tpu.memory_space<vmem>>, vector<16xf32>,
      scf.yield %parallel_loop3A_370, %parallel_loop3A_391, %parallel_loop3A_412, %parallel_loop3A_433 : vector<16xf32>, vector<16xf32>, vector<16xf32>, vector<16xf32>
    } {sc.loop_unroll_factor = 4 : i64, sc.parallel_access}
    %dma_start3A_303 = arith.constant 7 : i32
    %dma_start3A_304 = arith.constant 0 : i32
    %dma_start3A_305 = tpu.memref_slice %arg2[%add3A_192, %dma_start3A_303, %dma_start3A_304] : memref<64x8x8192xf32, #tpu.memory_space<hbm>> -> memref<1x1x8192xf32, #tpu.memory_space<hbm>>
    %dma_start3A_306 = tpu.memref_squeeze %dma_start3A_305 : memref<1x1x8192xf32, #tpu.memory_space<hbm>> -> memref<8192xf32, #tpu.memory_space<hbm>>
    %dma_start3A_307 = arith.constant 0 : i32
    %dma_start3A_308 = tpu.memref_slice %arg2[%add3A_192, %dma_start3A_303, %dma_start3A_307] : memref<64x8x8192xf32, #tpu.memory_space<hbm>> -> memref<1x1x8192xf32, #tpu.memory_space<hbm>>
    %dma_start3A_309 = tpu.memref_squeeze %dma_start3A_308 : memref<1x1x8192xf32, #tpu.memory_space<hbm>> -> memref<8192xf32, #tpu.memory_space<hbm>>
    tpu.enqueue_dma source(%dma_start3A_309 : memref<8192xf32, #tpu.memory_space<hbm>>) target(%arg9 : memref<8192xf32, #tpu.memory_space<vmem>>) target_semaphore(%arg14 : memref<!tpu.dma_semaphore, #tpu.memory_space<semaphore_mem>>)
    %dma_wait3A_310 = arith.constant 5 : i32
    %dma_wait3A_311 = arith.constant 0 : i32
    %dma_wait3A_312 = tpu.memref_slice %arg2[%add3A_192, %dma_wait3A_310, %dma_wait3A_311] : memref<64x8x8192xf32, #tpu.memory_space<hbm>> -> memref<1x1x8192xf32, #tpu.memory_space<hbm>>
    %dma_wait3A_313 = tpu.memref_squeeze %dma_wait3A_312 : memref<1x1x8192xf32, #tpu.memory_space<hbm>> -> memref<8192xf32, #tpu.memory_space<hbm>>
    %dma_wait3A_314 = arith.constant 0 : i32
    %dma_wait3A_315 = tpu.memref_slice %arg2[%add3A_192, %dma_wait3A_310, %dma_wait3A_314] : memref<64x8x8192xf32, #tpu.memory_space<hbm>> -> memref<1x1x8192xf32, #tpu.memory_space<hbm>>
    %dma_wait3A_316 = tpu.memref_squeeze %dma_wait3A_315 : memref<1x1x8192xf32, #tpu.memory_space<hbm>> -> memref<8192xf32, #tpu.memory_space<hbm>>
    tpu.wait_dma2 semaphore(%arg15 : memref<!tpu.dma_semaphore, #tpu.memory_space<semaphore_mem>>) src(%dma_wait3A_316 : memref<8192xf32, #tpu.memory_space<hbm>>) dst(%arg10 : memref<8192xf32, #tpu.memory_space<vmem>>)
    %parallel_loop3A_317 = arith.constant 0 : i32
    %parallel_loop3A_318 = arith.constant 128 : i32
    %parallel_loop3A_319 = arith.constant 1 : i32
    %parallel_loop3A_320:4 = scf.for %parallel_loop3A_347 = %parallel_loop3A_317 to %parallel_loop3A_318 step %parallel_loop3A_319 iter_args(%parallel_loop3A_348 = %parallel_loop3A_302#0, %parallel_loop3A_349 = %parallel_loop3A_302#1, %parallel_loop3A_350 = %parallel_loop3A_302#2, %parallel_loop3A_351 = %parallel_loop3A_302#3) -> (vector<16xf32>, vector<16xf32>, vector<16xf32>, vector<16xf32>)  : i32 {
      %parallel_loop3A_352 = arith.constant 64 : i32
      %parallel_loop3A_353 = arith.muli %parallel_loop3A_347, %parallel_loop3A_352 : i32
      %parallel_loop3A_354 = arith.constant 0 : i32
      %parallel_loop3A_355 = arith.addi %parallel_loop3A_353, %parallel_loop3A_354 : i32
      %parallel_loop3A_356 = arith.constant 40960 : i32
      %parallel_loop3A_357 = arith.addi %parallel_loop3A_356, %parallel_loop3A_355 : i32
      %parallel_loop3A_358 = arith.index_cast %parallel_loop3A_357 : i32 to index
      %parallel_loop3A_359 = tpu.vector_load %arg6[%parallel_loop3A_358] {strides = array<i32>} : memref<65536xf32, #tpu.memory_space<vmem>>, vector<16xf32>,
      %parallel_loop3A_360 = arith.index_cast %parallel_loop3A_355 : i32 to index
      %parallel_loop3A_361 = tpu.vector_load %arg10[%parallel_loop3A_360] {strides = array<i32>} : memref<8192xf32, #tpu.memory_space<vmem>>, vector<16xf32>,
      %parallel_loop3A_362 = arith.subf %parallel_loop3A_359, %parallel_loop3A_361 : vector<16xf32>
      %parallel_loop3A_363 = math.absf %parallel_loop3A_362 : vector<16xf32>
      %parallel_loop3A_364 = arith.constant 2.000000e-01 : f32
      %parallel_loop3A_365 = vector.broadcast %parallel_loop3A_364 : f32 to vector<16xf32>
      %parallel_loop3A_366 = arith.cmpf olt, %parallel_loop3A_363, %parallel_loop3A_365 : vector<16xf32>
      %parallel_loop3A_367 = arith.constant 0.000000e+00 : f32
      %parallel_loop3A_368 = vector.broadcast %parallel_loop3A_367 : f32 to vector<16xf32>
      %parallel_loop3A_369 = arith.select %parallel_loop3A_366, %parallel_loop3A_363, %parallel_loop3A_368 : vector<16xi1>, vector<16xf32>
      %parallel_loop3A_370 = arith.addf %parallel_loop3A_348, %parallel_loop3A_369 : vector<16xf32>
      %parallel_loop3A_371 = arith.constant 40960 : i32
      %parallel_loop3A_372 = arith.addi %parallel_loop3A_371, %parallel_loop3A_355 : i32
      %parallel_loop3A_373 = arith.index_cast %parallel_loop3A_372 : i32 to index
      %parallel_loop3A_374 = tpu.vector_load %arg6[%parallel_loop3A_373] {strides = array<i32>} : memref<65536xf32, #tpu.memory_space<vmem>>, vector<16xf32>,
      tpu.vector_store %arg6[%parallel_loop3A_373], %broadcast_in_dim3A_1 {strides = array<i32>} : memref<65536xf32, #tpu.memory_space<vmem>>, vector<16xf32>,
      %parallel_loop3A_375 = arith.constant 16 : i32
      %parallel_loop3A_376 = arith.addi %parallel_loop3A_353, %parallel_loop3A_375 : i32
      %parallel_loop3A_377 = arith.constant 40960 : i32
      %parallel_loop3A_378 = arith.addi %parallel_loop3A_377, %parallel_loop3A_376 : i32
      %parallel_loop3A_379 = arith.index_cast %parallel_loop3A_378 : i32 to index
      %parallel_loop3A_380 = tpu.vector_load %arg6[%parallel_loop3A_379] {strides = array<i32>} : memref<65536xf32, #tpu.memory_space<vmem>>, vector<16xf32>,
      %parallel_loop3A_381 = arith.index_cast %parallel_loop3A_376 : i32 to index
      %parallel_loop3A_382 = tpu.vector_load %arg10[%parallel_loop3A_381] {strides = array<i32>} : memref<8192xf32, #tpu.memory_space<vmem>>, vector<16xf32>,
      %parallel_loop3A_383 = arith.subf %parallel_loop3A_380, %parallel_loop3A_382 : vector<16xf32>
      %parallel_loop3A_384 = math.absf %parallel_loop3A_383 : vector<16xf32>
      %parallel_loop3A_385 = arith.constant 2.000000e-01 : f32
      %parallel_loop3A_386 = vector.broadcast %parallel_loop3A_385 : f32 to vector<16xf32>
      %parallel_loop3A_387 = arith.cmpf olt, %parallel_loop3A_384, %parallel_loop3A_386 : vector<16xf32>
      %parallel_loop3A_388 = arith.constant 0.000000e+00 : f32
      %parallel_loop3A_389 = vector.broadcast %parallel_loop3A_388 : f32 to vector<16xf32>
      %parallel_loop3A_390 = arith.select %parallel_loop3A_387, %parallel_loop3A_384, %parallel_loop3A_389 : vector<16xi1>, vector<16xf32>
      %parallel_loop3A_391 = arith.addf %parallel_loop3A_349, %parallel_loop3A_390 : vector<16xf32>
      %parallel_loop3A_392 = arith.constant 40960 : i32
      %parallel_loop3A_393 = arith.addi %parallel_loop3A_392, %parallel_loop3A_376 : i32
      %parallel_loop3A_394 = arith.index_cast %parallel_loop3A_393 : i32 to index
      %parallel_loop3A_395 = tpu.vector_load %arg6[%parallel_loop3A_394] {strides = array<i32>} : memref<65536xf32, #tpu.memory_space<vmem>>, vector<16xf32>,
      tpu.vector_store %arg6[%parallel_loop3A_394], %broadcast_in_dim3A_1 {strides = array<i32>} : memref<65536xf32, #tpu.memory_space<vmem>>, vector<16xf32>,
      %parallel_loop3A_396 = arith.constant 32 : i32
      %parallel_loop3A_397 = arith.addi %parallel_loop3A_353, %parallel_loop3A_396 : i32
      %parallel_loop3A_398 = arith.constant 40960 : i32
      %parallel_loop3A_399 = arith.addi %parallel_loop3A_398, %parallel_loop3A_397 : i32
      %parallel_loop3A_400 = arith.index_cast %parallel_loop3A_399 : i32 to index
      %parallel_loop3A_401 = tpu.vector_load %arg6[%parallel_loop3A_400] {strides = array<i32>} : memref<65536xf32, #tpu.memory_space<vmem>>, vector<16xf32>,
      %parallel_loop3A_402 = arith.index_cast %parallel_loop3A_397 : i32 to index
      %parallel_loop3A_403 = tpu.vector_load %arg10[%parallel_loop3A_402] {strides = array<i32>} : memref<8192xf32, #tpu.memory_space<vmem>>, vector<16xf32>,
      %parallel_loop3A_404 = arith.subf %parallel_loop3A_401, %parallel_loop3A_403 : vector<16xf32>
      %parallel_loop3A_405 = math.absf %parallel_loop3A_404 : vector<16xf32>
      %parallel_loop3A_406 = arith.constant 2.000000e-01 : f32
      %parallel_loop3A_407 = vector.broadcast %parallel_loop3A_406 : f32 to vector<16xf32>
      %parallel_loop3A_408 = arith.cmpf olt, %parallel_loop3A_405, %parallel_loop3A_407 : vector<16xf32>
      %parallel_loop3A_409 = arith.constant 0.000000e+00 : f32
      %parallel_loop3A_410 = vector.broadcast %parallel_loop3A_409 : f32 to vector<16xf32>
      %parallel_loop3A_411 = arith.select %parallel_loop3A_408, %parallel_loop3A_405, %parallel_loop3A_410 : vector<16xi1>, vector<16xf32>
      %parallel_loop3A_412 = arith.addf %parallel_loop3A_350, %parallel_loop3A_411 : vector<16xf32>
      %parallel_loop3A_413 = arith.constant 40960 : i32
      %parallel_loop3A_414 = arith.addi %parallel_loop3A_413, %parallel_loop3A_397 : i32
      %parallel_loop3A_415 = arith.index_cast %parallel_loop3A_414 : i32 to index
      %parallel_loop3A_416 = tpu.vector_load %arg6[%parallel_loop3A_415] {strides = array<i32>} : memref<65536xf32, #tpu.memory_space<vmem>>, vector<16xf32>,
      tpu.vector_store %arg6[%parallel_loop3A_415], %broadcast_in_dim3A_1 {strides = array<i32>} : memref<65536xf32, #tpu.memory_space<vmem>>, vector<16xf32>,
      %parallel_loop3A_417 = arith.constant 48 : i32
      %parallel_loop3A_418 = arith.addi %parallel_loop3A_353, %parallel_loop3A_417 : i32
      %parallel_loop3A_419 = arith.constant 40960 : i32
      %parallel_loop3A_420 = arith.addi %parallel_loop3A_419, %parallel_loop3A_418 : i32
      %parallel_loop3A_421 = arith.index_cast %parallel_loop3A_420 : i32 to index
      %parallel_loop3A_422 = tpu.vector_load %arg6[%parallel_loop3A_421] {strides = array<i32>} : memref<65536xf32, #tpu.memory_space<vmem>>, vector<16xf32>,
      %parallel_loop3A_423 = arith.index_cast %parallel_loop3A_418 : i32 to index
      %parallel_loop3A_424 = tpu.vector_load %arg10[%parallel_loop3A_423] {strides = array<i32>} : memref<8192xf32, #tpu.memory_space<vmem>>, vector<16xf32>,
      %parallel_loop3A_425 = arith.subf %parallel_loop3A_422, %parallel_loop3A_424 : vector<16xf32>
      %parallel_loop3A_426 = math.absf %parallel_loop3A_425 : vector<16xf32>
      %parallel_loop3A_427 = arith.constant 2.000000e-01 : f32
      %parallel_loop3A_428 = vector.broadcast %parallel_loop3A_427 : f32 to vector<16xf32>
      %parallel_loop3A_429 = arith.cmpf olt, %parallel_loop3A_426, %parallel_loop3A_428 : vector<16xf32>
      %parallel_loop3A_430 = arith.constant 0.000000e+00 : f32
      %parallel_loop3A_431 = vector.broadcast %parallel_loop3A_430 : f32 to vector<16xf32>
      %parallel_loop3A_432 = arith.select %parallel_loop3A_429, %parallel_loop3A_426, %parallel_loop3A_431 : vector<16xi1>, vector<16xf32>
      %parallel_loop3A_433 = arith.addf %parallel_loop3A_351, %parallel_loop3A_432 : vector<16xf32>
      %parallel_loop3A_434 = arith.constant 40960 : i32
      %parallel_loop3A_435 = arith.addi %parallel_loop3A_434, %parallel_loop3A_418 : i32
      %parallel_loop3A_436 = arith.index_cast %parallel_loop3A_435 : i32 to index
      %parallel_loop3A_437 = tpu.vector_load %arg6[%parallel_loop3A_436] {strides = array<i32>} : memref<65536xf32, #tpu.memory_space<vmem>>, vector<16xf32>,
      tpu.vector_store %arg6[%parallel_loop3A_436], %broadcast_in_dim3A_1 {strides = array<i32>} : memref<65536xf32, #tpu.memory_space<vmem>>, vector<16xf32>,
      scf.yield %parallel_loop3A_370, %parallel_loop3A_391, %parallel_loop3A_412, %parallel_loop3A_433 : vector<16xf32>, vector<16xf32>, vector<16xf32>, vector<16xf32>
    } {sc.loop_unroll_factor = 4 : i64, sc.parallel_access}
    %dma_wait3A_321 = arith.constant 6 : i32
    %dma_wait3A_322 = arith.constant 0 : i32
    %dma_wait3A_323 = tpu.memref_slice %arg2[%add3A_192, %dma_wait3A_321, %dma_wait3A_322] : memref<64x8x8192xf32, #tpu.memory_space<hbm>> -> memref<1x1x8192xf32, #tpu.memory_space<hbm>>
    %dma_wait3A_324 = tpu.memref_squeeze %dma_wait3A_323 : memref<1x1x8192xf32, #tpu.memory_space<hbm>> -> memref<8192xf32, #tpu.memory_space<hbm>>
    %dma_wait3A_325 = arith.constant 0 : i32
    %dma_wait3A_326 = tpu.memref_slice %arg2[%add3A_192, %dma_wait3A_321, %dma_wait3A_325] : memref<64x8x8192xf32, #tpu.memory_space<hbm>> -> memref<1x1x8192xf32, #tpu.memory_space<hbm>>
    %dma_wait3A_327 = tpu.memref_squeeze %dma_wait3A_326 : memref<1x1x8192xf32, #tpu.memory_space<hbm>> -> memref<8192xf32, #tpu.memory_space<hbm>>
    tpu.wait_dma2 semaphore(%arg13 : memref<!tpu.dma_semaphore, #tpu.memory_space<semaphore_mem>>) src(%dma_wait3A_327 : memref<8192xf32, #tpu.memory_space<hbm>>) dst(%arg8 : memref<8192xf32, #tpu.memory_space<vmem>>)
    %parallel_loop3A_328 = arith.constant 0 : i32
    %parallel_loop3A_329 = arith.constant 128 : i32
    %parallel_loop3A_330 = arith.constant 1 : i32
    %parallel_loop3A_331:4 = scf.for %parallel_loop3A_347 = %parallel_loop3A_328 to %parallel_loop3A_329 step %parallel_loop3A_330 iter_args(%parallel_loop3A_348 = %parallel_loop3A_320#0, %parallel_loop3A_349 = %parallel_loop3A_320#1, %parallel_loop3A_350 = %parallel_loop3A_320#2, %parallel_loop3A_351 = %parallel_loop3A_320#3) -> (vector<16xf32>, vector<16xf32>, vector<16xf32>, vector<16xf32>)  : i32 {
      %parallel_loop3A_352 = arith.constant 64 : i32
      %parallel_loop3A_353 = arith.muli %parallel_loop3A_347, %parallel_loop3A_352 : i32
      %parallel_loop3A_354 = arith.constant 0 : i32
      %parallel_loop3A_355 = arith.addi %parallel_loop3A_353, %parallel_loop3A_354 : i32
      %parallel_loop3A_356 = arith.constant 49152 : i32
      %parallel_loop3A_357 = arith.addi %parallel_loop3A_356, %parallel_loop3A_355 : i32
      %parallel_loop3A_358 = arith.index_cast %parallel_loop3A_357 : i32 to index
      %parallel_loop3A_359 = tpu.vector_load %arg6[%parallel_loop3A_358] {strides = array<i32>} : memref<65536xf32, #tpu.memory_space<vmem>>, vector<16xf32>,
      %parallel_loop3A_360 = arith.index_cast %parallel_loop3A_355 : i32 to index
      %parallel_loop3A_361 = tpu.vector_load %arg8[%parallel_loop3A_360] {strides = array<i32>} : memref<8192xf32, #tpu.memory_space<vmem>>, vector<16xf32>,
      %parallel_loop3A_362 = arith.subf %parallel_loop3A_359, %parallel_loop3A_361 : vector<16xf32>
      %parallel_loop3A_363 = math.absf %parallel_loop3A_362 : vector<16xf32>
      %parallel_loop3A_364 = arith.constant 2.000000e-01 : f32
      %parallel_loop3A_365 = vector.broadcast %parallel_loop3A_364 : f32 to vector<16xf32>
      %parallel_loop3A_366 = arith.cmpf olt, %parallel_loop3A_363, %parallel_loop3A_365 : vector<16xf32>
      %parallel_loop3A_367 = arith.constant 0.000000e+00 : f32
      %parallel_loop3A_368 = vector.broadcast %parallel_loop3A_367 : f32 to vector<16xf32>
      %parallel_loop3A_369 = arith.select %parallel_loop3A_366, %parallel_loop3A_363, %parallel_loop3A_368 : vector<16xi1>, vector<16xf32>
      %parallel_loop3A_370 = arith.addf %parallel_loop3A_348, %parallel_loop3A_369 : vector<16xf32>
      %parallel_loop3A_371 = arith.constant 49152 : i32
      %parallel_loop3A_372 = arith.addi %parallel_loop3A_371, %parallel_loop3A_355 : i32
      %parallel_loop3A_373 = arith.index_cast %parallel_loop3A_372 : i32 to index
      %parallel_loop3A_374 = tpu.vector_load %arg6[%parallel_loop3A_373] {strides = array<i32>} : memref<65536xf32, #tpu.memory_space<vmem>>, vector<16xf32>,
      tpu.vector_store %arg6[%parallel_loop3A_373], %broadcast_in_dim3A_1 {strides = array<i32>} : memref<65536xf32, #tpu.memory_space<vmem>>, vector<16xf32>,
      %parallel_loop3A_375 = arith.constant 16 : i32
      %parallel_loop3A_376 = arith.addi %parallel_loop3A_353, %parallel_loop3A_375 : i32
      %parallel_loop3A_377 = arith.constant 49152 : i32
      %parallel_loop3A_378 = arith.addi %parallel_loop3A_377, %parallel_loop3A_376 : i32
      %parallel_loop3A_379 = arith.index_cast %parallel_loop3A_378 : i32 to index
      %parallel_loop3A_380 = tpu.vector_load %arg6[%parallel_loop3A_379] {strides = array<i32>} : memref<65536xf32, #tpu.memory_space<vmem>>, vector<16xf32>,
      %parallel_loop3A_381 = arith.index_cast %parallel_loop3A_376 : i32 to index
      %parallel_loop3A_382 = tpu.vector_load %arg8[%parallel_loop3A_381] {strides = array<i32>} : memref<8192xf32, #tpu.memory_space<vmem>>, vector<16xf32>,
      %parallel_loop3A_383 = arith.subf %parallel_loop3A_380, %parallel_loop3A_382 : vector<16xf32>
      %parallel_loop3A_384 = math.absf %parallel_loop3A_383 : vector<16xf32>
      %parallel_loop3A_385 = arith.constant 2.000000e-01 : f32
      %parallel_loop3A_386 = vector.broadcast %parallel_loop3A_385 : f32 to vector<16xf32>
      %parallel_loop3A_387 = arith.cmpf olt, %parallel_loop3A_384, %parallel_loop3A_386 : vector<16xf32>
      %parallel_loop3A_388 = arith.constant 0.000000e+00 : f32
      %parallel_loop3A_389 = vector.broadcast %parallel_loop3A_388 : f32 to vector<16xf32>
      %parallel_loop3A_390 = arith.select %parallel_loop3A_387, %parallel_loop3A_384, %parallel_loop3A_389 : vector<16xi1>, vector<16xf32>
      %parallel_loop3A_391 = arith.addf %parallel_loop3A_349, %parallel_loop3A_390 : vector<16xf32>
      %parallel_loop3A_392 = arith.constant 49152 : i32
      %parallel_loop3A_393 = arith.addi %parallel_loop3A_392, %parallel_loop3A_376 : i32
      %parallel_loop3A_394 = arith.index_cast %parallel_loop3A_393 : i32 to index
      %parallel_loop3A_395 = tpu.vector_load %arg6[%parallel_loop3A_394] {strides = array<i32>} : memref<65536xf32, #tpu.memory_space<vmem>>, vector<16xf32>,
      tpu.vector_store %arg6[%parallel_loop3A_394], %broadcast_in_dim3A_1 {strides = array<i32>} : memref<65536xf32, #tpu.memory_space<vmem>>, vector<16xf32>,
      %parallel_loop3A_396 = arith.constant 32 : i32
      %parallel_loop3A_397 = arith.addi %parallel_loop3A_353, %parallel_loop3A_396 : i32
      %parallel_loop3A_398 = arith.constant 49152 : i32
      %parallel_loop3A_399 = arith.addi %parallel_loop3A_398, %parallel_loop3A_397 : i32
      %parallel_loop3A_400 = arith.index_cast %parallel_loop3A_399 : i32 to index
      %parallel_loop3A_401 = tpu.vector_load %arg6[%parallel_loop3A_400] {strides = array<i32>} : memref<65536xf32, #tpu.memory_space<vmem>>, vector<16xf32>,
      %parallel_loop3A_402 = arith.index_cast %parallel_loop3A_397 : i32 to index
      %parallel_loop3A_403 = tpu.vector_load %arg8[%parallel_loop3A_402] {strides = array<i32>} : memref<8192xf32, #tpu.memory_space<vmem>>, vector<16xf32>,
      %parallel_loop3A_404 = arith.subf %parallel_loop3A_401, %parallel_loop3A_403 : vector<16xf32>
      %parallel_loop3A_405 = math.absf %parallel_loop3A_404 : vector<16xf32>
      %parallel_loop3A_406 = arith.constant 2.000000e-01 : f32
      %parallel_loop3A_407 = vector.broadcast %parallel_loop3A_406 : f32 to vector<16xf32>
      %parallel_loop3A_408 = arith.cmpf olt, %parallel_loop3A_405, %parallel_loop3A_407 : vector<16xf32>
      %parallel_loop3A_409 = arith.constant 0.000000e+00 : f32
      %parallel_loop3A_410 = vector.broadcast %parallel_loop3A_409 : f32 to vector<16xf32>
      %parallel_loop3A_411 = arith.select %parallel_loop3A_408, %parallel_loop3A_405, %parallel_loop3A_410 : vector<16xi1>, vector<16xf32>
      %parallel_loop3A_412 = arith.addf %parallel_loop3A_350, %parallel_loop3A_411 : vector<16xf32>
      %parallel_loop3A_413 = arith.constant 49152 : i32
      %parallel_loop3A_414 = arith.addi %parallel_loop3A_413, %parallel_loop3A_397 : i32
      %parallel_loop3A_415 = arith.index_cast %parallel_loop3A_414 : i32 to index
      %parallel_loop3A_416 = tpu.vector_load %arg6[%parallel_loop3A_415] {strides = array<i32>} : memref<65536xf32, #tpu.memory_space<vmem>>, vector<16xf32>,
      tpu.vector_store %arg6[%parallel_loop3A_415], %broadcast_in_dim3A_1 {strides = array<i32>} : memref<65536xf32, #tpu.memory_space<vmem>>, vector<16xf32>,
      %parallel_loop3A_417 = arith.constant 48 : i32
      %parallel_loop3A_418 = arith.addi %parallel_loop3A_353, %parallel_loop3A_417 : i32
      %parallel_loop3A_419 = arith.constant 49152 : i32
      %parallel_loop3A_420 = arith.addi %parallel_loop3A_419, %parallel_loop3A_418 : i32
      %parallel_loop3A_421 = arith.index_cast %parallel_loop3A_420 : i32 to index
      %parallel_loop3A_422 = tpu.vector_load %arg6[%parallel_loop3A_421] {strides = array<i32>} : memref<65536xf32, #tpu.memory_space<vmem>>, vector<16xf32>,
      %parallel_loop3A_423 = arith.index_cast %parallel_loop3A_418 : i32 to index
      %parallel_loop3A_424 = tpu.vector_load %arg8[%parallel_loop3A_423] {strides = array<i32>} : memref<8192xf32, #tpu.memory_space<vmem>>, vector<16xf32>,
      %parallel_loop3A_425 = arith.subf %parallel_loop3A_422, %parallel_loop3A_424 : vector<16xf32>
      %parallel_loop3A_426 = math.absf %parallel_loop3A_425 : vector<16xf32>
      %parallel_loop3A_427 = arith.constant 2.000000e-01 : f32
      %parallel_loop3A_428 = vector.broadcast %parallel_loop3A_427 : f32 to vector<16xf32>
      %parallel_loop3A_429 = arith.cmpf olt, %parallel_loop3A_426, %parallel_loop3A_428 : vector<16xf32>
      %parallel_loop3A_430 = arith.constant 0.000000e+00 : f32
      %parallel_loop3A_431 = vector.broadcast %parallel_loop3A_430 : f32 to vector<16xf32>
      %parallel_loop3A_432 = arith.select %parallel_loop3A_429, %parallel_loop3A_426, %parallel_loop3A_431 : vector<16xi1>, vector<16xf32>
      %parallel_loop3A_433 = arith.addf %parallel_loop3A_351, %parallel_loop3A_432 : vector<16xf32>
      %parallel_loop3A_434 = arith.constant 49152 : i32
      %parallel_loop3A_435 = arith.addi %parallel_loop3A_434, %parallel_loop3A_418 : i32
      %parallel_loop3A_436 = arith.index_cast %parallel_loop3A_435 : i32 to index
      %parallel_loop3A_437 = tpu.vector_load %arg6[%parallel_loop3A_436] {strides = array<i32>} : memref<65536xf32, #tpu.memory_space<vmem>>, vector<16xf32>,
      tpu.vector_store %arg6[%parallel_loop3A_436], %broadcast_in_dim3A_1 {strides = array<i32>} : memref<65536xf32, #tpu.memory_space<vmem>>, vector<16xf32>,
      scf.yield %parallel_loop3A_370, %parallel_loop3A_391, %parallel_loop3A_412, %parallel_loop3A_433 : vector<16xf32>, vector<16xf32>, vector<16xf32>, vector<16xf32>
    } {sc.loop_unroll_factor = 4 : i64, sc.parallel_access}
    %dma_wait3A_332 = arith.constant 7 : i32
    %dma_wait3A_333 = arith.constant 0 : i32
    %dma_wait3A_334 = tpu.memref_slice %arg2[%add3A_192, %dma_wait3A_332, %dma_wait3A_333] : memref<64x8x8192xf32, #tpu.memory_space<hbm>> -> memref<1x1x8192xf32, #tpu.memory_space<hbm>>
    %dma_wait3A_335 = tpu.memref_squeeze %dma_wait3A_334 : memref<1x1x8192xf32, #tpu.memory_space<hbm>> -> memref<8192xf32, #tpu.memory_space<hbm>>
    %dma_wait3A_336 = arith.constant 0 : i32
    %dma_wait3A_337 = tpu.memref_slice %arg2[%add3A_192, %dma_wait3A_332, %dma_wait3A_336] : memref<64x8x8192xf32, #tpu.memory_space<hbm>> -> memref<1x1x8192xf32, #tpu.memory_space<hbm>>
    %dma_wait3A_338 = tpu.memref_squeeze %dma_wait3A_337 : memref<1x1x8192xf32, #tpu.memory_space<hbm>> -> memref<8192xf32, #tpu.memory_space<hbm>>
    tpu.wait_dma2 semaphore(%arg14 : memref<!tpu.dma_semaphore, #tpu.memory_space<semaphore_mem>>) src(%dma_wait3A_338 : memref<8192xf32, #tpu.memory_space<hbm>>) dst(%arg9 : memref<8192xf32, #tpu.memory_space<vmem>>)
    %parallel_loop3A_339 = arith.constant 0 : i32
    %parallel_loop3A_340 = arith.constant 128 : i32
    %parallel_loop3A_341 = arith.constant 1 : i32
    %parallel_loop3A_342:4 = scf.for %parallel_loop3A_347 = %parallel_loop3A_339 to %parallel_loop3A_340 step %parallel_loop3A_341 iter_args(%parallel_loop3A_348 = %parallel_loop3A_331#0, %parallel_loop3A_349 = %parallel_loop3A_331#1, %parallel_loop3A_350 = %parallel_loop3A_331#2, %parallel_loop3A_351 = %parallel_loop3A_331#3) -> (vector<16xf32>, vector<16xf32>, vector<16xf32>, vector<16xf32>)  : i32 {
      %parallel_loop3A_352 = arith.constant 64 : i32
      %parallel_loop3A_353 = arith.muli %parallel_loop3A_347, %parallel_loop3A_352 : i32
      %parallel_loop3A_354 = arith.constant 0 : i32
      %parallel_loop3A_355 = arith.addi %parallel_loop3A_353, %parallel_loop3A_354 : i32
      %parallel_loop3A_356 = arith.constant 57344 : i32
      %parallel_loop3A_357 = arith.addi %parallel_loop3A_356, %parallel_loop3A_355 : i32
      %parallel_loop3A_358 = arith.index_cast %parallel_loop3A_357 : i32 to index
      %parallel_loop3A_359 = tpu.vector_load %arg6[%parallel_loop3A_358] {strides = array<i32>} : memref<65536xf32, #tpu.memory_space<vmem>>, vector<16xf32>,
      %parallel_loop3A_360 = arith.index_cast %parallel_loop3A_355 : i32 to index
      %parallel_loop3A_361 = tpu.vector_load %arg9[%parallel_loop3A_360] {strides = array<i32>} : memref<8192xf32, #tpu.memory_space<vmem>>, vector<16xf32>,
      %parallel_loop3A_362 = arith.subf %parallel_loop3A_359, %parallel_loop3A_361 : vector<16xf32>
      %parallel_loop3A_363 = math.absf %parallel_loop3A_362 : vector<16xf32>
      %parallel_loop3A_364 = arith.constant 2.000000e-01 : f32
      %parallel_loop3A_365 = vector.broadcast %parallel_loop3A_364 : f32 to vector<16xf32>
      %parallel_loop3A_366 = arith.cmpf olt, %parallel_loop3A_363, %parallel_loop3A_365 : vector<16xf32>
      %parallel_loop3A_367 = arith.constant 0.000000e+00 : f32
      %parallel_loop3A_368 = vector.broadcast %parallel_loop3A_367 : f32 to vector<16xf32>
      %parallel_loop3A_369 = arith.select %parallel_loop3A_366, %parallel_loop3A_363, %parallel_loop3A_368 : vector<16xi1>, vector<16xf32>
      %parallel_loop3A_370 = arith.addf %parallel_loop3A_348, %parallel_loop3A_369 : vector<16xf32>
      %parallel_loop3A_371 = arith.constant 57344 : i32
      %parallel_loop3A_372 = arith.addi %parallel_loop3A_371, %parallel_loop3A_355 : i32
      %parallel_loop3A_373 = arith.index_cast %parallel_loop3A_372 : i32 to index
      %parallel_loop3A_374 = tpu.vector_load %arg6[%parallel_loop3A_373] {strides = array<i32>} : memref<65536xf32, #tpu.memory_space<vmem>>, vector<16xf32>,
      tpu.vector_store %arg6[%parallel_loop3A_373], %broadcast_in_dim3A_1 {strides = array<i32>} : memref<65536xf32, #tpu.memory_space<vmem>>, vector<16xf32>,
      %parallel_loop3A_375 = arith.constant 16 : i32
      %parallel_loop3A_376 = arith.addi %parallel_loop3A_353, %parallel_loop3A_375 : i32
      %parallel_loop3A_377 = arith.constant 57344 : i32
      %parallel_loop3A_378 = arith.addi %parallel_loop3A_377, %parallel_loop3A_376 : i32
      %parallel_loop3A_379 = arith.index_cast %parallel_loop3A_378 : i32 to index
      %parallel_loop3A_380 = tpu.vector_load %arg6[%parallel_loop3A_379] {strides = array<i32>} : memref<65536xf32, #tpu.memory_space<vmem>>, vector<16xf32>,
      %parallel_loop3A_381 = arith.index_cast %parallel_loop3A_376 : i32 to index
      %parallel_loop3A_382 = tpu.vector_load %arg9[%parallel_loop3A_381] {strides = array<i32>} : memref<8192xf32, #tpu.memory_space<vmem>>, vector<16xf32>,
      %parallel_loop3A_383 = arith.subf %parallel_loop3A_380, %parallel_loop3A_382 : vector<16xf32>
      %parallel_loop3A_384 = math.absf %parallel_loop3A_383 : vector<16xf32>
      %parallel_loop3A_385 = arith.constant 2.000000e-01 : f32
      %parallel_loop3A_386 = vector.broadcast %parallel_loop3A_385 : f32 to vector<16xf32>
      %parallel_loop3A_387 = arith.cmpf olt, %parallel_loop3A_384, %parallel_loop3A_386 : vector<16xf32>
      %parallel_loop3A_388 = arith.constant 0.000000e+00 : f32
      %parallel_loop3A_389 = vector.broadcast %parallel_loop3A_388 : f32 to vector<16xf32>
      %parallel_loop3A_390 = arith.select %parallel_loop3A_387, %parallel_loop3A_384, %parallel_loop3A_389 : vector<16xi1>, vector<16xf32>
      %parallel_loop3A_391 = arith.addf %parallel_loop3A_349, %parallel_loop3A_390 : vector<16xf32>
      %parallel_loop3A_392 = arith.constant 57344 : i32
      %parallel_loop3A_393 = arith.addi %parallel_loop3A_392, %parallel_loop3A_376 : i32
      %parallel_loop3A_394 = arith.index_cast %parallel_loop3A_393 : i32 to index
      %parallel_loop3A_395 = tpu.vector_load %arg6[%parallel_loop3A_394] {strides = array<i32>} : memref<65536xf32, #tpu.memory_space<vmem>>, vector<16xf32>,
      tpu.vector_store %arg6[%parallel_loop3A_394], %broadcast_in_dim3A_1 {strides = array<i32>} : memref<65536xf32, #tpu.memory_space<vmem>>, vector<16xf32>,
      %parallel_loop3A_396 = arith.constant 32 : i32
      %parallel_loop3A_397 = arith.addi %parallel_loop3A_353, %parallel_loop3A_396 : i32
      %parallel_loop3A_398 = arith.constant 57344 : i32
      %parallel_loop3A_399 = arith.addi %parallel_loop3A_398, %parallel_loop3A_397 : i32
      %parallel_loop3A_400 = arith.index_cast %parallel_loop3A_399 : i32 to index
      %parallel_loop3A_401 = tpu.vector_load %arg6[%parallel_loop3A_400] {strides = array<i32>} : memref<65536xf32, #tpu.memory_space<vmem>>, vector<16xf32>,
      %parallel_loop3A_402 = arith.index_cast %parallel_loop3A_397 : i32 to index
      %parallel_loop3A_403 = tpu.vector_load %arg9[%parallel_loop3A_402] {strides = array<i32>} : memref<8192xf32, #tpu.memory_space<vmem>>, vector<16xf32>,
      %parallel_loop3A_404 = arith.subf %parallel_loop3A_401, %parallel_loop3A_403 : vector<16xf32>
      %parallel_loop3A_405 = math.absf %parallel_loop3A_404 : vector<16xf32>
      %parallel_loop3A_406 = arith.constant 2.000000e-01 : f32
      %parallel_loop3A_407 = vector.broadcast %parallel_loop3A_406 : f32 to vector<16xf32>
      %parallel_loop3A_408 = arith.cmpf olt, %parallel_loop3A_405, %parallel_loop3A_407 : vector<16xf32>
      %parallel_loop3A_409 = arith.constant 0.000000e+00 : f32
      %parallel_loop3A_410 = vector.broadcast %parallel_loop3A_409 : f32 to vector<16xf32>
      %parallel_loop3A_411 = arith.select %parallel_loop3A_408, %parallel_loop3A_405, %parallel_loop3A_410 : vector<16xi1>, vector<16xf32>
      %parallel_loop3A_412 = arith.addf %parallel_loop3A_350, %parallel_loop3A_411 : vector<16xf32>
      %parallel_loop3A_413 = arith.constant 57344 : i32
      %parallel_loop3A_414 = arith.addi %parallel_loop3A_413, %parallel_loop3A_397 : i32
      %parallel_loop3A_415 = arith.index_cast %parallel_loop3A_414 : i32 to index
      %parallel_loop3A_416 = tpu.vector_load %arg6[%parallel_loop3A_415] {strides = array<i32>} : memref<65536xf32, #tpu.memory_space<vmem>>, vector<16xf32>,
      tpu.vector_store %arg6[%parallel_loop3A_415], %broadcast_in_dim3A_1 {strides = array<i32>} : memref<65536xf32, #tpu.memory_space<vmem>>, vector<16xf32>,
      %parallel_loop3A_417 = arith.constant 48 : i32
      %parallel_loop3A_418 = arith.addi %parallel_loop3A_353, %parallel_loop3A_417 : i32
      %parallel_loop3A_419 = arith.constant 57344 : i32
      %parallel_loop3A_420 = arith.addi %parallel_loop3A_419, %parallel_loop3A_418 : i32
      %parallel_loop3A_421 = arith.index_cast %parallel_loop3A_420 : i32 to index
      %parallel_loop3A_422 = tpu.vector_load %arg6[%parallel_loop3A_421] {strides = array<i32>} : memref<65536xf32, #tpu.memory_space<vmem>>, vector<16xf32>,
      %parallel_loop3A_423 = arith.index_cast %parallel_loop3A_418 : i32 to index
      %parallel_loop3A_424 = tpu.vector_load %arg9[%parallel_loop3A_423] {strides = array<i32>} : memref<8192xf32, #tpu.memory_space<vmem>>, vector<16xf32>,
      %parallel_loop3A_425 = arith.subf %parallel_loop3A_422, %parallel_loop3A_424 : vector<16xf32>
      %parallel_loop3A_426 = math.absf %parallel_loop3A_425 : vector<16xf32>
      %parallel_loop3A_427 = arith.constant 2.000000e-01 : f32
      %parallel_loop3A_428 = vector.broadcast %parallel_loop3A_427 : f32 to vector<16xf32>
      %parallel_loop3A_429 = arith.cmpf olt, %parallel_loop3A_426, %parallel_loop3A_428 : vector<16xf32>
      %parallel_loop3A_430 = arith.constant 0.000000e+00 : f32
      %parallel_loop3A_431 = vector.broadcast %parallel_loop3A_430 : f32 to vector<16xf32>
      %parallel_loop3A_432 = arith.select %parallel_loop3A_429, %parallel_loop3A_426, %parallel_loop3A_431 : vector<16xi1>, vector<16xf32>
      %parallel_loop3A_433 = arith.addf %parallel_loop3A_351, %parallel_loop3A_432 : vector<16xf32>
      %parallel_loop3A_434 = arith.constant 57344 : i32
      %parallel_loop3A_435 = arith.addi %parallel_loop3A_434, %parallel_loop3A_418 : i32
      %parallel_loop3A_436 = arith.index_cast %parallel_loop3A_435 : i32 to index
      %parallel_loop3A_437 = tpu.vector_load %arg6[%parallel_loop3A_436] {strides = array<i32>} : memref<65536xf32, #tpu.memory_space<vmem>>, vector<16xf32>,
      tpu.vector_store %arg6[%parallel_loop3A_436], %broadcast_in_dim3A_1 {strides = array<i32>} : memref<65536xf32, #tpu.memory_space<vmem>>, vector<16xf32>,
      scf.yield %parallel_loop3A_370, %parallel_loop3A_391, %parallel_loop3A_412, %parallel_loop3A_433 : vector<16xf32>, vector<16xf32>, vector<16xf32>, vector<16xf32>
    } {sc.loop_unroll_factor = 4 : i64, sc.parallel_access}
    %add3A_343 = arith.addf %parallel_loop3A_342#0, %parallel_loop3A_342#1 : vector<16xf32>
    %add3A_344 = arith.addf %parallel_loop3A_342#2, %parallel_loop3A_342#3 : vector<16xf32>
    %add3A_345 = arith.addf %add3A_343, %add3A_344 : vector<16xf32>
    %swap3A = arith.constant 0 : index
    %swap3A_346 = tpu.vector_load %arg12[%swap3A] {strides = array<i32>} : memref<16xf32, #tpu.memory_space<vmem>>, vector<16xf32>,
    tpu.vector_store %arg12[%swap3A], %add3A_345 {strides = array<i32>} : memref<16xf32, #tpu.memory_space<vmem>>, vector<16xf32>,
    "tpu.region"() ({
      %run_scoped3A = tpu.sem_alloc : memref<!tpu.dma_semaphore, #tpu.memory_space<semaphore_mem>>
      %dma_start3A_347 = arith.constant 0 : i32
      %dma_start3A_348 = tpu.memref_slice %arg5[%add3A, %dma_start3A_347] : memref<32x16xf32, #tpu.memory_space<hbm>> -> memref<1x16xf32, #tpu.memory_space<hbm>>
      %dma_start3A_349 = tpu.memref_squeeze %dma_start3A_348 : memref<1x16xf32, #tpu.memory_space<hbm>> -> memref<16xf32, #tpu.memory_space<hbm>>
      %dma_start3A_350 = arith.constant 0 : i32
      %dma_start3A_351 = tpu.memref_slice %arg5[%add3A, %dma_start3A_350] : memref<32x16xf32, #tpu.memory_space<hbm>> -> memref<1x16xf32, #tpu.memory_space<hbm>>
      %dma_start3A_352 = tpu.memref_squeeze %dma_start3A_351 : memref<1x16xf32, #tpu.memory_space<hbm>> -> memref<16xf32, #tpu.memory_space<hbm>>
      tpu.enqueue_dma source(%arg12 : memref<16xf32, #tpu.memory_space<vmem>>) target(%dma_start3A_352 : memref<16xf32, #tpu.memory_space<hbm>>) target_semaphore(%run_scoped3A : memref<!tpu.dma_semaphore, #tpu.memory_space<semaphore_mem>>)
      %dma_wait3A_353 = arith.constant 0 : i32
      %dma_wait3A_354 = tpu.memref_slice %arg5[%add3A, %dma_wait3A_353] : memref<32x16xf32, #tpu.memory_space<hbm>> -> memref<1x16xf32, #tpu.memory_space<hbm>>
      %dma_wait3A_355 = tpu.memref_squeeze %dma_wait3A_354 : memref<1x16xf32, #tpu.memory_space<hbm>> -> memref<16xf32, #tpu.memory_space<hbm>>
      %dma_wait3A_356 = arith.constant 0 : i32
      %dma_wait3A_357 = tpu.memref_slice %arg5[%add3A, %dma_wait3A_356] : memref<32x16xf32, #tpu.memory_space<hbm>> -> memref<1x16xf32, #tpu.memory_space<hbm>>
      %dma_wait3A_358 = tpu.memref_squeeze %dma_wait3A_357 : memref<1x16xf32, #tpu.memory_space<hbm>> -> memref<16xf32, #tpu.memory_space<hbm>>
      tpu.wait_dma2 semaphore(%run_scoped3A : memref<!tpu.dma_semaphore, #tpu.memory_space<semaphore_mem>>) src(%arg12 : memref<16xf32, #tpu.memory_space<vmem>>) dst(%dma_wait3A_358 : memref<16xf32, #tpu.memory_space<hbm>>)
      tpu.yield
    }) : () -> ()
    return
  }
}

</mosaic_0001>

<sc_bundles>
// kernel: kernel.3.cloned.1.call-start
scs
__scs_entry_jumppad:
0x0: {  	(pc) =	sbr.rel $0x88, $3  }
0x1: {  	(tag) =	ssettag $0x0;
	lr =	simm.s32 $0x1  }
0x2: {  	[smem:$0x3F9F] =	sst lr;
	_ =	strace $0xD0000000  }
0x3: {  	_ = 	snop  }
0x4: {  	_ = 	snop  }
0x5: {  	_ = 	snop  }
0x6: {  	_ = 	snop  }
0x7: {  	_ = 	snop  }
__scs_overlays_trampoline_lowered:
0x8: {  	[smem:$0x3FAE] =	sst s0  }
0x9: {  	[smem:$0x3FAF] =	sst s1  }
0xa: {  	[smem:$0x3FB0] =	sst s2  }
0xb: {  	[smem:$0x3FB1] =	sst s3  }
0xc: {  	[smem:$0x3FB2] =	sst s4  }
0xd: {  	[smem:$0x3FB3] =	sst s5  }
0xe: {  	[smem:$0x3FB4] =	sst s6  }
0xf: {  	[smem:$0x3FB5] =	sst s7  }
0x10: {  	[smem:$0x3FB6] =	sst s8  }
0x11: {  	[smem:$0x3FB7] =	sst s9;
	s0 =	simm.s32 @!p0 $0x0  }
0x12: {  	s1 =	sld [smem:$0x3F9D];
	s0 =	simm.s32 @p0 $0x1  }
0x13: {  	[smem:$0x3FB8] =	sst s0;
	s0 =	simm.s32 @!p1 $0x0  }
0x14: {  	s2 =	sld [smem:$0x3F9C];
	s0 =	simm.s32 @p1 $0x1  }
0x15: {  	[smem:$0x3FB9] =	sst s0;
	s0 =	simm.s32 @!p2 $0x0  }
0x16: {  	s3 =	sld [smem:$0x3FDB];
	s0 =	simm.s32 @p2 $0x1  }
0x17: {  	s4 =	simm.s32 $0x1BF5;
	[smem:$0x3FBB] =	sst s0  }
0x18: {  	s0 =	sld [smem:$0x3F9E];
	_ =	swait.ge [sflag:s4], $0x0  }
0x19: {  	s7 =	sld [smem:$0x3F9F]  }
0x1a: {  	s8 =	sadd.s32 $0xFFFFE003, lr  }
0x1b: {  	s9 =	sadd.s32 $0xFFFFFEF7, lr;
	s5 =	simm.s32 $0xFFFFFFFF;
	p2 =	slt.u32 s8, $0xFFFFF086  }
0x1c: {  	p1 =	slt.u32 s9, $0xF7A;
	s5 =	simm.s32 @!p2 $0x0  }
0x1d: {  	s5 =	simm.s32 @p1 $0x1;
	p0 =	seq.s32 s7, s2  }
0x1e: {  	s7 =	smul.u32 @!p0 $0xF7A, s2;
	p2 =	seq.s32 @!p0 s5, $0x0  }
0x1f: {  	s9 =	smul.u32 $0xF7A, s1;
	s8 =	simm.s32 @!p0 $0x1BF5;
	p2 =	por !p2, p0  }
0x20: {  	[sflag:s8] =	ssyncset.s32 @!p0 $0xFFFFF086;
	s6 =	sadd.s32 @!p0 s3, s7;
	s7 =	simm.s32 @!p0 $0x108  }
0x21: {  	s3 =	sadd.s32 s3, s9;
	s6 =	sadd.s32 @!p0 $0x88, s6;
	s7 =	simm.s32 @p2 $0x1082  }
0x22: {  	[simem:s7], [sflag:s8] =	dma.local @!p0 [hbm:s6], $0xF7A  }
0x23: {  	s9 =	sor.u32 $0xD0000000, s2;
	s6 =	simm.s32 $0x108;
	_ =	swait.ge @!p0 [sflag:s8], $0x0  }
0x24: {  	s3 =	sadd.s32 $0x88, s3;
	s6 =	simm.s32 @!p1 $0x1082;
	[sflag:s4] =	ssyncset.s32 $0xFFFFF086  }
0x25: {  	[simem:s6], [sflag:s4] =	dma.local [hbm:s3], $0xF7A  }
0x26: {  	[smem:$0x3F9F] =	sst s1;
	(tag) =	ssettag s2;
	_ =	strace s9  }
0x27: {  	s1 =	sld [smem:$0x3FAF]  }
0x28: {  	s2 =	sld [smem:$0x3FB0]  }
0x29: {  	s4 =	sld [smem:$0x3FB2]  }
0x2a: {  	p0 =	seq.s32 s5, $0x0;
	s5 =	sld [smem:$0x3FB3]  }
0x2b: {  	s6 =	sld [smem:$0x3FB4]  }
0x2c: {  	s7 =	sld [smem:$0x3FB5]  }
0x2d: {  	s3 =	simm.s32 $0x108;
	s8 =	sld [smem:$0x3FB6]  }
0x2e: {  	s3 =	simm.s32 @!p0 $0x1082;
	s9 =	sld [smem:$0x3FB7]  }
0x2f: {  	lr =	sadd.s32 s0, s3;
	s0 =	sld [smem:$0x3FAE]  }
0x30: {  	s3 =	sld [smem:$0x3FB1]  }
0x31: {  	[smem:$0x3FBA] =	sst s10  }
0x32: {  	s10 =	sld [smem:$0x3FB8];
	_ =	sdelay $0x3  }
0x33: {  	p0 =	seq.s32 s10, $0x1;
	s10 =	sld [smem:$0x3FBA];
	_ =	sdelay $0x3  }
0x34: {  	[smem:$0x3FBA] =	sst s10  }
0x35: {  	s10 =	sld [smem:$0x3FB9];
	_ =	sdelay $0x3  }
0x36: {  	p1 =	seq.s32 s10, $0x1;
	s10 =	sld [smem:$0x3FBA];
	_ =	sdelay $0x3  }
0x37: {  	[smem:$0x3FBA] =	sst s10  }
0x38: {  	s10 =	sld [smem:$0x3FBB]  }
0x39: {  	_ = 	snop;
	(pc) =	sbr.ind lr, $3  }
0x3a: {  	_ = 	snop  }
0x3b: {  	_ = 	snop  }
0x3c: {  	p2 =	seq.s32 s10, $0x1;
	s10 =	sld [smem:$0x3FBA]  }
0x3d: {  	_ =	shalt  }
0x3e: {  	_ =	shalt  }
0x3f: {  	_ =	shalt  }
0x40: {  	_ =	shalt  }
0x41: {  	_ =	shalt  }
0x42: {  	_ =	shalt  }
0x43: {  	_ =	shalt  }
0x44: {  	_ =	shalt  }
0x45: {  	_ =	shalt  }
0x46: {  	_ =	shalt  }
0x47: {  	_ =	shalt  }
0x48: {  	_ =	shalt  }
0x49: {  	_ =	shalt  }
0x4a: {  	_ =	shalt  }
0x4b: {  	_ =	shalt  }
0x4c: {  	_ =	shalt  }
0x4d: {  	_ =	shalt  }
0x4e: {  	_ =	shalt  }
0x4f: {  	_ =	shalt  }
0x50: {  	_ =	shalt  }
0x51: {  	_ =	shalt  }
0x52: {  	_ =	shalt  }
0x53: {  	_ =	shalt  }
0x54: {  	_ =	shalt  }
0x55: {  	_ =	shalt  }
0x56: {  	_ =	shalt  }
0x57: {  	_ =	shalt  }
0x58: {  	_ =	shalt  }
0x59: {  	_ =	shalt  }
0x5a: {  	_ =	shalt  }
0x5b: {  	_ =	shalt  }
0x5c: {  	_ =	shalt  }
0x5d: {  	_ =	shalt  }
0x5e: {  	_ =	shalt  }
0x5f: {  	_ =	shalt  }
0x60: {  	_ =	shalt  }
0x61: {  	_ =	shalt  }
0x62: {  	_ =	shalt  }
0x63: {  	_ =	shalt  }
0x64: {  	_ =	shalt  }
0x65: {  	_ =	shalt  }
0x66: {  	_ =	shalt  }
0x67: {  	_ =	shalt  }
0x68: {  	_ =	shalt  }
0x69: {  	_ =	shalt  }
0x6a: {  	_ =	shalt  }
0x6b: {  	_ =	shalt  }
0x6c: {  	_ =	shalt  }
0x6d: {  	_ =	shalt  }
0x6e: {  	_ =	shalt  }
0x6f: {  	_ =	shalt  }
0x70: {  	_ =	shalt  }
0x71: {  	_ =	shalt  }
0x72: {  	_ =	shalt  }
0x73: {  	_ =	shalt  }
0x74: {  	_ =	shalt  }
0x75: {  	_ =	shalt  }
0x76: {  	_ =	shalt  }
0x77: {  	_ =	shalt  }
0x78: {  	_ =	shalt  }
0x79: {  	_ =	shalt  }
0x7a: {  	_ =	shalt  }
0x7b: {  	_ =	shalt  }
0x7c: {  	_ =	shalt  }
0x7d: {  	_ =	shalt  }
0x7e: {  	_ =	shalt  }
0x7f: {  	_ =	shalt  }
0x80: {  	_ =	shalt  }
0x81: {  	_ =	shalt  }
0x82: {  	_ =	shalt  }
0x83: {  	_ =	shalt  }
0x84: {  	_ =	shalt  }
0x85: {  	_ =	shalt  }
0x86: {  	_ =	shalt  }
0x87: {  	_ =	shalt  }
.Lfunc_end0:
.L_simem_size_0:
called_computation_lowered:
.L_overlay_start_0:
0x88: {  	s2 =	sld [smem:$0x3FD9]  }
0x89: {  	s3 =	sld [smem:$0x3FFE];
	_ =	sdelay $0x1  }
0x8a: {  	s1 =	srdreg.scid  }
0x8b: {  	s0 =	sand.u32 $0x1, s1  }
0x8c: {  	s17 =	sshll.u32 s0, $0xA;
	s2 =	sadd.s32 s3, s2  }
0x8d: {  	s2 =	sadd.s32 s2, s17  }
0x8e: {  	[smem:$0x3FC6] =	sst s2  }
0x8f: {  	_ = 	snop  }
0x90: {  	s2 =	sld [smem:$0x3FC8]  }
0x91: {  	s18 =	sld [smem:$0x3FD0];
	(tm) =	ssettm $0x1  }
0x92: {  	s4 =	sld [smem:$0x3FFB];
	_ =	sdelay $0x3  }
0x93: {  	_ =	strace s4  }
0x94: {  	s4 =	sld [smem:$0x3FFC];
	_ =	sdelay $0x3  }
0x95: {  	_ =	strace s4  }
0x96: {  	s4 =	sld [smem:$0x3FFD];
	_ =	sdelay $0x3  }
0x97: {  	_ =	strace s4  }
0x98: {  	_ =	strace $0x8FFFFFFF  }
0x99: {  	s19 =	sld [smem:$0x3FDB];
	_ =	sdelay $0x1  }
0x9a: {  	s5 =	simm.s32 $_scs_section_size  }
0x9b: {  	s6 =	simm.s32 $_size__tile_overlayer_lowered;
	s7 =	simm.s32 $_tile_overlayer_lowered  }
0x9c: {  	s22 =	simm.s32 $0x1BFF;
	s21 =	sshll.u32 s7, $0x1;
	s4 =	sadd.s32 s5, s19  }
0x9d: {  	s8 =	simm.s32 $0x0;
	s20 =	sshll.u32 s6, $0x1;
	s6 =	sadd.s32 s21, s4  }
0x9e: {  	[timem:s8], [sflag:s22] =	dma.local [hbm:s6], s20  }
0x9f: {  	_ =	swait.ge [sflag:s22], s20  }
0xa0: {  	s5 =	ssub.s32 $0x0, s20;
	[sflag:s22] =	ssyncset.done $0x0  }
0xa1: {  	[sflag:s22] =	ssyncadd.s32 s5;
	_ =	sdelay $0x1  }
0xa2: {  	s23 =	simm.s32 $0x1B8B  }
0xa3: {  	_ =	swait.ge [sflag:s23], $0x1  }
0xa4: {  	[sflag:s23] =	ssyncset.done $0x0  }
0xa5: {  	s25 =	simm.s32 $0x1B8E;
	s24 =	sld [smem:$0x3FFE];
	[sflag:s23] =	ssyncadd.s32 $0xFFFFFFFF  }
0xa6: {  	s26 =	simm.s32 $execute0_lowered;
	[smem:$0x3FD2] =	sst s25  }
0xa7: {  	s6 =	sshll.u32 s26, $0x1;
	_ =	strace $0x80000046;
	[dreg:$0x1] =	wrdreg $0xFFFFFFFF  }
0xa8: {  	s28 =	simm.s32 $_size_execute0_lowered;
	s4 =	sadd.s32 s4, s6;
	[dreg:$0x0] =	wrdreg $0x0  }
0xa9: {  	s6 =	sshll.u32 s28, $0x1;
	[dreg:$0x2] =	wrdreg s4  }
0xaa: {  	[dreg:$0x3] =	wrdreg s6  }
0xab: {  	[dreg:$0x4] =	wrdreg $0xC0  }
0xac: {  	_ =	task [dreg:s8], $0x5FFFF  }
0xad: {  	[dreg:$0x1] =	wrdreg $0xFFFFFFFF  }
0xae: {  	[dreg:$0x0] =	wrdreg $0x60  }
0xaf: {  	[dreg:$0x2] =	wrdreg s24  }
0xb0: {  	[dreg:$0x3] =	wrdreg s2  }
0xb1: {  	[dreg:$0x4] =	wrdreg s18  }
0xb2: {  	[dreg:$0x5] =	wrdreg $0x9  }
0xb3: {  	_ =	task.clear_ibuf [dreg:s8], $0x6FFFF;
	_ =	strace $0x90000046  }
0xb4: {  	s29 =	simm.s32 $0x9;
	_ =	strace $0x80000048  }
0xb5: {  	_ =	swait.ge [sflag:s29], $0x1  }
0xb6: {  	[sflag:s29] =	ssyncadd.s32 $0xFFFFFFFF  }
0xb7: {  	_ =	strace $0x90000048  }
0xb8: {  	_ =	sfence  }
0xb9: {  	s30 =	sld [smem:$0x0];
	_ =	sdelay $0x2  }
0xba: {  	s31 =	sshll.u32 s1, $0xD;
	s1 =	sshrl.u32 s1, $0x2  }
0xbb: {  	s3 =	sand.u32 $0x4000, s31;
	s1 =	sadd.s32 s1, s30  }
0xbc: {  	s0 =	sor.u32 s3, s0;
	s1 =	sshll.u32 s1, $0x11  }
0xbd: {  	s0 =	sor.u32 s1, s0  }
0xbe: {  	s0 =	sadd.s32 $0x8F2B, s0  }
0xbf: {  	[sflag:s0] =	ssyncadd.remote.s32 $0x1  }
0xc0: {  	_ =	sfence.sel $0xFFFF  }
0xc1: {  	[dreg:$0x0] =	wrdreg $0xFFFFFFFF;
	(pc) =	sbr.abs _section_cstart, $3  }
0xc2: {  	[dreg:$0x1] =	wrdreg $0xFFFFFFFF  }
0xc3: {  	_ =	task.clear_ibuf [dreg:s8], $0x2FFFF;
	_ =	strace $0x9FFFFFFF  }
0xc4: {  	(tm) =	ssettm $0x7FFFFFFF  }
0xc5: {  	_ =	shalt  }
tec
execute0_lowered:
.L_overlay_start_1:
0x0: {  	(tag) =	ssettag $0x1  }
0x1: {  	s0 =	rddreg [dreg:$0x0]  }
0x2: {  	s1 =	rddreg [dreg:$0x1]  }
0x3: {  	s2 =	srdreg.scid;
	s4 =	stileid.u32  }
0x4: {  	s3 =	simm.s32 $0x0;
	s10 =	simm.s32 $0x800;
	s29 =	simm.s32 $0x10000  }
0x5: {  	s30 =	simm.s32 $0x4;
	s31 =	simm.s32 $0x80;
	s28 =	simm.s32 $0x1  }
0x6: {  	s2 =	sand.u32 $0x1, s2;
	s4 =	sshll.u32 s4, $0x1;
	[smem:$0x7FF] =	sst s3  }
0x7: {  	s4 =	sor.u32 s2, s4;
	s2 =	ssub.s32 $0x2, s2;
	_ =	strace $0x80000047  }
0x8: {  	s5 =	sshll.u32 s4, $0x4;
	s6 =	sshrl.u32 s2, $0x1;
	s4 =	sshll.u32 s4, $0xE  }
0x9: {  	s7 =	sadd.s32 s5, s0;
	s2 =	ssub.s32 s2, s6;
	s21 =	sadd.s32 s1, s4  }
0xa: {  	v0 =	vlaneseq.u32;
	s5 =	sadd.s32 s0, s4;
	s4 =	sor.u32 $0x2000, s4;
	s6 =	simm.s32 $0x3  }
0xb: {  	v2 =	vimm.f32 $0.0e+00;
	v1 =	vmul.u32 $0x80, v0;
	[dreg:$0x4] =	wrdreg s21;
	s22 =	sadd.s32 $0x10, s5;
	s1 =	sadd.s32 s1, s4  }
0xc: {  	v4 =	vor.u32 $0x10, v0;
	v6 =	vor.u32 $0x20, v0;
	v8 =	vor.u32 $0x30, v0;
	s23 =	sadd.s32 $0x20, s5;
	s24 =	sadd.s32 $0x30, s5;
	s25 =	sadd.s32 $0x40, s5  }
0xd: {  	v10 =	vor.u32 $0x40, v0;
	v12 =	vor.u32 $0x50, v0;
	v14 =	vor.u32 $0x60, v0;
	s26 =	sadd.s32 $0x50, s5;
	s12 =	sadd.s32 $0x60, s5;
	s13 =	sadd.s32 $0x70, s5  }
0xe: {  	v16 =	vor.u32 $0x70, v0;
	v18 =	vor.u32 $0x80, v0;
	v20 =	vor.u32 $0x90, v0;
	s14 =	sadd.s32 s0, s4;
	s15 =	sadd.s32 $0x2010, s5;
	[dreg:$0x5] =	wrdreg s22  }
0xf: {  	v22 =	vor.u32 $0xA0, v0;
	v24 =	vor.u32 $0xB0, v0;
	v26 =	vor.u32 $0xC0, v0;
	s16 =	sadd.s32 $0x2020, s5;
	s17 =	sadd.s32 $0x2030, s5;
	[dreg:$0x6] =	wrdreg s1  }
0x10: {  	v28 =	vor.u32 $0xD0, v0;
	v30 =	vor.u32 $0xE0, v0;
	v32 =	vor.u32 $0xF0, v0;
	s18 =	sadd.s32 $0x2040, s5;
	s19 =	sadd.s32 $0x2050, s5;
	[dreg:$0x7] =	wrdreg s23  }
0x11: {  	v3 =	vor.u32 $0x800, v1;
	v5 =	vor.u32 $0x1000, v1;
	v7 =	vor.u32 $0x1800, v1;
	s20 =	sadd.s32 $0x2060, s5;
	s21 =	sadd.s32 $0x2070, s5;
	[dreg:$0x8] =	wrdreg s24  }
0x12: {  	v9 =	vor.u32 $0x2000, v1;
	v11 =	vor.u32 $0x2800, v1;
	v13 =	vor.u32 $0x3000, v1;
	s0 =	simm.s32 $0x18000;
	s4 =	simm.s32 $0x2;
	[dreg:$0x9] =	wrdreg s25  }
0x13: {  	v15 =	vor.u32 $0x3800, v1;
	v17 =	vor.u32 $0x4000, v1;
	v19 =	vor.u32 $0x4800, v1;
	[dreg:$0xa] =	wrdreg s26;
	s22 =	sadd.s32 $0x80000, s7;
	s23 =	smax.u32 s2, $0x1  }
0x14: {  	v21 =	vor.u32 $0x5000, v1;
	v23 =	vor.u32 $0x5800, v1;
	v25 =	vor.u32 $0x6000, v1;
	s24 =	simm.s32 $0x1E000;
	s25 =	simm.s32 $0x5;
	s26 =	simm.s32 $0x400  }
0x15: {  	v27 =	vor.u32 $0x6800, v1;
	v29 =	vor.u32 $0x7000, v1;
	v31 =	vor.u32 $0x7800, v1;
	s1 =	simm.s32 $0x1A000;
	s2 =	simm.s32 $0x1C000;
	s7 =	simm.s32 $0x0  }
.LBB2_1:
0x16: {  	s8 =	rddreg [dreg:$0x2]  }
0x17: {  	[tilespmem:s24], [sflag:$0x5] =	stream.linear.gather [hbm4b:s8+s3], $0x80, $0x38;
	[tilespmem:$0x1E100] =	vst v63  }
0x18: {  	_ =	swait.ge [sflag:s25], $0x80  }
0x19: {  	[sflag:s25] =	ssyncset.done $0x0  }
0x1a: {  	s8 =	simm.s32 $0x100;
	s11 =	rddreg [dreg:$0x4];
	[sflag:s25] =	ssyncadd.s32 $0xFFFFFF80  }
0x1b: {  	[tilespmem:s29], [sflag:$0x4] =	stream.strided.gather [hbm4b:s11+s26], $0x8000, s10, s26, $0x38;
	[tilespmem:$0x1E100] =	vst v63  }
0x1c: {  	[tilespmem:s8+$0xFFFFFF00] =	vst v2  }
0x1d: {  	[tilespmem:s8+$0xF0] =	vst v2  }
0x1e: {  	[tilespmem:s8+$0xE0] =	vst v2  }
0x1f: {  	[tilespmem:s8+$0xD0] =	vst v2  }
0x20: {  	[tilespmem:s8+$0xC0] =	vst v2  }
0x21: {  	[tilespmem:s8+$0xB0] =	vst v2  }
0x22: {  	[tilespmem:s8+$0xA0] =	vst v2  }
0x23: {  	[tilespmem:s8+$0x90] =	vst v2  }
0x24: {  	[tilespmem:s8+$0x80] =	vst v2  }
0x25: {  	[tilespmem:s8+$0x70] =	vst v2  }
0x26: {  	[tilespmem:s8+$0x60] =	vst v2  }
0x27: {  	[tilespmem:s8+$0x50] =	vst v2  }
0x28: {  	[tilespmem:s8+$0x40] =	vst v2  }
0x29: {  	[tilespmem:s8+$0x30] =	vst v2  }
0x2a: {  	[tilespmem:s8+$0x20] =	vst v2  }
0x2b: {  	[tilespmem:s8+$0x10] =	vst v2  }
0x2c: {  	[tilespmem:s8+$0x0] =	vst v2  }
0x2d: {  	[tilespmem:s8+$0xFFFFFFF0] =	vst v2  }
0x2e: {  	[tilespmem:s8+$0xFFFFFFE0] =	vst v2  }
0x2f: {  	[tilespmem:s8+$0xFFFFFFD0] =	vst v2  }
0x30: {  	[tilespmem:s8+$0xFFFFFFC0] =	vst v2  }
0x31: {  	[tilespmem:s8+$0xFFFFFFB0] =	vst v2  }
0x32: {  	[tilespmem:s8+$0xFFFFFFA0] =	vst v2  }
0x33: {  	[tilespmem:s8+$0xFFFFFF90] =	vst v2  }
0x34: {  	[tilespmem:s8+$0xFFFFFF80] =	vst v2  }
0x35: {  	[tilespmem:s8+$0xFFFFFF70] =	vst v2  }
0x36: {  	[tilespmem:s8+$0xFFFFFF60] =	vst v2  }
0x37: {  	[tilespmem:s8+$0xFFFFFF50] =	vst v2  }
0x38: {  	[tilespmem:s8+$0xFFFFFF40] =	vst v2  }
0x39: {  	[tilespmem:s8+$0xFFFFFF30] =	vst v2  }
0x3a: {  	s9 =	simm.s32 $0x0;
	[tilespmem:s8+$0xFFFFFF20] =	vst v2  }
.LBB2_2:
0x3b: {  	s9 =	sadd.s32 $0x4, s9;
	[tilespmem:s8+$0xFFFFFF10] =	vst v2;
	s8 =	sadd.s32 $0x200, s8  }
0x3c: {  	[tilespmem:s8+$0xFFFFFF00] =	vst v2;
	p0 =	slt.u32 s9, $0x1FC  }
0x3d: {  	[tilespmem:s8+$0xF0] =	vst v2  }
0x3e: {  	[tilespmem:s8+$0xE0] =	vst v2  }
0x3f: {  	[tilespmem:s8+$0xD0] =	vst v2  }
0x40: {  	[tilespmem:s8+$0xC0] =	vst v2  }
0x41: {  	[tilespmem:s8+$0xB0] =	vst v2  }
0x42: {  	[tilespmem:s8+$0xA0] =	vst v2  }
0x43: {  	[tilespmem:s8+$0x90] =	vst v2  }
0x44: {  	[tilespmem:s8+$0x80] =	vst v2  }
0x45: {  	[tilespmem:s8+$0x70] =	vst v2  }
0x46: {  	[tilespmem:s8+$0x60] =	vst v2  }
0x47: {  	[tilespmem:s8+$0x50] =	vst v2  }
0x48: {  	[tilespmem:s8+$0x40] =	vst v2  }
0x49: {  	[tilespmem:s8+$0x30] =	vst v2  }
0x4a: {  	[tilespmem:s8+$0x20] =	vst v2  }
0x4b: {  	[tilespmem:s8+$0x10] =	vst v2  }
0x4c: {  	[tilespmem:s8+$0x0] =	vst v2  }
0x4d: {  	[tilespmem:s8+$0xFFFFFFF0] =	vst v2  }
0x4e: {  	[tilespmem:s8+$0xFFFFFFE0] =	vst v2  }
0x4f: {  	[tilespmem:s8+$0xFFFFFFD0] =	vst v2  }
0x50: {  	[tilespmem:s8+$0xFFFFFFC0] =	vst v2  }
0x51: {  	[tilespmem:s8+$0xFFFFFFB0] =	vst v2  }
0x52: {  	[tilespmem:s8+$0xFFFFFFA0] =	vst v2  }
0x53: {  	[tilespmem:s8+$0xFFFFFF90] =	vst v2  }
0x54: {  	[tilespmem:s8+$0xFFFFFF80] =	vst v2  }
0x55: {  	[tilespmem:s8+$0xFFFFFF70] =	vst v2  }
.Ltmp0:
0x56: {  	[tilespmem:s8+$0xFFFFFF60] =	vst v2;
	(pc) =	sbr.rel @p0 .LBB2_2-.Ltmp0, $4  }
0x57: {  	[tilespmem:s8+$0xFFFFFF50] =	vst v2  }
0x58: {  	[tilespmem:s8+$0xFFFFFF40] =	vst v2  }
0x59: {  	[tilespmem:s8+$0xFFFFFF30] =	vst v2  }
0x5a: {  	[tilespmem:s8+$0xFFFFFF20] =	vst v2  }
0x5b: {  	[tilespmem:s8+$0xFFFFFF10] =	vst v2  }
0x5c: {  	s11 =	simm.s32 $0x6D;
	_ =	swait.ge [sflag:s30], $0x8000  }
0x5d: {  	v33 =	vor.u32 s11, v31;
	[sflag:s30] =	ssyncset.done $0x0  }
0x5e: {  	v34 =	vor.u32 s11, v29;
	[sflag:s30] =	ssyncadd.s32 $0xFFFF8000  }
0x5f: {  	v35 =	vor.u32 s11, v27;
	[tilespmem:s0], [sflag:$0x1] =	stream.strided.gather [hbm4b:s5+s31], $0x2000, s26, s31, $0x38;
	[tilespmem:$0x1E100] =	vst v63  }
0x60: {  	v36 =	vor.u32 s11, v19;
	s9 =	rddreg [dreg:$0x5]  }
0x61: {  	v37 =	vor.u32 s11, v21;
	[tilespmem:s1], [sflag:$0x2] =	stream.strided.gather [hbm4b:s9+s31], $0x2000, s26, s31, $0x38;
	[tilespmem:$0x1E100] =	vst v63  }
0x62: {  	v38 =	vor.u32 s11, v15;
	v33 =	vld.idx.msk [tilespmem:v33+s29+$0x0], $0xffff  }
0x63: {  	v40 =	vor.u32 s11, v17;
	v44 =	vld.idx.msk [tilespmem:v34+s29+$0x0], $0xffff  }
0x64: {  	v41 =	vor.u32 s11, v25;
	v35 =	vld.idx.msk [tilespmem:v35+s29+$0x0], $0xffff  }
0x65: {  	v42 =	vor.u32 s11, v11;
	v36 =	vld.idx.msk [tilespmem:v36+s29+$0x0], $0xffff  }
0x66: {  	v47 =	vor.u32 s11, v9;
	v37 =	vld.idx.msk [tilespmem:v37+s29+$0x0], $0xffff  }
0x67: {  	v49 =	vld.idx.msk [tilespmem:v38+s29+$0x0], $0xffff  }
0x68: {  	v38 =	vld.idx.msk [tilespmem:v40+s29+$0x0], $0xffff  }
0x69: {  	v53 =	vld.idx.msk [tilespmem:v41+s29+$0x0], $0xffff  }
0x6a: {  	v55 =	vld.idx.msk [tilespmem:v42+s29+$0x0], $0xffff  }
0x6b: {  	v60 =	vor.u32 s11, v13;
	v43 =	vor.u32 s11, v23;
	v48 =	vor.u32 s11, v1;
	v41 =	vld.idx.msk [tilespmem:v47+s29+$0x0], $0xffff  }
0x6c: {  	v45 =	vor.u32 s11, v7;
	v50 =	vor.u32 s11, v3;
	v39 =	vmul.f32 $6.000000000e+01, v33  }
0x6d: {  	v46 =	vmul.f32 $6.000000000e+01, v44;
	v62 =	vmul.f32 $6.000000000e+01, v35;
	vm0 =	vge.f32 v35, $2.349999920e-02  }
0x6e: {  	vm6 =	vge.f32 v33, $2.349999920e-02;
	v63 =	vmul.f32 $6.000000000e+01, v36;
	vm2 =	vge.f32 v36, $2.349999920e-02  }
0x6f: {  	v59 =	vmul.f32 $6.000000000e+01, v37;
	vm5 =	vge.f32 v49, $2.349999920e-02;
	v57 =	vmul.f32 $6.000000000e+01, v55  }
0x70: {  	v40 =	vld.idx.msk [tilespmem:v48+s29+$0x0], $0xffff;
	v48 =	vmul.f32 $6.000000000e+01, v38;
	vm4 =	vge.f32 v37, $2.349999920e-02;
	v58 =	vmul.f32 $6.000000000e+01, v41  }
0x71: {  	v36 =	vld.idx.msk [tilespmem:v45+s29+$0x0], $0xffff;
	vm7 =	vge.f32 v44, $2.349999920e-02;
	v39 =	vsub.f32 $1.280000000e+02, v39;
	v46 =	vsub.f32 $1.280000000e+02, v46  }
0x72: {  	v45 =	vld.idx.msk [tilespmem:v43+s29+$0x0], $0xffff;
	v56 =	vsub.f32 $1.280000000e+02, v62;
	v42 =	vsub.f32 $1.280000000e+02, v63;
	v62 =	vmul.f32 $6.000000000e+01, v49  }
0x73: {  	v63 =	vmul.f32 $6.000000000e+01, v53;
	v48 =	vsub.f32 $1.280000000e+02, v48;
	v51 =	vadd.f32 $8.388608000e+06, v46  }
0x74: {  	v52 =	vld.idx.msk [tilespmem:v60+s29+$0x0], $0xffff;
	v61 =	vadd.f32 $8.388608000e+06, v39;
	v39 =	vor.u32 s11, v5;
	v49 =	vsub.f32 $1.280000000e+02, v62  }
0x75: {  	vm3 =	vge.f32 v53, $2.349999920e-02;
	v43 =	vsub.f32 $1.280000000e+02, v63;
	v35 =	vadd.f32 $-8.388608000e+06, v51  }
0x76: {  	v62 =	vsub.f32 $1.280000000e+02, v57;
	v34 =	vadd.f32 $-8.388608000e+06, v61;
	v51 =	vmov s11  }
0x77: {  	v53 =	vadd.f32 $8.388608000e+06, v56;
	v63 =	vmul.f32 $6.000000000e+01, v45;
	v35 =	vtrunc.f32 v35  }
0x78: {  	vm1 =	vge.f32 v45, $2.349999920e-02;
	v60 =	vtrunc.f32 v34;
	v54 =	vcvt.f32.s32 v35  }
0x79: {  	v45 =	vsub.f32 $1.280000000e+02, v58;
	v61 =	vmul.f32 $6.000000000e+01, v52;
	v34 =	vld.idx.msk [tilespmem:v39+s29+$0x0], $0xffff;
	v47 =	vcvt.f32.s32 v60  }
0x7a: {  	v44 =	vsub.f32 $1.280000000e+02, v63;
	v35 =	vld.idx.msk [tilespmem:v50+s29+$0x0], $0xffff;
	v50 =	vshll.u32 v54, $0x8;
	v54 =	vmul.f32 $6.000000000e+01, v36  }
0x7b: {  	v46 =	vshll.u32 v47, $0x8;
	v33 =	vld.idx.msk [tilespmem:v51+s24+$0x0], $0xffff;
	v47 =	vmul.f32 $6.000000000e+01, v40;
	v60 =	vor.u32 v30, v50  }
0x7c: {  	v39 =	vsub.f32 $1.280000000e+02, v59;
	v59 =	vsub.f32 $1.280000000e+02, v61;
	v46 =	vor.u32 v32, v46  }
0x7d: {  	vm8 =	vge.f32 v52, $2.349999920e-02;
	v61 =	vsub.f32 $1.280000000e+02, v54;
	v47 =	vsub.f32 $1.280000000e+02, v47  }
0x7e: {  	v51 =	vadd.f32 $8.388608000e+06, v62;
	v52 =	vadd.f32 $8.388608000e+06, v59;
	v37 =	vmul.f32 $6.000000000e+01, v34  }
0x7f: {  	v47 =	vadd.f32 $8.388608000e+06, v47;
	v54 =	vadd.f32 $8.388608000e+06, v61  }
0x80: {  	s8 =	simm.s32 $0x6C;
	v50 =	vsub.f32 $1.280000000e+02, v37;
	v37 =	vmul.f32 $6.000000000e+01, v35;
	[tilespmem:v60+s3+$0x0] =	vst.idx.msk vm7, v33;
	vm7 =	vge.f32 v55, $2.349999920e-02  }
.LBB2_4:
0x81: {  	p0 =	sne.s32 s8, $0x0;
	v54 =	vadd.f32 $-8.388608000e+06, v54;
	v49 =	vadd.f32 $8.388608000e+06, v49;
	vm9 =	vge.f32 v38, $2.349999920e-02;
	[tilespmem:v46+s3+$0x0] =	vst.idx.msk vm6, v33;
	s9 =	smov.u32 s8;
	s8 =	sadd.s32 $0xFFFFFFFF, s8  }
0x82: {  	vm6 =	vge.f32 v41, $2.349999920e-02;
	v38 =	vadd.f32 $-8.388608000e+06, v52;
	v41 =	vadd.f32 $-8.388608000e+06, v53  }
0x83: {  	v51 =	vadd.f32 $-8.388608000e+06, v51;
	v46 =	vtrunc.f32 v54;
	v49 =	vadd.f32 $-8.388608000e+06, v49  }
0x84: {  	v48 =	vadd.f32 $8.388608000e+06, v48;
	v42 =	vadd.f32 $8.388608000e+06, v42;
	v38 =	vtrunc.f32 v38  }
0x85: {  	v50 =	vadd.f32 $8.388608000e+06, v50;
	v51 =	vtrunc.f32 v51;
	v49 =	vtrunc.f32 v49  }
0x86: {  	v48 =	vadd.f32 $-8.388608000e+06, v48;
	v46 =	vcvt.f32.s32 v46;
	v49 =	vcvt.f32.s32 v49  }
0x87: {  	v39 =	vadd.f32 $8.388608000e+06, v39;
	v41 =	vtrunc.f32 v41;
	v38 =	vcvt.f32.s32 v38  }
0x88: {  	vm10 =	vge.f32 v40, $2.349999920e-02;
	v40 =	vcvt.f32.s32 v51;
	v49 =	vshll.u32 v49, $0x8  }
0x89: {  	v43 =	vadd.f32 $8.388608000e+06, v43;
	v41 =	vcvt.f32.s32 v41;
	v49 =	vor.u32 v16, v49  }
0x8a: {  	v47 =	vadd.f32 $-8.388608000e+06, v47;
	v39 =	vadd.f32 $-8.388608000e+06, v39;
	v38 =	vshll.u32 v38, $0x8  }
0x8b: {  	v42 =	vadd.f32 $-8.388608000e+06, v42;
	v40 =	vshll.u32 v40, $0x8;
	v38 =	vor.u32 v14, v38  }
0x8c: {  	v47 =	vtrunc.f32 v47;
	v48 =	vtrunc.f32 v48;
	v41 =	vshll.u32 v41, $0x8  }
0x8d: {  	v47 =	vcvt.f32.s32 v47;
	v42 =	vtrunc.f32 v42;
	v40 =	vor.u32 v12, v40  }
0x8e: {  	v45 =	vadd.f32 $8.388608000e+06, v45;
	v39 =	vtrunc.f32 v39;
	v42 =	vcvt.f32.s32 v42;
	[tilespmem:v49+s3+$0x0] =	vst.idx.msk vm5, v33  }
0x8f: {  	v44 =	vadd.f32 $8.388608000e+06, v44;
	v47 =	vshll.u32 v47, $0x8;
	v39 =	vcvt.f32.s32 v39  }
0x90: {  	v47 =	vor.u32 v0, v47;
	v42 =	vshll.u32 v42, $0x8;
	[tilespmem:v38+s3+$0x0] =	vst.idx.msk vm8, v33;
	v38 =	vcvt.f32.s32 v48  }
0x91: {  	v39 =	vshll.u32 v39, $0x8;
	v41 =	vor.u32 v28, v41;
	v42 =	vor.u32 v20, v42  }
0x92: {  	v39 =	vor.u32 v22, v39;
	[tilespmem:v40+s3+$0x0] =	vst.idx.msk vm7, v33;
	v38 =	vshll.u32 v38, $0x8;
	v40 =	vadd.f32 $-8.388608000e+06, v44  }
0x93: {  	v37 =	vsub.f32 $1.280000000e+02, v37;
	vm5 =	vge.f32 v36, $2.349999920e-02;
	v36 =	vor.u32 v18, v38  }
0x94: {  	v43 =	vadd.f32 $-8.388608000e+06, v43;
	v44 =	vadd.f32 $-8.388608000e+06, v50;
	v38 =	vor.u32 s9, v31  }
0x95: {  	v45 =	vadd.f32 $-8.388608000e+06, v45;
	v49 =	vor.u32 s9, v29;
	v48 =	vor.u32 s9, v23;
	[tilespmem:v47+s3+$0x0] =	vst.idx.msk vm10, v33  }
0x96: {  	v37 =	vadd.f32 $8.388608000e+06, v37;
	v44 =	vtrunc.f32 v44;
	v40 =	vtrunc.f32 v40;
	[tilespmem:v42+s3+$0x0] =	vst.idx.msk vm2, v33  }
0x97: {  	v45 =	vtrunc.f32 v45;
	v47 =	vor.u32 s9, v27;
	v42 =	vor.u32 s9, v25;
	[tilespmem:v39+s3+$0x0] =	vst.idx.msk vm4, v33  }
0x98: {  	v43 =	vtrunc.f32 v43;
	v50 =	vor.u32 s9, v21;
	v39 =	vor.u32 s9, v19;
	[tilespmem:v41+s3+$0x0] =	vst.idx.msk vm0, v33  }
0x99: {  	v51 =	vor.u32 s9, v15;
	v41 =	vor.u32 s9, v13;
	v52 =	vld.idx.msk [tilespmem:v38+s29+$0x0], $0xffff;
	v38 =	vcvt.f32.s32 v45;
	[tilespmem:v36+s3+$0x0] =	vst.idx.msk vm9, v33  }
0x9a: {  	v44 =	vcvt.f32.s32 v44;
	v36 =	vor.u32 s9, v7;
	v45 =	vor.u32 s9, v9  }
0x9b: {  	v53 =	vor.u32 s9, v1;
	v54 =	vor.u32 s9, v3;
	v38 =	vshll.u32 v38, $0x8  }
0x9c: {  	v43 =	vcvt.f32.s32 v43;
	v40 =	vcvt.f32.s32 v40;
	v55 =	vld.idx.msk [tilespmem:v49+s29+$0x0], $0xffff;
	v38 =	vor.u32 v10, v38  }
0x9d: {  	v37 =	vadd.f32 $-8.388608000e+06, v37;
	vm4 =	vge.f32 v34, $2.349999920e-02;
	v34 =	vshll.u32 v46, $0x8;
	v47 =	vld.idx.msk [tilespmem:v47+s29+$0x0], $0xffff  }
0x9e: {  	v43 =	vshll.u32 v43, $0x8;
	v46 =	vor.u32 s9, v11;
	v34 =	vor.u32 v8, v34;
	v39 =	vld.idx.msk [tilespmem:v39+s29+$0x0], $0xffff  }
0x9f: {  	v43 =	vor.u32 v26, v43;
	v49 =	vor.u32 s9, v17;
	v56 =	vmul.f32 $6.000000000e+01, v52  }
0xa0: {  	v37 =	vtrunc.f32 v37;
	v44 =	vshll.u32 v44, $0x8;
	v40 =	vshll.u32 v40, $0x8;
	v50 =	vld.idx.msk [tilespmem:v50+s29+$0x0], $0xffff  }
0xa1: {  	v57 =	vor.u32 s9, v5;
	v37 =	vcvt.f32.s32 v37;
	v58 =	vld.idx.msk [tilespmem:v41+s29+$0x0], $0xffff;
	v41 =	vsub.f32 $1.280000000e+02, v56;
	[tilespmem:v38+s3+$0x0] =	vst.idx.msk vm6, v33  }
0xa2: {  	v44 =	vor.u32 v6, v44;
	v40 =	vor.u32 v24, v40;
	v56 =	vmul.f32 $6.000000000e+01, v55;
	v51 =	vld.idx.msk [tilespmem:v51+s29+$0x0], $0xffff  }
0xa3: {  	vm7 =	vge.f32 v35, $2.349999920e-02;
	v35 =	vshll.u32 v37, $0x8;
	v41 =	vadd.f32 $8.388608000e+06, v41;
	[tilespmem:v34+s3+$0x0] =	vst.idx.msk vm5, v33  }
0xa4: {  	v35 =	vor.u32 v4, v35;
	v34 =	vmul.f32 $6.000000000e+01, v47;
	v37 =	vsub.f32 $1.280000000e+02, v56;
	v38 =	vld.idx.msk [tilespmem:v49+s29+$0x0], $0xffff;
	[tilespmem:v43+s3+$0x0] =	vst.idx.msk vm3, v33  }
0xa5: {  	vm6 =	vge.f32 v52, $2.349999920e-02;
	vm0 =	vge.f32 v47, $2.349999920e-02;
	v56 =	vld.idx.msk [tilespmem:v42+s29+$0x0], $0xffff;
	v42 =	vadd.f32 $-8.388608000e+06, v41  }
0xa6: {  	v43 =	vmul.f32 $6.000000000e+01, v39;
	v59 =	vsub.f32 $1.280000000e+02, v34;
	v37 =	vadd.f32 $8.388608000e+06, v37;
	v52 =	vld.idx.msk [tilespmem:v46+s29+$0x0], $0xffff  }
0xa7: {  	vm2 =	vge.f32 v39, $2.349999920e-02;
	v39 =	vmul.f32 $6.000000000e+01, v50;
	v41 =	vld.idx.msk [tilespmem:v45+s29+$0x0], $0xffff;
	v42 =	vtrunc.f32 v42;
	[tilespmem:v44+s3+$0x0] =	vst.idx.msk vm4, v33  }
0xa8: {  	v44 =	vmul.f32 $6.000000000e+01, v58;
	v37 =	vadd.f32 $-8.388608000e+06, v37;
	v34 =	vld.idx.msk [tilespmem:v57+s29+$0x0], $0xffff;
	v45 =	vcvt.f32.s32 v42;
	[tilespmem:v40+s3+$0x0] =	vst.idx.msk vm1, v33  }
0xa9: {  	v46 =	vmov s9;
	v42 =	vsub.f32 $1.280000000e+02, v43;
	v36 =	vld.idx.msk [tilespmem:v36+s29+$0x0], $0xffff;
	[tilespmem:v35+s3+$0x0] =	vst.idx.msk vm7, v33  }
0xaa: {  	v39 =	vsub.f32 $1.280000000e+02, v39;
	v33 =	vmul.f32 $6.000000000e+01, v51;
	v35 =	vtrunc.f32 v37;
	v47 =	vld.idx.msk [tilespmem:v48+s29+$0x0], $0xffff  }
0xab: {  	vm5 =	vge.f32 v51, $2.349999920e-02;
	v37 =	vmul.f32 $6.000000000e+01, v56;
	v48 =	vcvt.f32.s32 v35;
	v40 =	vld.idx.msk [tilespmem:v53+s29+$0x0], $0xffff  }
0xac: {  	vm4 =	vge.f32 v50, $2.349999920e-02;
	v51 =	vmul.f32 $6.000000000e+01, v52;
	v53 =	vmul.f32 $6.000000000e+01, v38  }
0xad: {  	v49 =	vsub.f32 $1.280000000e+02, v33;
	v43 =	vsub.f32 $1.280000000e+02, v37;
	v35 =	vld.idx.msk [tilespmem:v54+s29+$0x0], $0xffff;
	v54 =	vmul.f32 $6.000000000e+01, v41  }
0xae: {  	v57 =	vsub.f32 $1.280000000e+02, v44;
	vm7 =	vge.f32 v55, $2.349999920e-02;
	v37 =	vshll.u32 v48, $0x8;
	v33 =	vld.idx.msk [tilespmem:v46+s24+$0x0], $0xffff  }
0xaf: {  	v44 =	vmul.f32 $6.000000000e+01, v34;
	v55 =	vor.u32 v30, v37;
	v46 =	vmul.f32 $6.000000000e+01, v36  }
0xb0: {  	v48 =	vsub.f32 $1.280000000e+02, v53;
	v37 =	vshll.u32 v45, $0x8;
	vm1 =	vge.f32 v47, $2.349999920e-02  }
0xb1: {  	v51 =	vsub.f32 $1.280000000e+02, v51;
	v45 =	vmul.f32 $6.000000000e+01, v40;
	v53 =	vsub.f32 $1.280000000e+02, v46  }
.Ltmp1:
0xb2: {  	v50 =	vsub.f32 $1.280000000e+02, v44;
	v44 =	vmul.f32 $6.000000000e+01, v47;
	v46 =	vor.u32 v32, v37;
	(pc) =	sbr.rel @p0 .LBB2_4-.Ltmp1, $4  }
0xb3: {  	v47 =	vsub.f32 $1.280000000e+02, v45;
	v37 =	vmul.f32 $6.000000000e+01, v35;
	v45 =	vsub.f32 $1.280000000e+02, v54  }
0xb4: {  	vm3 =	vge.f32 v56, $2.349999920e-02;
	v51 =	vadd.f32 $8.388608000e+06, v51;
	v44 =	vsub.f32 $1.280000000e+02, v44;
	[tilespmem:v55+s3+$0x0] =	vst.idx.msk vm7, v33  }
0xb5: {  	vm8 =	vge.f32 v58, $2.349999920e-02;
	v54 =	vadd.f32 $8.388608000e+06, v53;
	v47 =	vadd.f32 $8.388608000e+06, v47  }
0xb6: {  	v53 =	vadd.f32 $8.388608000e+06, v59;
	vm7 =	vge.f32 v52, $2.349999920e-02;
	v52 =	vadd.f32 $8.388608000e+06, v57  }
0xb7: {  	v54 =	vadd.f32 $-8.388608000e+06, v54  }
0xb8: {  	v49 =	vadd.f32 $8.388608000e+06, v49;
	v56 =	vadd.f32 $-8.388608000e+06, v51  }
0xb9: {  	v48 =	vadd.f32 $8.388608000e+06, v48;
	v42 =	vadd.f32 $8.388608000e+06, v42  }
0xba: {  	v50 =	vadd.f32 $8.388608000e+06, v50;
	v39 =	vadd.f32 $8.388608000e+06, v39  }
0xbb: {  	v43 =	vadd.f32 $8.388608000e+06, v43;
	v47 =	vadd.f32 $-8.388608000e+06, v47  }
0xbc: {  	vm10 =	vge.f32 v38, $2.349999920e-02;
	v45 =	vadd.f32 $8.388608000e+06, v45;
	v44 =	vadd.f32 $8.388608000e+06, v44  }
0xbd: {  	vm9 =	vge.f32 v41, $2.349999920e-02;
	v37 =	vsub.f32 $1.280000000e+02, v37;
	v62 =	vadd.f32 $-8.388608000e+06, v52  }
0xbe: {  	vm12 =	vge.f32 v36, $2.349999920e-02;
	v63 =	vadd.f32 $-8.388608000e+06, v53;
	v49 =	vadd.f32 $-8.388608000e+06, v49  }
0xbf: {  	v57 =	vtrunc.f32 v54;
	v41 =	vtrunc.f32 v56;
	v48 =	vadd.f32 $-8.388608000e+06, v48  }
0xc0: {  	v39 =	vadd.f32 $-8.388608000e+06, v39;
	v47 =	vtrunc.f32 v47;
	v38 =	vtrunc.f32 v62  }
0xc1: {  	v42 =	vadd.f32 $-8.388608000e+06, v42;
	v51 =	vcvt.f32.s32 v57;
	v52 =	vtrunc.f32 v63  }
0xc2: {  	v45 =	vadd.f32 $-8.388608000e+06, v45;
	v41 =	vcvt.f32.s32 v41;
	v47 =	vcvt.f32.s32 v47  }
0xc3: {  	v44 =	vadd.f32 $-8.388608000e+06, v44;
	v49 =	vtrunc.f32 v49;
	v38 =	vcvt.f32.s32 v38  }
0xc4: {  	v60 =	vadd.f32 $-8.388608000e+06, v50;
	v59 =	vcvt.f32.s32 v52;
	v48 =	vtrunc.f32 v48  }
0xc5: {  	v43 =	vadd.f32 $-8.388608000e+06, v43;
	v42 =	vtrunc.f32 v42;
	v39 =	vtrunc.f32 v39  }
0xc6: {  	v37 =	vadd.f32 $8.388608000e+06, v37;
	v45 =	vtrunc.f32 v45;
	v36 =	vtrunc.f32 v60  }
0xc7: {  	vm11 =	vge.f32 v40, $2.349999920e-02;
	v62 =	vtrunc.f32 v44;
	v63 =	vtrunc.f32 v43  }
0xc8: {  	v37 =	vadd.f32 $-8.388608000e+06, v37;
	v49 =	vcvt.f32.s32 v49;
	v41 =	vshll.u32 v41, $0x8  }
0xc9: {  	v42 =	vcvt.f32.s32 v42;
	v47 =	vshll.u32 v47, $0x8;
	v41 =	vor.u32 v12, v41  }
0xca: {  	v39 =	vcvt.f32.s32 v39;
	v38 =	vshll.u32 v38, $0x8;
	v47 =	vor.u32 v0, v47  }
0xcb: {  	v48 =	vcvt.f32.s32 v48;
	v58 =	vshll.u32 v49, $0x8;
	v38 =	vor.u32 v14, v38  }
0xcc: {  	v45 =	vcvt.f32.s32 v45;
	v42 =	vshll.u32 v42, $0x8;
	v40 =	vor.u32 v16, v58  }
0xcd: {  	[tilespmem:v46+s3+$0x0] =	vst.idx.msk vm6, v33;
	v36 =	vcvt.f32.s32 v36;
	v48 =	vshll.u32 v48, $0x8;
	v42 =	vor.u32 v20, v42  }
0xce: {  	v52 =	vshll.u32 v51, $0x8;
	v39 =	vshll.u32 v39, $0x8;
	v61 =	vor.u32 v18, v48;
	[tilespmem:v41+s3+$0x0] =	vst.idx.msk vm7, v33  }
0xcf: {  	v37 =	vtrunc.f32 v37;
	v49 =	vshll.u32 v59, $0x8;
	v39 =	vor.u32 v22, v39;
	[tilespmem:v47+s3+$0x0] =	vst.idx.msk vm11, v33  }
0xd0: {  	v36 =	vshll.u32 v36, $0x8;
	v49 =	vor.u32 v28, v49;
	v48 =	vshll.u32 v45, $0x8;
	[tilespmem:v38+s3+$0x0] =	vst.idx.msk vm8, v33  }
0xd1: {  	v37 =	vcvt.f32.s32 v37;
	v36 =	vor.u32 v6, v36;
	v50 =	vor.u32 v10, v48;
	[tilespmem:v40+s3+$0x0] =	vst.idx.msk vm5, v33  }
0xd2: {  	v38 =	vcvt.f32.s32 v63;
	vm8 =	vge.f32 v34, $2.349999920e-02;
	v34 =	vor.u32 v8, v52;
	[tilespmem:v42+s3+$0x0] =	vst.idx.msk vm2, v33  }
0xd3: {  	v54 =	vshll.u32 v37, $0x8;
	v40 =	vcvt.f32.s32 v62;
	[tilespmem:v61+s3+$0x0] =	vst.idx.msk vm10, v33;
	vm10 =	vge.f32 v35, $2.349999920e-02  }
0xd4: {  	[tilespmem:v39+s3+$0x0] =	vst.idx.msk vm4, v33;
	v35 =	vor.u32 v4, v54;
	v38 =	vshll.u32 v38, $0x8  }
0xd5: {  	[tilespmem:v49+s3+$0x0] =	vst.idx.msk vm0, v33;
	v38 =	vor.u32 v26, v38;
	v53 =	vshll.u32 v40, $0x8  }
0xd6: {  	[tilespmem:v50+s3+$0x0] =	vst.idx.msk vm9, v33;
	v39 =	vor.u32 v24, v53  }
0xd7: {  	[tilespmem:v34+s3+$0x0] =	vst.idx.msk vm12, v33  }
0xd8: {  	[tilespmem:v36+s3+$0x0] =	vst.idx.msk vm8, v33  }
0xd9: {  	[tilespmem:v35+s3+$0x0] =	vst.idx.msk vm10, v33  }
0xda: {  	[tilespmem:v38+s3+$0x0] =	vst.idx.msk vm3, v33  }
0xdb: {  	s8 =	rddreg [dreg:$0x6];
	[tilespmem:v39+s3+$0x0] =	vst.idx.msk vm1, v33  }
0xdc: {  	[tilespmem:s29], [sflag:$0x4] =	stream.strided.gather [hbm4b:s8+s26], $0x8000, s10, s26, $0x38;
	[tilespmem:$0x1E100] =	vst v63  }
0xdd: {  	s9 =	rddreg [dreg:$0x7];
	s8 =	simm.s32 $0x80  }
0xde: {  	[tilespmem:s2], [sflag:$0x3] =	stream.strided.gather [hbm4b:s9+s8], $0x2000, s26, s8, $0x38;
	[tilespmem:$0x1E100] =	vst v63  }
0xdf: {  	_ =	swait.ge [sflag:s28], $0x2000  }
0xe0: {  	[sflag:s28] =	ssyncset.done $0x0  }
0xe1: {  	[sflag:s28] =	ssyncadd.s32 $0xFFFFE000  }
0xe2: {  	v38 =	vld [tilespmem:s8+$0x70]  }
0xe3: {  	v37 =	vld [tilespmem:s8+$0x60]  }
0xe4: {  	v33 =	vld [tilespmem:s8+$0x50]  }
0xe5: {  	v34 =	vld [tilespmem:s8+$0x40]  }
0xe6: {  	v35 =	vld [tilespmem:s8+$0x10]  }
0xe7: {  	v41 =	vld [tilespmem:s8+$0xFFFFFF90]  }
0xe8: {  	v55 =	vld [tilespmem:s8+$0xFFFFFF80]  }
0xe9: {  	s9 =	simm.s32 $0x18080;
	v56 =	vld [tilespmem:s8+$0xFFFFFFC0]  }
0xea: {  	v57 =	vld [tilespmem:s9+$0xFFFFFFC0]  }
0xeb: {  	v58 =	vld [tilespmem:s9+$0xFFFFFF80]  }
0xec: {  	v46 =	vld [tilespmem:s8+$0xFFFFFFF0]  }
0xed: {  	v45 =	vld [tilespmem:s8+$0xFFFFFFD0]  }
0xee: {  	v59 =	vld [tilespmem:s8+$0x0]  }
0xef: {  	[tilespmem:s8+$0xFFFFFFC0] =	vst v2;
	v60 =	vld [tilespmem:s9+$0x0]  }
0xf0: {  	[tilespmem:s8+$0xFFFFFF80] =	vst v2;
	v44 =	vld [tilespmem:s9+$0xFFFFFFD0]  }
0xf1: {  	[tilespmem:s8+$0x0] =	vst v2;
	v61 =	vld [tilespmem:s9+$0xFFFFFF90]  }
0xf2: {  	v52 =	vld [tilespmem:s9+$0x10]  }
0xf3: {  	v50 =	vld [tilespmem:s8+$0xFFFFFFE0];
	[tilespmem:s8+$0xFFFFFFD0] =	vst v2  }
0xf4: {  	v63 =	vld [tilespmem:s9+$0xFFFFFFE0]  }
0xf5: {  	v47 =	vld [tilespmem:s8+$0xFFFFFFA0];
	v40 =	vsub.f32 v55, v58;
	v42 =	vsub.f32 v56, v57  }
0xf6: {  	[tilespmem:s8+$0xFFFFFF90] =	vst v2;
	v48 =	vsub.f32 v59, v60;
	v56 =	vld [tilespmem:s9+$0x40];
	v41 =	vsub.f32 v41, v61  }
0xf7: {  	[tilespmem:s8+$0xFFFFFFE0] =	vst v2;
	v60 =	vld [tilespmem:s9+$0xFFFFFFA0];
	v61 =	vsub.f32 v45, v44;
	v35 =	vsub.f32 v35, v52;
	v62 =	vand.u32 $0x7FFFFFFF, v40  }
0xf8: {  	v58 =	vld [tilespmem:s9+$0xFFFFFFF0];
	v40 =	vimm.f32 $0.0e+00;
	v42 =	vand.u32 $0x7FFFFFFF, v42;
	v48 =	vand.u32 $0x7FFFFFFF, v48  }
0xf9: {  	v36 =	vld [tilespmem:s8+$0x20];
	[tilespmem:s8+$0x40] =	vst v2;
	v63 =	vsub.f32 v50, v63;
	vm11 =	vlt.f32 v62, $2.000000030e-01;
	vm12 =	vlt.f32 v42, $2.000000030e-01  }
0xfa: {  	[tilespmem:s8+$0x10] =	vst v2;
	v57 =	vld [tilespmem:s9+$0x50];
	vm13 =	vlt.f32 v48, $2.000000030e-01;
	v41 =	vand.u32 $0x7FFFFFFF, v41;
	v43 =	vnsel vm11, $0x0, v62  }
0xfb: {  	v39 =	vld [tilespmem:s8+$0xFFFFFFB0];
	[tilespmem:s8+$0xFFFFFFA0] =	vst v2;
	v42 =	vnsel vm12, $0x0, v42;
	v62 =	vnsel vm13, $0x0, v48;
	vm14 =	vlt.f32 v41, $2.000000030e-01  }
0xfc: {  	[tilespmem:s8+$0x50] =	vst v2;
	v49 =	vld [tilespmem:s9+$0xFFFFFFB0];
	v51 =	vand.u32 $0x7FFFFFFF, v63;
	v43 =	vadd.f32 v43, v40;
	v53 =	vsub.f32 v47, v60  }
0xfd: {  	v45 =	vld [tilespmem:s9+$0x60];
	[tilespmem:s8+$0x60] =	vst v2;
	v41 =	vnsel vm14, $0x0, v41;
	v48 =	vsub.f32 v34, v56;
	v52 =	vsub.f32 v46, v58  }
0xfe: {  	[tilespmem:s8+$0xFFFFFFB0] =	vst v2;
	v50 =	vld [tilespmem:s9+$0x70];
	v55 =	vadd.f32 v41, v40;
	v42 =	vadd.f32 v42, v43;
	v43 =	vand.u32 $0x7FFFFFFF, v61  }
0xff: {  	v44 =	vld [tilespmem:s9+$0x20];
	[tilespmem:s8+$0x20] =	vst v2;
	v46 =	vsub.f32 v33, v57;
	v41 =	vimm.f32 $0.0e+00;
	vm15 =	vlt.f32 v43, $2.000000030e-01  }
0x100: {  	s11 =	simm.s32 $0x180;
	s10 =	simm.s32 $0x0;
	[tilespmem:s8+$0x70] =	vst v2;
	v47 =	vld [tilespmem:s8+$0x30];
	v42 =	vadd.f32 v62, v42;
	v54 =	vnsel vm15, $0x0, v43;
	v43 =	vand.u32 $0x7FFFFFFF, v35  }
.LBB2_6:
0x101: {  	s10 =	sadd.s32 $0x4, s10;
	v34 =	vand.u32 $0x7FFFFFFF, v53;
	v35 =	vadd.f32 v54, v55;
	vm0 =	vlt.f32 v51, $2.000000030e-01;
	[tilespmem:s8+$0xFFFFFFF0] =	vst v2;
	v53 =	vld [tilespmem:s9+$0x30];
	s9 =	sadd.s32 $0x100, s9  }
0x102: {  	v54 =	vld [tilespmem:s11+$0x70];
	p0 =	slt.u32 s10, $0x7C;
	v39 =	vsub.f32 v39, v49;
	v49 =	vnsel vm0, $0x0, v51;
	v51 =	vand.u32 $0x7FFFFFFF, v52;
	[tilespmem:s8+$0x30] =	vst v2;
	s8 =	smov.u32 s11  }
0x103: {  	vm0 =	vlt.f32 v34, $2.000000030e-01;
	v52 =	vld [tilespmem:s11+$0x60];
	vm1 =	vlt.f32 v51, $2.000000030e-01;
	v38 =	vsub.f32 v38, v50  }
0x104: {  	v45 =	vsub.f32 v37, v45;
	v46 =	vand.u32 $0x7FFFFFFF, v46;
	v50 =	vnsel vm0, $0x0, v34;
	v33 =	vld [tilespmem:s11+$0x50]  }
0x105: {  	v37 =	vand.u32 $0x7FFFFFFF, v48;
	v40 =	vadd.f32 v50, v40;
	v50 =	vnsel vm1, $0x0, v51;
	v34 =	vld [tilespmem:s11+$0x40]  }
0x106: {  	v39 =	vand.u32 $0x7FFFFFFF, v39;
	vm1 =	vlt.f32 v37, $2.000000030e-01;
	v51 =	vand.u32 $0x7FFFFFFF, v38;
	v48 =	vld [tilespmem:s11+$0x20]  }
0x107: {  	vm0 =	vlt.f32 v43, $2.000000030e-01;
	v56 =	vnsel vm1, $0x0, v37;
	vm1 =	vlt.f32 v46, $2.000000030e-01;
	v55 =	vld [tilespmem:s11+$0x10];
	v38 =	vmovc v54  }
0x108: {  	vm2 =	vlt.f32 v39, $2.000000030e-01;
	v47 =	vsub.f32 v47, v53;
	vm3 =	vlt.f32 v51, $2.000000030e-01;
	v54 =	vld [tilespmem:s11+$0xFFFFFF90];
	v37 =	vmovc v52  }
0x109: {  	v45 =	vand.u32 $0x7FFFFFFF, v45;
	v40 =	vadd.f32 v49, v40;
	v49 =	vnsel vm3, $0x0, v51;
	v52 =	vld [tilespmem:s11+$0xFFFFFF80]  }
0x10a: {  	v44 =	vsub.f32 v36, v44;
	v46 =	vnsel vm1, $0x0, v46;
	vm1 =	vlt.f32 v45, $2.000000030e-01;
	v51 =	vld [tilespmem:s11+$0xFFFFFFC0]  }
0x10b: {  	v39 =	vnsel vm2, $0x0, v39;
	v45 =	vnsel vm1, $0x0, v45;
	v47 =	vand.u32 $0x7FFFFFFF, v47;
	v53 =	vld [tilespmem:s9+$0xFFFFFFC0];
	v36 =	vmovc v48  }
0x10c: {  	v39 =	vadd.f32 v39, v41;
	v41 =	vand.u32 $0x7FFFFFFF, v44;
	vm1 =	vlt.f32 v47, $2.000000030e-01;
	v48 =	vld [tilespmem:s9+$0xFFFFFF80]  }
0x10d: {  	v42 =	vadd.f32 v56, v42;
	vm2 =	vlt.f32 v41, $2.000000030e-01;
	v44 =	vnsel vm1, $0x0, v47;
	v57 =	vld [tilespmem:s11+$0xFFFFFFF0]  }
0x10e: {  	v43 =	vnsel vm0, $0x0, v43;
	v50 =	vadd.f32 v50, v39;
	v41 =	vnsel vm2, $0x0, v41;
	v47 =	vld [tilespmem:s11+$0xFFFFFFD0]  }
0x10f: {  	v35 =	vadd.f32 v43, v35;
	v40 =	vadd.f32 v41, v40;
	v39 =	vld [tilespmem:s11+$0xFFFFFFB0]  }
0x110: {  	v44 =	vadd.f32 v44, v50;
	v43 =	vld [tilespmem:s11+$0xFFFFFFA0];
	v41 =	vsub.f32 v51, v53;
	[tilespmem:s11+$0xFFFFFFC0] =	vst v2  }
0x111: {  	v40 =	vadd.f32 v45, v40;
	v48 =	vsub.f32 v52, v48;
	[tilespmem:s11+$0xFFFFFF80] =	vst v2;
	v50 =	vld [tilespmem:s11+$0x0]  }
0x112: {  	v35 =	vadd.f32 v46, v35;
	v45 =	vand.u32 $0x7FFFFFFF, v41;
	v51 =	vld [tilespmem:s9+$0x0];
	v41 =	vadd.f32 v49, v44  }
0x113: {  	v44 =	vand.u32 $0x7FFFFFFF, v48;
	vm0 =	vlt.f32 v45, $2.000000030e-01;
	v46 =	vld [tilespmem:s11+$0xFFFFFFE0]  }
0x114: {  	vm1 =	vlt.f32 v44, $2.000000030e-01;
	v45 =	vnsel vm0, $0x0, v45;
	v48 =	vld [tilespmem:s9+$0xFFFFFFD0]  }
0x115: {  	v44 =	vnsel vm1, $0x0, v44;
	v49 =	vld [tilespmem:s9+$0xFFFFFF90];
	[tilespmem:s11+$0x0] =	vst v2  }
0x116: {  	v42 =	vadd.f32 v44, v42;
	[tilespmem:s11+$0xFFFFFFD0] =	vst v2;
	v44 =	vld [tilespmem:s9+$0x10]  }
0x117: {  	[tilespmem:s11+$0xFFFFFF90] =	vst v2;
	v52 =	vld [tilespmem:s9+$0xFFFFFFE0];
	v50 =	vsub.f32 v50, v51  }
0x118: {  	v42 =	vadd.f32 v45, v42;
	[tilespmem:s11+$0xFFFFFFE0] =	vst v2;
	v56 =	vld [tilespmem:s9+$0x40]  }
0x119: {  	v51 =	vld [tilespmem:s9+$0xFFFFFFA0];
	v45 =	vand.u32 $0x7FFFFFFF, v50;
	[tilespmem:s11+$0x40] =	vst v2  }
0x11a: {  	v47 =	vsub.f32 v47, v48;
	v49 =	vsub.f32 v54, v49;
	[tilespmem:s11+$0xFFFFFFA0] =	vst v2;
	vm0 =	vlt.f32 v45, $2.000000030e-01;
	v58 =	vld [tilespmem:s9+$0x50]  }
0x11b: {  	v59 =	vld [tilespmem:s9+$0xFFFFFFF0];
	v45 =	vnsel vm0, $0x0, v45;
	v60 =	vsub.f32 v55, v44;
	[tilespmem:s11+$0x50] =	vst v2  }
.Ltmp2:
0x11c: {  	v47 =	vand.u32 $0x7FFFFFFF, v47;
	v44 =	vand.u32 $0x7FFFFFFF, v49;
	v42 =	vadd.f32 v45, v42;
	[tilespmem:s11+$0x10] =	vst v2;
	v45 =	vld [tilespmem:s9+$0x60];
	(pc) =	sbr.rel @p0 .LBB2_6-.Ltmp2, $4  }
0x11d: {  	vm1 =	vlt.f32 v47, $2.000000030e-01;
	v46 =	vsub.f32 v46, v52;
	vm0 =	vlt.f32 v44, $2.000000030e-01;
	v49 =	vld [tilespmem:s9+$0xFFFFFFB0];
	[tilespmem:s11+$0x60] =	vst v2  }
0x11e: {  	v54 =	vnsel vm1, $0x0, v47;
	v44 =	vnsel vm0, $0x0, v44;
	v53 =	vsub.f32 v43, v51;
	[tilespmem:s11+$0xFFFFFFB0] =	vst v2;
	v50 =	vld [tilespmem:s9+$0x70]  }
0x11f: {  	v48 =	vsub.f32 v34, v56;
	v51 =	vand.u32 $0x7FFFFFFF, v46;
	v55 =	vadd.f32 v44, v35;
	v44 =	vld [tilespmem:s9+$0x20];
	[tilespmem:s11+$0x70] =	vst v2  }
0x120: {  	v43 =	vand.u32 $0x7FFFFFFF, v60;
	v46 =	vsub.f32 v33, v58;
	s11 =	sadd.s32 $0x100, s11;
	v52 =	vsub.f32 v57, v59;
	[tilespmem:s8+$0x20] =	vst v2;
	v47 =	vld [tilespmem:s8+$0x30]  }
0x121: {  	[tilespmem:s8+$0xFFFFFFF0] =	vst v2  }
0x122: {  	v56 =	vld [tilespmem:s9+$0x30];
	[tilespmem:s8+$0x30] =	vst v2  }
0x123: {  	s8 =	rddreg [dreg:$0x8]  }
0x124: {  	[tilespmem:s0], [sflag:$0x1] =	stream.strided.gather [hbm4b:s8+s31], $0x2000, s26, s31, $0x38;
	[tilespmem:$0x1E100] =	vst v63  }
0x125: {  	_ =	swait.ge [sflag:s4], $0x2000  }
0x126: {  	[sflag:s4] =	ssyncset.done $0x0  }
0x127: {  	s10 =	simm.s32 $0x20F0;
	[sflag:s4] =	ssyncadd.s32 $0xFFFFE000  }
0x128: {  	v57 =	vld [tilespmem:s10+$0xFFFFFF70]  }
0x129: {  	v53 =	vand.u32 $0x7FFFFFFF, v53;
	v33 =	vld [tilespmem:s10+$0x0]  }
0x12a: {  	vm0 =	vlt.f32 v53, $2.000000030e-01;
	v35 =	vld [tilespmem:s10+$0xFFFFFFC0]  }
0x12b: {  	v39 =	vsub.f32 v39, v49;
	v58 =	vnsel vm0, $0x0, v53;
	v53 =	vld [tilespmem:s10+$0xFFFFFFB0]  }
0x12c: {  	v54 =	vadd.f32 v54, v55;
	v49 =	vld [tilespmem:s10+$0xFFFFFFA0]  }
0x12d: {  	vm1 =	vlt.f32 v51, $2.000000030e-01;
	v60 =	vand.u32 $0x7FFFFFFF, v52;
	v39 =	vand.u32 $0x7FFFFFFF, v39;
	v52 =	vld [tilespmem:s10+$0xFFFFFF20]  }
0x12e: {  	v48 =	vand.u32 $0x7FFFFFFF, v48;
	v59 =	vnsel vm1, $0x0, v51;
	vm1 =	vlt.f32 v39, $2.000000030e-01;
	v55 =	vld [tilespmem:s10+$0xFFFFFF10]  }
0x12f: {  	v45 =	vsub.f32 v37, v45;
	vm2 =	vlt.f32 v48, $2.000000030e-01;
	s8 =	simm.s32 $0x1A080;
	v61 =	vnsel vm1, $0x0, v39;
	v39 =	vld [tilespmem:s10+$0xFFFFFF50]  }
0x130: {  	v38 =	vsub.f32 v38, v50;
	vm0 =	vlt.f32 v60, $2.000000030e-01;
	v40 =	vadd.f32 v58, v40;
	v63 =	vld [tilespmem:s8+$0xFFFFFF80]  }
0x131: {  	v36 =	vsub.f32 v36, v44;
	v62 =	vnsel vm0, $0x0, v60;
	vm0 =	vlt.f32 v43, $2.000000030e-01;
	v58 =	vld [tilespmem:s8+$0xFFFFFFC0]  }
0x132: {  	v47 =	vsub.f32 v47, v56;
	v40 =	vadd.f32 v59, v40;
	v59 =	vnsel vm0, $0x0, v43;
	v43 =	vld [tilespmem:s10+$0xFFFFFF60]  }
0x133: {  	v46 =	vand.u32 $0x7FFFFFFF, v46;
	v37 =	vadd.f32 v61, v41;
	v60 =	vadd.f32 v59, v54;
	v54 =	vld [tilespmem:s10+$0xFFFFFF30];
	[tilespmem:s10+$0xFFFFFF10] =	vst v2  }
0x134: {  	v48 =	vnsel vm2, $0x0, v48;
	v45 =	vand.u32 $0x7FFFFFFF, v45;
	v47 =	vand.u32 $0x7FFFFFFF, v47;
	v56 =	vld [tilespmem:s8+$0xFFFFFF90]  }
0x135: {  	v36 =	vand.u32 $0x7FFFFFFF, v36;
	v44 =	vadd.f32 v62, v37;
	vm0 =	vlt.f32 v47, $2.000000030e-01;
	v62 =	vld [tilespmem:s10+$0xFFFFFF90]  }
0x136: {  	v42 =	vadd.f32 v48, v42;
	vm1 =	vlt.f32 v36, $2.000000030e-01;
	v61 =	vnsel vm0, $0x0, v47;
	v47 =	vld [tilespmem:s10+$0xFFFFFF80]  }
0x137: {  	[tilespmem:s10+$0xFFFFFF50] =	vst v2;
	v36 =	vnsel vm1, $0x0, v36;
	vm1 =	vlt.f32 v45, $2.000000030e-01;
	v41 =	vsub.f32 v55, v63;
	v63 =	vld [tilespmem:s8+$0x0]  }
0x138: {  	v38 =	vand.u32 $0x7FFFFFFF, v38;
	v36 =	vadd.f32 v36, v40;
	v45 =	vnsel vm1, $0x0, v45;
	v55 =	vld [tilespmem:s8+$0xFFFFFFD0];
	[tilespmem:s10+$0xFFFFFF60] =	vst v2  }
0x139: {  	vm0 =	vlt.f32 v46, $2.000000030e-01;
	v40 =	vadd.f32 v61, v44;
	v39 =	vsub.f32 v39, v58;
	[tilespmem:s10+$0xFFFFFF90] =	vst v2;
	v58 =	vld [tilespmem:s8+$0xFFFFFFE0]  }
0x13a: {  	[tilespmem:s10+$0xFFFFFF20] =	vst v2;
	v36 =	vadd.f32 v45, v36;
	v46 =	vnsel vm0, $0x0, v46;
	v59 =	vld [tilespmem:s8+$0x10];
	v41 =	vand.u32 $0x7FFFFFFF, v41  }
0x13b: {  	v51 =	vadd.f32 v46, v60;
	[tilespmem:s10+$0xFFFFFF70] =	vst v2;
	v61 =	vsub.f32 v52, v56;
	v56 =	vld [tilespmem:s8+$0xFFFFFFA0];
	vm0 =	vlt.f32 v41, $2.000000030e-01  }
0x13c: {  	[tilespmem:s10+$0xFFFFFFA0] =	vst v2;
	v39 =	vand.u32 $0x7FFFFFFF, v39;
	v45 =	vld [tilespmem:s8+$0xFFFFFFF0];
	v41 =	vnsel vm0, $0x0, v41;
	vm0 =	vlt.f32 v38, $2.000000030e-01  }
0x13d: {  	v52 =	vld [tilespmem:s8+$0x20];
	v41 =	vadd.f32 v41, v42;
	v38 =	vnsel vm0, $0x0, v38;
	vm0 =	vlt.f32 v39, $2.000000030e-01  }
0x13e: {  	v34 =	vld [tilespmem:s10+$0xFFFFFFE0];
	v44 =	vsub.f32 v62, v63;
	v60 =	vsub.f32 v43, v55;
	v63 =	vand.u32 $0x7FFFFFFF, v61  }
0x13f: {  	v50 =	vld [tilespmem:s8+$0x40];
	[tilespmem:s10+$0xFFFFFF30] =	vst v2;
	v38 =	vadd.f32 v38, v40;
	v39 =	vnsel vm0, $0x0, v39;
	v62 =	vsub.f32 v57, v58  }
0x140: {  	[tilespmem:s10+$0xFFFFFF80] =	vst v2;
	v42 =	vsub.f32 v49, v59;
	v41 =	vadd.f32 v39, v41;
	v39 =	vand.u32 $0x7FFFFFFF, v44;
	v44 =	vld [tilespmem:s10+$0xFFFFFFD0]  }
0x141: {  	v37 =	vld [tilespmem:s10+$0xFFFFFF40];
	[tilespmem:s10+$0xFFFFFFB0] =	vst v2;
	vm2 =	vlt.f32 v63, $2.000000030e-01;
	v40 =	vand.u32 $0x7FFFFFFF, v60;
	v47 =	vsub.f32 v47, v45  }
0x142: {  	v49 =	vld [tilespmem:s8+$0xFFFFFFB0];
	[tilespmem:s10+$0xFFFFFFD0] =	vst v2;
	v60 =	vnsel vm2, $0x0, v63;
	v48 =	vsub.f32 v53, v52;
	v52 =	vsub.f32 v54, v56  }
0x143: {  	vm0 =	vlt.f32 v39, $2.000000030e-01;
	vm1 =	vlt.f32 v40, $2.000000030e-01;
	v46 =	vld [tilespmem:s8+$0x50];
	v43 =	vand.u32 $0x7FFFFFFF, v62;
	[tilespmem:s10+$0xFFFFFFE0] =	vst v2  }
0x144: {  	v61 =	vadd.f32 v60, v51;
	v57 =	vnsel vm1, $0x0, v40;
	v40 =	vand.u32 $0x7FFFFFFF, v42;
	v45 =	vld [tilespmem:s8+$0x60];
	[tilespmem:s10+$0xFFFFFFF0] =	vst v2  }
0x145: {  	[tilespmem:s10+$0xFFFFFF40] =	vst v2;
	v62 =	vnsel vm0, $0x0, v39;
	v63 =	vand.u32 $0x7FFFFFFF, v47;
	v47 =	vld [tilespmem:s8+$0x70];
	v44 =	vsub.f32 v44, v50  }
0x146: {  	vm0 =	vlt.f32 v40, $2.000000030e-01;
	v39 =	vadd.f32 v57, v61;
	vm1 =	vlt.f32 v63, $2.000000030e-01;
	[tilespmem:s10+$0x0] =	vst v2;
	v50 =	vld [tilespmem:s8+$0x30]  }
0x147: {  	s9 =	simm.s32 $0x0;
	v51 =	vld [tilespmem:s10+$0xFFFFFFF0];
	v41 =	vadd.f32 v62, v41;
	v42 =	vnsel vm1, $0x0, v63;
	[tilespmem:s10+$0xFFFFFFC0] =	vst v2;
	s10 =	simm.s32 $0x21F0;
	v44 =	vand.u32 $0x7FFFFFFF, v44  }
.LBB2_8:
0x148: {  	v53 =	vld [tilespmem:s10+$0xFFFFFF70];
	s9 =	sadd.s32 $0x4, s9;
	vm2 =	vlt.f32 v43, $2.000000030e-01;
	v48 =	vand.u32 $0x7FFFFFFF, v48;
	v46 =	vsub.f32 v34, v46;
	s8 =	sadd.s32 $0x100, s8  }
0x149: {  	vm1 =	vlt.f32 v44, $2.000000030e-01;
	v54 =	vld [tilespmem:s10+$0x0];
	p0 =	slt.u32 s9, $0x7C;
	v52 =	vand.u32 $0x7FFFFFFF, v52;
	v37 =	vsub.f32 v37, v49  }
0x14a: {  	v43 =	vnsel vm2, $0x0, v43;
	v49 =	vld [tilespmem:s10+$0xFFFFFFC0];
	vm3 =	vlt.f32 v52, $2.000000030e-01  }
0x14b: {  	v34 =	vld [tilespmem:s10+$0xFFFFFFE0];
	v52 =	vnsel vm3, $0x0, v52;
	v37 =	vand.u32 $0x7FFFFFFF, v37;
	v35 =	vsub.f32 v35, v50  }
0x14c: {  	v46 =	vand.u32 $0x7FFFFFFF, v46;
	v50 =	vld [tilespmem:s8+$0x40];
	vm2 =	vlt.f32 v37, $2.000000030e-01;
	v45 =	vsub.f32 v51, v45  }
0x14d: {  	v47 =	vsub.f32 v33, v47;
	v36 =	vadd.f32 v52, v36;
	v51 =	vld [tilespmem:s10+$0xFFFFFFB0];
	v37 =	vnsel vm2, $0x0, v37  }
0x14e: {  	vm2 =	vlt.f32 v46, $2.000000030e-01;
	v52 =	vld [tilespmem:s10+$0xFFFFFFA0];
	v37 =	vadd.f32 v37, v38;
	v38 =	vand.u32 $0x7FFFFFFF, v45;
	v33 =	vmovc v54  }
0x14f: {  	v47 =	vand.u32 $0x7FFFFFFF, v47;
	v54 =	vand.u32 $0x7FFFFFFF, v35;
	v45 =	vld [tilespmem:s10+$0xFFFFFF20];
	vm3 =	vlt.f32 v38, $2.000000030e-01;
	v35 =	vmovc v49  }
0x150: {  	vm4 =	vlt.f32 v48, $2.000000030e-01;
	v46 =	vnsel vm2, $0x0, v46;
	vm2 =	vlt.f32 v47, $2.000000030e-01;
	v49 =	vld [tilespmem:s10+$0xFFFFFF10]  }
0x151: {  	v40 =	vnsel vm0, $0x0, v40;
	v47 =	vnsel vm2, $0x0, v47;
	v38 =	vnsel vm3, $0x0, v38;
	v55 =	vld [tilespmem:s10+$0xFFFFFF50]  }
0x152: {  	v36 =	vadd.f32 v43, v36;
	v43 =	vnsel vm1, $0x0, v44;
	vm0 =	vlt.f32 v54, $2.000000030e-01;
	v56 =	vld [tilespmem:s8+$0xFFFFFFC0]  }
0x153: {  	v48 =	vnsel vm4, $0x0, v48;
	v41 =	vadd.f32 v43, v41;
	v54 =	vnsel vm0, $0x0, v54;
	v44 =	vld [tilespmem:s8+$0xFFFFFF80]  }
0x154: {  	v42 =	vadd.f32 v42, v37;
	v36 =	vadd.f32 v48, v36;
	v43 =	vld [tilespmem:s10+$0xFFFFFF60]  }
0x155: {  	v39 =	vadd.f32 v40, v39;
	v37 =	vld [tilespmem:s10+$0xFFFFFF40];
	[tilespmem:s10+$0xFFFFFF50] =	vst v2  }
0x156: {  	v40 =	vadd.f32 v54, v42;
	v36 =	vadd.f32 v38, v36;
	[tilespmem:s10+$0xFFFFFF10] =	vst v2;
	v57 =	vld [tilespmem:s10+$0xFFFFFF30]  }
0x157: {  	v39 =	vadd.f32 v46, v39;
	v42 =	vsub.f32 v55, v56;
	v48 =	vld [tilespmem:s10+$0xFFFFFF90]  }
0x158: {  	v38 =	vadd.f32 v47, v40;
	v44 =	vsub.f32 v49, v44;
	v46 =	vld [tilespmem:s8+$0x0]  }
0x159: {  	v40 =	vand.u32 $0x7FFFFFFF, v42;
	v42 =	vld [tilespmem:s8+$0xFFFFFFD0]  }
0x15a: {  	v44 =	vand.u32 $0x7FFFFFFF, v44;
	v47 =	vld [tilespmem:s8+$0xFFFFFF90];
	vm0 =	vlt.f32 v40, $2.000000030e-01;
	[tilespmem:s10+$0xFFFFFF60] =	vst v2  }
0x15b: {  	vm1 =	vlt.f32 v44, $2.000000030e-01;
	v40 =	vnsel vm0, $0x0, v40;
	v49 =	vld [tilespmem:s8+$0xFFFFFFE0];
	[tilespmem:s10+$0xFFFFFF90] =	vst v2  }
0x15c: {  	v44 =	vnsel vm1, $0x0, v44;
	[tilespmem:s10+$0xFFFFFF70] =	vst v2;
	v54 =	vld [tilespmem:s8+$0x10]  }
0x15d: {  	v41 =	vadd.f32 v44, v41;
	v44 =	vld [tilespmem:s10+$0xFFFFFF80];
	v46 =	vsub.f32 v48, v46;
	[tilespmem:s10+$0xFFFFFFA0] =	vst v2  }
0x15e: {  	[tilespmem:s10+$0xFFFFFF20] =	vst v2;
	v42 =	vsub.f32 v43, v42;
	v48 =	vld [tilespmem:s8+$0xFFFFFFF0]  }
0x15f: {  	v43 =	vsub.f32 v45, v47;
	v41 =	vadd.f32 v40, v41;
	[tilespmem:s10+$0xFFFFFF80] =	vst v2;
	v47 =	vand.u32 $0x7FFFFFFF, v46;
	v55 =	vld [tilespmem:s10+$0xFFFFFFD0]  }
0x160: {  	v40 =	vand.u32 $0x7FFFFFFF, v42;
	v42 =	vsub.f32 v53, v49;
	vm0 =	vlt.f32 v47, $2.000000030e-01;
	v53 =	vld [tilespmem:s8+$0x20];
	[tilespmem:s10+$0xFFFFFFD0] =	vst v2  }
0x161: {  	v45 =	vand.u32 $0x7FFFFFFF, v43;
	vm1 =	vlt.f32 v40, $2.000000030e-01;
	v49 =	vsub.f32 v52, v54;
	[tilespmem:s10+$0xFFFFFFB0] =	vst v2;
	v46 =	vld [tilespmem:s8+$0x50]  }
0x162: {  	vm2 =	vlt.f32 v45, $2.000000030e-01;
	v52 =	vld [tilespmem:s8+$0xFFFFFFA0];
	v54 =	vnsel vm1, $0x0, v40;
	v43 =	vand.u32 $0x7FFFFFFF, v42;
	[tilespmem:s10+$0xFFFFFFE0] =	vst v2  }
.Ltmp3:
0x163: {  	v42 =	vnsel vm2, $0x0, v45;
	[tilespmem:s10+$0xFFFFFF30] =	vst v2;
	v44 =	vsub.f32 v44, v48;
	v40 =	vand.u32 $0x7FFFFFFF, v49;
	v45 =	vld [tilespmem:s8+$0x60];
	(pc) =	sbr.rel @p0 .LBB2_8-.Ltmp3, $4  }
0x164: {  	v39 =	vadd.f32 v42, v39;
	v49 =	vld [tilespmem:s8+$0xFFFFFFB0];
	v42 =	vnsel vm0, $0x0, v47;
	vm0 =	vlt.f32 v40, $2.000000030e-01;
	[tilespmem:s10+$0xFFFFFFF0] =	vst v2  }
0x165: {  	[tilespmem:s10+$0xFFFFFF40] =	vst v2;
	v44 =	vand.u32 $0x7FFFFFFF, v44;
	v48 =	vsub.f32 v51, v53;
	v51 =	vsub.f32 v55, v50;
	v47 =	vld [tilespmem:s8+$0x70]  }
0x166: {  	v41 =	vadd.f32 v42, v41;
	v39 =	vadd.f32 v54, v39;
	vm1 =	vlt.f32 v44, $2.000000030e-01;
	v50 =	vld [tilespmem:s8+$0x30];
	[tilespmem:s10+$0x0] =	vst v2  }
0x167: {  	v52 =	vsub.f32 v57, v52;
	v42 =	vnsel vm1, $0x0, v44;
	[tilespmem:s10+$0xFFFFFFC0] =	vst v2;
	v44 =	vand.u32 $0x7FFFFFFF, v51;
	v51 =	vld [tilespmem:s10+$0xFFFFFFF0];
	s10 =	sadd.s32 $0x100, s10  }
0x168: {  	s8 =	rddreg [dreg:$0x9]  }
0x169: {  	[tilespmem:s1], [sflag:$0x2] =	stream.strided.gather [hbm4b:s8+s31], $0x2000, s26, s31, $0x38;
	[tilespmem:$0x1E100] =	vst v63  }
0x16a: {  	_ =	swait.ge [sflag:s6], $0x2000  }
0x16b: {  	[sflag:s6] =	ssyncset.done $0x0  }
0x16c: {  	s8 =	simm.s32 $0x0;
	[sflag:s6] =	ssyncadd.s32 $0xFFFFE000  }
0x16d: {  	v53 =	vld [tilespmem:s8+$0x1C0B0]  }
0x16e: {  	v54 =	vld [tilespmem:s8+$0x1C090]  }
0x16f: {  	v55 =	vld [tilespmem:s8+$0x4090]  }
0x170: {  	v56 =	vld [tilespmem:s8+$0x1C070]  }
0x171: {  	v57 =	vld [tilespmem:s8+$0x4070]  }
0x172: {  	v34 =	vsub.f32 v34, v46;
	v48 =	vand.u32 $0x7FFFFFFF, v48;
	v58 =	vld [tilespmem:s8+$0x1C060]  }
0x173: {  	v40 =	vnsel vm0, $0x0, v40;
	v52 =	vand.u32 $0x7FFFFFFF, v52;
	v37 =	vsub.f32 v37, v49;
	v49 =	vld [tilespmem:s8+$0x1C080]  }
0x174: {  	vm0 =	vlt.f32 v48, $2.000000030e-01;
	v39 =	vadd.f32 v40, v39;
	vm1 =	vlt.f32 v52, $2.000000030e-01;
	v46 =	vld [tilespmem:s8+$0x4060]  }
0x175: {  	v47 =	vsub.f32 v33, v47;
	v61 =	vnsel vm1, $0x0, v52;
	vm1 =	vlt.f32 v43, $2.000000030e-01;
	v62 =	vld [tilespmem:s8+$0x1C050]  }
0x176: {  	v37 =	vand.u32 $0x7FFFFFFF, v37;
	v43 =	vnsel vm1, $0x0, v43;
	vm1 =	vlt.f32 v44, $2.000000030e-01;
	v63 =	vld [tilespmem:s8+$0x4050]  }
0x177: {  	v35 =	vsub.f32 v35, v50;
	vm2 =	vlt.f32 v37, $2.000000030e-01;
	v59 =	vnsel vm1, $0x0, v44;
	v44 =	vld [tilespmem:s8+$0x1C030]  }
0x178: {  	v36 =	vadd.f32 v61, v36;
	v60 =	vand.u32 $0x7FFFFFFF, v47;
	v37 =	vnsel vm2, $0x0, v37;
	v47 =	vld [tilespmem:s8+$0x4010]  }
0x179: {  	v34 =	vand.u32 $0x7FFFFFFF, v34;
	v45 =	vsub.f32 v51, v45;
	v37 =	vadd.f32 v37, v38;
	v38 =	vld [tilespmem:s8+$0x1C040]  }
0x17a: {  	v35 =	vand.u32 $0x7FFFFFFF, v35;
	v36 =	vadd.f32 v43, v36;
	v43 =	vnsel vm0, $0x0, v48;
	v48 =	vld [tilespmem:s8+$0x1C020]  }
0x17b: {  	v33 =	vadd.f32 v59, v41;
	vm0 =	vlt.f32 v35, $2.000000030e-01;
	v45 =	vand.u32 $0x7FFFFFFF, v45;
	v59 =	vld [tilespmem:s8+$0x4020]  }
0x17c: {  	v41 =	vld [tilespmem:s8+$0x4030];
	v35 =	vnsel vm0, $0x0, v35;
	vm0 =	vlt.f32 v34, $2.000000030e-01;
	v37 =	vadd.f32 v42, v37  }
0x17d: {  	[tilespmem:s8+$0x4070] =	vst v2;
	v42 =	vld [tilespmem:s8+$0x1C010];
	v36 =	vadd.f32 v43, v36;
	v34 =	vnsel vm0, $0x0, v34;
	vm0 =	vlt.f32 v45, $2.000000030e-01  }
0x17e: {  	[tilespmem:s8+$0x4060] =	vst v2;
	v43 =	vld [tilespmem:s8+$0x4040];
	v61 =	vnsel vm0, $0x0, v45;
	v37 =	vadd.f32 v35, v37;
	v62 =	vsub.f32 v63, v62  }
0x17f: {  	v50 =	vld [tilespmem:s8+$0x4080];
	[tilespmem:s8+$0x4050] =	vst v2;
	vm0 =	vlt.f32 v60, $2.000000030e-01;
	v36 =	vadd.f32 v61, v36;
	v35 =	vadd.f32 v34, v39  }
0x180: {  	v51 =	vld [tilespmem:s8+$0x1C000];
	[tilespmem:s8+$0x4010] =	vst v2;
	v63 =	vnsel vm0, $0x0, v60;
	v60 =	vsub.f32 v46, v58;
	v48 =	vsub.f32 v59, v48  }
0x181: {  	v52 =	vld [tilespmem:s8+$0x40B0];
	[tilespmem:s8+$0x4080] =	vst v2;
	v40 =	vand.u32 $0x7FFFFFFF, v62;
	v34 =	vadd.f32 v63, v37;
	v63 =	vsub.f32 v41, v44  }
0x182: {  	[tilespmem:s8+$0x4090] =	vst v2;
	v62 =	vld [tilespmem:s8+$0x4000];
	v39 =	vand.u32 $0x7FFFFFFF, v60;
	v60 =	vsub.f32 v57, v56;
	vm0 =	vlt.f32 v40, $2.000000030e-01  }
0x183: {  	[tilespmem:s8+$0x40B0] =	vst v2;
	v56 =	vld [tilespmem:s8+$0x40E0];
	v61 =	vsub.f32 v43, v38;
	v42 =	vsub.f32 v47, v42;
	v37 =	vnsel vm0, $0x0, v40  }
0x184: {  	[tilespmem:s8+$0x4030] =	vst v2;
	v57 =	vld [tilespmem:s8+$0x1C0E0];
	vm0 =	vlt.f32 v39, $2.000000030e-01;
	v40 =	vand.u32 $0x7FFFFFFF, v63;
	v41 =	vand.u32 $0x7FFFFFFF, v60  }
0x185: {  	[tilespmem:s8+$0x4020] =	vst v2;
	v45 =	vld [tilespmem:s8+$0x40F0];
	v60 =	vand.u32 $0x7FFFFFFF, v48;
	v44 =	vand.u32 $0x7FFFFFFF, v61;
	v61 =	vsub.f32 v50, v49  }
0x186: {  	[tilespmem:s8+$0x4040] =	vst v2;
	v58 =	vld [tilespmem:s8+$0x40A0];
	v38 =	vnsel vm0, $0x0, v39;
	vm1 =	vlt.f32 v41, $2.000000030e-01;
	vm0 =	vlt.f32 v40, $2.000000030e-01  }
0x187: {  	[tilespmem:s8+$0x40F0] =	vst v2;
	v59 =	vld [tilespmem:s8+$0x1C0A0];
	v39 =	vnsel vm1, $0x0, v41;
	vm2 =	vlt.f32 v44, $2.000000030e-01;
	v49 =	vand.u32 $0x7FFFFFFF, v61  }
0x188: {  	[tilespmem:s8+$0x40A0] =	vst v2;
	v43 =	vsub.f32 v62, v51;
	v62 =	vsub.f32 v55, v54;
	vm1 =	vlt.f32 v49, $2.000000030e-01  }
0x189: {  	v46 =	vld [tilespmem:s8+$0x1C0F0];
	[tilespmem:s8+$0x40E0] =	vst v2;
	v44 =	vnsel vm2, $0x0, v44;
	v51 =	vsub.f32 v56, v57;
	v41 =	vnsel vm1, $0x0, v49  }
0x18a: {  	[tilespmem:s8+$0x4000] =	vst v2;
	v47 =	vld [tilespmem:s8+$0x40C0];
	v49 =	vand.u32 $0x7FFFFFFF, v42;
	vm1 =	vlt.f32 v60, $2.000000030e-01;
	v63 =	vand.u32 $0x7FFFFFFF, v62  }
0x18b: {  	[tilespmem:s8+$0x40C0] =	vst v2;
	v48 =	vld [tilespmem:s8+$0x40D0];
	v50 =	vand.u32 $0x7FFFFFFF, v43;
	v42 =	vsub.f32 v52, v53;
	vm2 =	vlt.f32 v63, $2.000000030e-01  }
0x18c: {  	s9 =	simm.s32 $0x0;
	s10 =	simm.s32 $0x400;
	[tilespmem:s8+$0x40D0] =	vst v2;
	v52 =	vld [tilespmem:s8+$0x1C0C0];
	v53 =	vsub.f32 v58, v59;
	v54 =	vnsel vm1, $0x0, v60;
	v43 =	vnsel vm2, $0x0, v63  }
.LBB2_10:
0x18d: {  	s9 =	sadd.s32 $0x4, s9;
	vm1 =	vlt.f32 v49, $2.000000030e-01;
	v55 =	vand.u32 $0x7FFFFFFF, v42;
	v56 =	vld [tilespmem:s8+$0x1C0D0];
	s8 =	sshra.s32 s10, $0x2;
	v51 =	vand.u32 $0x7FFFFFFF, v51  }
0x18e: {  	v42 =	vld [tilespmem:s8+$0x1C0B0];
	p0 =	slt.u32 s9, $0x7C;
	v49 =	vnsel vm1, $0x0, v49;
	v53 =	vand.u32 $0x7FFFFFFF, v53;
	vm1 =	vlt.f32 v55, $2.000000030e-01  }
0x18f: {  	vm2 =	vlt.f32 v50, $2.000000030e-01;
	v57 =	vld [tilespmem:s8+$0x1C090];
	vm3 =	vlt.f32 v53, $2.000000030e-01;
	v55 =	vnsel vm1, $0x0, v55  }
0x190: {  	v50 =	vnsel vm2, $0x0, v50;
	v45 =	vsub.f32 v45, v46;
	v58 =	vld [tilespmem:s8+$0x4090];
	v53 =	vnsel vm3, $0x0, v53  }
0x191: {  	v36 =	vadd.f32 v54, v36;
	vm1 =	vlt.f32 v51, $2.000000030e-01;
	v46 =	vld [tilespmem:s8+$0x1C080];
	v47 =	vsub.f32 v47, v52  }
0x192: {  	v33 =	vadd.f32 v50, v33;
	v45 =	vand.u32 $0x7FFFFFFF, v45;
	v52 =	vld [tilespmem:s8+$0x40B0];
	v48 =	vsub.f32 v48, v56  }
0x193: {  	v35 =	vadd.f32 v49, v35;
	v49 =	vnsel vm1, $0x0, v51;
	v50 =	vld [tilespmem:s8+$0x4080];
	v47 =	vand.u32 $0x7FFFFFFF, v47  }
0x194: {  	v40 =	vnsel vm0, $0x0, v40;
	vm0 =	vlt.f32 v45, $2.000000030e-01;
	v51 =	vld [tilespmem:s8+$0x1C070];
	[tilespmem:s8+$0x4080] =	vst v2;
	v48 =	vand.u32 $0x7FFFFFFF, v48  }
0x195: {  	v34 =	vadd.f32 v40, v34;
	vm1 =	vlt.f32 v47, $2.000000030e-01;
	v54 =	vld [tilespmem:s8+$0x4070];
	vm2 =	vlt.f32 v48, $2.000000030e-01  }
0x196: {  	v33 =	vadd.f32 v44, v33;
	v44 =	vnsel vm1, $0x0, v47;
	v40 =	vld [tilespmem:s8+$0x1C060];
	[tilespmem:s8+$0x4070] =	vst v2  }
0x197: {  	v36 =	vadd.f32 v38, v36;
	v35 =	vadd.f32 v37, v35;
	v37 =	vnsel vm2, $0x0, v48;
	v47 =	vld [tilespmem:s8+$0x4060]  }
0x198: {  	v34 =	vadd.f32 v39, v34;
	v39 =	vnsel vm0, $0x0, v45;
	v33 =	vadd.f32 v41, v33;
	v38 =	vld [tilespmem:s8+$0x1C050];
	[tilespmem:s8+$0x4060] =	vst v2  }
0x199: {  	v36 =	vadd.f32 v53, v36;
	v35 =	vadd.f32 v43, v35;
	v41 =	vld [tilespmem:s8+$0x4050]  }
0x19a: {  	v34 =	vadd.f32 v55, v34;
	v33 =	vadd.f32 v44, v33;
	v43 =	vld [tilespmem:s8+$0x1C040];
	[tilespmem:s8+$0x4050] =	vst v2  }
0x19b: {  	v36 =	vadd.f32 v49, v36;
	v35 =	vadd.f32 v37, v35;
	v44 =	vld [tilespmem:s8+$0x4040]  }
0x19c: {  	v34 =	vadd.f32 v39, v34;
	v37 =	vld [tilespmem:s8+$0x1C030];
	[tilespmem:s8+$0x4040] =	vst v2  }
0x19d: {  	v39 =	vld [tilespmem:s8+$0x4030]  }
0x19e: {  	v45 =	vld [tilespmem:s8+$0x1C010];
	[tilespmem:s8+$0x4030] =	vst v2;
	v38 =	vsub.f32 v41, v38  }
0x19f: {  	v41 =	vld [tilespmem:s8+$0x1C020]  }
0x1a0: {  	v40 =	vsub.f32 v47, v40;
	v48 =	vld [tilespmem:s8+$0x4020];
	v43 =	vsub.f32 v44, v43;
	v38 =	vand.u32 $0x7FFFFFFF, v38  }
0x1a1: {  	v44 =	vld [tilespmem:s8+$0x4010];
	vm0 =	vlt.f32 v38, $2.000000030e-01;
	[tilespmem:s8+$0x4090] =	vst v2  }
0x1a2: {  	v51 =	vsub.f32 v54, v51;
	v49 =	vand.u32 $0x7FFFFFFF, v40;
	v47 =	vld [tilespmem:s8+$0x1C000];
	[tilespmem:s8+$0x4010] =	vst v2;
	v39 =	vsub.f32 v39, v37  }
0x1a3: {  	v43 =	vand.u32 $0x7FFFFFFF, v43;
	v37 =	vnsel vm0, $0x0, v38;
	vm0 =	vlt.f32 v49, $2.000000030e-01;
	v53 =	vld [tilespmem:s8+$0x4000];
	[tilespmem:s8+$0x40B0] =	vst v2  }
0x1a4: {  	v46 =	vsub.f32 v50, v46;
	[tilespmem:s8+$0x4000] =	vst v2;
	v40 =	vand.u32 $0x7FFFFFFF, v39;
	v39 =	vand.u32 $0x7FFFFFFF, v51;
	v55 =	vld [tilespmem:s8+$0x40A0]  }
0x1a5: {  	v38 =	vnsel vm0, $0x0, v49;
	v41 =	vsub.f32 v48, v41;
	vm1 =	vlt.f32 v39, $2.000000030e-01;
	[tilespmem:s8+$0x40A0] =	vst v2;
	v51 =	vld [tilespmem:s8+$0x40E0]  }
0x1a6: {  	v46 =	vand.u32 $0x7FFFFFFF, v46;
	vm0 =	vlt.f32 v40, $2.000000030e-01;
	v39 =	vnsel vm1, $0x0, v39;
	v54 =	vld [tilespmem:s8+$0x1C0E0];
	[tilespmem:s8+$0x40E0] =	vst v2  }
0x1a7: {  	v44 =	vsub.f32 v44, v45;
	vm1 =	vlt.f32 v46, $2.000000030e-01;
	v56 =	vand.u32 $0x7FFFFFFF, v41;
	[tilespmem:s8+$0x4020] =	vst v2;
	v59 =	vld [tilespmem:s8+$0x1C0A0]  }
.Ltmp4:
0x1a8: {  	v48 =	vsub.f32 v58, v57;
	v41 =	vnsel vm1, $0x0, v46;
	v47 =	vsub.f32 v53, v47;
	v45 =	vld [tilespmem:s8+$0x40F0];
	(pc) =	sbr.rel @p0 .LBB2_10-.Ltmp4, $4  }
0x1a9: {  	vm2 =	vlt.f32 v43, $2.000000030e-01;
	v49 =	vand.u32 $0x7FFFFFFF, v44;
	vm1 =	vlt.f32 v56, $2.000000030e-01;
	v46 =	vld [tilespmem:s8+$0x1C0F0];
	[tilespmem:s8+$0x40F0] =	vst v2  }
0x1aa: {  	v42 =	vsub.f32 v52, v42;
	v53 =	vand.u32 $0x7FFFFFFF, v48;
	v50 =	vand.u32 $0x7FFFFFFF, v47;
	v47 =	vld [tilespmem:s8+$0x40C0]  }
0x1ab: {  	v44 =	vnsel vm2, $0x0, v43;
	vm2 =	vlt.f32 v53, $2.000000030e-01;
	[tilespmem:s8+$0x40C0] =	vst v2;
	v48 =	vld [tilespmem:s8+$0x40D0];
	v51 =	vsub.f32 v51, v54  }
0x1ac: {  	s10 =	sadd.s32 $0x400, s10;
	v43 =	vnsel vm2, $0x0, v53;
	v54 =	vnsel vm1, $0x0, v56;
	v53 =	vsub.f32 v55, v59;
	v52 =	vld [tilespmem:s8+$0x1C0C0];
	[tilespmem:s8+$0x40D0] =	vst v2  }
0x1ad: {  	s11 =	rddreg [dreg:$0xa]  }
0x1ae: {  	v55 =	vld [tilespmem:s8+$0x1C0D0];
	[tilespmem:s2], [sflag:$0x3] =	stream.strided.gather [hbm4b:s11+s31], $0x2000, s26, s31, $0x38  }
0x1af: {  	_ =	swait.ge [sflag:s28], $0x2000  }
0x1b0: {  	[sflag:s28] =	ssyncset.done $0x0  }
0x1b1: {  	s8 =	simm.s32 $0x0;
	[sflag:s28] =	ssyncadd.s32 $0xFFFFE000  }
0x1b2: {  	v57 =	vld [tilespmem:s8+$0x18090]  }
0x1b3: {  	v58 =	vld [tilespmem:s8+$0x6090]  }
0x1b4: {  	v59 =	vld [tilespmem:s8+$0x18070]  }
0x1b5: {  	vm1 =	vlt.f32 v49, $2.000000030e-01;
	vm2 =	vlt.f32 v50, $2.000000030e-01;
	v36 =	vadd.f32 v54, v36;
	v60 =	vld [tilespmem:s8+$0x6070]  }
0x1b6: {  	v40 =	vnsel vm0, $0x0, v40;
	v63 =	vand.u32 $0x7FFFFFFF, v42;
	v45 =	vsub.f32 v45, v46;
	v46 =	vld [tilespmem:s8+$0x18060]  }
0x1b7: {  	v49 =	vnsel vm1, $0x0, v49;
	v50 =	vnsel vm2, $0x0, v50;
	v34 =	vadd.f32 v40, v34;
	v54 =	vld [tilespmem:s8+$0x18080]  }
0x1b8: {  	v62 =	vand.u32 $0x7FFFFFFF, v53;
	v33 =	vadd.f32 v50, v33;
	v47 =	vsub.f32 v47, v52;
	v52 =	vld [tilespmem:s8+$0x6060]  }
0x1b9: {  	vm0 =	vlt.f32 v63, $2.000000030e-01;
	v35 =	vadd.f32 v49, v35;
	v36 =	vadd.f32 v38, v36;
	v49 =	vld [tilespmem:s8+$0x18050]  }
0x1ba: {  	vm1 =	vlt.f32 v62, $2.000000030e-01;
	v40 =	vnsel vm0, $0x0, v63;
	v34 =	vadd.f32 v39, v34;
	v50 =	vld [tilespmem:s8+$0x6080]  }
0x1bb: {  	v33 =	vadd.f32 v44, v33;
	v35 =	vadd.f32 v37, v35;
	v44 =	vnsel vm1, $0x0, v62;
	v37 =	vld [tilespmem:s8+$0x6050]  }
0x1bc: {  	v61 =	vand.u32 $0x7FFFFFFF, v45;
	v48 =	vsub.f32 v48, v55;
	v38 =	vld [tilespmem:s8+$0x18040];
	v36 =	vadd.f32 v44, v36  }
0x1bd: {  	v55 =	vand.u32 $0x7FFFFFFF, v51;
	v39 =	vld [tilespmem:s8+$0x18030];
	v34 =	vadd.f32 v40, v34;
	v33 =	vadd.f32 v41, v33  }
0x1be: {  	v63 =	vld [tilespmem:s8+$0x6040];
	v47 =	vand.u32 $0x7FFFFFFF, v47;
	v35 =	vadd.f32 v43, v35;
	vm0 =	vlt.f32 v55, $2.000000030e-01  }
0x1bf: {  	v51 =	vld [tilespmem:s8+$0x18020];
	vm1 =	vlt.f32 v47, $2.000000030e-01;
	v48 =	vand.u32 $0x7FFFFFFF, v48;
	v42 =	vnsel vm0, $0x0, v55  }
0x1c0: {  	v45 =	vld [tilespmem:s8+$0x6020];
	vm0 =	vlt.f32 v61, $2.000000030e-01;
	v47 =	vnsel vm1, $0x0, v47;
	vm1 =	vlt.f32 v48, $2.000000030e-01  }
0x1c1: {  	[tilespmem:s8+$0x6070] =	vst v2;
	v41 =	vld [tilespmem:s8+$0x6030];
	v36 =	vadd.f32 v42, v36;
	v40 =	vnsel vm0, $0x0, v61;
	v33 =	vadd.f32 v47, v33  }
0x1c2: {  	[tilespmem:s8+$0x6060] =	vst v2;
	v44 =	vld [tilespmem:s8+$0x6000];
	v62 =	vnsel vm1, $0x0, v48;
	v34 =	vadd.f32 v40, v34;
	v37 =	vsub.f32 v37, v49  }
0x1c3: {  	[tilespmem:s8+$0x6050] =	vst v2;
	v53 =	vld [tilespmem:s8+$0x60E0];
	v35 =	vadd.f32 v62, v35;
	v46 =	vsub.f32 v52, v46  }
0x1c4: {  	[tilespmem:s8+$0x6080] =	vst v2;
	v42 =	vld [tilespmem:s8+$0x18000];
	v38 =	vsub.f32 v63, v38;
	v63 =	vsub.f32 v60, v59  }
0x1c5: {  	[tilespmem:s8+$0x6090] =	vst v2;
	v43 =	vld [tilespmem:s8+$0x18010];
	v49 =	vsub.f32 v50, v54;
	v50 =	vsub.f32 v45, v51  }
0x1c6: {  	[tilespmem:s8+$0x60E0] =	vst v2;
	v48 =	vld [tilespmem:s8+$0x6010];
	v62 =	vsub.f32 v58, v57;
	v39 =	vsub.f32 v41, v39  }
0x1c7: {  	v56 =	vld [tilespmem:s8+$0x180B0];
	[tilespmem:s8+$0x6040] =	vst v2;
	v37 =	vand.u32 $0x7FFFFFFF, v37;
	v41 =	vand.u32 $0x7FFFFFFF, v46;
	v55 =	vand.u32 $0x7FFFFFFF, v38  }
0x1c8: {  	[tilespmem:s8+$0x6000] =	vst v2;
	v61 =	vld [tilespmem:s8+$0x180A0];
	v51 =	vand.u32 $0x7FFFFFFF, v49;
	v54 =	vand.u32 $0x7FFFFFFF, v50;
	vm0 =	vlt.f32 v37, $2.000000030e-01  }
0x1c9: {  	[tilespmem:s8+$0x6020] =	vst v2;
	v52 =	vld [tilespmem:s8+$0x60B0];
	v40 =	vand.u32 $0x7FFFFFFF, v39;
	v39 =	vand.u32 $0x7FFFFFFF, v63;
	v42 =	vsub.f32 v44, v42  }
0x1ca: {  	[tilespmem:s8+$0x6030] =	vst v2;
	v59 =	vld [tilespmem:s8+$0x180E0];
	vm2 =	vlt.f32 v55, $2.000000030e-01;
	v63 =	vand.u32 $0x7FFFFFFF, v62;
	v37 =	vnsel vm0, $0x0, v37  }
0x1cb: {  	[tilespmem:s8+$0x6010] =	vst v2;
	v60 =	vld [tilespmem:s8+$0x60A0];
	vm0 =	vlt.f32 v41, $2.000000030e-01;
	vm1 =	vlt.f32 v39, $2.000000030e-01;
	v43 =	vsub.f32 v48, v43  }
0x1cc: {  	v47 =	vld [tilespmem:s8+$0x60C0];
	[tilespmem:s8+$0x60C0] =	vst v2;
	v44 =	vnsel vm2, $0x0, v55;
	vm2 =	vlt.f32 v63, $2.000000030e-01;
	v38 =	vnsel vm0, $0x0, v41  }
0x1cd: {  	[tilespmem:s8+$0x60B0] =	vst v2;
	v45 =	vld [tilespmem:s8+$0x60F0];
	vm0 =	vlt.f32 v40, $2.000000030e-01;
	v39 =	vnsel vm1, $0x0, v39;
	vm1 =	vlt.f32 v51, $2.000000030e-01  }
0x1ce: {  	[tilespmem:s8+$0x60A0] =	vst v2;
	v46 =	vld [tilespmem:s8+$0x180F0];
	v50 =	vand.u32 $0x7FFFFFFF, v42;
	v42 =	vsub.f32 v52, v56;
	v41 =	vnsel vm1, $0x0, v51  }
0x1cf: {  	[tilespmem:s8+$0x60F0] =	vst v2;
	v48 =	vld [tilespmem:s8+$0x60D0];
	v49 =	vand.u32 $0x7FFFFFFF, v43;
	vm1 =	vlt.f32 v54, $2.000000030e-01;
	v51 =	vsub.f32 v53, v59  }
0x1d0: {  	s9 =	simm.s32 $0x0;
	s10 =	simm.s32 $0x400;
	[tilespmem:s8+$0x60D0] =	vst v2;
	v52 =	vld [tilespmem:s8+$0x180C0];
	v43 =	vnsel vm2, $0x0, v63;
	v53 =	vsub.f32 v60, v61;
	v54 =	vnsel vm1, $0x0, v54  }
.LBB2_12:
0x1d1: {  	s9 =	sadd.s32 $0x4, s9;
	vm1 =	vlt.f32 v49, $2.000000030e-01;
	v55 =	vand.u32 $0x7FFFFFFF, v42;
	v56 =	vld [tilespmem:s8+$0x180D0];
	s8 =	sshra.s32 s10, $0x2;
	v51 =	vand.u32 $0x7FFFFFFF, v51  }
0x1d2: {  	v42 =	vld [tilespmem:s8+$0x180B0];
	p0 =	slt.u32 s9, $0x7C;
	v49 =	vnsel vm1, $0x0, v49;
	v53 =	vand.u32 $0x7FFFFFFF, v53;
	vm1 =	vlt.f32 v55, $2.000000030e-01  }
0x1d3: {  	vm2 =	vlt.f32 v50, $2.000000030e-01;
	v57 =	vld [tilespmem:s8+$0x18090];
	vm3 =	vlt.f32 v53, $2.000000030e-01;
	v55 =	vnsel vm1, $0x0, v55  }
0x1d4: {  	v50 =	vnsel vm2, $0x0, v50;
	v45 =	vsub.f32 v45, v46;
	v58 =	vld [tilespmem:s8+$0x6090];
	v53 =	vnsel vm3, $0x0, v53  }
0x1d5: {  	v36 =	vadd.f32 v54, v36;
	vm1 =	vlt.f32 v51, $2.000000030e-01;
	v46 =	vld [tilespmem:s8+$0x18080];
	v47 =	vsub.f32 v47, v52  }
0x1d6: {  	v33 =	vadd.f32 v50, v33;
	v45 =	vand.u32 $0x7FFFFFFF, v45;
	v52 =	vld [tilespmem:s8+$0x60B0];
	v48 =	vsub.f32 v48, v56  }
0x1d7: {  	v35 =	vadd.f32 v49, v35;
	v49 =	vnsel vm1, $0x0, v51;
	v50 =	vld [tilespmem:s8+$0x6080];
	v47 =	vand.u32 $0x7FFFFFFF, v47  }
0x1d8: {  	v40 =	vnsel vm0, $0x0, v40;
	vm0 =	vlt.f32 v45, $2.000000030e-01;
	v51 =	vld [tilespmem:s8+$0x18070];
	[tilespmem:s8+$0x6080] =	vst v2;
	v48 =	vand.u32 $0x7FFFFFFF, v48  }
0x1d9: {  	v34 =	vadd.f32 v40, v34;
	vm1 =	vlt.f32 v47, $2.000000030e-01;
	v54 =	vld [tilespmem:s8+$0x6070];
	vm2 =	vlt.f32 v48, $2.000000030e-01  }
0x1da: {  	v33 =	vadd.f32 v44, v33;
	v44 =	vnsel vm1, $0x0, v47;
	v40 =	vld [tilespmem:s8+$0x18060];
	[tilespmem:s8+$0x6070] =	vst v2  }
0x1db: {  	v36 =	vadd.f32 v38, v36;
	v35 =	vadd.f32 v37, v35;
	v37 =	vnsel vm2, $0x0, v48;
	v47 =	vld [tilespmem:s8+$0x6060]  }
0x1dc: {  	v34 =	vadd.f32 v39, v34;
	v39 =	vnsel vm0, $0x0, v45;
	v33 =	vadd.f32 v41, v33;
	v38 =	vld [tilespmem:s8+$0x18050];
	[tilespmem:s8+$0x6060] =	vst v2  }
0x1dd: {  	v36 =	vadd.f32 v53, v36;
	v35 =	vadd.f32 v43, v35;
	v41 =	vld [tilespmem:s8+$0x6050]  }
0x1de: {  	v34 =	vadd.f32 v55, v34;
	v33 =	vadd.f32 v44, v33;
	v43 =	vld [tilespmem:s8+$0x18040];
	[tilespmem:s8+$0x6050] =	vst v2  }
0x1df: {  	v36 =	vadd.f32 v49, v36;
	v35 =	vadd.f32 v37, v35;
	v44 =	vld [tilespmem:s8+$0x6040]  }
0x1e0: {  	v34 =	vadd.f32 v39, v34;
	v37 =	vld [tilespmem:s8+$0x18030];
	[tilespmem:s8+$0x6040] =	vst v2  }
0x1e1: {  	v39 =	vld [tilespmem:s8+$0x6030]  }
0x1e2: {  	v45 =	vld [tilespmem:s8+$0x18010];
	[tilespmem:s8+$0x6030] =	vst v2;
	v38 =	vsub.f32 v41, v38  }
0x1e3: {  	v41 =	vld [tilespmem:s8+$0x18020]  }
0x1e4: {  	v40 =	vsub.f32 v47, v40;
	v48 =	vld [tilespmem:s8+$0x6020];
	v43 =	vsub.f32 v44, v43;
	v38 =	vand.u32 $0x7FFFFFFF, v38  }
0x1e5: {  	v44 =	vld [tilespmem:s8+$0x6010];
	vm0 =	vlt.f32 v38, $2.000000030e-01;
	[tilespmem:s8+$0x6090] =	vst v2  }
0x1e6: {  	v51 =	vsub.f32 v54, v51;
	v49 =	vand.u32 $0x7FFFFFFF, v40;
	v47 =	vld [tilespmem:s8+$0x18000];
	[tilespmem:s8+$0x6010] =	vst v2;
	v39 =	vsub.f32 v39, v37  }
0x1e7: {  	v43 =	vand.u32 $0x7FFFFFFF, v43;
	v37 =	vnsel vm0, $0x0, v38;
	vm0 =	vlt.f32 v49, $2.000000030e-01;
	v53 =	vld [tilespmem:s8+$0x6000];
	[tilespmem:s8+$0x60B0] =	vst v2  }
0x1e8: {  	v46 =	vsub.f32 v50, v46;
	[tilespmem:s8+$0x6000] =	vst v2;
	v40 =	vand.u32 $0x7FFFFFFF, v39;
	v39 =	vand.u32 $0x7FFFFFFF, v51;
	v55 =	vld [tilespmem:s8+$0x60A0]  }
0x1e9: {  	v38 =	vnsel vm0, $0x0, v49;
	v41 =	vsub.f32 v48, v41;
	vm1 =	vlt.f32 v39, $2.000000030e-01;
	[tilespmem:s8+$0x60A0] =	vst v2;
	v51 =	vld [tilespmem:s8+$0x60E0]  }
0x1ea: {  	v46 =	vand.u32 $0x7FFFFFFF, v46;
	vm0 =	vlt.f32 v40, $2.000000030e-01;
	v39 =	vnsel vm1, $0x0, v39;
	v54 =	vld [tilespmem:s8+$0x180E0];
	[tilespmem:s8+$0x60E0] =	vst v2  }
0x1eb: {  	v44 =	vsub.f32 v44, v45;
	vm1 =	vlt.f32 v46, $2.000000030e-01;
	v56 =	vand.u32 $0x7FFFFFFF, v41;
	[tilespmem:s8+$0x6020] =	vst v2;
	v59 =	vld [tilespmem:s8+$0x180A0]  }
.Ltmp5:
0x1ec: {  	v48 =	vsub.f32 v58, v57;
	v41 =	vnsel vm1, $0x0, v46;
	v47 =	vsub.f32 v53, v47;
	v45 =	vld [tilespmem:s8+$0x60F0];
	(pc) =	sbr.rel @p0 .LBB2_12-.Ltmp5, $4  }
0x1ed: {  	vm2 =	vlt.f32 v43, $2.000000030e-01;
	v49 =	vand.u32 $0x7FFFFFFF, v44;
	vm1 =	vlt.f32 v56, $2.000000030e-01;
	v46 =	vld [tilespmem:s8+$0x180F0];
	[tilespmem:s8+$0x60F0] =	vst v2  }
0x1ee: {  	v42 =	vsub.f32 v52, v42;
	v53 =	vand.u32 $0x7FFFFFFF, v48;
	v50 =	vand.u32 $0x7FFFFFFF, v47;
	v47 =	vld [tilespmem:s8+$0x60C0]  }
0x1ef: {  	v44 =	vnsel vm2, $0x0, v43;
	vm2 =	vlt.f32 v53, $2.000000030e-01;
	[tilespmem:s8+$0x60C0] =	vst v2;
	v48 =	vld [tilespmem:s8+$0x60D0];
	v51 =	vsub.f32 v51, v54  }
0x1f0: {  	s10 =	sadd.s32 $0x400, s10;
	v43 =	vnsel vm2, $0x0, v53;
	v54 =	vnsel vm1, $0x0, v56;
	v53 =	vsub.f32 v55, v59;
	v52 =	vld [tilespmem:s8+$0x180C0];
	[tilespmem:s8+$0x60D0] =	vst v2  }
0x1f1: {  	v55 =	vld [tilespmem:s8+$0x180D0];
	[tilespmem:s0], [sflag:$0x1] =	stream.strided.gather [hbm4b:s12+s31], $0x2000, s26, s31, $0x38  }
0x1f2: {  	_ =	swait.ge [sflag:s4], $0x2000  }
0x1f3: {  	[sflag:s4] =	ssyncset.done $0x0  }
0x1f4: {  	s8 =	simm.s32 $0x0;
	[sflag:s4] =	ssyncadd.s32 $0xFFFFE000  }
0x1f5: {  	v56 =	vld [tilespmem:s8+$0x1A0B0]  }
0x1f6: {  	v57 =	vld [tilespmem:s8+$0x1A090]  }
0x1f7: {  	v58 =	vld [tilespmem:s8+$0x8090]  }
0x1f8: {  	v59 =	vld [tilespmem:s8+$0x1A070]  }
0x1f9: {  	vm1 =	vlt.f32 v49, $2.000000030e-01;
	vm2 =	vlt.f32 v50, $2.000000030e-01;
	v36 =	vadd.f32 v54, v36;
	v60 =	vld [tilespmem:s8+$0x8070]  }
0x1fa: {  	v40 =	vnsel vm0, $0x0, v40;
	v63 =	vand.u32 $0x7FFFFFFF, v42;
	v45 =	vsub.f32 v45, v46;
	v46 =	vld [tilespmem:s8+$0x1A060]  }
0x1fb: {  	v49 =	vnsel vm1, $0x0, v49;
	v50 =	vnsel vm2, $0x0, v50;
	v34 =	vadd.f32 v40, v34;
	v54 =	vld [tilespmem:s8+$0x1A080]  }
0x1fc: {  	v62 =	vand.u32 $0x7FFFFFFF, v53;
	v33 =	vadd.f32 v50, v33;
	v47 =	vsub.f32 v47, v52;
	v52 =	vld [tilespmem:s8+$0x8060]  }
0x1fd: {  	vm0 =	vlt.f32 v63, $2.000000030e-01;
	v35 =	vadd.f32 v49, v35;
	v36 =	vadd.f32 v38, v36;
	v49 =	vld [tilespmem:s8+$0x1A050]  }
0x1fe: {  	vm1 =	vlt.f32 v62, $2.000000030e-01;
	v40 =	vnsel vm0, $0x0, v63;
	v34 =	vadd.f32 v39, v34;
	v50 =	vld [tilespmem:s8+$0x8080]  }
0x1ff: {  	v33 =	vadd.f32 v44, v33;
	v35 =	vadd.f32 v37, v35;
	v37 =	vld [tilespmem:s8+$0x8050];
	v44 =	vnsel vm1, $0x0, v62  }
0x200: {  	v61 =	vand.u32 $0x7FFFFFFF, v45;
	v38 =	vld [tilespmem:s8+$0x1A040];
	v48 =	vsub.f32 v48, v55;
	v36 =	vadd.f32 v44, v36  }
0x201: {  	v39 =	vld [tilespmem:s8+$0x1A030];
	v55 =	vand.u32 $0x7FFFFFFF, v51;
	v34 =	vadd.f32 v40, v34;
	v33 =	vadd.f32 v41, v33  }
0x202: {  	v63 =	vld [tilespmem:s8+$0x8040];
	v47 =	vand.u32 $0x7FFFFFFF, v47;
	v35 =	vadd.f32 v43, v35;
	vm0 =	vlt.f32 v55, $2.000000030e-01  }
0x203: {  	v45 =	vld [tilespmem:s8+$0x8020];
	vm1 =	vlt.f32 v47, $2.000000030e-01;
	v48 =	vand.u32 $0x7FFFFFFF, v48;
	v42 =	vnsel vm0, $0x0, v55  }
0x204: {  	[tilespmem:s8+$0x8070] =	vst v2;
	v51 =	vld [tilespmem:s8+$0x1A020];
	vm0 =	vlt.f32 v61, $2.000000030e-01;
	v47 =	vnsel vm1, $0x0, v47;
	v36 =	vadd.f32 v42, v36  }
0x205: {  	[tilespmem:s8+$0x8060] =	vst v2;
	v41 =	vld [tilespmem:s8+$0x8030];
	v40 =	vnsel vm0, $0x0, v61;
	v33 =	vadd.f32 v47, v33;
	v37 =	vsub.f32 v37, v49  }
0x206: {  	[tilespmem:s8+$0x8050] =	vst v2;
	v53 =	vld [tilespmem:s8+$0x80E0];
	vm1 =	vlt.f32 v48, $2.000000030e-01;
	v46 =	vsub.f32 v52, v46;
	v34 =	vadd.f32 v40, v34  }
0x207: {  	[tilespmem:s8+$0x8080] =	vst v2;
	v44 =	vld [tilespmem:s8+$0x8000];
	v62 =	vnsel vm1, $0x0, v48;
	v38 =	vsub.f32 v63, v38;
	v63 =	vsub.f32 v60, v59  }
0x208: {  	[tilespmem:s8+$0x8090] =	vst v2;
	v42 =	vld [tilespmem:s8+$0x1A000];
	v49 =	vsub.f32 v50, v54;
	v35 =	vadd.f32 v62, v35  }
0x209: {  	[tilespmem:s8+$0x80E0] =	vst v2;
	v43 =	vld [tilespmem:s8+$0x1A010];
	v50 =	vsub.f32 v45, v51;
	v62 =	vsub.f32 v58, v57;
	v37 =	vand.u32 $0x7FFFFFFF, v37  }
0x20a: {  	[tilespmem:s8+$0x8040] =	vst v2;
	v48 =	vld [tilespmem:s8+$0x8010];
	v39 =	vsub.f32 v41, v39;
	v41 =	vand.u32 $0x7FFFFFFF, v46;
	v55 =	vand.u32 $0x7FFFFFFF, v38  }
0x20b: {  	[tilespmem:s8+$0x8020] =	vst v2;
	v61 =	vld [tilespmem:s8+$0x1A0A0];
	v51 =	vand.u32 $0x7FFFFFFF, v49;
	vm0 =	vlt.f32 v37, $2.000000030e-01;
	v54 =	vand.u32 $0x7FFFFFFF, v50  }
0x20c: {  	[tilespmem:s8+$0x8000] =	vst v2;
	v52 =	vld [tilespmem:s8+$0x80B0];
	vm2 =	vlt.f32 v55, $2.000000030e-01;
	v37 =	vnsel vm0, $0x0, v37;
	vm0 =	vlt.f32 v41, $2.000000030e-01  }
0x20d: {  	[tilespmem:s8+$0x8030] =	vst v2;
	v59 =	vld [tilespmem:s8+$0x1A0E0];
	v40 =	vand.u32 $0x7FFFFFFF, v39;
	v39 =	vand.u32 $0x7FFFFFFF, v63;
	v42 =	vsub.f32 v44, v42  }
0x20e: {  	[tilespmem:s8+$0x8010] =	vst v2;
	v60 =	vld [tilespmem:s8+$0x80A0];
	v63 =	vand.u32 $0x7FFFFFFF, v62;
	v44 =	vnsel vm2, $0x0, v55;
	v38 =	vnsel vm0, $0x0, v41  }
0x20f: {  	[tilespmem:s8+$0x80B0] =	vst v2;
	v47 =	vld [tilespmem:s8+$0x80C0];
	vm1 =	vlt.f32 v39, $2.000000030e-01;
	vm0 =	vlt.f32 v40, $2.000000030e-01;
	v43 =	vsub.f32 v48, v43  }
0x210: {  	[tilespmem:s8+$0x80A0] =	vst v2;
	v45 =	vld [tilespmem:s8+$0x80F0];
	vm2 =	vlt.f32 v63, $2.000000030e-01;
	v39 =	vnsel vm1, $0x0, v39;
	vm1 =	vlt.f32 v51, $2.000000030e-01  }
0x211: {  	[tilespmem:s8+$0x80C0] =	vst v2;
	v46 =	vld [tilespmem:s8+$0x1A0F0];
	v50 =	vand.u32 $0x7FFFFFFF, v42;
	v42 =	vsub.f32 v52, v56;
	v41 =	vnsel vm1, $0x0, v51  }
0x212: {  	[tilespmem:s8+$0x80F0] =	vst v2;
	v48 =	vld [tilespmem:s8+$0x80D0];
	v49 =	vand.u32 $0x7FFFFFFF, v43;
	vm1 =	vlt.f32 v54, $2.000000030e-01;
	v51 =	vsub.f32 v53, v59  }
0x213: {  	s9 =	simm.s32 $0x0;
	s10 =	simm.s32 $0x400;
	[tilespmem:s8+$0x80D0] =	vst v2;
	v52 =	vld [tilespmem:s8+$0x1A0C0];
	v43 =	vnsel vm2, $0x0, v63;
	v53 =	vsub.f32 v60, v61;
	v54 =	vnsel vm1, $0x0, v54  }
.LBB2_14:
0x214: {  	s9 =	sadd.s32 $0x4, s9;
	vm1 =	vlt.f32 v49, $2.000000030e-01;
	v55 =	vand.u32 $0x7FFFFFFF, v42;
	v56 =	vld [tilespmem:s8+$0x1A0D0];
	s8 =	sshra.s32 s10, $0x2;
	v51 =	vand.u32 $0x7FFFFFFF, v51  }
0x215: {  	v42 =	vld [tilespmem:s8+$0x1A0B0];
	p0 =	slt.u32 s9, $0x7C;
	v49 =	vnsel vm1, $0x0, v49;
	v53 =	vand.u32 $0x7FFFFFFF, v53;
	vm1 =	vlt.f32 v55, $2.000000030e-01  }
0x216: {  	vm2 =	vlt.f32 v50, $2.000000030e-01;
	v57 =	vld [tilespmem:s8+$0x1A090];
	vm3 =	vlt.f32 v53, $2.000000030e-01;
	v55 =	vnsel vm1, $0x0, v55  }
0x217: {  	v50 =	vnsel vm2, $0x0, v50;
	v45 =	vsub.f32 v45, v46;
	v58 =	vld [tilespmem:s8+$0x8090];
	v53 =	vnsel vm3, $0x0, v53  }
0x218: {  	v36 =	vadd.f32 v54, v36;
	vm1 =	vlt.f32 v51, $2.000000030e-01;
	v46 =	vld [tilespmem:s8+$0x1A080];
	v47 =	vsub.f32 v47, v52  }
0x219: {  	v33 =	vadd.f32 v50, v33;
	v45 =	vand.u32 $0x7FFFFFFF, v45;
	v52 =	vld [tilespmem:s8+$0x80B0];
	v48 =	vsub.f32 v48, v56  }
0x21a: {  	v35 =	vadd.f32 v49, v35;
	v49 =	vnsel vm1, $0x0, v51;
	v50 =	vld [tilespmem:s8+$0x8080];
	v47 =	vand.u32 $0x7FFFFFFF, v47  }
0x21b: {  	v40 =	vnsel vm0, $0x0, v40;
	vm0 =	vlt.f32 v45, $2.000000030e-01;
	v51 =	vld [tilespmem:s8+$0x1A070];
	[tilespmem:s8+$0x8080] =	vst v2;
	v48 =	vand.u32 $0x7FFFFFFF, v48  }
0x21c: {  	v34 =	vadd.f32 v40, v34;
	vm1 =	vlt.f32 v47, $2.000000030e-01;
	v54 =	vld [tilespmem:s8+$0x8070];
	vm2 =	vlt.f32 v48, $2.000000030e-01  }
0x21d: {  	v33 =	vadd.f32 v44, v33;
	v44 =	vnsel vm1, $0x0, v47;
	v40 =	vld [tilespmem:s8+$0x1A060];
	[tilespmem:s8+$0x8070] =	vst v2  }
0x21e: {  	v36 =	vadd.f32 v38, v36;
	v35 =	vadd.f32 v37, v35;
	v37 =	vnsel vm2, $0x0, v48;
	v47 =	vld [tilespmem:s8+$0x8060]  }
0x21f: {  	v34 =	vadd.f32 v39, v34;
	v39 =	vnsel vm0, $0x0, v45;
	v33 =	vadd.f32 v41, v33;
	v38 =	vld [tilespmem:s8+$0x1A050];
	[tilespmem:s8+$0x8060] =	vst v2  }
0x220: {  	v36 =	vadd.f32 v53, v36;
	v35 =	vadd.f32 v43, v35;
	v41 =	vld [tilespmem:s8+$0x8050]  }
0x221: {  	v34 =	vadd.f32 v55, v34;
	v33 =	vadd.f32 v44, v33;
	v43 =	vld [tilespmem:s8+$0x1A040];
	[tilespmem:s8+$0x8050] =	vst v2  }
0x222: {  	v36 =	vadd.f32 v49, v36;
	v35 =	vadd.f32 v37, v35;
	v44 =	vld [tilespmem:s8+$0x8040]  }
0x223: {  	v34 =	vadd.f32 v39, v34;
	v37 =	vld [tilespmem:s8+$0x1A030];
	[tilespmem:s8+$0x8040] =	vst v2  }
0x224: {  	v39 =	vld [tilespmem:s8+$0x8030]  }
0x225: {  	v45 =	vld [tilespmem:s8+$0x1A010];
	[tilespmem:s8+$0x8030] =	vst v2;
	v38 =	vsub.f32 v41, v38  }
0x226: {  	v41 =	vld [tilespmem:s8+$0x1A020]  }
0x227: {  	v40 =	vsub.f32 v47, v40;
	v48 =	vld [tilespmem:s8+$0x8020];
	v43 =	vsub.f32 v44, v43;
	v38 =	vand.u32 $0x7FFFFFFF, v38  }
0x228: {  	v44 =	vld [tilespmem:s8+$0x8010];
	vm0 =	vlt.f32 v38, $2.000000030e-01;
	[tilespmem:s8+$0x8090] =	vst v2  }
0x229: {  	v51 =	vsub.f32 v54, v51;
	v49 =	vand.u32 $0x7FFFFFFF, v40;
	v47 =	vld [tilespmem:s8+$0x1A000];
	[tilespmem:s8+$0x8010] =	vst v2;
	v39 =	vsub.f32 v39, v37  }
0x22a: {  	v43 =	vand.u32 $0x7FFFFFFF, v43;
	v37 =	vnsel vm0, $0x0, v38;
	vm0 =	vlt.f32 v49, $2.000000030e-01;
	v53 =	vld [tilespmem:s8+$0x8000];
	[tilespmem:s8+$0x80B0] =	vst v2  }
0x22b: {  	v46 =	vsub.f32 v50, v46;
	[tilespmem:s8+$0x8000] =	vst v2;
	v40 =	vand.u32 $0x7FFFFFFF, v39;
	v39 =	vand.u32 $0x7FFFFFFF, v51;
	v55 =	vld [tilespmem:s8+$0x80A0]  }
0x22c: {  	v38 =	vnsel vm0, $0x0, v49;
	v41 =	vsub.f32 v48, v41;
	vm1 =	vlt.f32 v39, $2.000000030e-01;
	[tilespmem:s8+$0x80A0] =	vst v2;
	v51 =	vld [tilespmem:s8+$0x80E0]  }
0x22d: {  	v46 =	vand.u32 $0x7FFFFFFF, v46;
	vm0 =	vlt.f32 v40, $2.000000030e-01;
	v39 =	vnsel vm1, $0x0, v39;
	v54 =	vld [tilespmem:s8+$0x1A0E0];
	[tilespmem:s8+$0x80E0] =	vst v2  }
0x22e: {  	v44 =	vsub.f32 v44, v45;
	vm1 =	vlt.f32 v46, $2.000000030e-01;
	v56 =	vand.u32 $0x7FFFFFFF, v41;
	[tilespmem:s8+$0x8020] =	vst v2;
	v59 =	vld [tilespmem:s8+$0x1A0A0]  }
.Ltmp6:
0x22f: {  	v48 =	vsub.f32 v58, v57;
	v41 =	vnsel vm1, $0x0, v46;
	v47 =	vsub.f32 v53, v47;
	v45 =	vld [tilespmem:s8+$0x80F0];
	(pc) =	sbr.rel @p0 .LBB2_14-.Ltmp6, $4  }
0x230: {  	vm2 =	vlt.f32 v43, $2.000000030e-01;
	v49 =	vand.u32 $0x7FFFFFFF, v44;
	vm1 =	vlt.f32 v56, $2.000000030e-01;
	v46 =	vld [tilespmem:s8+$0x1A0F0];
	[tilespmem:s8+$0x80F0] =	vst v2  }
0x231: {  	v42 =	vsub.f32 v52, v42;
	v53 =	vand.u32 $0x7FFFFFFF, v48;
	v50 =	vand.u32 $0x7FFFFFFF, v47;
	v47 =	vld [tilespmem:s8+$0x80C0]  }
0x232: {  	v44 =	vnsel vm2, $0x0, v43;
	vm2 =	vlt.f32 v53, $2.000000030e-01;
	[tilespmem:s8+$0x80C0] =	vst v2;
	v48 =	vld [tilespmem:s8+$0x80D0];
	v51 =	vsub.f32 v51, v54  }
0x233: {  	s10 =	sadd.s32 $0x400, s10;
	v43 =	vnsel vm2, $0x0, v53;
	v54 =	vnsel vm1, $0x0, v56;
	v53 =	vsub.f32 v55, v59;
	v52 =	vld [tilespmem:s8+$0x1A0C0];
	[tilespmem:s8+$0x80D0] =	vst v2  }
0x234: {  	v55 =	vld [tilespmem:s8+$0x1A0D0];
	[tilespmem:s1], [sflag:$0x2] =	stream.strided.gather [hbm4b:s13+s31], $0x2000, s26, s31, $0x38  }
0x235: {  	_ =	swait.ge [sflag:s6], $0x2000  }
0x236: {  	[sflag:s6] =	ssyncset.done $0x0  }
0x237: {  	s8 =	simm.s32 $0x0;
	[sflag:s6] =	ssyncadd.s32 $0xFFFFE000  }
0x238: {  	v56 =	vld [tilespmem:s8+$0x1C0B0]  }
0x239: {  	v57 =	vld [tilespmem:s8+$0x1C090]  }
0x23a: {  	v58 =	vld [tilespmem:s8+$0xA090]  }
0x23b: {  	v59 =	vld [tilespmem:s8+$0x1C070]  }
0x23c: {  	vm1 =	vlt.f32 v49, $2.000000030e-01;
	vm2 =	vlt.f32 v50, $2.000000030e-01;
	v36 =	vadd.f32 v54, v36;
	v60 =	vld [tilespmem:s8+$0xA070]  }
0x23d: {  	v40 =	vnsel vm0, $0x0, v40;
	v63 =	vand.u32 $0x7FFFFFFF, v42;
	v45 =	vsub.f32 v45, v46;
	v46 =	vld [tilespmem:s8+$0x1C060]  }
0x23e: {  	v49 =	vnsel vm1, $0x0, v49;
	v50 =	vnsel vm2, $0x0, v50;
	v34 =	vadd.f32 v40, v34;
	v54 =	vld [tilespmem:s8+$0x1C080]  }
0x23f: {  	v62 =	vand.u32 $0x7FFFFFFF, v53;
	v33 =	vadd.f32 v50, v33;
	v47 =	vsub.f32 v47, v52;
	v52 =	vld [tilespmem:s8+$0xA060]  }
0x240: {  	vm0 =	vlt.f32 v63, $2.000000030e-01;
	v35 =	vadd.f32 v49, v35;
	v36 =	vadd.f32 v38, v36;
	v49 =	vld [tilespmem:s8+$0x1C050]  }
0x241: {  	vm1 =	vlt.f32 v62, $2.000000030e-01;
	v40 =	vnsel vm0, $0x0, v63;
	v34 =	vadd.f32 v39, v34;
	v50 =	vld [tilespmem:s8+$0xA080]  }
0x242: {  	v33 =	vadd.f32 v44, v33;
	v35 =	vadd.f32 v37, v35;
	v37 =	vld [tilespmem:s8+$0xA050];
	v44 =	vnsel vm1, $0x0, v62  }
0x243: {  	v61 =	vand.u32 $0x7FFFFFFF, v45;
	v38 =	vld [tilespmem:s8+$0x1C040];
	v48 =	vsub.f32 v48, v55;
	v36 =	vadd.f32 v44, v36  }
0x244: {  	v39 =	vld [tilespmem:s8+$0x1C030];
	v55 =	vand.u32 $0x7FFFFFFF, v51;
	v34 =	vadd.f32 v40, v34;
	v33 =	vadd.f32 v41, v33  }
0x245: {  	v63 =	vld [tilespmem:s8+$0xA040];
	v47 =	vand.u32 $0x7FFFFFFF, v47;
	v35 =	vadd.f32 v43, v35;
	vm0 =	vlt.f32 v55, $2.000000030e-01  }
0x246: {  	v45 =	vld [tilespmem:s8+$0xA020];
	vm1 =	vlt.f32 v47, $2.000000030e-01;
	v48 =	vand.u32 $0x7FFFFFFF, v48;
	v42 =	vnsel vm0, $0x0, v55  }
0x247: {  	[tilespmem:s8+$0xA070] =	vst v2;
	v51 =	vld [tilespmem:s8+$0x1C020];
	vm0 =	vlt.f32 v61, $2.000000030e-01;
	v47 =	vnsel vm1, $0x0, v47;
	v36 =	vadd.f32 v42, v36  }
0x248: {  	[tilespmem:s8+$0xA060] =	vst v2;
	v41 =	vld [tilespmem:s8+$0xA030];
	v40 =	vnsel vm0, $0x0, v61;
	v33 =	vadd.f32 v47, v33;
	v37 =	vsub.f32 v37, v49  }
0x249: {  	[tilespmem:s8+$0xA050] =	vst v2;
	v53 =	vld [tilespmem:s8+$0xA0E0];
	vm1 =	vlt.f32 v48, $2.000000030e-01;
	v46 =	vsub.f32 v52, v46;
	v34 =	vadd.f32 v40, v34  }
0x24a: {  	[tilespmem:s8+$0xA080] =	vst v2;
	v44 =	vld [tilespmem:s8+$0xA000];
	v62 =	vnsel vm1, $0x0, v48;
	v38 =	vsub.f32 v63, v38;
	v63 =	vsub.f32 v60, v59  }
0x24b: {  	[tilespmem:s8+$0xA090] =	vst v2;
	v42 =	vld [tilespmem:s8+$0x1C000];
	v49 =	vsub.f32 v50, v54;
	v35 =	vadd.f32 v62, v35  }
0x24c: {  	[tilespmem:s8+$0xA0E0] =	vst v2;
	v43 =	vld [tilespmem:s8+$0x1C010];
	v50 =	vsub.f32 v45, v51;
	v62 =	vsub.f32 v58, v57;
	v37 =	vand.u32 $0x7FFFFFFF, v37  }
0x24d: {  	[tilespmem:s8+$0xA040] =	vst v2;
	v48 =	vld [tilespmem:s8+$0xA010];
	v39 =	vsub.f32 v41, v39;
	v41 =	vand.u32 $0x7FFFFFFF, v46;
	v55 =	vand.u32 $0x7FFFFFFF, v38  }
0x24e: {  	[tilespmem:s8+$0xA020] =	vst v2;
	v61 =	vld [tilespmem:s8+$0x1C0A0];
	v51 =	vand.u32 $0x7FFFFFFF, v49;
	vm0 =	vlt.f32 v37, $2.000000030e-01;
	v54 =	vand.u32 $0x7FFFFFFF, v50  }
0x24f: {  	[tilespmem:s8+$0xA000] =	vst v2;
	v52 =	vld [tilespmem:s8+$0xA0B0];
	vm2 =	vlt.f32 v55, $2.000000030e-01;
	v37 =	vnsel vm0, $0x0, v37;
	vm0 =	vlt.f32 v41, $2.000000030e-01  }
0x250: {  	[tilespmem:s8+$0xA030] =	vst v2;
	v59 =	vld [tilespmem:s8+$0x1C0E0];
	v40 =	vand.u32 $0x7FFFFFFF, v39;
	v39 =	vand.u32 $0x7FFFFFFF, v63;
	v42 =	vsub.f32 v44, v42  }
0x251: {  	[tilespmem:s8+$0xA010] =	vst v2;
	v60 =	vld [tilespmem:s8+$0xA0A0];
	v63 =	vand.u32 $0x7FFFFFFF, v62;
	v44 =	vnsel vm2, $0x0, v55;
	v38 =	vnsel vm0, $0x0, v41  }
0x252: {  	[tilespmem:s8+$0xA0B0] =	vst v2;
	v47 =	vld [tilespmem:s8+$0xA0C0];
	vm1 =	vlt.f32 v39, $2.000000030e-01;
	vm0 =	vlt.f32 v40, $2.000000030e-01;
	v43 =	vsub.f32 v48, v43  }
0x253: {  	[tilespmem:s8+$0xA0A0] =	vst v2;
	v45 =	vld [tilespmem:s8+$0xA0F0];
	vm2 =	vlt.f32 v63, $2.000000030e-01;
	v39 =	vnsel vm1, $0x0, v39;
	vm1 =	vlt.f32 v51, $2.000000030e-01  }
0x254: {  	[tilespmem:s8+$0xA0C0] =	vst v2;
	v46 =	vld [tilespmem:s8+$0x1C0F0];
	v50 =	vand.u32 $0x7FFFFFFF, v42;
	v42 =	vsub.f32 v52, v56;
	v41 =	vnsel vm1, $0x0, v51  }
0x255: {  	[tilespmem:s8+$0xA0F0] =	vst v2;
	v48 =	vld [tilespmem:s8+$0xA0D0];
	v49 =	vand.u32 $0x7FFFFFFF, v43;
	vm1 =	vlt.f32 v54, $2.000000030e-01;
	v51 =	vsub.f32 v53, v59  }
0x256: {  	s9 =	simm.s32 $0x0;
	s10 =	simm.s32 $0x400;
	[tilespmem:s8+$0xA0D0] =	vst v2;
	v52 =	vld [tilespmem:s8+$0x1C0C0];
	v43 =	vnsel vm2, $0x0, v63;
	v53 =	vsub.f32 v60, v61;
	v54 =	vnsel vm1, $0x0, v54  }
.LBB2_16:
0x257: {  	s9 =	sadd.s32 $0x4, s9;
	vm1 =	vlt.f32 v49, $2.000000030e-01;
	v55 =	vand.u32 $0x7FFFFFFF, v42;
	v56 =	vld [tilespmem:s8+$0x1C0D0];
	s8 =	sshra.s32 s10, $0x2;
	v51 =	vand.u32 $0x7FFFFFFF, v51  }
0x258: {  	v42 =	vld [tilespmem:s8+$0x1C0B0];
	p0 =	slt.u32 s9, $0x7C;
	v49 =	vnsel vm1, $0x0, v49;
	v53 =	vand.u32 $0x7FFFFFFF, v53;
	vm1 =	vlt.f32 v55, $2.000000030e-01  }
0x259: {  	vm2 =	vlt.f32 v50, $2.000000030e-01;
	v57 =	vld [tilespmem:s8+$0x1C090];
	vm3 =	vlt.f32 v53, $2.000000030e-01;
	v55 =	vnsel vm1, $0x0, v55  }
0x25a: {  	v50 =	vnsel vm2, $0x0, v50;
	v45 =	vsub.f32 v45, v46;
	v58 =	vld [tilespmem:s8+$0xA090];
	v53 =	vnsel vm3, $0x0, v53  }
0x25b: {  	v36 =	vadd.f32 v54, v36;
	vm1 =	vlt.f32 v51, $2.000000030e-01;
	v46 =	vld [tilespmem:s8+$0x1C080];
	v47 =	vsub.f32 v47, v52  }
0x25c: {  	v33 =	vadd.f32 v50, v33;
	v45 =	vand.u32 $0x7FFFFFFF, v45;
	v52 =	vld [tilespmem:s8+$0xA0B0];
	v48 =	vsub.f32 v48, v56  }
0x25d: {  	v35 =	vadd.f32 v49, v35;
	v49 =	vnsel vm1, $0x0, v51;
	v50 =	vld [tilespmem:s8+$0xA080];
	v47 =	vand.u32 $0x7FFFFFFF, v47  }
0x25e: {  	v40 =	vnsel vm0, $0x0, v40;
	vm0 =	vlt.f32 v45, $2.000000030e-01;
	v51 =	vld [tilespmem:s8+$0x1C070];
	[tilespmem:s8+$0xA080] =	vst v2;
	v48 =	vand.u32 $0x7FFFFFFF, v48  }
0x25f: {  	v34 =	vadd.f32 v40, v34;
	vm1 =	vlt.f32 v47, $2.000000030e-01;
	v54 =	vld [tilespmem:s8+$0xA070];
	vm2 =	vlt.f32 v48, $2.000000030e-01  }
0x260: {  	v33 =	vadd.f32 v44, v33;
	v44 =	vnsel vm1, $0x0, v47;
	v40 =	vld [tilespmem:s8+$0x1C060];
	[tilespmem:s8+$0xA070] =	vst v2  }
0x261: {  	v36 =	vadd.f32 v38, v36;
	v35 =	vadd.f32 v37, v35;
	v37 =	vnsel vm2, $0x0, v48;
	v47 =	vld [tilespmem:s8+$0xA060]  }
0x262: {  	v34 =	vadd.f32 v39, v34;
	v39 =	vnsel vm0, $0x0, v45;
	v33 =	vadd.f32 v41, v33;
	v38 =	vld [tilespmem:s8+$0x1C050];
	[tilespmem:s8+$0xA060] =	vst v2  }
0x263: {  	v36 =	vadd.f32 v53, v36;
	v35 =	vadd.f32 v43, v35;
	v41 =	vld [tilespmem:s8+$0xA050]  }
0x264: {  	v34 =	vadd.f32 v55, v34;
	v33 =	vadd.f32 v44, v33;
	v43 =	vld [tilespmem:s8+$0x1C040];
	[tilespmem:s8+$0xA050] =	vst v2  }
0x265: {  	v36 =	vadd.f32 v49, v36;
	v35 =	vadd.f32 v37, v35;
	v44 =	vld [tilespmem:s8+$0xA040]  }
0x266: {  	v34 =	vadd.f32 v39, v34;
	v37 =	vld [tilespmem:s8+$0x1C030];
	[tilespmem:s8+$0xA040] =	vst v2  }
0x267: {  	v39 =	vld [tilespmem:s8+$0xA030]  }
0x268: {  	v45 =	vld [tilespmem:s8+$0x1C010];
	[tilespmem:s8+$0xA030] =	vst v2;
	v38 =	vsub.f32 v41, v38  }
0x269: {  	v41 =	vld [tilespmem:s8+$0x1C020]  }
0x26a: {  	v40 =	vsub.f32 v47, v40;
	v48 =	vld [tilespmem:s8+$0xA020];
	v43 =	vsub.f32 v44, v43;
	v38 =	vand.u32 $0x7FFFFFFF, v38  }
0x26b: {  	v44 =	vld [tilespmem:s8+$0xA010];
	vm0 =	vlt.f32 v38, $2.000000030e-01;
	[tilespmem:s8+$0xA090] =	vst v2  }
0x26c: {  	v51 =	vsub.f32 v54, v51;
	v49 =	vand.u32 $0x7FFFFFFF, v40;
	v47 =	vld [tilespmem:s8+$0x1C000];
	[tilespmem:s8+$0xA010] =	vst v2;
	v39 =	vsub.f32 v39, v37  }
0x26d: {  	v43 =	vand.u32 $0x7FFFFFFF, v43;
	v37 =	vnsel vm0, $0x0, v38;
	vm0 =	vlt.f32 v49, $2.000000030e-01;
	v53 =	vld [tilespmem:s8+$0xA000];
	[tilespmem:s8+$0xA0B0] =	vst v2  }
0x26e: {  	v46 =	vsub.f32 v50, v46;
	[tilespmem:s8+$0xA000] =	vst v2;
	v40 =	vand.u32 $0x7FFFFFFF, v39;
	v39 =	vand.u32 $0x7FFFFFFF, v51;
	v55 =	vld [tilespmem:s8+$0xA0A0]  }
0x26f: {  	v38 =	vnsel vm0, $0x0, v49;
	v41 =	vsub.f32 v48, v41;
	vm1 =	vlt.f32 v39, $2.000000030e-01;
	[tilespmem:s8+$0xA0A0] =	vst v2;
	v51 =	vld [tilespmem:s8+$0xA0E0]  }
0x270: {  	v46 =	vand.u32 $0x7FFFFFFF, v46;
	vm0 =	vlt.f32 v40, $2.000000030e-01;
	v39 =	vnsel vm1, $0x0, v39;
	v54 =	vld [tilespmem:s8+$0x1C0E0];
	[tilespmem:s8+$0xA0E0] =	vst v2  }
0x271: {  	v44 =	vsub.f32 v44, v45;
	vm1 =	vlt.f32 v46, $2.000000030e-01;
	v56 =	vand.u32 $0x7FFFFFFF, v41;
	[tilespmem:s8+$0xA020] =	vst v2;
	v59 =	vld [tilespmem:s8+$0x1C0A0]  }
.Ltmp7:
0x272: {  	v48 =	vsub.f32 v58, v57;
	v41 =	vnsel vm1, $0x0, v46;
	v47 =	vsub.f32 v53, v47;
	v45 =	vld [tilespmem:s8+$0xA0F0];
	(pc) =	sbr.rel @p0 .LBB2_16-.Ltmp7, $4  }
0x273: {  	vm2 =	vlt.f32 v43, $2.000000030e-01;
	v49 =	vand.u32 $0x7FFFFFFF, v44;
	vm1 =	vlt.f32 v56, $2.000000030e-01;
	v46 =	vld [tilespmem:s8+$0x1C0F0];
	[tilespmem:s8+$0xA0F0] =	vst v2  }
0x274: {  	v42 =	vsub.f32 v52, v42;
	v53 =	vand.u32 $0x7FFFFFFF, v48;
	v50 =	vand.u32 $0x7FFFFFFF, v47;
	v47 =	vld [tilespmem:s8+$0xA0C0]  }
0x275: {  	v44 =	vnsel vm2, $0x0, v43;
	vm2 =	vlt.f32 v53, $2.000000030e-01;
	[tilespmem:s8+$0xA0C0] =	vst v2;
	v48 =	vld [tilespmem:s8+$0xA0D0];
	v51 =	vsub.f32 v51, v54  }
0x276: {  	s10 =	sadd.s32 $0x400, s10;
	v43 =	vnsel vm2, $0x0, v53;
	v54 =	vnsel vm1, $0x0, v56;
	v53 =	vsub.f32 v55, v59;
	v52 =	vld [tilespmem:s8+$0x1C0C0];
	[tilespmem:s8+$0xA0D0] =	vst v2  }
0x277: {  	v55 =	vld [tilespmem:s8+$0x1C0D0];
	_ =	swait.ge [sflag:s28], $0x2000  }
0x278: {  	[sflag:s28] =	ssyncset.done $0x0  }
0x279: {  	s8 =	simm.s32 $0x0;
	[sflag:s28] =	ssyncadd.s32 $0xFFFFE000  }
0x27a: {  	v56 =	vld [tilespmem:s8+$0x180B0]  }
0x27b: {  	v57 =	vld [tilespmem:s8+$0x18090]  }
0x27c: {  	v58 =	vld [tilespmem:s8+$0xC090]  }
0x27d: {  	v59 =	vld [tilespmem:s8+$0x18070]  }
0x27e: {  	vm1 =	vlt.f32 v49, $2.000000030e-01;
	vm2 =	vlt.f32 v50, $2.000000030e-01;
	v36 =	vadd.f32 v54, v36;
	v60 =	vld [tilespmem:s8+$0xC070]  }
0x27f: {  	v40 =	vnsel vm0, $0x0, v40;
	v63 =	vand.u32 $0x7FFFFFFF, v42;
	v45 =	vsub.f32 v45, v46;
	v46 =	vld [tilespmem:s8+$0x18060]  }
0x280: {  	v49 =	vnsel vm1, $0x0, v49;
	v50 =	vnsel vm2, $0x0, v50;
	v34 =	vadd.f32 v40, v34;
	v54 =	vld [tilespmem:s8+$0x18080]  }
0x281: {  	v62 =	vand.u32 $0x7FFFFFFF, v53;
	vm0 =	vlt.f32 v63, $2.000000030e-01;
	v35 =	vadd.f32 v49, v35;
	v49 =	vld [tilespmem:s8+$0x18050]  }
0x282: {  	v33 =	vadd.f32 v50, v33;
	v36 =	vadd.f32 v38, v36;
	vm1 =	vlt.f32 v62, $2.000000030e-01;
	v50 =	vld [tilespmem:s8+$0xC080]  }
0x283: {  	v40 =	vnsel vm0, $0x0, v63;
	v38 =	vld [tilespmem:s8+$0x18040];
	v34 =	vadd.f32 v39, v34;
	v47 =	vsub.f32 v47, v52  }
0x284: {  	v39 =	vld [tilespmem:s8+$0x18030];
	v33 =	vadd.f32 v44, v33;
	v35 =	vadd.f32 v37, v35;
	v44 =	vnsel vm1, $0x0, v62  }
0x285: {  	v63 =	vld [tilespmem:s8+$0xC040];
	v61 =	vand.u32 $0x7FFFFFFF, v45;
	v48 =	vsub.f32 v48, v55;
	v36 =	vadd.f32 v44, v36  }
0x286: {  	v37 =	vld [tilespmem:s8+$0xC050];
	v55 =	vand.u32 $0x7FFFFFFF, v51;
	v34 =	vadd.f32 v40, v34;
	v33 =	vadd.f32 v41, v33  }
0x287: {  	v52 =	vld [tilespmem:s8+$0xC060];
	v47 =	vand.u32 $0x7FFFFFFF, v47;
	v35 =	vadd.f32 v43, v35;
	vm0 =	vlt.f32 v55, $2.000000030e-01  }
0x288: {  	v45 =	vld [tilespmem:s8+$0xC020];
	vm1 =	vlt.f32 v47, $2.000000030e-01;
	v48 =	vand.u32 $0x7FFFFFFF, v48;
	v42 =	vnsel vm0, $0x0, v55  }
0x289: {  	[tilespmem:s8+$0xC070] =	vst v2;
	v51 =	vld [tilespmem:s8+$0x18020];
	vm0 =	vlt.f32 v61, $2.000000030e-01;
	v47 =	vnsel vm1, $0x0, v47;
	v36 =	vadd.f32 v42, v36  }
0x28a: {  	[tilespmem:s8+$0xC080] =	vst v2;
	v41 =	vld [tilespmem:s8+$0xC030];
	vm1 =	vlt.f32 v48, $2.000000030e-01;
	v38 =	vsub.f32 v63, v38;
	v63 =	vsub.f32 v60, v59  }
0x28b: {  	[tilespmem:s8+$0xC090] =	vst v2;
	v53 =	vld [tilespmem:s8+$0xC0E0];
	v40 =	vnsel vm0, $0x0, v61;
	v33 =	vadd.f32 v47, v33;
	v37 =	vsub.f32 v37, v49  }
0x28c: {  	[tilespmem:s8+$0xC0E0] =	vst v2;
	v44 =	vld [tilespmem:s8+$0xC000];
	v62 =	vnsel vm1, $0x0, v48;
	v46 =	vsub.f32 v52, v46;
	v34 =	vadd.f32 v40, v34  }
0x28d: {  	[tilespmem:s8+$0xC040] =	vst v2;
	v42 =	vld [tilespmem:s8+$0x18000];
	v49 =	vsub.f32 v50, v54;
	v35 =	vadd.f32 v62, v35  }
0x28e: {  	[tilespmem:s8+$0xC020] =	vst v2;
	v43 =	vld [tilespmem:s8+$0x18010];
	v55 =	vand.u32 $0x7FFFFFFF, v38;
	v50 =	vsub.f32 v45, v51;
	v62 =	vsub.f32 v58, v57  }
0x28f: {  	[tilespmem:s8+$0xC060] =	vst v2;
	v48 =	vld [tilespmem:s8+$0xC010];
	v37 =	vand.u32 $0x7FFFFFFF, v37;
	v39 =	vsub.f32 v41, v39;
	v41 =	vand.u32 $0x7FFFFFFF, v46  }
0x290: {  	[tilespmem:s8+$0xC050] =	vst v2;
	v59 =	vld [tilespmem:s8+$0x180E0];
	v51 =	vand.u32 $0x7FFFFFFF, v49;
	vm2 =	vlt.f32 v55, $2.000000030e-01;
	vm0 =	vlt.f32 v37, $2.000000030e-01  }
0x291: {  	[tilespmem:s8+$0xC000] =	vst v2;
	v52 =	vld [tilespmem:s8+$0xC0B0];
	v54 =	vand.u32 $0x7FFFFFFF, v50;
	v37 =	vnsel vm0, $0x0, v37;
	vm0 =	vlt.f32 v41, $2.000000030e-01  }
0x292: {  	[tilespmem:s8+$0xC030] =	vst v2;
	v60 =	vld [tilespmem:s8+$0xC0A0];
	v40 =	vand.u32 $0x7FFFFFFF, v39;
	v39 =	vand.u32 $0x7FFFFFFF, v63;
	v42 =	vsub.f32 v44, v42  }
0x293: {  	[tilespmem:s8+$0xC0A0] =	vst v2;
	v61 =	vld [tilespmem:s8+$0x180A0];
	v63 =	vand.u32 $0x7FFFFFFF, v62;
	v44 =	vnsel vm2, $0x0, v55;
	v38 =	vnsel vm0, $0x0, v41  }
0x294: {  	[tilespmem:s8+$0xC010] =	vst v2;
	v47 =	vld [tilespmem:s8+$0xC0C0];
	vm1 =	vlt.f32 v39, $2.000000030e-01;
	vm0 =	vlt.f32 v40, $2.000000030e-01;
	v43 =	vsub.f32 v48, v43  }
0x295: {  	[tilespmem:s8+$0xC0B0] =	vst v2;
	v45 =	vld [tilespmem:s8+$0xC0F0];
	vm2 =	vlt.f32 v63, $2.000000030e-01;
	v39 =	vnsel vm1, $0x0, v39;
	vm1 =	vlt.f32 v51, $2.000000030e-01  }
0x296: {  	[tilespmem:s8+$0xC0C0] =	vst v2;
	v46 =	vld [tilespmem:s8+$0x180F0];
	v50 =	vand.u32 $0x7FFFFFFF, v42;
	v42 =	vsub.f32 v52, v56;
	v41 =	vnsel vm1, $0x0, v51  }
0x297: {  	[tilespmem:s8+$0xC0F0] =	vst v2;
	v48 =	vld [tilespmem:s8+$0xC0D0];
	v49 =	vand.u32 $0x7FFFFFFF, v43;
	vm1 =	vlt.f32 v54, $2.000000030e-01;
	v51 =	vsub.f32 v53, v59  }
0x298: {  	s9 =	simm.s32 $0x0;
	s10 =	simm.s32 $0x400;
	[tilespmem:s8+$0xC0D0] =	vst v2;
	v52 =	vld [tilespmem:s8+$0x180C0];
	v43 =	vnsel vm2, $0x0, v63;
	v53 =	vsub.f32 v60, v61;
	v54 =	vnsel vm1, $0x0, v54  }
.LBB2_18:
0x299: {  	s9 =	sadd.s32 $0x4, s9;
	vm1 =	vlt.f32 v49, $2.000000030e-01;
	v55 =	vand.u32 $0x7FFFFFFF, v42;
	v56 =	vld [tilespmem:s8+$0x180D0];
	s8 =	sshra.s32 s10, $0x2;
	v51 =	vand.u32 $0x7FFFFFFF, v51  }
0x29a: {  	v42 =	vld [tilespmem:s8+$0x180B0];
	p0 =	slt.u32 s9, $0x7C;
	v49 =	vnsel vm1, $0x0, v49;
	v53 =	vand.u32 $0x7FFFFFFF, v53;
	vm1 =	vlt.f32 v55, $2.000000030e-01  }
0x29b: {  	vm2 =	vlt.f32 v50, $2.000000030e-01;
	v57 =	vld [tilespmem:s8+$0x18090];
	vm3 =	vlt.f32 v53, $2.000000030e-01;
	v55 =	vnsel vm1, $0x0, v55  }
0x29c: {  	v50 =	vnsel vm2, $0x0, v50;
	v45 =	vsub.f32 v45, v46;
	v58 =	vld [tilespmem:s8+$0xC090];
	v53 =	vnsel vm3, $0x0, v53  }
0x29d: {  	v36 =	vadd.f32 v54, v36;
	vm1 =	vlt.f32 v51, $2.000000030e-01;
	v46 =	vld [tilespmem:s8+$0x18080];
	v47 =	vsub.f32 v47, v52  }
0x29e: {  	v33 =	vadd.f32 v50, v33;
	v45 =	vand.u32 $0x7FFFFFFF, v45;
	v52 =	vld [tilespmem:s8+$0xC0B0];
	v48 =	vsub.f32 v48, v56  }
0x29f: {  	v35 =	vadd.f32 v49, v35;
	v49 =	vnsel vm1, $0x0, v51;
	v50 =	vld [tilespmem:s8+$0xC080];
	v47 =	vand.u32 $0x7FFFFFFF, v47  }
0x2a0: {  	v40 =	vnsel vm0, $0x0, v40;
	vm0 =	vlt.f32 v45, $2.000000030e-01;
	v51 =	vld [tilespmem:s8+$0x18070];
	[tilespmem:s8+$0xC080] =	vst v2;
	v48 =	vand.u32 $0x7FFFFFFF, v48  }
0x2a1: {  	v34 =	vadd.f32 v40, v34;
	vm1 =	vlt.f32 v47, $2.000000030e-01;
	v54 =	vld [tilespmem:s8+$0xC070];
	vm2 =	vlt.f32 v48, $2.000000030e-01  }
0x2a2: {  	v33 =	vadd.f32 v44, v33;
	v44 =	vnsel vm1, $0x0, v47;
	v40 =	vld [tilespmem:s8+$0x18060];
	[tilespmem:s8+$0xC070] =	vst v2  }
0x2a3: {  	v36 =	vadd.f32 v38, v36;
	v35 =	vadd.f32 v37, v35;
	v37 =	vnsel vm2, $0x0, v48;
	v47 =	vld [tilespmem:s8+$0xC060]  }
0x2a4: {  	v34 =	vadd.f32 v39, v34;
	v39 =	vnsel vm0, $0x0, v45;
	v33 =	vadd.f32 v41, v33;
	v38 =	vld [tilespmem:s8+$0x18050];
	[tilespmem:s8+$0xC060] =	vst v2  }
0x2a5: {  	v36 =	vadd.f32 v53, v36;
	v35 =	vadd.f32 v43, v35;
	v41 =	vld [tilespmem:s8+$0xC050]  }
0x2a6: {  	v34 =	vadd.f32 v55, v34;
	v33 =	vadd.f32 v44, v33;
	v43 =	vld [tilespmem:s8+$0x18040];
	[tilespmem:s8+$0xC050] =	vst v2  }
0x2a7: {  	v36 =	vadd.f32 v49, v36;
	v35 =	vadd.f32 v37, v35;
	v44 =	vld [tilespmem:s8+$0xC040]  }
0x2a8: {  	v34 =	vadd.f32 v39, v34;
	v37 =	vld [tilespmem:s8+$0x18030];
	[tilespmem:s8+$0xC040] =	vst v2  }
0x2a9: {  	v39 =	vld [tilespmem:s8+$0xC030]  }
0x2aa: {  	v45 =	vld [tilespmem:s8+$0x18010];
	[tilespmem:s8+$0xC030] =	vst v2;
	v38 =	vsub.f32 v41, v38  }
0x2ab: {  	v41 =	vld [tilespmem:s8+$0x18020]  }
0x2ac: {  	v40 =	vsub.f32 v47, v40;
	v48 =	vld [tilespmem:s8+$0xC020];
	v43 =	vsub.f32 v44, v43;
	v38 =	vand.u32 $0x7FFFFFFF, v38  }
0x2ad: {  	v44 =	vld [tilespmem:s8+$0xC010];
	vm0 =	vlt.f32 v38, $2.000000030e-01;
	[tilespmem:s8+$0xC090] =	vst v2  }
0x2ae: {  	v51 =	vsub.f32 v54, v51;
	v49 =	vand.u32 $0x7FFFFFFF, v40;
	v47 =	vld [tilespmem:s8+$0x18000];
	[tilespmem:s8+$0xC010] =	vst v2;
	v39 =	vsub.f32 v39, v37  }
0x2af: {  	v43 =	vand.u32 $0x7FFFFFFF, v43;
	v37 =	vnsel vm0, $0x0, v38;
	vm0 =	vlt.f32 v49, $2.000000030e-01;
	v53 =	vld [tilespmem:s8+$0xC000];
	[tilespmem:s8+$0xC0B0] =	vst v2  }
0x2b0: {  	v46 =	vsub.f32 v50, v46;
	[tilespmem:s8+$0xC000] =	vst v2;
	v40 =	vand.u32 $0x7FFFFFFF, v39;
	v39 =	vand.u32 $0x7FFFFFFF, v51;
	v55 =	vld [tilespmem:s8+$0xC0A0]  }
0x2b1: {  	v38 =	vnsel vm0, $0x0, v49;
	v41 =	vsub.f32 v48, v41;
	vm1 =	vlt.f32 v39, $2.000000030e-01;
	[tilespmem:s8+$0xC0A0] =	vst v2;
	v51 =	vld [tilespmem:s8+$0xC0E0]  }
0x2b2: {  	v46 =	vand.u32 $0x7FFFFFFF, v46;
	vm0 =	vlt.f32 v40, $2.000000030e-01;
	v39 =	vnsel vm1, $0x0, v39;
	v54 =	vld [tilespmem:s8+$0x180E0];
	[tilespmem:s8+$0xC0E0] =	vst v2  }
0x2b3: {  	v44 =	vsub.f32 v44, v45;
	vm1 =	vlt.f32 v46, $2.000000030e-01;
	v56 =	vand.u32 $0x7FFFFFFF, v41;
	[tilespmem:s8+$0xC020] =	vst v2;
	v59 =	vld [tilespmem:s8+$0x180A0]  }
.Ltmp8:
0x2b4: {  	v48 =	vsub.f32 v58, v57;
	v41 =	vnsel vm1, $0x0, v46;
	v47 =	vsub.f32 v53, v47;
	v45 =	vld [tilespmem:s8+$0xC0F0];
	(pc) =	sbr.rel @p0 .LBB2_18-.Ltmp8, $4  }
0x2b5: {  	vm2 =	vlt.f32 v43, $2.000000030e-01;
	v49 =	vand.u32 $0x7FFFFFFF, v44;
	vm1 =	vlt.f32 v56, $2.000000030e-01;
	v46 =	vld [tilespmem:s8+$0x180F0];
	[tilespmem:s8+$0xC0F0] =	vst v2  }
0x2b6: {  	v42 =	vsub.f32 v52, v42;
	v53 =	vand.u32 $0x7FFFFFFF, v48;
	v50 =	vand.u32 $0x7FFFFFFF, v47;
	v47 =	vld [tilespmem:s8+$0xC0C0]  }
0x2b7: {  	v44 =	vnsel vm2, $0x0, v43;
	vm2 =	vlt.f32 v53, $2.000000030e-01;
	[tilespmem:s8+$0xC0C0] =	vst v2;
	v48 =	vld [tilespmem:s8+$0xC0D0];
	v51 =	vsub.f32 v51, v54  }
0x2b8: {  	s10 =	sadd.s32 $0x400, s10;
	v43 =	vnsel vm2, $0x0, v53;
	v54 =	vnsel vm1, $0x0, v56;
	v53 =	vsub.f32 v55, v59;
	v52 =	vld [tilespmem:s8+$0x180C0];
	[tilespmem:s8+$0xC0D0] =	vst v2  }
0x2b9: {  	v55 =	vld [tilespmem:s8+$0x180D0];
	_ =	swait.ge [sflag:s4], $0x2000  }
0x2ba: {  	[sflag:s4] =	ssyncset.done $0x0  }
0x2bb: {  	s8 =	simm.s32 $0x0;
	[sflag:s4] =	ssyncadd.s32 $0xFFFFE000  }
0x2bc: {  	v56 =	vld [tilespmem:s8+$0x1A0B0]  }
0x2bd: {  	v57 =	vld [tilespmem:s8+$0x1A090]  }
0x2be: {  	v58 =	vld [tilespmem:s8+$0xE090]  }
0x2bf: {  	v59 =	vld [tilespmem:s8+$0x1A070]  }
0x2c0: {  	v60 =	vld [tilespmem:s8+$0xE070]  }
0x2c1: {  	vm1 =	vlt.f32 v49, $2.000000030e-01;
	vm2 =	vlt.f32 v50, $2.000000030e-01;
	v45 =	vsub.f32 v45, v46;
	v46 =	vld [tilespmem:s8+$0x1A060]  }
0x2c2: {  	v36 =	vadd.f32 v54, v36;
	v40 =	vnsel vm0, $0x0, v40;
	v49 =	vnsel vm1, $0x0, v49;
	v54 =	vld [tilespmem:s8+$0x1A080]  }
0x2c3: {  	v62 =	vand.u32 $0x7FFFFFFF, v42;
	v50 =	vnsel vm2, $0x0, v50;
	v35 =	vadd.f32 v49, v35;
	v49 =	vld [tilespmem:s8+$0x1A050]  }
0x2c4: {  	v63 =	vand.u32 $0x7FFFFFFF, v51;
	v34 =	vadd.f32 v40, v34;
	v33 =	vadd.f32 v50, v33;
	v50 =	vld [tilespmem:s8+$0xE080]  }
0x2c5: {  	v61 =	vand.u32 $0x7FFFFFFF, v53;
	vm0 =	vlt.f32 v62, $2.000000030e-01;
	v36 =	vadd.f32 v38, v36;
	v38 =	vld [tilespmem:s8+$0x1A040]  }
0x2c6: {  	vm1 =	vlt.f32 v61, $2.000000030e-01;
	v40 =	vnsel vm0, $0x0, v62;
	v34 =	vadd.f32 v39, v34;
	v39 =	vld [tilespmem:s8+$0x1A030]  }
0x2c7: {  	vm0 =	vlt.f32 v63, $2.000000030e-01;
	v51 =	vld [tilespmem:s8+$0x1A010];
	v45 =	vand.u32 $0x7FFFFFFF, v45;
	v47 =	vsub.f32 v47, v52  }
0x2c8: {  	v63 =	vnsel vm0, $0x0, v63;
	v33 =	vadd.f32 v44, v33;
	v35 =	vadd.f32 v37, v35;
	v37 =	vld [tilespmem:s8+$0xE050]  }
0x2c9: {  	v52 =	vld [tilespmem:s8+$0xE060];
	v44 =	vnsel vm1, $0x0, v61;
	vm0 =	vlt.f32 v45, $2.000000030e-01;
	v48 =	vsub.f32 v48, v55  }
0x2ca: {  	v53 =	vld [tilespmem:s8+$0xE020];
	v36 =	vadd.f32 v44, v36;
	v40 =	vadd.f32 v40, v34;
	v47 =	vand.u32 $0x7FFFFFFF, v47  }
0x2cb: {  	v44 =	vld [tilespmem:s8+$0xE040];
	v33 =	vadd.f32 v41, v33;
	v43 =	vadd.f32 v43, v35;
	vm1 =	vlt.f32 v47, $2.000000030e-01  }
0x2cc: {  	[tilespmem:s8+$0xE070] =	vst v2;
	v41 =	vld [tilespmem:s8+$0xE030];
	v48 =	vand.u32 $0x7FFFFFFF, v48;
	v62 =	vnsel vm1, $0x0, v47;
	v58 =	vsub.f32 v58, v57  }
0x2cd: {  	[tilespmem:s8+$0xE080] =	vst v2;
	v47 =	vld [tilespmem:s8+$0x1A020];
	vm1 =	vlt.f32 v48, $2.000000030e-01;
	v35 =	vadd.f32 v62, v33;
	v61 =	vsub.f32 v37, v49  }
0x2ce: {  	[tilespmem:s8+$0xE090] =	vst v2;
	v55 =	vnsel vm1, $0x0, v48;
	v48 =	vld [tilespmem:s8+$0xE010];
	v37 =	vadd.f32 v63, v36;
	v63 =	vsub.f32 v52, v46  }
0x2cf: {  	[tilespmem:s8+$0xE020] =	vst v2;
	v62 =	vnsel vm0, $0x0, v45;
	v52 =	vld [tilespmem:s8+$0xE0B0];
	v49 =	vsub.f32 v60, v59;
	v34 =	vadd.f32 v55, v43  }
0x2d0: {  	[tilespmem:s8+$0xE060] =	vst v2;
	v60 =	vld [tilespmem:s8+$0x1A0E0];
	v33 =	vadd.f32 v62, v40;
	v38 =	vsub.f32 v44, v38  }
0x2d1: {  	[tilespmem:s8+$0xE050] =	vst v2;
	v43 =	vld [tilespmem:s8+$0x1A000];
	v42 =	vand.u32 $0x7FFFFFFF, v61;
	v39 =	vsub.f32 v41, v39;
	v41 =	vand.u32 $0x7FFFFFFF, v63  }
0x2d2: {  	[tilespmem:s8+$0xE040] =	vst v2;
	v44 =	vld [tilespmem:s8+$0xE000];
	v63 =	vand.u32 $0x7FFFFFFF, v49;
	v49 =	vsub.f32 v50, v54;
	vm0 =	vlt.f32 v42, $2.000000030e-01  }
0x2d3: {  	[tilespmem:s8+$0xE030] =	vst v2;
	v55 =	vld [tilespmem:s8+$0xE0E0];
	v59 =	vand.u32 $0x7FFFFFFF, v38;
	vm1 =	vlt.f32 v63, $2.000000030e-01;
	v36 =	vnsel vm0, $0x0, v42  }
0x2d4: {  	[tilespmem:s8+$0xE010] =	vst v2;
	v54 =	vld [tilespmem:s8+$0xE0A0];
	vm0 =	vlt.f32 v41, $2.000000030e-01;
	v40 =	vand.u32 $0x7FFFFFFF, v39;
	v47 =	vsub.f32 v53, v47  }
0x2d5: {  	[tilespmem:s8+$0xE0B0] =	vst v2;
	v61 =	vld [tilespmem:s8+$0x1A0A0];
	v50 =	vand.u32 $0x7FFFFFFF, v49;
	v39 =	vnsel vm1, $0x0, v63;
	vm2 =	vlt.f32 v59, $2.000000030e-01  }
0x2d6: {  	v45 =	vld [tilespmem:s8+$0xE0F0];
	[tilespmem:s8+$0xE0F0] =	vst v2;
	v63 =	vand.u32 $0x7FFFFFFF, v58;
	v38 =	vnsel vm0, $0x0, v41;
	vm0 =	vlt.f32 v40, $2.000000030e-01  }
0x2d7: {  	[tilespmem:s8+$0xE0E0] =	vst v2;
	v53 =	vsub.f32 v48, v51;
	vm1 =	vlt.f32 v50, $2.000000030e-01;
	v42 =	vsub.f32 v52, v56  }
0x2d8: {  	v46 =	vld [tilespmem:s8+$0x1A0F0];
	[tilespmem:s8+$0xE000] =	vst v2;
	v43 =	vsub.f32 v44, v43;
	v62 =	vand.u32 $0x7FFFFFFF, v47;
	v41 =	vnsel vm1, $0x0, v50  }
0x2d9: {  	[tilespmem:s8+$0xE0A0] =	vst v2;
	v48 =	vld [tilespmem:s8+$0xE0D0];
	v44 =	vnsel vm2, $0x0, v59;
	vm2 =	vlt.f32 v63, $2.000000030e-01;
	v50 =	vand.u32 $0x7FFFFFFF, v53  }
0x2da: {  	v51 =	vld [tilespmem:s8+$0x1A0C0];
	[tilespmem:s8+$0xE0D0] =	vst v2;
	vm1 =	vlt.f32 v62, $2.000000030e-01;
	v53 =	vsub.f32 v55, v60;
	v54 =	vsub.f32 v54, v61  }
0x2db: {  	s9 =	simm.s32 $0x0;
	s10 =	simm.s32 $0x400;
	v47 =	vld [tilespmem:s8+$0xE0C0];
	[tilespmem:s8+$0xE0C0] =	vst v2;
	v49 =	vand.u32 $0x7FFFFFFF, v43;
	v52 =	vnsel vm1, $0x0, v62;
	v43 =	vnsel vm2, $0x0, v63  }
.LBB2_20:
0x2dc: {  	s9 =	sadd.s32 $0x4, s9;
	vm1 =	vlt.f32 v50, $2.000000030e-01;
	v55 =	vand.u32 $0x7FFFFFFF, v42;
	v56 =	vld [tilespmem:s8+$0x1A0D0];
	s8 =	sshra.s32 s10, $0x2;
	v53 =	vand.u32 $0x7FFFFFFF, v53  }
0x2dd: {  	v42 =	vld [tilespmem:s8+$0x1A0B0];
	p0 =	slt.u32 s9, $0x7C;
	v50 =	vnsel vm1, $0x0, v50;
	v54 =	vand.u32 $0x7FFFFFFF, v54;
	vm1 =	vlt.f32 v55, $2.000000030e-01  }
0x2de: {  	vm2 =	vlt.f32 v49, $2.000000030e-01;
	v57 =	vld [tilespmem:s8+$0x1A090];
	vm3 =	vlt.f32 v54, $2.000000030e-01;
	v55 =	vnsel vm1, $0x0, v55  }
0x2df: {  	v49 =	vnsel vm2, $0x0, v49;
	v45 =	vsub.f32 v45, v46;
	v58 =	vld [tilespmem:s8+$0xE090];
	v54 =	vnsel vm3, $0x0, v54  }
0x2e0: {  	v37 =	vadd.f32 v52, v37;
	vm1 =	vlt.f32 v53, $2.000000030e-01;
	v46 =	vld [tilespmem:s8+$0x1A080];
	v47 =	vsub.f32 v47, v51  }
0x2e1: {  	v35 =	vadd.f32 v49, v35;
	v45 =	vand.u32 $0x7FFFFFFF, v45;
	v51 =	vld [tilespmem:s8+$0xE0B0];
	v48 =	vsub.f32 v48, v56  }
0x2e2: {  	v34 =	vadd.f32 v50, v34;
	v50 =	vnsel vm1, $0x0, v53;
	v49 =	vld [tilespmem:s8+$0xE080];
	v47 =	vand.u32 $0x7FFFFFFF, v47  }
0x2e3: {  	v40 =	vnsel vm0, $0x0, v40;
	vm0 =	vlt.f32 v45, $2.000000030e-01;
	v52 =	vld [tilespmem:s8+$0x1A070];
	[tilespmem:s8+$0xE080] =	vst v2;
	v48 =	vand.u32 $0x7FFFFFFF, v48  }
0x2e4: {  	v33 =	vadd.f32 v40, v33;
	vm1 =	vlt.f32 v47, $2.000000030e-01;
	v53 =	vld [tilespmem:s8+$0xE070];
	vm2 =	vlt.f32 v48, $2.000000030e-01  }
0x2e5: {  	v35 =	vadd.f32 v44, v35;
	v44 =	vnsel vm1, $0x0, v47;
	v40 =	vld [tilespmem:s8+$0x1A060];
	[tilespmem:s8+$0xE070] =	vst v2  }
0x2e6: {  	v34 =	vadd.f32 v36, v34;
	v36 =	vadd.f32 v38, v37;
	v37 =	vnsel vm2, $0x0, v48;
	v47 =	vld [tilespmem:s8+$0xE060]  }
0x2e7: {  	v33 =	vadd.f32 v39, v33;
	v39 =	vnsel vm0, $0x0, v45;
	v35 =	vadd.f32 v41, v35;
	v38 =	vld [tilespmem:s8+$0x1A050];
	[tilespmem:s8+$0xE060] =	vst v2  }
0x2e8: {  	v34 =	vadd.f32 v43, v34;
	v36 =	vadd.f32 v54, v36;
	v41 =	vld [tilespmem:s8+$0xE050]  }
0x2e9: {  	v33 =	vadd.f32 v55, v33;
	v35 =	vadd.f32 v44, v35;
	v43 =	vld [tilespmem:s8+$0x1A040];
	[tilespmem:s8+$0xE050] =	vst v2  }
0x2ea: {  	v34 =	vadd.f32 v37, v34;
	v37 =	vadd.f32 v50, v36;
	v44 =	vld [tilespmem:s8+$0xE040]  }
0x2eb: {  	v33 =	vadd.f32 v39, v33;
	v36 =	vld [tilespmem:s8+$0x1A030];
	[tilespmem:s8+$0xE040] =	vst v2  }
0x2ec: {  	v39 =	vld [tilespmem:s8+$0xE030]  }
0x2ed: {  	v45 =	vld [tilespmem:s8+$0x1A010];
	[tilespmem:s8+$0xE030] =	vst v2;
	v38 =	vsub.f32 v41, v38  }
0x2ee: {  	v41 =	vld [tilespmem:s8+$0x1A020]  }
0x2ef: {  	v40 =	vsub.f32 v47, v40;
	v48 =	vld [tilespmem:s8+$0xE020];
	v43 =	vsub.f32 v44, v43;
	v38 =	vand.u32 $0x7FFFFFFF, v38  }
0x2f0: {  	v44 =	vld [tilespmem:s8+$0xE010];
	vm0 =	vlt.f32 v38, $2.000000030e-01;
	[tilespmem:s8+$0xE090] =	vst v2  }
0x2f1: {  	v52 =	vsub.f32 v53, v52;
	v50 =	vand.u32 $0x7FFFFFFF, v40;
	v47 =	vld [tilespmem:s8+$0x1A000];
	[tilespmem:s8+$0xE010] =	vst v2;
	v39 =	vsub.f32 v39, v36  }
0x2f2: {  	v43 =	vand.u32 $0x7FFFFFFF, v43;
	v36 =	vnsel vm0, $0x0, v38;
	vm0 =	vlt.f32 v50, $2.000000030e-01;
	v53 =	vld [tilespmem:s8+$0xE000];
	[tilespmem:s8+$0xE0B0] =	vst v2  }
0x2f3: {  	v46 =	vsub.f32 v49, v46;
	[tilespmem:s8+$0xE000] =	vst v2;
	v40 =	vand.u32 $0x7FFFFFFF, v39;
	v39 =	vand.u32 $0x7FFFFFFF, v52;
	v54 =	vld [tilespmem:s8+$0xE0A0]  }
0x2f4: {  	v38 =	vnsel vm0, $0x0, v50;
	v41 =	vsub.f32 v48, v41;
	vm1 =	vlt.f32 v39, $2.000000030e-01;
	[tilespmem:s8+$0xE0A0] =	vst v2;
	v52 =	vld [tilespmem:s8+$0xE0E0]  }
0x2f5: {  	v46 =	vand.u32 $0x7FFFFFFF, v46;
	vm0 =	vlt.f32 v40, $2.000000030e-01;
	v39 =	vnsel vm1, $0x0, v39;
	v55 =	vld [tilespmem:s8+$0x1A0E0];
	[tilespmem:s8+$0xE0E0] =	vst v2  }
0x2f6: {  	v44 =	vsub.f32 v44, v45;
	vm1 =	vlt.f32 v46, $2.000000030e-01;
	v56 =	vand.u32 $0x7FFFFFFF, v41;
	[tilespmem:s8+$0xE020] =	vst v2;
	v59 =	vld [tilespmem:s8+$0x1A0A0]  }
.Ltmp9:
0x2f7: {  	v48 =	vsub.f32 v58, v57;
	v41 =	vnsel vm1, $0x0, v46;
	v47 =	vsub.f32 v53, v47;
	v45 =	vld [tilespmem:s8+$0xE0F0];
	(pc) =	sbr.rel @p0 .LBB2_20-.Ltmp9, $4  }
0x2f8: {  	vm2 =	vlt.f32 v43, $2.000000030e-01;
	v50 =	vand.u32 $0x7FFFFFFF, v44;
	vm1 =	vlt.f32 v56, $2.000000030e-01;
	v46 =	vld [tilespmem:s8+$0x1A0F0];
	[tilespmem:s8+$0xE0F0] =	vst v2  }
0x2f9: {  	v42 =	vsub.f32 v51, v42;
	v57 =	vand.u32 $0x7FFFFFFF, v48;
	v49 =	vand.u32 $0x7FFFFFFF, v47;
	v47 =	vld [tilespmem:s8+$0xE0C0]  }
0x2fa: {  	v44 =	vnsel vm2, $0x0, v43;
	vm2 =	vlt.f32 v57, $2.000000030e-01;
	[tilespmem:s8+$0xE0C0] =	vst v2;
	v48 =	vld [tilespmem:s8+$0xE0D0];
	v53 =	vsub.f32 v52, v55  }
0x2fb: {  	s10 =	sadd.s32 $0x400, s10;
	v43 =	vnsel vm2, $0x0, v57;
	v52 =	vnsel vm1, $0x0, v56;
	v54 =	vsub.f32 v54, v59;
	v51 =	vld [tilespmem:s8+$0x1A0C0];
	[tilespmem:s8+$0xE0D0] =	vst v2  }
0x2fc: {  	vm1 =	vlt.f32 v50, $2.000000030e-01;
	v42 =	vand.u32 $0x7FFFFFFF, v42;
	v53 =	vand.u32 $0x7FFFFFFF, v53  }
0x2fd: {  	vm2 =	vlt.f32 v49, $2.000000030e-01;
	v37 =	vadd.f32 v52, v37;
	v40 =	vnsel vm0, $0x0, v40  }
0x2fe: {  	s11 =	simm.s32 $0x6D;
	v50 =	vnsel vm1, $0x0, v50;
	v54 =	vand.u32 $0x7FFFFFFF, v54;
	vm1 =	vlt.f32 v42, $2.000000030e-01  }
0x2ff: {  	v49 =	vnsel vm2, $0x0, v49;
	v45 =	vsub.f32 v45, v46;
	v63 =	vor.u32 s11, v31  }
0x300: {  	v33 =	vadd.f32 v40, v33;
	v56 =	vor.u32 s11, v27;
	v58 =	vor.u32 s11, v19  }
0x301: {  	v55 =	vld [tilespmem:s8+$0x1A0D0];
	v60 =	vor.u32 s11, v21;
	vm3 =	vlt.f32 v54, $2.000000030e-01;
	v42 =	vnsel vm1, $0x0, v42  }
0x302: {  	_ =	swait.ge [sflag:s30], $0x8000;
	vm1 =	vlt.f32 v53, $2.000000030e-01;
	v35 =	vadd.f32 v49, v35;
	v34 =	vadd.f32 v50, v34  }
0x303: {  	[sflag:s30] =	ssyncset.done $0x0;
	v54 =	vnsel vm3, $0x0, v54;
	v49 =	vnsel vm1, $0x0, v53;
	v53 =	vadd.f32 v38, v37  }
0x304: {  	[sflag:s30] =	ssyncadd.s32 $0xFFFF8000;
	v45 =	vand.u32 $0x7FFFFFFF, v45;
	v33 =	vadd.f32 v39, v33;
	v61 =	vsub.f32 v47, v51  }
0x305: {  	[tilespmem:s0], [sflag:$0x1] =	stream.strided.gather [hbm4b:s14+s31], $0x2000, s26, s31, $0x38;
	vm0 =	vlt.f32 v45, $2.000000030e-01;
	v51 =	vor.u32 s11, v29;
	v35 =	vadd.f32 v44, v35;
	[tilespmem:$0x1E100] =	vst v63  }
0x306: {  	v34 =	vadd.f32 v36, v34;
	v44 =	vor.u32 s11, v23;
	v62 =	vsub.f32 v48, v55  }
0x307: {  	[tilespmem:s1], [sflag:$0x2] =	stream.strided.gather [hbm4b:s15+s31], $0x2000, s26, s31, $0x38;
	v57 =	vnsel vm0, $0x0, v45;
	v59 =	vadd.f32 v54, v53;
	v33 =	vadd.f32 v42, v33;
	[tilespmem:$0x1E100] =	vst v63  }
0x308: {  	v54 =	vor.u32 s11, v3;
	v53 =	vor.u32 s11, v5;
	v46 =	vand.u32 $0x7FFFFFFF, v61;
	v37 =	vld.idx.msk [tilespmem:v63+s29+$0x0], $0xffff  }
0x309: {  	v35 =	vadd.f32 v41, v35;
	v34 =	vadd.f32 v43, v34;
	v61 =	vor.u32 s11, v13;
	v39 =	vld.idx.msk [tilespmem:v56+s29+$0x0], $0xffff  }
0x30a: {  	v43 =	vor.u32 s11, v25;
	v45 =	vld.idx.msk [tilespmem:v58+s29+$0x0], $0xffff;
	v47 =	vand.u32 $0x7FFFFFFF, v62;
	vm1 =	vlt.f32 v46, $2.000000030e-01  }
0x30b: {  	v50 =	vld.idx.msk [tilespmem:v60+s29+$0x0], $0xffff;
	v62 =	vor.u32 s11, v15;
	vm2 =	vlt.f32 v47, $2.000000030e-01;
	v52 =	vnsel vm1, $0x0, v46  }
0x30c: {  	v33 =	vadd.f32 v57, v33;
	v55 =	vnsel vm2, $0x0, v47;
	v48 =	vld.idx.msk [tilespmem:v51+s29+$0x0], $0xffff;
	v36 =	vadd.f32 v52, v35  }
0x30d: {  	v35 =	vor.u32 s11, v17;
	v47 =	vor.u32 s11, v7;
	v51 =	vor.u32 s11, v9  }
0x30e: {  	v52 =	vor.u32 s11, v1;
	v34 =	vadd.f32 v55, v34;
	v63 =	vmul.f32 $6.000000000e+01, v37  }
0x30f: {  	vm0 =	vge.f32 v39, $2.349999920e-02;
	v57 =	vld.idx.msk [tilespmem:v43+s29+$0x0], $0xffff;
	vm6 =	vge.f32 v37, $2.349999920e-02;
	v37 =	vmul.f32 $6.000000000e+01, v45  }
0x310: {  	v56 =	vld.idx.msk [tilespmem:v61+s29+$0x0], $0xffff;
	v41 =	vmul.f32 $6.000000000e+01, v50;
	[tilespmem:$0x1FFF0] =	vst v34;
	v34 =	vadd.f32 v49, v59;
	v49 =	vor.u32 s11, v11  }
0x311: {  	vm2 =	vge.f32 v45, $2.349999920e-02;
	v55 =	vld.idx.msk [tilespmem:v62+s29+$0x0], $0xffff;
	v42 =	vsub.f32 $1.280000000e+02, v63;
	v60 =	vmul.f32 $6.000000000e+01, v48  }
0x312: {  	v63 =	vmul.f32 $6.000000000e+01, v39;
	v46 =	vsub.f32 $1.280000000e+02, v37;
	v43 =	vsub.f32 $1.280000000e+02, v41;
	v45 =	vld.idx.msk [tilespmem:v51+s29+$0x0], $0xffff  }
0x313: {  	vm4 =	vge.f32 v50, $2.349999920e-02;
	v61 =	vadd.f32 $8.388608000e+06, v42;
	v42 =	vld.idx.msk [tilespmem:v35+s29+$0x0], $0xffff;
	v62 =	vsub.f32 $1.280000000e+02, v60  }
0x314: {  	v41 =	vld.idx.msk [tilespmem:v44+s29+$0x0], $0xffff;
	vm7 =	vge.f32 v48, $2.349999920e-02;
	v60 =	vsub.f32 $1.280000000e+02, v63;
	vm3 =	vge.f32 v57, $2.349999920e-02  }
0x315: {  	vm8 =	vge.f32 v56, $2.349999920e-02;
	v35 =	vadd.f32 $-8.388608000e+06, v61;
	v59 =	vld.idx.msk [tilespmem:v49+s29+$0x0], $0xffff;
	v38 =	vadd.f32 $8.388608000e+06, v62  }
0x316: {  	v49 =	vmul.f32 $6.000000000e+01, v56;
	v61 =	vmov s11;
	v37 =	vmul.f32 $6.000000000e+01, v55  }
0x317: {  	v40 =	vld.idx.msk [tilespmem:v47+s29+$0x0], $0xffff;
	v39 =	vtrunc.f32 v35;
	v62 =	vmul.f32 $6.000000000e+01, v45;
	v35 =	vadd.f32 $-8.388608000e+06, v38  }
0x318: {  	v44 =	vld.idx.msk [tilespmem:v52+s29+$0x0], $0xffff;
	vm5 =	vge.f32 v55, $2.349999920e-02;
	v58 =	vcvt.f32.s32 v39;
	v52 =	vmul.f32 $6.000000000e+01, v42  }
0x319: {  	vm1 =	vge.f32 v41, $2.349999920e-02;
	v63 =	vtrunc.f32 v35;
	v35 =	vmul.f32 $6.000000000e+01, v57  }
0x31a: {  	v38 =	vld.idx.msk [tilespmem:v53+s29+$0x0], $0xffff;
	v53 =	vsub.f32 $1.280000000e+02, v37;
	v55 =	vmul.f32 $6.000000000e+01, v59;
	v51 =	vcvt.f32.s32 v63  }
0x31b: {  	v52 =	vsub.f32 $1.280000000e+02, v52;
	v50 =	vshll.u32 v58, $0x8;
	v57 =	vadd.f32 $8.388608000e+06, v60  }
0x31c: {  	v39 =	vld.idx.msk [tilespmem:v54+s29+$0x0], $0xffff;
	v63 =	vsub.f32 $1.280000000e+02, v49;
	v49 =	vmul.f32 $6.000000000e+01, v40;
	v54 =	vshll.u32 v51, $0x8  }
0x31d: {  	v37 =	vld.idx.msk [tilespmem:v61+s24+$0x0], $0xffff;
	v50 =	vor.u32 v32, v50;
	v47 =	vsub.f32 $1.280000000e+02, v35;
	v35 =	vor.u32 v30, v54  }
0x31e: {  	v55 =	vsub.f32 $1.280000000e+02, v55;
	v51 =	vmul.f32 $6.000000000e+01, v44;
	v58 =	vsub.f32 $1.280000000e+02, v49  }
0x31f: {  	v48 =	vmul.f32 $6.000000000e+01, v38;
	v49 =	vsub.f32 $1.280000000e+02, v62;
	v56 =	vadd.f32 $8.388608000e+06, v63  }
0x320: {  	v61 =	vmul.f32 $6.000000000e+01, v41;
	v55 =	vadd.f32 $8.388608000e+06, v55;
	v51 =	vsub.f32 $1.280000000e+02, v51  }
0x321: {  	v41 =	vmul.f32 $6.000000000e+01, v39;
	v54 =	vsub.f32 $1.280000000e+02, v48;
	v58 =	vadd.f32 $8.388608000e+06, v58  }
0x322: {  	s8 =	simm.s32 $0x6C;
	v48 =	vsub.f32 $1.280000000e+02, v61;
	v51 =	vadd.f32 $8.388608000e+06, v51;
	[tilespmem:v35+s3+$0x0] =	vst.idx.msk vm7, v37;
	vm7 =	vge.f32 v59, $2.349999920e-02  }
.LBB2_22:
0x323: {  	p0 =	sne.s32 s8, $0x0;
	v35 =	vadd.f32 $-8.388608000e+06, v58;
	v53 =	vadd.f32 $8.388608000e+06, v53;
	vm9 =	vge.f32 v42, $2.349999920e-02;
	[tilespmem:v50+s3+$0x0] =	vst.idx.msk vm6, v37;
	s9 =	smov.u32 s8;
	s8 =	sadd.s32 $0xFFFFFFFF, s8  }
0x324: {  	vm6 =	vge.f32 v45, $2.349999920e-02;
	v42 =	vadd.f32 $-8.388608000e+06, v56;
	v45 =	vadd.f32 $-8.388608000e+06, v57  }
0x325: {  	v50 =	vadd.f32 $-8.388608000e+06, v55;
	v35 =	vtrunc.f32 v35;
	v53 =	vadd.f32 $-8.388608000e+06, v53  }
0x326: {  	v52 =	vadd.f32 $8.388608000e+06, v52;
	v46 =	vadd.f32 $8.388608000e+06, v46;
	v42 =	vtrunc.f32 v42  }
0x327: {  	v54 =	vadd.f32 $8.388608000e+06, v54;
	v50 =	vtrunc.f32 v50;
	v53 =	vtrunc.f32 v53  }
0x328: {  	v52 =	vadd.f32 $-8.388608000e+06, v52;
	v35 =	vcvt.f32.s32 v35;
	v53 =	vcvt.f32.s32 v53  }
0x329: {  	v43 =	vadd.f32 $8.388608000e+06, v43;
	v45 =	vtrunc.f32 v45;
	v42 =	vcvt.f32.s32 v42  }
0x32a: {  	vm10 =	vge.f32 v44, $2.349999920e-02;
	v44 =	vcvt.f32.s32 v50;
	v50 =	vshll.u32 v53, $0x8  }
0x32b: {  	v47 =	vadd.f32 $8.388608000e+06, v47;
	v45 =	vcvt.f32.s32 v45;
	v50 =	vor.u32 v16, v50  }
0x32c: {  	v51 =	vadd.f32 $-8.388608000e+06, v51;
	v43 =	vadd.f32 $-8.388608000e+06, v43;
	v42 =	vshll.u32 v42, $0x8  }
0x32d: {  	v46 =	vadd.f32 $-8.388608000e+06, v46;
	v44 =	vshll.u32 v44, $0x8;
	v42 =	vor.u32 v14, v42  }
0x32e: {  	v51 =	vtrunc.f32 v51;
	v52 =	vtrunc.f32 v52;
	v45 =	vshll.u32 v45, $0x8  }
0x32f: {  	v51 =	vcvt.f32.s32 v51;
	v46 =	vtrunc.f32 v46;
	v44 =	vor.u32 v12, v44  }
0x330: {  	v49 =	vadd.f32 $8.388608000e+06, v49;
	v43 =	vtrunc.f32 v43;
	v46 =	vcvt.f32.s32 v46;
	[tilespmem:v50+s3+$0x0] =	vst.idx.msk vm5, v37  }
0x331: {  	v48 =	vadd.f32 $8.388608000e+06, v48;
	v43 =	vcvt.f32.s32 v43;
	v50 =	vshll.u32 v51, $0x8  }
0x332: {  	v46 =	vshll.u32 v46, $0x8;
	v50 =	vor.u32 v0, v50;
	[tilespmem:v42+s3+$0x0] =	vst.idx.msk vm8, v37;
	v42 =	vcvt.f32.s32 v52  }
0x333: {  	v43 =	vshll.u32 v43, $0x8;
	v45 =	vor.u32 v28, v45;
	v46 =	vor.u32 v20, v46  }
0x334: {  	v43 =	vor.u32 v22, v43;
	[tilespmem:v44+s3+$0x0] =	vst.idx.msk vm7, v37;
	v42 =	vshll.u32 v42, $0x8;
	v44 =	vadd.f32 $-8.388608000e+06, v48  }
0x335: {  	v41 =	vsub.f32 $1.280000000e+02, v41;
	vm5 =	vge.f32 v40, $2.349999920e-02;
	v40 =	vor.u32 v18, v42  }
0x336: {  	v47 =	vadd.f32 $-8.388608000e+06, v47;
	v48 =	vadd.f32 $-8.388608000e+06, v54;
	v42 =	vor.u32 s9, v31  }
0x337: {  	v49 =	vadd.f32 $-8.388608000e+06, v49;
	v51 =	vor.u32 s9, v23;
	v52 =	vor.u32 s9, v29;
	[tilespmem:v50+s3+$0x0] =	vst.idx.msk vm10, v37  }
0x338: {  	v41 =	vadd.f32 $8.388608000e+06, v41;
	v48 =	vtrunc.f32 v48;
	v44 =	vtrunc.f32 v44;
	[tilespmem:v46+s3+$0x0] =	vst.idx.msk vm2, v37  }
0x339: {  	v49 =	vtrunc.f32 v49;
	v50 =	vor.u32 s9, v27;
	v46 =	vor.u32 s9, v25;
	[tilespmem:v43+s3+$0x0] =	vst.idx.msk vm4, v37  }
0x33a: {  	v47 =	vtrunc.f32 v47;
	v53 =	vor.u32 s9, v21;
	v43 =	vor.u32 s9, v19;
	[tilespmem:v45+s3+$0x0] =	vst.idx.msk vm0, v37  }
0x33b: {  	v54 =	vor.u32 s9, v15;
	v45 =	vor.u32 s9, v13;
	v55 =	vld.idx.msk [tilespmem:v42+s29+$0x0], $0xffff;
	v42 =	vcvt.f32.s32 v49;
	[tilespmem:v40+s3+$0x0] =	vst.idx.msk vm9, v37  }
0x33c: {  	v48 =	vcvt.f32.s32 v48;
	v40 =	vor.u32 s9, v7;
	v49 =	vor.u32 s9, v9  }
0x33d: {  	v56 =	vor.u32 s9, v1;
	v57 =	vor.u32 s9, v3;
	v42 =	vshll.u32 v42, $0x8  }
0x33e: {  	v47 =	vcvt.f32.s32 v47;
	v44 =	vcvt.f32.s32 v44;
	v52 =	vld.idx.msk [tilespmem:v52+s29+$0x0], $0xffff;
	v42 =	vor.u32 v10, v42  }
0x33f: {  	v41 =	vadd.f32 $-8.388608000e+06, v41;
	v35 =	vshll.u32 v35, $0x8;
	vm4 =	vge.f32 v38, $2.349999920e-02;
	v50 =	vld.idx.msk [tilespmem:v50+s29+$0x0], $0xffff  }
0x340: {  	v35 =	vor.u32 v8, v35;
	v47 =	vshll.u32 v47, $0x8;
	v38 =	vor.u32 s9, v11;
	v43 =	vld.idx.msk [tilespmem:v43+s29+$0x0], $0xffff  }
0x341: {  	v58 =	vor.u32 s9, v17;
	v47 =	vor.u32 v26, v47;
	v59 =	vmul.f32 $6.000000000e+01, v55  }
0x342: {  	v41 =	vtrunc.f32 v41;
	v48 =	vshll.u32 v48, $0x8;
	v44 =	vshll.u32 v44, $0x8;
	v53 =	vld.idx.msk [tilespmem:v53+s29+$0x0], $0xffff  }
0x343: {  	v60 =	vor.u32 s9, v5;
	v41 =	vcvt.f32.s32 v41;
	v61 =	vld.idx.msk [tilespmem:v45+s29+$0x0], $0xffff;
	v45 =	vsub.f32 $1.280000000e+02, v59;
	[tilespmem:v42+s3+$0x0] =	vst.idx.msk vm6, v37  }
0x344: {  	v48 =	vor.u32 v6, v48;
	v44 =	vor.u32 v24, v44;
	v59 =	vmul.f32 $6.000000000e+01, v52;
	v54 =	vld.idx.msk [tilespmem:v54+s29+$0x0], $0xffff  }
0x345: {  	vm7 =	vge.f32 v39, $2.349999920e-02;
	v39 =	vshll.u32 v41, $0x8;
	v45 =	vadd.f32 $8.388608000e+06, v45;
	[tilespmem:v35+s3+$0x0] =	vst.idx.msk vm5, v37  }
0x346: {  	v39 =	vor.u32 v4, v39;
	v35 =	vmul.f32 $6.000000000e+01, v50;
	v41 =	vsub.f32 $1.280000000e+02, v59;
	v42 =	vld.idx.msk [tilespmem:v58+s29+$0x0], $0xffff;
	[tilespmem:v47+s3+$0x0] =	vst.idx.msk vm3, v37  }
0x347: {  	vm6 =	vge.f32 v55, $2.349999920e-02;
	vm0 =	vge.f32 v50, $2.349999920e-02;
	v58 =	vld.idx.msk [tilespmem:v46+s29+$0x0], $0xffff;
	v46 =	vadd.f32 $-8.388608000e+06, v45  }
0x348: {  	v47 =	vmul.f32 $6.000000000e+01, v43;
	v35 =	vsub.f32 $1.280000000e+02, v35;
	v41 =	vadd.f32 $8.388608000e+06, v41;
	v59 =	vld.idx.msk [tilespmem:v38+s29+$0x0], $0xffff  }
0x349: {  	vm2 =	vge.f32 v43, $2.349999920e-02;
	v43 =	vmul.f32 $6.000000000e+01, v53;
	v45 =	vld.idx.msk [tilespmem:v49+s29+$0x0], $0xffff;
	v46 =	vtrunc.f32 v46;
	[tilespmem:v48+s3+$0x0] =	vst.idx.msk vm4, v37  }
0x34a: {  	v48 =	vmul.f32 $6.000000000e+01, v61;
	v41 =	vadd.f32 $-8.388608000e+06, v41;
	v38 =	vld.idx.msk [tilespmem:v60+s29+$0x0], $0xffff;
	v49 =	vcvt.f32.s32 v46;
	[tilespmem:v44+s3+$0x0] =	vst.idx.msk vm1, v37  }
0x34b: {  	v50 =	vmov s9;
	v46 =	vsub.f32 $1.280000000e+02, v47;
	v40 =	vld.idx.msk [tilespmem:v40+s29+$0x0], $0xffff;
	[tilespmem:v39+s3+$0x0] =	vst.idx.msk vm7, v37  }
0x34c: {  	v43 =	vsub.f32 $1.280000000e+02, v43;
	v37 =	vmul.f32 $6.000000000e+01, v54;
	v39 =	vtrunc.f32 v41;
	v51 =	vld.idx.msk [tilespmem:v51+s29+$0x0], $0xffff  }
0x34d: {  	vm5 =	vge.f32 v54, $2.349999920e-02;
	v41 =	vmul.f32 $6.000000000e+01, v58;
	v54 =	vcvt.f32.s32 v39;
	v44 =	vld.idx.msk [tilespmem:v56+s29+$0x0], $0xffff  }
0x34e: {  	vm4 =	vge.f32 v53, $2.349999920e-02;
	v55 =	vmul.f32 $6.000000000e+01, v59;
	v56 =	vmul.f32 $6.000000000e+01, v42  }
0x34f: {  	v53 =	vsub.f32 $1.280000000e+02, v37;
	v47 =	vsub.f32 $1.280000000e+02, v41;
	v39 =	vld.idx.msk [tilespmem:v57+s29+$0x0], $0xffff;
	v57 =	vmul.f32 $6.000000000e+01, v45  }
0x350: {  	v60 =	vsub.f32 $1.280000000e+02, v48;
	vm7 =	vge.f32 v52, $2.349999920e-02;
	v41 =	vshll.u32 v54, $0x8;
	v37 =	vld.idx.msk [tilespmem:v50+s24+$0x0], $0xffff  }
0x351: {  	v48 =	vmul.f32 $6.000000000e+01, v38;
	v62 =	vor.u32 v30, v41;
	v50 =	vmul.f32 $6.000000000e+01, v40  }
0x352: {  	v52 =	vsub.f32 $1.280000000e+02, v56;
	v41 =	vshll.u32 v49, $0x8;
	vm1 =	vge.f32 v51, $2.349999920e-02  }
0x353: {  	v55 =	vsub.f32 $1.280000000e+02, v55;
	v49 =	vmul.f32 $6.000000000e+01, v44;
	v56 =	vsub.f32 $1.280000000e+02, v50  }
.Ltmp10:
0x354: {  	v54 =	vsub.f32 $1.280000000e+02, v48;
	v48 =	vmul.f32 $6.000000000e+01, v51;
	v50 =	vor.u32 v32, v41;
	(pc) =	sbr.rel @p0 .LBB2_22-.Ltmp10, $4  }
0x355: {  	v51 =	vsub.f32 $1.280000000e+02, v49;
	v41 =	vmul.f32 $6.000000000e+01, v39;
	v49 =	vsub.f32 $1.280000000e+02, v57  }
0x356: {  	vm3 =	vge.f32 v58, $2.349999920e-02;
	v55 =	vadd.f32 $8.388608000e+06, v55;
	v48 =	vsub.f32 $1.280000000e+02, v48;
	[tilespmem:v62+s3+$0x0] =	vst.idx.msk vm7, v37  }
0x357: {  	vm8 =	vge.f32 v61, $2.349999920e-02;
	v58 =	vadd.f32 $8.388608000e+06, v56;
	v51 =	vadd.f32 $8.388608000e+06, v51  }
0x358: {  	v56 =	vadd.f32 $8.388608000e+06, v60;
	v57 =	vadd.f32 $8.388608000e+06, v35;
	vm7 =	vge.f32 v59, $2.349999920e-02  }
0x359: {  	v35 =	vadd.f32 $-8.388608000e+06, v58;
	v53 =	vadd.f32 $8.388608000e+06, v53  }
0x35a: {  	v59 =	vadd.f32 $-8.388608000e+06, v55;
	v52 =	vadd.f32 $8.388608000e+06, v52  }
0x35b: {  	v46 =	vadd.f32 $8.388608000e+06, v46;
	v54 =	vadd.f32 $8.388608000e+06, v54  }
0x35c: {  	vm10 =	vge.f32 v42, $2.349999920e-02;
	v43 =	vadd.f32 $8.388608000e+06, v43;
	v47 =	vadd.f32 $8.388608000e+06, v47  }
0x35d: {  	vm9 =	vge.f32 v45, $2.349999920e-02;
	v51 =	vadd.f32 $-8.388608000e+06, v51;
	v49 =	vadd.f32 $8.388608000e+06, v49  }
0x35e: {  	vm11 =	vge.f32 v44, $2.349999920e-02;
	v48 =	vadd.f32 $8.388608000e+06, v48;
	v41 =	vsub.f32 $1.280000000e+02, v41  }
0x35f: {  	vm12 =	vge.f32 v40, $2.349999920e-02;
	v62 =	vadd.f32 $-8.388608000e+06, v56;
	v63 =	vadd.f32 $-8.388608000e+06, v57  }
0x360: {  	v53 =	vadd.f32 $-8.388608000e+06, v53;
	v35 =	vtrunc.f32 v35;
	v45 =	vtrunc.f32 v59  }
0x361: {  	v52 =	vadd.f32 $-8.388608000e+06, v52;
	v43 =	vadd.f32 $-8.388608000e+06, v43;
	v51 =	vtrunc.f32 v51  }
0x362: {  	v46 =	vadd.f32 $-8.388608000e+06, v46;
	v42 =	vtrunc.f32 v62;
	v35 =	vcvt.f32.s32 v35  }
0x363: {  	v49 =	vadd.f32 $-8.388608000e+06, v49;
	v60 =	vtrunc.f32 v63;
	v45 =	vcvt.f32.s32 v45  }
0x364: {  	v48 =	vadd.f32 $-8.388608000e+06, v48;
	v51 =	vcvt.f32.s32 v51;
	v53 =	vtrunc.f32 v53  }
0x365: {  	v47 =	vadd.f32 $-8.388608000e+06, v47;
	v42 =	vcvt.f32.s32 v42;
	v62 =	vcvt.f32.s32 v60  }
0x366: {  	v41 =	vadd.f32 $8.388608000e+06, v41;
	v52 =	vtrunc.f32 v52;
	v46 =	vtrunc.f32 v46  }
0x367: {  	v63 =	vadd.f32 $-8.388608000e+06, v54;
	v43 =	vtrunc.f32 v43;
	v49 =	vtrunc.f32 v49  }
0x368: {  	v55 =	vtrunc.f32 v48;
	v56 =	vtrunc.f32 v47;
	v41 =	vadd.f32 $-8.388608000e+06, v41  }
0x369: {  	v53 =	vcvt.f32.s32 v53;
	v45 =	vshll.u32 v45, $0x8;
	v46 =	vcvt.f32.s32 v46  }
0x36a: {  	v51 =	vshll.u32 v51, $0x8;
	v43 =	vcvt.f32.s32 v43;
	v45 =	vor.u32 v12, v45  }
0x36b: {  	v52 =	vcvt.f32.s32 v52;
	v35 =	vshll.u32 v35, $0x8;
	v51 =	vor.u32 v0, v51  }
0x36c: {  	v49 =	vcvt.f32.s32 v49;
	v42 =	vshll.u32 v42, $0x8;
	v35 =	vor.u32 v8, v35  }
0x36d: {  	v40 =	vtrunc.f32 v63;
	v61 =	vshll.u32 v53, $0x8;
	v42 =	vor.u32 v14, v42  }
0x36e: {  	[tilespmem:v50+s3+$0x0] =	vst.idx.msk vm6, v37;
	v40 =	vcvt.f32.s32 v40;
	v52 =	vshll.u32 v52, $0x8;
	v44 =	vor.u32 v16, v61  }
0x36f: {  	v41 =	vtrunc.f32 v41;
	v46 =	vshll.u32 v46, $0x8;
	v54 =	vor.u32 v18, v52;
	[tilespmem:v45+s3+$0x0] =	vst.idx.msk vm7, v37  }
0x370: {  	v53 =	vshll.u32 v62, $0x8;
	v43 =	vshll.u32 v43, $0x8;
	v46 =	vor.u32 v20, v46;
	[tilespmem:v51+s3+$0x0] =	vst.idx.msk vm11, v37  }
0x371: {  	v57 =	vshll.u32 v49, $0x8;
	v41 =	vcvt.f32.s32 v41;
	v43 =	vor.u32 v22, v43;
	[tilespmem:v35+s3+$0x0] =	vst.idx.msk vm12, v37  }
0x372: {  	v53 =	vor.u32 v28, v53;
	v58 =	vor.u32 v10, v57;
	v40 =	vshll.u32 v40, $0x8;
	[tilespmem:v42+s3+$0x0] =	vst.idx.msk vm8, v37  }
0x373: {  	v40 =	vor.u32 v6, v40;
	v42 =	vcvt.f32.s32 v56;
	vm8 =	vge.f32 v38, $2.349999920e-02;
	[tilespmem:v44+s3+$0x0] =	vst.idx.msk vm5, v37  }
0x374: {  	v61 =	vshll.u32 v41, $0x8;
	v44 =	vcvt.f32.s32 v55;
	[tilespmem:v54+s3+$0x0] =	vst.idx.msk vm10, v37;
	vm10 =	vge.f32 v39, $2.349999920e-02  }
0x375: {  	[tilespmem:v46+s3+$0x0] =	vst.idx.msk vm2, v37;
	v39 =	vor.u32 v4, v61;
	v59 =	vshll.u32 v42, $0x8  }
0x376: {  	[tilespmem:v43+s3+$0x0] =	vst.idx.msk vm4, v37;
	v38 =	vor.u32 v26, v59;
	v60 =	vshll.u32 v44, $0x8  }
0x377: {  	[tilespmem:v53+s3+$0x0] =	vst.idx.msk vm0, v37;
	v42 =	vor.u32 v24, v60  }
0x378: {  	[tilespmem:v58+s3+$0x0] =	vst.idx.msk vm9, v37  }
0x379: {  	[tilespmem:v40+s3+$0x0] =	vst.idx.msk vm8, v37  }
0x37a: {  	[tilespmem:v39+s3+$0x0] =	vst.idx.msk vm10, v37  }
0x37b: {  	[tilespmem:v38+s3+$0x0] =	vst.idx.msk vm3, v37  }
0x37c: {  	s8 =	simm.s32 $0x80;
	[tilespmem:v42+s3+$0x0] =	vst.idx.msk vm1, v37  }
0x37d: {  	[tilespmem:s2], [sflag:$0x3] =	stream.strided.gather [hbm4b:s16+s8], $0x2000, s26, s8, $0x38;
	[tilespmem:$0x1E100] =	vst v63  }
0x37e: {  	_ =	swait.ge [sflag:s28], $0x2000  }
0x37f: {  	[sflag:s28] =	ssyncset.done $0x0  }
0x380: {  	[sflag:s28] =	ssyncadd.s32 $0xFFFFE000  }
0x381: {  	v39 =	vld [tilespmem:s8+$0x60]  }
0x382: {  	v35 =	vld [tilespmem:s8+$0x50]  }
0x383: {  	v37 =	vld [tilespmem:s8+$0x40]  }
0x384: {  	v42 =	vld [tilespmem:s8+$0x10]  }
0x385: {  	v43 =	vld [tilespmem:s8+$0xFFFFFF90]  }
0x386: {  	v62 =	vld [tilespmem:s8+$0xFFFFFF80]  }
0x387: {  	s9 =	simm.s32 $0x18080;
	v63 =	vld [tilespmem:s8+$0xFFFFFFC0]  }
0x388: {  	v56 =	vld [tilespmem:s9+$0xFFFFFFC0]  }
0x389: {  	v57 =	vld [tilespmem:s9+$0xFFFFFF80]  }
0x38a: {  	v52 =	vld [tilespmem:s8+$0xFFFFFFF0]  }
0x38b: {  	v48 =	vld [tilespmem:s8+$0xFFFFFFD0]  }
0x38c: {  	v41 =	vld [tilespmem:s8+$0xFFFFFFB0]  }
0x38d: {  	v50 =	vld [tilespmem:s8+$0xFFFFFFA0]  }
0x38e: {  	v58 =	vld [tilespmem:s8+$0x0]  }
0x38f: {  	[tilespmem:s8+$0xFFFFFFC0] =	vst v2;
	v59 =	vld [tilespmem:s9+$0x0]  }
0x390: {  	v51 =	vld [tilespmem:s8+$0xFFFFFFE0];
	[tilespmem:s8+$0xFFFFFF80] =	vst v2  }
0x391: {  	[tilespmem:s8+$0x0] =	vst v2;
	v46 =	vld [tilespmem:s9+$0xFFFFFFD0];
	v44 =	vsub.f32 v62, v57  }
0x392: {  	v60 =	vld [tilespmem:s9+$0xFFFFFF90];
	[tilespmem:s8+$0xFFFFFFD0] =	vst v2  }
0x393: {  	v61 =	vld [tilespmem:s9+$0x10];
	[tilespmem:s8+$0xFFFFFF90] =	vst v2;
	v45 =	vsub.f32 v63, v56;
	v44 =	vand.u32 $0x7FFFFFFF, v44  }
0x394: {  	[tilespmem:s8+$0x10] =	vst v2;
	v62 =	vld [tilespmem:s9+$0xFFFFFFE0];
	vm11 =	vlt.f32 v44, $2.000000030e-01  }
0x395: {  	v47 =	vsub.f32 v58, v59;
	[tilespmem:s8+$0xFFFFFFE0] =	vst v2;
	v56 =	vld [tilespmem:s9+$0x40];
	v45 =	vand.u32 $0x7FFFFFFF, v45;
	v44 =	vnsel vm11, $0x0, v44  }
0x396: {  	v63 =	vld [tilespmem:s9+$0xFFFFFFA0];
	[tilespmem:s8+$0x40] =	vst v2;
	vm12 =	vlt.f32 v45, $2.000000030e-01;
	v36 =	vadd.f32 v44, v36  }
0x397: {  	[tilespmem:s8+$0xFFFFFFA0] =	vst v2;
	v57 =	vld [tilespmem:s9+$0x50];
	v49 =	vand.u32 $0x7FFFFFFF, v47;
	v45 =	vnsel vm12, $0x0, v45  }
0x398: {  	v43 =	vsub.f32 v43, v60;
	v60 =	vld [tilespmem:s9+$0xFFFFFFF0];
	[tilespmem:s8+$0x50] =	vst v2;
	vm13 =	vlt.f32 v49, $2.000000030e-01;
	v36 =	vadd.f32 v45, v36  }
0x399: {  	v45 =	vnsel vm13, $0x0, v49;
	v49 =	vld [tilespmem:s9+$0xFFFFFFB0];
	[tilespmem:s8+$0xFFFFFFB0] =	vst v2  }
0x39a: {  	v61 =	vsub.f32 v42, v61;
	v42 =	vadd.f32 v45, v36;
	v45 =	vld [tilespmem:s9+$0x60];
	[tilespmem:s8+$0x60] =	vst v2  }
0x39b: {  	v46 =	vsub.f32 v48, v46;
	v53 =	vsub.f32 v50, v63;
	v63 =	vld [tilespmem:$0x1FFF0];
	_ =	sdelay $0x1  }
0x39c: {  	v40 =	vld [tilespmem:s8+$0x70];
	v43 =	vand.u32 $0x7FFFFFFF, v43;
	v46 =	vand.u32 $0x7FFFFFFF, v46  }
0x39d: {  	v38 =	vld [tilespmem:s8+$0x20];
	vm14 =	vlt.f32 v43, $2.000000030e-01;
	vm15 =	vlt.f32 v46, $2.000000030e-01  }
0x39e: {  	v62 =	vsub.f32 v51, v62;
	v43 =	vnsel vm14, $0x0, v43;
	v48 =	vsub.f32 v37, v56;
	v50 =	vld [tilespmem:s9+$0x70]  }
0x39f: {  	v54 =	vnsel vm15, $0x0, v46;
	v44 =	vld [tilespmem:s9+$0x20];
	v52 =	vsub.f32 v52, v60;
	[tilespmem:s8+$0x20] =	vst v2;
	v55 =	vadd.f32 v43, v63  }
0x3a0: {  	s10 =	simm.s32 $0x0;
	s11 =	simm.s32 $0x180;
	v47 =	vld [tilespmem:s8+$0x30];
	v46 =	vsub.f32 v35, v57;
	v51 =	vand.u32 $0x7FFFFFFF, v62;
	[tilespmem:s8+$0x70] =	vst v2;
	v43 =	vand.u32 $0x7FFFFFFF, v61  }
.LBB2_24:
0x3a1: {  	s10 =	sadd.s32 $0x4, s10;
	v36 =	vand.u32 $0x7FFFFFFF, v53;
	v37 =	vadd.f32 v54, v55;
	vm0 =	vlt.f32 v51, $2.000000030e-01;
	[tilespmem:s8+$0xFFFFFFF0] =	vst v2;
	v53 =	vld [tilespmem:s9+$0x30];
	s9 =	sadd.s32 $0x100, s9  }
0x3a2: {  	v54 =	vld [tilespmem:s11+$0x70];
	p0 =	slt.u32 s10, $0x7C;
	v41 =	vsub.f32 v41, v49;
	v49 =	vnsel vm0, $0x0, v51;
	v51 =	vand.u32 $0x7FFFFFFF, v52;
	[tilespmem:s8+$0x30] =	vst v2;
	s8 =	smov.u32 s11  }
0x3a3: {  	vm0 =	vlt.f32 v36, $2.000000030e-01;
	v52 =	vld [tilespmem:s11+$0x60];
	vm1 =	vlt.f32 v51, $2.000000030e-01;
	v40 =	vsub.f32 v40, v50  }
0x3a4: {  	v45 =	vsub.f32 v39, v45;
	v46 =	vand.u32 $0x7FFFFFFF, v46;
	v50 =	vnsel vm0, $0x0, v36;
	v35 =	vld [tilespmem:s11+$0x50]  }
0x3a5: {  	v39 =	vand.u32 $0x7FFFFFFF, v48;
	v34 =	vadd.f32 v50, v34;
	v50 =	vnsel vm1, $0x0, v51;
	v36 =	vld [tilespmem:s11+$0x40]  }
0x3a6: {  	v41 =	vand.u32 $0x7FFFFFFF, v41;
	vm1 =	vlt.f32 v39, $2.000000030e-01;
	v51 =	vand.u32 $0x7FFFFFFF, v40;
	v48 =	vld [tilespmem:s11+$0x20]  }
0x3a7: {  	vm0 =	vlt.f32 v43, $2.000000030e-01;
	v56 =	vnsel vm1, $0x0, v39;
	vm1 =	vlt.f32 v46, $2.000000030e-01;
	v55 =	vld [tilespmem:s11+$0x10];
	v40 =	vmovc v54  }
0x3a8: {  	vm2 =	vlt.f32 v41, $2.000000030e-01;
	v47 =	vsub.f32 v47, v53;
	vm3 =	vlt.f32 v51, $2.000000030e-01;
	v54 =	vld [tilespmem:s11+$0xFFFFFF90];
	v39 =	vmovc v52  }
0x3a9: {  	v45 =	vand.u32 $0x7FFFFFFF, v45;
	v34 =	vadd.f32 v49, v34;
	v49 =	vnsel vm3, $0x0, v51;
	v52 =	vld [tilespmem:s11+$0xFFFFFF80]  }
0x3aa: {  	v44 =	vsub.f32 v38, v44;
	v46 =	vnsel vm1, $0x0, v46;
	vm1 =	vlt.f32 v45, $2.000000030e-01;
	v51 =	vld [tilespmem:s11+$0xFFFFFFC0]  }
0x3ab: {  	v41 =	vnsel vm2, $0x0, v41;
	v45 =	vnsel vm1, $0x0, v45;
	v47 =	vand.u32 $0x7FFFFFFF, v47;
	v53 =	vld [tilespmem:s9+$0xFFFFFFC0];
	v38 =	vmovc v48  }
0x3ac: {  	v33 =	vadd.f32 v41, v33;
	v41 =	vand.u32 $0x7FFFFFFF, v44;
	vm1 =	vlt.f32 v47, $2.000000030e-01;
	v48 =	vld [tilespmem:s9+$0xFFFFFF80]  }
0x3ad: {  	v42 =	vadd.f32 v56, v42;
	vm2 =	vlt.f32 v41, $2.000000030e-01;
	v44 =	vnsel vm1, $0x0, v47;
	v57 =	vld [tilespmem:s11+$0xFFFFFFF0]  }
0x3ae: {  	v43 =	vnsel vm0, $0x0, v43;
	v33 =	vadd.f32 v50, v33;
	v50 =	vnsel vm2, $0x0, v41;
	v47 =	vld [tilespmem:s11+$0xFFFFFFD0]  }
0x3af: {  	v37 =	vadd.f32 v43, v37;
	v34 =	vadd.f32 v50, v34;
	v41 =	vld [tilespmem:s11+$0xFFFFFFB0]  }
0x3b0: {  	v33 =	vadd.f32 v44, v33;
	v43 =	vld [tilespmem:s11+$0xFFFFFFA0];
	v50 =	vsub.f32 v51, v53;
	[tilespmem:s11+$0xFFFFFFC0] =	vst v2  }
0x3b1: {  	v34 =	vadd.f32 v45, v34;
	v44 =	vsub.f32 v52, v48;
	[tilespmem:s11+$0xFFFFFF80] =	vst v2;
	v48 =	vld [tilespmem:s11+$0x0]  }
0x3b2: {  	v37 =	vadd.f32 v46, v37;
	v33 =	vadd.f32 v49, v33;
	v45 =	vand.u32 $0x7FFFFFFF, v50;
	v50 =	vld [tilespmem:s9+$0x0]  }
0x3b3: {  	v44 =	vand.u32 $0x7FFFFFFF, v44;
	vm0 =	vlt.f32 v45, $2.000000030e-01;
	v46 =	vld [tilespmem:s11+$0xFFFFFFE0]  }
0x3b4: {  	vm1 =	vlt.f32 v44, $2.000000030e-01;
	v45 =	vnsel vm0, $0x0, v45;
	v49 =	vld [tilespmem:s9+$0xFFFFFFD0]  }
0x3b5: {  	v44 =	vnsel vm1, $0x0, v44;
	v51 =	vld [tilespmem:s9+$0xFFFFFF90];
	[tilespmem:s11+$0x0] =	vst v2  }
0x3b6: {  	v42 =	vadd.f32 v44, v42;
	[tilespmem:s11+$0xFFFFFFD0] =	vst v2;
	v44 =	vld [tilespmem:s9+$0x10]  }
0x3b7: {  	[tilespmem:s11+$0xFFFFFF90] =	vst v2;
	v52 =	vld [tilespmem:s9+$0xFFFFFFE0];
	v48 =	vsub.f32 v48, v50  }
0x3b8: {  	v42 =	vadd.f32 v45, v42;
	[tilespmem:s11+$0xFFFFFFE0] =	vst v2;
	v56 =	vld [tilespmem:s9+$0x40]  }
0x3b9: {  	v50 =	vld [tilespmem:s9+$0xFFFFFFA0];
	v45 =	vand.u32 $0x7FFFFFFF, v48;
	[tilespmem:s11+$0x40] =	vst v2  }
0x3ba: {  	v47 =	vsub.f32 v47, v49;
	v48 =	vsub.f32 v54, v51;
	[tilespmem:s11+$0xFFFFFFA0] =	vst v2;
	vm0 =	vlt.f32 v45, $2.000000030e-01;
	v58 =	vld [tilespmem:s9+$0x50]  }
0x3bb: {  	v59 =	vld [tilespmem:s9+$0xFFFFFFF0];
	v45 =	vnsel vm0, $0x0, v45;
	v60 =	vsub.f32 v55, v44;
	[tilespmem:s11+$0x50] =	vst v2  }
.Ltmp11:
0x3bc: {  	v47 =	vand.u32 $0x7FFFFFFF, v47;
	v44 =	vand.u32 $0x7FFFFFFF, v48;
	v42 =	vadd.f32 v45, v42;
	[tilespmem:s11+$0x10] =	vst v2;
	v45 =	vld [tilespmem:s9+$0x60];
	(pc) =	sbr.rel @p0 .LBB2_24-.Ltmp11, $4  }
0x3bd: {  	vm1 =	vlt.f32 v47, $2.000000030e-01;
	v46 =	vsub.f32 v46, v52;
	vm0 =	vlt.f32 v44, $2.000000030e-01;
	v49 =	vld [tilespmem:s9+$0xFFFFFFB0];
	[tilespmem:s11+$0x60] =	vst v2  }
0x3be: {  	v54 =	vnsel vm1, $0x0, v47;
	v44 =	vnsel vm0, $0x0, v44;
	v53 =	vsub.f32 v43, v50;
	[tilespmem:s11+$0xFFFFFFB0] =	vst v2;
	v50 =	vld [tilespmem:s9+$0x70]  }
0x3bf: {  	v48 =	vsub.f32 v36, v56;
	v51 =	vand.u32 $0x7FFFFFFF, v46;
	v55 =	vadd.f32 v44, v37;
	v44 =	vld [tilespmem:s9+$0x20];
	[tilespmem:s11+$0x70] =	vst v2  }
0x3c0: {  	v43 =	vand.u32 $0x7FFFFFFF, v60;
	v46 =	vsub.f32 v35, v58;
	s11 =	sadd.s32 $0x100, s11;
	v52 =	vsub.f32 v57, v59;
	[tilespmem:s8+$0x20] =	vst v2;
	v47 =	vld [tilespmem:s8+$0x30]  }
0x3c1: {  	[tilespmem:s8+$0xFFFFFFF0] =	vst v2  }
0x3c2: {  	v56 =	vld [tilespmem:s9+$0x30];
	[tilespmem:s8+$0x30] =	vst v2  }
0x3c3: {  	[tilespmem:s0], [sflag:$0x1] =	stream.strided.gather [hbm4b:s17+s31], $0x2000, s26, s31, $0x38;
	[tilespmem:$0x1E100] =	vst v63  }
0x3c4: {  	_ =	swait.ge [sflag:s4], $0x2000  }
0x3c5: {  	[sflag:s4] =	ssyncset.done $0x0  }
0x3c6: {  	s10 =	simm.s32 $0x20F0;
	[sflag:s4] =	ssyncadd.s32 $0xFFFFE000  }
0x3c7: {  	v57 =	vld [tilespmem:s10+$0xFFFFFF70]  }
0x3c8: {  	v35 =	vld [tilespmem:s10+$0x0]  }
0x3c9: {  	v53 =	vand.u32 $0x7FFFFFFF, v53;
	v37 =	vld [tilespmem:s10+$0xFFFFFFC0]  }
0x3ca: {  	v54 =	vadd.f32 v54, v55;
	s8 =	simm.s32 $0x1A080;
	vm1 =	vlt.f32 v51, $2.000000030e-01;
	v36 =	vld [tilespmem:s10+$0xFFFFFFE0]  }
0x3cb: {  	v39 =	vsub.f32 v39, v45;
	vm0 =	vlt.f32 v53, $2.000000030e-01;
	v40 =	vsub.f32 v40, v50;
	v50 =	vld [tilespmem:s8+$0x40]  }
0x3cc: {  	v48 =	vand.u32 $0x7FFFFFFF, v48;
	v41 =	vsub.f32 v41, v49;
	v58 =	vnsel vm0, $0x0, v53;
	v53 =	vld [tilespmem:s10+$0xFFFFFFB0]  }
0x3cd: {  	v59 =	vnsel vm1, $0x0, v51;
	v60 =	vand.u32 $0x7FFFFFFF, v52;
	vm2 =	vlt.f32 v48, $2.000000030e-01;
	v49 =	vld [tilespmem:s10+$0xFFFFFFA0]  }
0x3ce: {  	vm0 =	vlt.f32 v60, $2.000000030e-01;
	v34 =	vadd.f32 v58, v34;
	v41 =	vand.u32 $0x7FFFFFFF, v41;
	v52 =	vld [tilespmem:s10+$0xFFFFFF20]  }
0x3cf: {  	v39 =	vand.u32 $0x7FFFFFFF, v39;
	v61 =	vsub.f32 v38, v44;
	vm1 =	vlt.f32 v41, $2.000000030e-01;
	v55 =	vld [tilespmem:s10+$0xFFFFFF10]  }
0x3d0: {  	v47 =	vsub.f32 v47, v56;
	v45 =	vadd.f32 v59, v34;
	v62 =	vnsel vm1, $0x0, v41;
	v63 =	vld [tilespmem:s10+$0xFFFFFF50]  }
0x3d1: {  	v56 =	vnsel vm0, $0x0, v60;
	v58 =	vld [tilespmem:s8+$0xFFFFFF80];
	vm0 =	vlt.f32 v43, $2.000000030e-01;
	v34 =	vand.u32 $0x7FFFFFFF, v61  }
0x3d2: {  	v59 =	vld [tilespmem:s8+$0xFFFFFFC0];
	v33 =	vadd.f32 v62, v33;
	vm1 =	vlt.f32 v34, $2.000000030e-01;
	v43 =	vnsel vm0, $0x0, v43  }
0x3d3: {  	v44 =	vld [tilespmem:s10+$0xFFFFFF60];
	v47 =	vand.u32 $0x7FFFFFFF, v47;
	v60 =	vnsel vm1, $0x0, v34;
	vm1 =	vlt.f32 v39, $2.000000030e-01  }
0x3d4: {  	v61 =	vld [tilespmem:s8+$0x0];
	v33 =	vadd.f32 v56, v33;
	vm0 =	vlt.f32 v47, $2.000000030e-01;
	v45 =	vadd.f32 v60, v45  }
0x3d5: {  	[tilespmem:s10+$0xFFFFFF50] =	vst v2;
	v43 =	vadd.f32 v43, v54;
	v54 =	vld [tilespmem:s10+$0xFFFFFF90];
	v39 =	vnsel vm1, $0x0, v39;
	v47 =	vnsel vm0, $0x0, v47  }
0x3d6: {  	v46 =	vand.u32 $0x7FFFFFFF, v46;
	[tilespmem:s10+$0xFFFFFF10] =	vst v2;
	v47 =	vadd.f32 v47, v33;
	v33 =	vadd.f32 v39, v45;
	v39 =	vld [tilespmem:s8+$0xFFFFFFD0]  }
0x3d7: {  	v48 =	vnsel vm2, $0x0, v48;
	[tilespmem:s10+$0xFFFFFF90] =	vst v2;
	v38 =	vsub.f32 v55, v58;
	v41 =	vsub.f32 v63, v59;
	v63 =	vld [tilespmem:s8+$0xFFFFFF90]  }
0x3d8: {  	v42 =	vadd.f32 v48, v42;
	vm0 =	vlt.f32 v46, $2.000000030e-01;
	[tilespmem:s10+$0xFFFFFF60] =	vst v2;
	v59 =	vld [tilespmem:s8+$0x10]  }
0x3d9: {  	v40 =	vand.u32 $0x7FFFFFFF, v40;
	v62 =	vnsel vm0, $0x0, v46;
	v58 =	vld [tilespmem:s8+$0xFFFFFFE0];
	v38 =	vand.u32 $0x7FFFFFFF, v38  }
0x3da: {  	v51 =	vld [tilespmem:s10+$0xFFFFFF30];
	v48 =	vadd.f32 v62, v43;
	v41 =	vand.u32 $0x7FFFFFFF, v41;
	vm0 =	vlt.f32 v38, $2.000000030e-01  }
0x3db: {  	v34 =	vld [tilespmem:s10+$0xFFFFFF40];
	[tilespmem:s10+$0xFFFFFFA0] =	vst v2;
	v61 =	vsub.f32 v54, v61;
	v38 =	vnsel vm0, $0x0, v38;
	vm0 =	vlt.f32 v40, $2.000000030e-01  }
0x3dc: {  	[tilespmem:s10+$0xFFFFFF70] =	vst v2;
	v54 =	vld [tilespmem:s10+$0xFFFFFF80];
	v42 =	vadd.f32 v38, v42;
	v60 =	vnsel vm0, $0x0, v40;
	v39 =	vsub.f32 v44, v39  }
0x3dd: {  	[tilespmem:s10+$0xFFFFFF20] =	vst v2;
	vm0 =	vlt.f32 v41, $2.000000030e-01;
	v44 =	vld [tilespmem:s8+$0xFFFFFFF0];
	v46 =	vsub.f32 v52, v63;
	v45 =	vsub.f32 v49, v59  }
0x3de: {  	[tilespmem:s10+$0xFFFFFF80] =	vst v2;
	v52 =	vld [tilespmem:s8+$0x20];
	v38 =	vadd.f32 v60, v47;
	v41 =	vnsel vm0, $0x0, v41;
	v62 =	vsub.f32 v57, v58  }
0x3df: {  	[tilespmem:s10+$0xFFFFFFB0] =	vst v2;
	v47 =	vld [tilespmem:s10+$0xFFFFFFD0];
	v41 =	vadd.f32 v41, v42;
	v42 =	vand.u32 $0x7FFFFFFF, v61;
	v39 =	vand.u32 $0x7FFFFFFF, v39  }
0x3e0: {  	[tilespmem:s10+$0xFFFFFFD0] =	vst v2;
	v60 =	vld [tilespmem:s8+$0xFFFFFFA0];
	v63 =	vand.u32 $0x7FFFFFFF, v46;
	v40 =	vand.u32 $0x7FFFFFFF, v45;
	vm0 =	vlt.f32 v42, $2.000000030e-01  }
0x3e1: {  	[tilespmem:s10+$0xFFFFFF30] =	vst v2;
	v46 =	vld [tilespmem:s8+$0x50];
	vm1 =	vlt.f32 v39, $2.000000030e-01;
	vm2 =	vlt.f32 v63, $2.000000030e-01;
	v43 =	vand.u32 $0x7FFFFFFF, v62  }
0x3e2: {  	[tilespmem:s10+$0xFFFFFFE0] =	vst v2;
	v49 =	vld [tilespmem:s8+$0xFFFFFFB0];
	v39 =	vnsel vm1, $0x0, v39;
	v61 =	vnsel vm2, $0x0, v63;
	v44 =	vsub.f32 v54, v44  }
0x3e3: {  	v45 =	vld [tilespmem:s8+$0x60];
	[tilespmem:s10+$0xFFFFFFF0] =	vst v2;
	v42 =	vnsel vm0, $0x0, v42;
	vm0 =	vlt.f32 v40, $2.000000030e-01;
	v62 =	vadd.f32 v61, v48  }
0x3e4: {  	[tilespmem:s10+$0xFFFFFF40] =	vst v2;
	v48 =	vsub.f32 v53, v52;
	v63 =	vsub.f32 v47, v50;
	v47 =	vld [tilespmem:s8+$0x70];
	v44 =	vand.u32 $0x7FFFFFFF, v44  }
0x3e5: {  	v41 =	vadd.f32 v42, v41;
	v50 =	vld [tilespmem:s8+$0x30];
	[tilespmem:s10+$0x0] =	vst v2;
	v52 =	vsub.f32 v51, v60;
	vm1 =	vlt.f32 v44, $2.000000030e-01  }
0x3e6: {  	s9 =	simm.s32 $0x0;
	[tilespmem:s10+$0xFFFFFFC0] =	vst v2;
	v51 =	vld [tilespmem:s10+$0xFFFFFFF0];
	s10 =	simm.s32 $0x21F0;
	v39 =	vadd.f32 v39, v62;
	v42 =	vnsel vm1, $0x0, v44;
	v44 =	vand.u32 $0x7FFFFFFF, v63  }
.LBB2_26:
0x3e7: {  	v53 =	vld [tilespmem:s10+$0xFFFFFF70];
	s9 =	sadd.s32 $0x4, s9;
	vm2 =	vlt.f32 v43, $2.000000030e-01;
	v48 =	vand.u32 $0x7FFFFFFF, v48;
	v46 =	vsub.f32 v36, v46;
	s8 =	sadd.s32 $0x100, s8  }
0x3e8: {  	vm1 =	vlt.f32 v44, $2.000000030e-01;
	v54 =	vld [tilespmem:s10+$0x0];
	p0 =	slt.u32 s9, $0x7C;
	v52 =	vand.u32 $0x7FFFFFFF, v52;
	v34 =	vsub.f32 v34, v49  }
0x3e9: {  	v43 =	vnsel vm2, $0x0, v43;
	v49 =	vld [tilespmem:s10+$0xFFFFFFC0];
	vm3 =	vlt.f32 v52, $2.000000030e-01  }
0x3ea: {  	v36 =	vld [tilespmem:s10+$0xFFFFFFE0];
	v52 =	vnsel vm3, $0x0, v52;
	v34 =	vand.u32 $0x7FFFFFFF, v34;
	v37 =	vsub.f32 v37, v50  }
0x3eb: {  	v46 =	vand.u32 $0x7FFFFFFF, v46;
	v50 =	vld [tilespmem:s8+$0x40];
	vm2 =	vlt.f32 v34, $2.000000030e-01;
	v45 =	vsub.f32 v51, v45  }
0x3ec: {  	v47 =	vsub.f32 v35, v47;
	v33 =	vadd.f32 v52, v33;
	v51 =	vld [tilespmem:s10+$0xFFFFFFB0];
	v34 =	vnsel vm2, $0x0, v34  }
0x3ed: {  	vm2 =	vlt.f32 v46, $2.000000030e-01;
	v52 =	vld [tilespmem:s10+$0xFFFFFFA0];
	v34 =	vadd.f32 v34, v38;
	v38 =	vand.u32 $0x7FFFFFFF, v45;
	v35 =	vmovc v54  }
0x3ee: {  	v47 =	vand.u32 $0x7FFFFFFF, v47;
	v54 =	vand.u32 $0x7FFFFFFF, v37;
	v45 =	vld [tilespmem:s10+$0xFFFFFF20];
	vm3 =	vlt.f32 v38, $2.000000030e-01;
	v37 =	vmovc v49  }
0x3ef: {  	vm4 =	vlt.f32 v48, $2.000000030e-01;
	v46 =	vnsel vm2, $0x0, v46;
	vm2 =	vlt.f32 v47, $2.000000030e-01;
	v49 =	vld [tilespmem:s10+$0xFFFFFF10]  }
0x3f0: {  	v40 =	vnsel vm0, $0x0, v40;
	v47 =	vnsel vm2, $0x0, v47;
	v38 =	vnsel vm3, $0x0, v38;
	v55 =	vld [tilespmem:s10+$0xFFFFFF50]  }
0x3f1: {  	v33 =	vadd.f32 v43, v33;
	v43 =	vnsel vm1, $0x0, v44;
	vm0 =	vlt.f32 v54, $2.000000030e-01;
	v56 =	vld [tilespmem:s8+$0xFFFFFFC0]  }
0x3f2: {  	v48 =	vnsel vm4, $0x0, v48;
	v41 =	vadd.f32 v43, v41;
	v54 =	vnsel vm0, $0x0, v54;
	v44 =	vld [tilespmem:s8+$0xFFFFFF80]  }
0x3f3: {  	v42 =	vadd.f32 v42, v34;
	v33 =	vadd.f32 v48, v33;
	v43 =	vld [tilespmem:s10+$0xFFFFFF60]  }
0x3f4: {  	v39 =	vadd.f32 v40, v39;
	v34 =	vld [tilespmem:s10+$0xFFFFFF40];
	[tilespmem:s10+$0xFFFFFF50] =	vst v2  }
0x3f5: {  	v40 =	vadd.f32 v54, v42;
	v33 =	vadd.f32 v38, v33;
	[tilespmem:s10+$0xFFFFFF10] =	vst v2;
	v57 =	vld [tilespmem:s10+$0xFFFFFF30]  }
0x3f6: {  	v39 =	vadd.f32 v46, v39;
	v42 =	vsub.f32 v55, v56;
	v48 =	vld [tilespmem:s10+$0xFFFFFF90]  }
0x3f7: {  	v38 =	vadd.f32 v47, v40;
	v44 =	vsub.f32 v49, v44;
	v46 =	vld [tilespmem:s8+$0x0]  }
0x3f8: {  	v40 =	vand.u32 $0x7FFFFFFF, v42;
	v42 =	vld [tilespmem:s8+$0xFFFFFFD0]  }
0x3f9: {  	v44 =	vand.u32 $0x7FFFFFFF, v44;
	v47 =	vld [tilespmem:s8+$0xFFFFFF90];
	vm0 =	vlt.f32 v40, $2.000000030e-01;
	[tilespmem:s10+$0xFFFFFF60] =	vst v2  }
0x3fa: {  	vm1 =	vlt.f32 v44, $2.000000030e-01;
	v40 =	vnsel vm0, $0x0, v40;
	v49 =	vld [tilespmem:s8+$0xFFFFFFE0];
	[tilespmem:s10+$0xFFFFFF90] =	vst v2  }
0x3fb: {  	v44 =	vnsel vm1, $0x0, v44;
	[tilespmem:s10+$0xFFFFFF70] =	vst v2;
	v54 =	vld [tilespmem:s8+$0x10]  }
0x3fc: {  	v41 =	vadd.f32 v44, v41;
	v44 =	vld [tilespmem:s10+$0xFFFFFF80];
	v46 =	vsub.f32 v48, v46;
	[tilespmem:s10+$0xFFFFFFA0] =	vst v2  }
0x3fd: {  	[tilespmem:s10+$0xFFFFFF20] =	vst v2;
	v42 =	vsub.f32 v43, v42;
	v48 =	vld [tilespmem:s8+$0xFFFFFFF0]  }
0x3fe: {  	v43 =	vsub.f32 v45, v47;
	v41 =	vadd.f32 v40, v41;
	[tilespmem:s10+$0xFFFFFF80] =	vst v2;
	v47 =	vand.u32 $0x7FFFFFFF, v46;
	v55 =	vld [tilespmem:s10+$0xFFFFFFD0]  }
0x3ff: {  	v40 =	vand.u32 $0x7FFFFFFF, v42;
	v42 =	vsub.f32 v53, v49;
	vm0 =	vlt.f32 v47, $2.000000030e-01;
	v53 =	vld [tilespmem:s8+$0x20];
	[tilespmem:s10+$0xFFFFFFD0] =	vst v2  }
0x400: {  	v45 =	vand.u32 $0x7FFFFFFF, v43;
	vm1 =	vlt.f32 v40, $2.000000030e-01;
	v49 =	vsub.f32 v52, v54;
	[tilespmem:s10+$0xFFFFFFB0] =	vst v2;
	v46 =	vld [tilespmem:s8+$0x50]  }
0x401: {  	vm2 =	vlt.f32 v45, $2.000000030e-01;
	v52 =	vld [tilespmem:s8+$0xFFFFFFA0];
	v54 =	vnsel vm1, $0x0, v40;
	v43 =	vand.u32 $0x7FFFFFFF, v42;
	[tilespmem:s10+$0xFFFFFFE0] =	vst v2  }
.Ltmp12:
0x402: {  	v42 =	vnsel vm2, $0x0, v45;
	[tilespmem:s10+$0xFFFFFF30] =	vst v2;
	v44 =	vsub.f32 v44, v48;
	v40 =	vand.u32 $0x7FFFFFFF, v49;
	v45 =	vld [tilespmem:s8+$0x60];
	(pc) =	sbr.rel @p0 .LBB2_26-.Ltmp12, $4  }
0x403: {  	v39 =	vadd.f32 v42, v39;
	v49 =	vld [tilespmem:s8+$0xFFFFFFB0];
	v42 =	vnsel vm0, $0x0, v47;
	vm0 =	vlt.f32 v40, $2.000000030e-01;
	[tilespmem:s10+$0xFFFFFFF0] =	vst v2  }
0x404: {  	[tilespmem:s10+$0xFFFFFF40] =	vst v2;
	v44 =	vand.u32 $0x7FFFFFFF, v44;
	v48 =	vsub.f32 v51, v53;
	v51 =	vsub.f32 v55, v50;
	v47 =	vld [tilespmem:s8+$0x70]  }
0x405: {  	v41 =	vadd.f32 v42, v41;
	v39 =	vadd.f32 v54, v39;
	vm1 =	vlt.f32 v44, $2.000000030e-01;
	v50 =	vld [tilespmem:s8+$0x30];
	[tilespmem:s10+$0x0] =	vst v2  }
0x406: {  	v52 =	vsub.f32 v57, v52;
	v42 =	vnsel vm1, $0x0, v44;
	[tilespmem:s10+$0xFFFFFFC0] =	vst v2;
	v44 =	vand.u32 $0x7FFFFFFF, v51;
	v51 =	vld [tilespmem:s10+$0xFFFFFFF0];
	s10 =	sadd.s32 $0x100, s10  }
0x407: {  	[tilespmem:s1], [sflag:$0x2] =	stream.strided.gather [hbm4b:s18+s31], $0x2000, s26, s31, $0x38;
	[tilespmem:$0x1E100] =	vst v63  }
0x408: {  	_ =	swait.ge [sflag:s6], $0x2000  }
0x409: {  	[sflag:s6] =	ssyncset.done $0x0  }
0x40a: {  	s8 =	simm.s32 $0x0;
	[sflag:s6] =	ssyncadd.s32 $0xFFFFE000  }
0x40b: {  	v53 =	vld [tilespmem:s8+$0x1C0B0]  }
0x40c: {  	v54 =	vld [tilespmem:s8+$0x1C090]  }
0x40d: {  	v55 =	vld [tilespmem:s8+$0x4090]  }
0x40e: {  	v56 =	vld [tilespmem:s8+$0x1C070]  }
0x40f: {  	v57 =	vld [tilespmem:s8+$0x4070]  }
0x410: {  	v36 =	vsub.f32 v36, v46;
	v48 =	vand.u32 $0x7FFFFFFF, v48;
	v58 =	vld [tilespmem:s8+$0x1C060]  }
0x411: {  	v40 =	vnsel vm0, $0x0, v40;
	v52 =	vand.u32 $0x7FFFFFFF, v52;
	v34 =	vsub.f32 v34, v49;
	v49 =	vld [tilespmem:s8+$0x1C080]  }
0x412: {  	vm0 =	vlt.f32 v48, $2.000000030e-01;
	v39 =	vadd.f32 v40, v39;
	vm1 =	vlt.f32 v52, $2.000000030e-01;
	v46 =	vld [tilespmem:s8+$0x4060]  }
0x413: {  	v35 =	vsub.f32 v35, v47;
	v48 =	vnsel vm0, $0x0, v48;
	v45 =	vsub.f32 v51, v45;
	v51 =	vld [tilespmem:s8+$0x1C050]  }
0x414: {  	v36 =	vand.u32 $0x7FFFFFFF, v36;
	v37 =	vsub.f32 v37, v50;
	v34 =	vand.u32 $0x7FFFFFFF, v34;
	v50 =	vld [tilespmem:s8+$0x4080]  }
0x415: {  	v59 =	vnsel vm1, $0x0, v52;
	vm1 =	vlt.f32 v43, $2.000000030e-01;
	vm2 =	vlt.f32 v34, $2.000000030e-01;
	v47 =	vld [tilespmem:s8+$0x4050]  }
0x416: {  	v33 =	vadd.f32 v59, v33;
	v43 =	vnsel vm1, $0x0, v43;
	vm1 =	vlt.f32 v44, $2.000000030e-01;
	v52 =	vld [tilespmem:s8+$0x1C020]  }
0x417: {  	v59 =	vld [tilespmem:s8+$0x4020];
	v63 =	vand.u32 $0x7FFFFFFF, v35;
	v34 =	vnsel vm2, $0x0, v34;
	v37 =	vand.u32 $0x7FFFFFFF, v37  }
0x418: {  	v61 =	vnsel vm1, $0x0, v44;
	v44 =	vld [tilespmem:s8+$0x1C030];
	v34 =	vadd.f32 v34, v38;
	v60 =	vadd.f32 v43, v33  }
0x419: {  	v43 =	vld [tilespmem:s8+$0x1C040];
	v33 =	vadd.f32 v61, v41;
	vm0 =	vlt.f32 v37, $2.000000030e-01;
	v45 =	vand.u32 $0x7FFFFFFF, v45  }
0x41a: {  	v41 =	vld [tilespmem:s8+$0x4030];
	v37 =	vnsel vm0, $0x0, v37;
	vm0 =	vlt.f32 v36, $2.000000030e-01;
	v34 =	vadd.f32 v42, v34  }
0x41b: {  	[tilespmem:s8+$0x4070] =	vst v2;
	v42 =	vld [tilespmem:s8+$0x1C010];
	v38 =	vadd.f32 v48, v60;
	v62 =	vnsel vm0, $0x0, v36;
	vm0 =	vlt.f32 v45, $2.000000030e-01  }
0x41c: {  	[tilespmem:s8+$0x4060] =	vst v2;
	v48 =	vld [tilespmem:s8+$0x4040];
	v60 =	vnsel vm0, $0x0, v45;
	v61 =	vsub.f32 v47, v51;
	v35 =	vadd.f32 v62, v39  }
0x41d: {  	[tilespmem:s8+$0x4050] =	vst v2;
	v47 =	vld [tilespmem:s8+$0x4010];
	vm0 =	vlt.f32 v63, $2.000000030e-01;
	v62 =	vsub.f32 v46, v58;
	v34 =	vadd.f32 v37, v34  }
0x41e: {  	[tilespmem:s8+$0x4080] =	vst v2;
	v51 =	vld [tilespmem:s8+$0x1C000];
	v36 =	vadd.f32 v60, v38;
	v37 =	vnsel vm0, $0x0, v63;
	v60 =	vsub.f32 v57, v56  }
0x41f: {  	[tilespmem:s8+$0x4090] =	vst v2;
	v58 =	vld [tilespmem:s8+$0x40B0];
	v63 =	vand.u32 $0x7FFFFFFF, v61;
	v38 =	vand.u32 $0x7FFFFFFF, v62;
	v61 =	vsub.f32 v59, v52  }
0x420: {  	[tilespmem:s8+$0x4020] =	vst v2;
	v56 =	vld [tilespmem:s8+$0x40E0];
	v62 =	vsub.f32 v55, v54;
	v34 =	vadd.f32 v37, v34;
	vm0 =	vlt.f32 v63, $2.000000030e-01  }
0x421: {  	[tilespmem:s8+$0x4030] =	vst v2;
	v57 =	vld [tilespmem:s8+$0x1C0E0];
	v39 =	vand.u32 $0x7FFFFFFF, v60;
	v46 =	vsub.f32 v48, v43;
	v48 =	vsub.f32 v41, v44  }
0x422: {  	[tilespmem:s8+$0x4040] =	vst v2;
	v59 =	vld [tilespmem:s8+$0x1C0A0];
	v37 =	vnsel vm0, $0x0, v63;
	vm0 =	vlt.f32 v38, $2.000000030e-01;
	v41 =	vsub.f32 v50, v49  }
0x423: {  	[tilespmem:s8+$0x4010] =	vst v2;
	v43 =	vld [tilespmem:s8+$0x4000];
	vm1 =	vlt.f32 v39, $2.000000030e-01;
	v61 =	vand.u32 $0x7FFFFFFF, v61;
	v63 =	vand.u32 $0x7FFFFFFF, v62  }
0x424: {  	[tilespmem:s8+$0x40B0] =	vst v2;
	v60 =	vld [tilespmem:s8+$0x40A0];
	v38 =	vnsel vm0, $0x0, v38;
	v42 =	vsub.f32 v47, v42;
	v39 =	vnsel vm1, $0x0, v39  }
0x425: {  	v45 =	vld [tilespmem:s8+$0x40F0];
	[tilespmem:s8+$0x40F0] =	vst v2;
	v44 =	vand.u32 $0x7FFFFFFF, v46;
	v40 =	vand.u32 $0x7FFFFFFF, v48;
	v41 =	vand.u32 $0x7FFFFFFF, v41  }
0x426: {  	[tilespmem:s8+$0x40E0] =	vst v2;
	vm0 =	vlt.f32 v40, $2.000000030e-01;
	vm1 =	vlt.f32 v41, $2.000000030e-01;
	v49 =	vand.u32 $0x7FFFFFFF, v42  }
0x427: {  	v52 =	vld [tilespmem:s8+$0x1C0C0];
	[tilespmem:s8+$0x40A0] =	vst v2;
	vm2 =	vlt.f32 v44, $2.000000030e-01;
	v42 =	vsub.f32 v58, v53;
	v41 =	vnsel vm1, $0x0, v41  }
0x428: {  	[tilespmem:s8+$0x4000] =	vst v2;
	v47 =	vld [tilespmem:s8+$0x40C0];
	vm1 =	vlt.f32 v61, $2.000000030e-01;
	v44 =	vnsel vm2, $0x0, v44;
	v43 =	vsub.f32 v43, v51  }
0x429: {  	[tilespmem:s8+$0x40C0] =	vst v2;
	v46 =	vld [tilespmem:s8+$0x1C0F0];
	vm2 =	vlt.f32 v63, $2.000000030e-01;
	v53 =	vsub.f32 v60, v59;
	v51 =	vsub.f32 v56, v57  }
0x42a: {  	s9 =	simm.s32 $0x0;
	s10 =	simm.s32 $0x400;
	v48 =	vld [tilespmem:s8+$0x40D0];
	[tilespmem:s8+$0x40D0] =	vst v2;
	v54 =	vnsel vm1, $0x0, v61;
	v50 =	vand.u32 $0x7FFFFFFF, v43;
	v43 =	vnsel vm2, $0x0, v63  }
.LBB2_28:
0x42b: {  	s9 =	sadd.s32 $0x4, s9;
	vm1 =	vlt.f32 v49, $2.000000030e-01;
	v55 =	vand.u32 $0x7FFFFFFF, v42;
	v56 =	vld [tilespmem:s8+$0x1C0D0];
	s8 =	sshra.s32 s10, $0x2;
	v51 =	vand.u32 $0x7FFFFFFF, v51  }
0x42c: {  	v42 =	vld [tilespmem:s8+$0x1C0B0];
	p0 =	slt.u32 s9, $0x7C;
	v49 =	vnsel vm1, $0x0, v49;
	v53 =	vand.u32 $0x7FFFFFFF, v53;
	vm1 =	vlt.f32 v55, $2.000000030e-01  }
0x42d: {  	vm2 =	vlt.f32 v50, $2.000000030e-01;
	v57 =	vld [tilespmem:s8+$0x1C090];
	vm3 =	vlt.f32 v53, $2.000000030e-01;
	v55 =	vnsel vm1, $0x0, v55  }
0x42e: {  	v50 =	vnsel vm2, $0x0, v50;
	v45 =	vsub.f32 v45, v46;
	v58 =	vld [tilespmem:s8+$0x4090];
	v53 =	vnsel vm3, $0x0, v53  }
0x42f: {  	v36 =	vadd.f32 v54, v36;
	vm1 =	vlt.f32 v51, $2.000000030e-01;
	v46 =	vld [tilespmem:s8+$0x1C080];
	v47 =	vsub.f32 v47, v52  }
0x430: {  	v33 =	vadd.f32 v50, v33;
	v45 =	vand.u32 $0x7FFFFFFF, v45;
	v52 =	vld [tilespmem:s8+$0x40B0];
	v48 =	vsub.f32 v48, v56  }
0x431: {  	v35 =	vadd.f32 v49, v35;
	v49 =	vnsel vm1, $0x0, v51;
	v50 =	vld [tilespmem:s8+$0x4080];
	v47 =	vand.u32 $0x7FFFFFFF, v47  }
0x432: {  	v40 =	vnsel vm0, $0x0, v40;
	vm0 =	vlt.f32 v45, $2.000000030e-01;
	v51 =	vld [tilespmem:s8+$0x1C070];
	[tilespmem:s8+$0x4080] =	vst v2;
	v48 =	vand.u32 $0x7FFFFFFF, v48  }
0x433: {  	v34 =	vadd.f32 v40, v34;
	vm1 =	vlt.f32 v47, $2.000000030e-01;
	v54 =	vld [tilespmem:s8+$0x4070];
	vm2 =	vlt.f32 v48, $2.000000030e-01  }
0x434: {  	v33 =	vadd.f32 v44, v33;
	v44 =	vnsel vm1, $0x0, v47;
	v40 =	vld [tilespmem:s8+$0x1C060];
	[tilespmem:s8+$0x4070] =	vst v2  }
0x435: {  	v36 =	vadd.f32 v38, v36;
	v35 =	vadd.f32 v37, v35;
	v37 =	vnsel vm2, $0x0, v48;
	v47 =	vld [tilespmem:s8+$0x4060]  }
0x436: {  	v34 =	vadd.f32 v39, v34;
	v39 =	vnsel vm0, $0x0, v45;
	v33 =	vadd.f32 v41, v33;
	v38 =	vld [tilespmem:s8+$0x1C050];
	[tilespmem:s8+$0x4060] =	vst v2  }
0x437: {  	v36 =	vadd.f32 v53, v36;
	v35 =	vadd.f32 v43, v35;
	v41 =	vld [tilespmem:s8+$0x4050]  }
0x438: {  	v34 =	vadd.f32 v55, v34;
	v33 =	vadd.f32 v44, v33;
	v43 =	vld [tilespmem:s8+$0x1C040];
	[tilespmem:s8+$0x4050] =	vst v2  }
0x439: {  	v36 =	vadd.f32 v49, v36;
	v35 =	vadd.f32 v37, v35;
	v44 =	vld [tilespmem:s8+$0x4040]  }
0x43a: {  	v34 =	vadd.f32 v39, v34;
	v37 =	vld [tilespmem:s8+$0x1C030];
	[tilespmem:s8+$0x4040] =	vst v2  }
0x43b: {  	v39 =	vld [tilespmem:s8+$0x4030]  }
0x43c: {  	v45 =	vld [tilespmem:s8+$0x1C010];
	[tilespmem:s8+$0x4030] =	vst v2;
	v38 =	vsub.f32 v41, v38  }
0x43d: {  	v41 =	vld [tilespmem:s8+$0x1C020]  }
0x43e: {  	v40 =	vsub.f32 v47, v40;
	v48 =	vld [tilespmem:s8+$0x4020];
	v43 =	vsub.f32 v44, v43;
	v38 =	vand.u32 $0x7FFFFFFF, v38  }
0x43f: {  	v44 =	vld [tilespmem:s8+$0x4010];
	vm0 =	vlt.f32 v38, $2.000000030e-01;
	[tilespmem:s8+$0x4090] =	vst v2  }
0x440: {  	v51 =	vsub.f32 v54, v51;
	v49 =	vand.u32 $0x7FFFFFFF, v40;
	v47 =	vld [tilespmem:s8+$0x1C000];
	[tilespmem:s8+$0x4010] =	vst v2;
	v39 =	vsub.f32 v39, v37  }
0x441: {  	v43 =	vand.u32 $0x7FFFFFFF, v43;
	v37 =	vnsel vm0, $0x0, v38;
	vm0 =	vlt.f32 v49, $2.000000030e-01;
	v53 =	vld [tilespmem:s8+$0x4000];
	[tilespmem:s8+$0x40B0] =	vst v2  }
0x442: {  	v46 =	vsub.f32 v50, v46;
	[tilespmem:s8+$0x4000] =	vst v2;
	v40 =	vand.u32 $0x7FFFFFFF, v39;
	v39 =	vand.u32 $0x7FFFFFFF, v51;
	v55 =	vld [tilespmem:s8+$0x40A0]  }
0x443: {  	v38 =	vnsel vm0, $0x0, v49;
	v41 =	vsub.f32 v48, v41;
	vm1 =	vlt.f32 v39, $2.000000030e-01;
	[tilespmem:s8+$0x40A0] =	vst v2;
	v51 =	vld [tilespmem:s8+$0x40E0]  }
0x444: {  	v46 =	vand.u32 $0x7FFFFFFF, v46;
	vm0 =	vlt.f32 v40, $2.000000030e-01;
	v39 =	vnsel vm1, $0x0, v39;
	v54 =	vld [tilespmem:s8+$0x1C0E0];
	[tilespmem:s8+$0x40E0] =	vst v2  }
0x445: {  	v44 =	vsub.f32 v44, v45;
	vm1 =	vlt.f32 v46, $2.000000030e-01;
	v56 =	vand.u32 $0x7FFFFFFF, v41;
	[tilespmem:s8+$0x4020] =	vst v2;
	v59 =	vld [tilespmem:s8+$0x1C0A0]  }
.Ltmp13:
0x446: {  	v48 =	vsub.f32 v58, v57;
	v41 =	vnsel vm1, $0x0, v46;
	v47 =	vsub.f32 v53, v47;
	v45 =	vld [tilespmem:s8+$0x40F0];
	(pc) =	sbr.rel @p0 .LBB2_28-.Ltmp13, $4  }
0x447: {  	vm2 =	vlt.f32 v43, $2.000000030e-01;
	v49 =	vand.u32 $0x7FFFFFFF, v44;
	vm1 =	vlt.f32 v56, $2.000000030e-01;
	v46 =	vld [tilespmem:s8+$0x1C0F0];
	[tilespmem:s8+$0x40F0] =	vst v2  }
0x448: {  	v42 =	vsub.f32 v52, v42;
	v53 =	vand.u32 $0x7FFFFFFF, v48;
	v50 =	vand.u32 $0x7FFFFFFF, v47;
	v47 =	vld [tilespmem:s8+$0x40C0]  }
0x449: {  	v44 =	vnsel vm2, $0x0, v43;
	vm2 =	vlt.f32 v53, $2.000000030e-01;
	[tilespmem:s8+$0x40C0] =	vst v2;
	v48 =	vld [tilespmem:s8+$0x40D0];
	v51 =	vsub.f32 v51, v54  }
0x44a: {  	s10 =	sadd.s32 $0x400, s10;
	v43 =	vnsel vm2, $0x0, v53;
	v54 =	vnsel vm1, $0x0, v56;
	v53 =	vsub.f32 v55, v59;
	v52 =	vld [tilespmem:s8+$0x1C0C0];
	[tilespmem:s8+$0x40D0] =	vst v2  }
0x44b: {  	v55 =	vld [tilespmem:s8+$0x1C0D0];
	[tilespmem:s2], [sflag:$0x3] =	stream.strided.gather [hbm4b:s19+s31], $0x2000, s26, s31, $0x38  }
0x44c: {  	_ =	swait.ge [sflag:s28], $0x2000  }
0x44d: {  	[sflag:s28] =	ssyncset.done $0x0  }
0x44e: {  	s8 =	simm.s32 $0x0;
	[sflag:s28] =	ssyncadd.s32 $0xFFFFE000  }
0x44f: {  	v56 =	vld [tilespmem:s8+$0x180B0]  }
0x450: {  	v57 =	vld [tilespmem:s8+$0x18090]  }
0x451: {  	v58 =	vld [tilespmem:s8+$0x6090]  }
0x452: {  	v59 =	vld [tilespmem:s8+$0x18070]  }
0x453: {  	vm1 =	vlt.f32 v49, $2.000000030e-01;
	vm2 =	vlt.f32 v50, $2.000000030e-01;
	v36 =	vadd.f32 v54, v36;
	v60 =	vld [tilespmem:s8+$0x6070]  }
0x454: {  	v40 =	vnsel vm0, $0x0, v40;
	v63 =	vand.u32 $0x7FFFFFFF, v42;
	v45 =	vsub.f32 v45, v46;
	v46 =	vld [tilespmem:s8+$0x18060]  }
0x455: {  	v49 =	vnsel vm1, $0x0, v49;
	v50 =	vnsel vm2, $0x0, v50;
	v34 =	vadd.f32 v40, v34;
	v54 =	vld [tilespmem:s8+$0x18080]  }
0x456: {  	v62 =	vand.u32 $0x7FFFFFFF, v53;
	v33 =	vadd.f32 v50, v33;
	v47 =	vsub.f32 v47, v52;
	v52 =	vld [tilespmem:s8+$0x6060]  }
0x457: {  	vm0 =	vlt.f32 v63, $2.000000030e-01;
	v35 =	vadd.f32 v49, v35;
	v36 =	vadd.f32 v38, v36;
	v49 =	vld [tilespmem:s8+$0x18050]  }
0x458: {  	vm1 =	vlt.f32 v62, $2.000000030e-01;
	v40 =	vnsel vm0, $0x0, v63;
	v34 =	vadd.f32 v39, v34;
	v50 =	vld [tilespmem:s8+$0x6080]  }
0x459: {  	v33 =	vadd.f32 v44, v33;
	v35 =	vadd.f32 v37, v35;
	v37 =	vld [tilespmem:s8+$0x6050];
	v44 =	vnsel vm1, $0x0, v62  }
0x45a: {  	v61 =	vand.u32 $0x7FFFFFFF, v45;
	v38 =	vld [tilespmem:s8+$0x18040];
	v48 =	vsub.f32 v48, v55;
	v36 =	vadd.f32 v44, v36  }
0x45b: {  	v39 =	vld [tilespmem:s8+$0x18030];
	v55 =	vand.u32 $0x7FFFFFFF, v51;
	v34 =	vadd.f32 v40, v34;
	v33 =	vadd.f32 v41, v33  }
0x45c: {  	v63 =	vld [tilespmem:s8+$0x6040];
	v47 =	vand.u32 $0x7FFFFFFF, v47;
	v35 =	vadd.f32 v43, v35;
	vm0 =	vlt.f32 v55, $2.000000030e-01  }
0x45d: {  	v45 =	vld [tilespmem:s8+$0x6020];
	vm1 =	vlt.f32 v47, $2.000000030e-01;
	v48 =	vand.u32 $0x7FFFFFFF, v48;
	v42 =	vnsel vm0, $0x0, v55  }
0x45e: {  	[tilespmem:s8+$0x6070] =	vst v2;
	v51 =	vld [tilespmem:s8+$0x18020];
	vm0 =	vlt.f32 v61, $2.000000030e-01;
	v47 =	vnsel vm1, $0x0, v47;
	v36 =	vadd.f32 v42, v36  }
0x45f: {  	[tilespmem:s8+$0x6060] =	vst v2;
	v41 =	vld [tilespmem:s8+$0x6030];
	v40 =	vnsel vm0, $0x0, v61;
	v33 =	vadd.f32 v47, v33;
	v37 =	vsub.f32 v37, v49  }
0x460: {  	[tilespmem:s8+$0x6050] =	vst v2;
	v53 =	vld [tilespmem:s8+$0x60E0];
	vm1 =	vlt.f32 v48, $2.000000030e-01;
	v46 =	vsub.f32 v52, v46;
	v34 =	vadd.f32 v40, v34  }
0x461: {  	[tilespmem:s8+$0x6080] =	vst v2;
	v44 =	vld [tilespmem:s8+$0x6000];
	v62 =	vnsel vm1, $0x0, v48;
	v38 =	vsub.f32 v63, v38;
	v63 =	vsub.f32 v60, v59  }
0x462: {  	[tilespmem:s8+$0x6090] =	vst v2;
	v42 =	vld [tilespmem:s8+$0x18000];
	v49 =	vsub.f32 v50, v54;
	v35 =	vadd.f32 v62, v35  }
0x463: {  	[tilespmem:s8+$0x60E0] =	vst v2;
	v43 =	vld [tilespmem:s8+$0x18010];
	v50 =	vsub.f32 v45, v51;
	v62 =	vsub.f32 v58, v57;
	v37 =	vand.u32 $0x7FFFFFFF, v37  }
0x464: {  	[tilespmem:s8+$0x6040] =	vst v2;
	v48 =	vld [tilespmem:s8+$0x6010];
	v39 =	vsub.f32 v41, v39;
	v41 =	vand.u32 $0x7FFFFFFF, v46;
	v55 =	vand.u32 $0x7FFFFFFF, v38  }
0x465: {  	[tilespmem:s8+$0x6020] =	vst v2;
	v61 =	vld [tilespmem:s8+$0x180A0];
	v51 =	vand.u32 $0x7FFFFFFF, v49;
	vm0 =	vlt.f32 v37, $2.000000030e-01;
	v54 =	vand.u32 $0x7FFFFFFF, v50  }
0x466: {  	[tilespmem:s8+$0x6000] =	vst v2;
	v52 =	vld [tilespmem:s8+$0x60B0];
	vm2 =	vlt.f32 v55, $2.000000030e-01;
	v37 =	vnsel vm0, $0x0, v37;
	vm0 =	vlt.f32 v41, $2.000000030e-01  }
0x467: {  	[tilespmem:s8+$0x6030] =	vst v2;
	v59 =	vld [tilespmem:s8+$0x180E0];
	v40 =	vand.u32 $0x7FFFFFFF, v39;
	v39 =	vand.u32 $0x7FFFFFFF, v63;
	v42 =	vsub.f32 v44, v42  }
0x468: {  	[tilespmem:s8+$0x6010] =	vst v2;
	v60 =	vld [tilespmem:s8+$0x60A0];
	v63 =	vand.u32 $0x7FFFFFFF, v62;
	v44 =	vnsel vm2, $0x0, v55;
	v38 =	vnsel vm0, $0x0, v41  }
0x469: {  	[tilespmem:s8+$0x60B0] =	vst v2;
	v47 =	vld [tilespmem:s8+$0x60C0];
	vm1 =	vlt.f32 v39, $2.000000030e-01;
	vm0 =	vlt.f32 v40, $2.000000030e-01;
	v43 =	vsub.f32 v48, v43  }
0x46a: {  	[tilespmem:s8+$0x60A0] =	vst v2;
	v45 =	vld [tilespmem:s8+$0x60F0];
	vm2 =	vlt.f32 v63, $2.000000030e-01;
	v39 =	vnsel vm1, $0x0, v39;
	vm1 =	vlt.f32 v51, $2.000000030e-01  }
0x46b: {  	[tilespmem:s8+$0x60C0] =	vst v2;
	v46 =	vld [tilespmem:s8+$0x180F0];
	v50 =	vand.u32 $0x7FFFFFFF, v42;
	v42 =	vsub.f32 v52, v56;
	v41 =	vnsel vm1, $0x0, v51  }
0x46c: {  	[tilespmem:s8+$0x60F0] =	vst v2;
	v48 =	vld [tilespmem:s8+$0x60D0];
	v49 =	vand.u32 $0x7FFFFFFF, v43;
	vm1 =	vlt.f32 v54, $2.000000030e-01;
	v51 =	vsub.f32 v53, v59  }
0x46d: {  	s9 =	simm.s32 $0x0;
	s10 =	simm.s32 $0x400;
	[tilespmem:s8+$0x60D0] =	vst v2;
	v52 =	vld [tilespmem:s8+$0x180C0];
	v43 =	vnsel vm2, $0x0, v63;
	v53 =	vsub.f32 v60, v61;
	v54 =	vnsel vm1, $0x0, v54  }
.LBB2_30:
0x46e: {  	s9 =	sadd.s32 $0x4, s9;
	vm1 =	vlt.f32 v49, $2.000000030e-01;
	v55 =	vand.u32 $0x7FFFFFFF, v42;
	v56 =	vld [tilespmem:s8+$0x180D0];
	s8 =	sshra.s32 s10, $0x2;
	v51 =	vand.u32 $0x7FFFFFFF, v51  }
0x46f: {  	v42 =	vld [tilespmem:s8+$0x180B0];
	p0 =	slt.u32 s9, $0x7C;
	v49 =	vnsel vm1, $0x0, v49;
	v53 =	vand.u32 $0x7FFFFFFF, v53;
	vm1 =	vlt.f32 v55, $2.000000030e-01  }
0x470: {  	vm2 =	vlt.f32 v50, $2.000000030e-01;
	v57 =	vld [tilespmem:s8+$0x18090];
	vm3 =	vlt.f32 v53, $2.000000030e-01;
	v55 =	vnsel vm1, $0x0, v55  }
0x471: {  	v50 =	vnsel vm2, $0x0, v50;
	v45 =	vsub.f32 v45, v46;
	v58 =	vld [tilespmem:s8+$0x6090];
	v53 =	vnsel vm3, $0x0, v53  }
0x472: {  	v36 =	vadd.f32 v54, v36;
	vm1 =	vlt.f32 v51, $2.000000030e-01;
	v46 =	vld [tilespmem:s8+$0x18080];
	v47 =	vsub.f32 v47, v52  }
0x473: {  	v33 =	vadd.f32 v50, v33;
	v45 =	vand.u32 $0x7FFFFFFF, v45;
	v52 =	vld [tilespmem:s8+$0x60B0];
	v48 =	vsub.f32 v48, v56  }
0x474: {  	v35 =	vadd.f32 v49, v35;
	v49 =	vnsel vm1, $0x0, v51;
	v50 =	vld [tilespmem:s8+$0x6080];
	v47 =	vand.u32 $0x7FFFFFFF, v47  }
0x475: {  	v40 =	vnsel vm0, $0x0, v40;
	vm0 =	vlt.f32 v45, $2.000000030e-01;
	v51 =	vld [tilespmem:s8+$0x18070];
	[tilespmem:s8+$0x6080] =	vst v2;
	v48 =	vand.u32 $0x7FFFFFFF, v48  }
0x476: {  	v34 =	vadd.f32 v40, v34;
	vm1 =	vlt.f32 v47, $2.000000030e-01;
	v54 =	vld [tilespmem:s8+$0x6070];
	vm2 =	vlt.f32 v48, $2.000000030e-01  }
0x477: {  	v33 =	vadd.f32 v44, v33;
	v44 =	vnsel vm1, $0x0, v47;
	v40 =	vld [tilespmem:s8+$0x18060];
	[tilespmem:s8+$0x6070] =	vst v2  }
0x478: {  	v36 =	vadd.f32 v38, v36;
	v35 =	vadd.f32 v37, v35;
	v37 =	vnsel vm2, $0x0, v48;
	v47 =	vld [tilespmem:s8+$0x6060]  }
0x479: {  	v34 =	vadd.f32 v39, v34;
	v39 =	vnsel vm0, $0x0, v45;
	v33 =	vadd.f32 v41, v33;
	v38 =	vld [tilespmem:s8+$0x18050];
	[tilespmem:s8+$0x6060] =	vst v2  }
0x47a: {  	v36 =	vadd.f32 v53, v36;
	v35 =	vadd.f32 v43, v35;
	v41 =	vld [tilespmem:s8+$0x6050]  }
0x47b: {  	v34 =	vadd.f32 v55, v34;
	v33 =	vadd.f32 v44, v33;
	v43 =	vld [tilespmem:s8+$0x18040];
	[tilespmem:s8+$0x6050] =	vst v2  }
0x47c: {  	v36 =	vadd.f32 v49, v36;
	v35 =	vadd.f32 v37, v35;
	v44 =	vld [tilespmem:s8+$0x6040]  }
0x47d: {  	v34 =	vadd.f32 v39, v34;
	v37 =	vld [tilespmem:s8+$0x18030];
	[tilespmem:s8+$0x6040] =	vst v2  }
0x47e: {  	v39 =	vld [tilespmem:s8+$0x6030]  }
0x47f: {  	v45 =	vld [tilespmem:s8+$0x18010];
	[tilespmem:s8+$0x6030] =	vst v2;
	v38 =	vsub.f32 v41, v38  }
0x480: {  	v41 =	vld [tilespmem:s8+$0x18020]  }
0x481: {  	v40 =	vsub.f32 v47, v40;
	v48 =	vld [tilespmem:s8+$0x6020];
	v43 =	vsub.f32 v44, v43;
	v38 =	vand.u32 $0x7FFFFFFF, v38  }
0x482: {  	v44 =	vld [tilespmem:s8+$0x6010];
	vm0 =	vlt.f32 v38, $2.000000030e-01;
	[tilespmem:s8+$0x6090] =	vst v2  }
0x483: {  	v51 =	vsub.f32 v54, v51;
	v49 =	vand.u32 $0x7FFFFFFF, v40;
	v47 =	vld [tilespmem:s8+$0x18000];
	[tilespmem:s8+$0x6010] =	vst v2;
	v39 =	vsub.f32 v39, v37  }
0x484: {  	v43 =	vand.u32 $0x7FFFFFFF, v43;
	v37 =	vnsel vm0, $0x0, v38;
	vm0 =	vlt.f32 v49, $2.000000030e-01;
	v53 =	vld [tilespmem:s8+$0x6000];
	[tilespmem:s8+$0x60B0] =	vst v2  }
0x485: {  	v46 =	vsub.f32 v50, v46;
	[tilespmem:s8+$0x6000] =	vst v2;
	v40 =	vand.u32 $0x7FFFFFFF, v39;
	v39 =	vand.u32 $0x7FFFFFFF, v51;
	v55 =	vld [tilespmem:s8+$0x60A0]  }
0x486: {  	v38 =	vnsel vm0, $0x0, v49;
	v41 =	vsub.f32 v48, v41;
	vm1 =	vlt.f32 v39, $2.000000030e-01;
	[tilespmem:s8+$0x60A0] =	vst v2;
	v51 =	vld [tilespmem:s8+$0x60E0]  }
0x487: {  	v46 =	vand.u32 $0x7FFFFFFF, v46;
	vm0 =	vlt.f32 v40, $2.000000030e-01;
	v39 =	vnsel vm1, $0x0, v39;
	v54 =	vld [tilespmem:s8+$0x180E0];
	[tilespmem:s8+$0x60E0] =	vst v2  }
0x488: {  	v44 =	vsub.f32 v44, v45;
	vm1 =	vlt.f32 v46, $2.000000030e-01;
	v56 =	vand.u32 $0x7FFFFFFF, v41;
	[tilespmem:s8+$0x6020] =	vst v2;
	v59 =	vld [tilespmem:s8+$0x180A0]  }
.Ltmp14:
0x489: {  	v48 =	vsub.f32 v58, v57;
	v41 =	vnsel vm1, $0x0, v46;
	v47 =	vsub.f32 v53, v47;
	v45 =	vld [tilespmem:s8+$0x60F0];
	(pc) =	sbr.rel @p0 .LBB2_30-.Ltmp14, $4  }
0x48a: {  	vm2 =	vlt.f32 v43, $2.000000030e-01;
	v49 =	vand.u32 $0x7FFFFFFF, v44;
	vm1 =	vlt.f32 v56, $2.000000030e-01;
	v46 =	vld [tilespmem:s8+$0x180F0];
	[tilespmem:s8+$0x60F0] =	vst v2  }
0x48b: {  	v42 =	vsub.f32 v52, v42;
	v53 =	vand.u32 $0x7FFFFFFF, v48;
	v50 =	vand.u32 $0x7FFFFFFF, v47;
	v47 =	vld [tilespmem:s8+$0x60C0]  }
0x48c: {  	v44 =	vnsel vm2, $0x0, v43;
	vm2 =	vlt.f32 v53, $2.000000030e-01;
	[tilespmem:s8+$0x60C0] =	vst v2;
	v48 =	vld [tilespmem:s8+$0x60D0];
	v51 =	vsub.f32 v51, v54  }
0x48d: {  	s10 =	sadd.s32 $0x400, s10;
	v43 =	vnsel vm2, $0x0, v53;
	v54 =	vnsel vm1, $0x0, v56;
	v53 =	vsub.f32 v55, v59;
	v52 =	vld [tilespmem:s8+$0x180C0];
	[tilespmem:s8+$0x60D0] =	vst v2  }
0x48e: {  	v55 =	vld [tilespmem:s8+$0x180D0];
	[tilespmem:s0], [sflag:$0x1] =	stream.strided.gather [hbm4b:s20+s31], $0x2000, s26, s31, $0x38  }
0x48f: {  	_ =	swait.ge [sflag:s4], $0x2000  }
0x490: {  	[sflag:s4] =	ssyncset.done $0x0  }
0x491: {  	s8 =	simm.s32 $0x0;
	[sflag:s4] =	ssyncadd.s32 $0xFFFFE000  }
0x492: {  	v56 =	vld [tilespmem:s8+$0x1A0B0]  }
0x493: {  	v57 =	vld [tilespmem:s8+$0x1A090]  }
0x494: {  	v58 =	vld [tilespmem:s8+$0x8090]  }
0x495: {  	v59 =	vld [tilespmem:s8+$0x1A070]  }
0x496: {  	vm1 =	vlt.f32 v49, $2.000000030e-01;
	vm2 =	vlt.f32 v50, $2.000000030e-01;
	v36 =	vadd.f32 v54, v36;
	v60 =	vld [tilespmem:s8+$0x8070]  }
0x497: {  	v40 =	vnsel vm0, $0x0, v40;
	v63 =	vand.u32 $0x7FFFFFFF, v42;
	v45 =	vsub.f32 v45, v46;
	v46 =	vld [tilespmem:s8+$0x1A060]  }
0x498: {  	v49 =	vnsel vm1, $0x0, v49;
	v50 =	vnsel vm2, $0x0, v50;
	v34 =	vadd.f32 v40, v34;
	v54 =	vld [tilespmem:s8+$0x1A080]  }
0x499: {  	v62 =	vand.u32 $0x7FFFFFFF, v53;
	v33 =	vadd.f32 v50, v33;
	v47 =	vsub.f32 v47, v52;
	v52 =	vld [tilespmem:s8+$0x8060]  }
0x49a: {  	vm0 =	vlt.f32 v63, $2.000000030e-01;
	v35 =	vadd.f32 v49, v35;
	v36 =	vadd.f32 v38, v36;
	v49 =	vld [tilespmem:s8+$0x1A050]  }
0x49b: {  	vm1 =	vlt.f32 v62, $2.000000030e-01;
	v40 =	vnsel vm0, $0x0, v63;
	v34 =	vadd.f32 v39, v34;
	v50 =	vld [tilespmem:s8+$0x8080]  }
0x49c: {  	v33 =	vadd.f32 v44, v33;
	v35 =	vadd.f32 v37, v35;
	v37 =	vld [tilespmem:s8+$0x8050];
	v44 =	vnsel vm1, $0x0, v62  }
0x49d: {  	v61 =	vand.u32 $0x7FFFFFFF, v45;
	v38 =	vld [tilespmem:s8+$0x1A040];
	v48 =	vsub.f32 v48, v55;
	v36 =	vadd.f32 v44, v36  }
0x49e: {  	v39 =	vld [tilespmem:s8+$0x1A030];
	v55 =	vand.u32 $0x7FFFFFFF, v51;
	v34 =	vadd.f32 v40, v34;
	v33 =	vadd.f32 v41, v33  }
0x49f: {  	v63 =	vld [tilespmem:s8+$0x8040];
	v47 =	vand.u32 $0x7FFFFFFF, v47;
	v35 =	vadd.f32 v43, v35;
	vm0 =	vlt.f32 v55, $2.000000030e-01  }
0x4a0: {  	v45 =	vld [tilespmem:s8+$0x8020];
	vm1 =	vlt.f32 v47, $2.000000030e-01;
	v48 =	vand.u32 $0x7FFFFFFF, v48;
	v42 =	vnsel vm0, $0x0, v55  }
0x4a1: {  	[tilespmem:s8+$0x8070] =	vst v2;
	v51 =	vld [tilespmem:s8+$0x1A020];
	vm0 =	vlt.f32 v61, $2.000000030e-01;
	v47 =	vnsel vm1, $0x0, v47;
	v36 =	vadd.f32 v42, v36  }
0x4a2: {  	[tilespmem:s8+$0x8060] =	vst v2;
	v41 =	vld [tilespmem:s8+$0x8030];
	v40 =	vnsel vm0, $0x0, v61;
	v33 =	vadd.f32 v47, v33;
	v37 =	vsub.f32 v37, v49  }
0x4a3: {  	[tilespmem:s8+$0x8050] =	vst v2;
	v53 =	vld [tilespmem:s8+$0x80E0];
	vm1 =	vlt.f32 v48, $2.000000030e-01;
	v46 =	vsub.f32 v52, v46;
	v34 =	vadd.f32 v40, v34  }
0x4a4: {  	[tilespmem:s8+$0x8080] =	vst v2;
	v44 =	vld [tilespmem:s8+$0x8000];
	v62 =	vnsel vm1, $0x0, v48;
	v38 =	vsub.f32 v63, v38;
	v63 =	vsub.f32 v60, v59  }
0x4a5: {  	[tilespmem:s8+$0x8090] =	vst v2;
	v42 =	vld [tilespmem:s8+$0x1A000];
	v49 =	vsub.f32 v50, v54;
	v35 =	vadd.f32 v62, v35  }
0x4a6: {  	[tilespmem:s8+$0x80E0] =	vst v2;
	v43 =	vld [tilespmem:s8+$0x1A010];
	v50 =	vsub.f32 v45, v51;
	v62 =	vsub.f32 v58, v57;
	v37 =	vand.u32 $0x7FFFFFFF, v37  }
0x4a7: {  	[tilespmem:s8+$0x8040] =	vst v2;
	v48 =	vld [tilespmem:s8+$0x8010];
	v39 =	vsub.f32 v41, v39;
	v41 =	vand.u32 $0x7FFFFFFF, v46;
	v55 =	vand.u32 $0x7FFFFFFF, v38  }
0x4a8: {  	[tilespmem:s8+$0x8020] =	vst v2;
	v61 =	vld [tilespmem:s8+$0x1A0A0];
	v51 =	vand.u32 $0x7FFFFFFF, v49;
	vm0 =	vlt.f32 v37, $2.000000030e-01;
	v54 =	vand.u32 $0x7FFFFFFF, v50  }
0x4a9: {  	[tilespmem:s8+$0x8000] =	vst v2;
	v52 =	vld [tilespmem:s8+$0x80B0];
	vm2 =	vlt.f32 v55, $2.000000030e-01;
	v37 =	vnsel vm0, $0x0, v37;
	vm0 =	vlt.f32 v41, $2.000000030e-01  }
0x4aa: {  	[tilespmem:s8+$0x8030] =	vst v2;
	v59 =	vld [tilespmem:s8+$0x1A0E0];
	v40 =	vand.u32 $0x7FFFFFFF, v39;
	v39 =	vand.u32 $0x7FFFFFFF, v63;
	v42 =	vsub.f32 v44, v42  }
0x4ab: {  	[tilespmem:s8+$0x8010] =	vst v2;
	v60 =	vld [tilespmem:s8+$0x80A0];
	v63 =	vand.u32 $0x7FFFFFFF, v62;
	v44 =	vnsel vm2, $0x0, v55;
	v38 =	vnsel vm0, $0x0, v41  }
0x4ac: {  	[tilespmem:s8+$0x80B0] =	vst v2;
	v47 =	vld [tilespmem:s8+$0x80C0];
	vm1 =	vlt.f32 v39, $2.000000030e-01;
	vm0 =	vlt.f32 v40, $2.000000030e-01;
	v43 =	vsub.f32 v48, v43  }
0x4ad: {  	[tilespmem:s8+$0x80A0] =	vst v2;
	v45 =	vld [tilespmem:s8+$0x80F0];
	vm2 =	vlt.f32 v63, $2.000000030e-01;
	v39 =	vnsel vm1, $0x0, v39;
	vm1 =	vlt.f32 v51, $2.000000030e-01  }
0x4ae: {  	[tilespmem:s8+$0x80C0] =	vst v2;
	v46 =	vld [tilespmem:s8+$0x1A0F0];
	v50 =	vand.u32 $0x7FFFFFFF, v42;
	v42 =	vsub.f32 v52, v56;
	v41 =	vnsel vm1, $0x0, v51  }
0x4af: {  	[tilespmem:s8+$0x80F0] =	vst v2;
	v48 =	vld [tilespmem:s8+$0x80D0];
	v49 =	vand.u32 $0x7FFFFFFF, v43;
	vm1 =	vlt.f32 v54, $2.000000030e-01;
	v51 =	vsub.f32 v53, v59  }
0x4b0: {  	s9 =	simm.s32 $0x0;
	s10 =	simm.s32 $0x400;
	[tilespmem:s8+$0x80D0] =	vst v2;
	v52 =	vld [tilespmem:s8+$0x1A0C0];
	v43 =	vnsel vm2, $0x0, v63;
	v53 =	vsub.f32 v60, v61;
	v54 =	vnsel vm1, $0x0, v54  }
.LBB2_32:
0x4b1: {  	s9 =	sadd.s32 $0x4, s9;
	vm1 =	vlt.f32 v49, $2.000000030e-01;
	v55 =	vand.u32 $0x7FFFFFFF, v42;
	v56 =	vld [tilespmem:s8+$0x1A0D0];
	s8 =	sshra.s32 s10, $0x2;
	v51 =	vand.u32 $0x7FFFFFFF, v51  }
0x4b2: {  	v42 =	vld [tilespmem:s8+$0x1A0B0];
	p0 =	slt.u32 s9, $0x7C;
	v49 =	vnsel vm1, $0x0, v49;
	v53 =	vand.u32 $0x7FFFFFFF, v53;
	vm1 =	vlt.f32 v55, $2.000000030e-01  }
0x4b3: {  	vm2 =	vlt.f32 v50, $2.000000030e-01;
	v57 =	vld [tilespmem:s8+$0x1A090];
	vm3 =	vlt.f32 v53, $2.000000030e-01;
	v55 =	vnsel vm1, $0x0, v55  }
0x4b4: {  	v50 =	vnsel vm2, $0x0, v50;
	v45 =	vsub.f32 v45, v46;
	v58 =	vld [tilespmem:s8+$0x8090];
	v53 =	vnsel vm3, $0x0, v53  }
0x4b5: {  	v36 =	vadd.f32 v54, v36;
	vm1 =	vlt.f32 v51, $2.000000030e-01;
	v46 =	vld [tilespmem:s8+$0x1A080];
	v47 =	vsub.f32 v47, v52  }
0x4b6: {  	v33 =	vadd.f32 v50, v33;
	v45 =	vand.u32 $0x7FFFFFFF, v45;
	v52 =	vld [tilespmem:s8+$0x80B0];
	v48 =	vsub.f32 v48, v56  }
0x4b7: {  	v35 =	vadd.f32 v49, v35;
	v49 =	vnsel vm1, $0x0, v51;
	v50 =	vld [tilespmem:s8+$0x8080];
	v47 =	vand.u32 $0x7FFFFFFF, v47  }
0x4b8: {  	v40 =	vnsel vm0, $0x0, v40;
	vm0 =	vlt.f32 v45, $2.000000030e-01;
	v51 =	vld [tilespmem:s8+$0x1A070];
	[tilespmem:s8+$0x8080] =	vst v2;
	v48 =	vand.u32 $0x7FFFFFFF, v48  }
0x4b9: {  	v34 =	vadd.f32 v40, v34;
	vm1 =	vlt.f32 v47, $2.000000030e-01;
	v54 =	vld [tilespmem:s8+$0x8070];
	vm2 =	vlt.f32 v48, $2.000000030e-01  }
0x4ba: {  	v33 =	vadd.f32 v44, v33;
	v44 =	vnsel vm1, $0x0, v47;
	v40 =	vld [tilespmem:s8+$0x1A060];
	[tilespmem:s8+$0x8070] =	vst v2  }
0x4bb: {  	v36 =	vadd.f32 v38, v36;
	v35 =	vadd.f32 v37, v35;
	v37 =	vnsel vm2, $0x0, v48;
	v47 =	vld [tilespmem:s8+$0x8060]  }
0x4bc: {  	v34 =	vadd.f32 v39, v34;
	v39 =	vnsel vm0, $0x0, v45;
	v33 =	vadd.f32 v41, v33;
	v38 =	vld [tilespmem:s8+$0x1A050];
	[tilespmem:s8+$0x8060] =	vst v2  }
0x4bd: {  	v36 =	vadd.f32 v53, v36;
	v35 =	vadd.f32 v43, v35;
	v41 =	vld [tilespmem:s8+$0x8050]  }
0x4be: {  	v34 =	vadd.f32 v55, v34;
	v33 =	vadd.f32 v44, v33;
	v43 =	vld [tilespmem:s8+$0x1A040];
	[tilespmem:s8+$0x8050] =	vst v2  }
0x4bf: {  	v36 =	vadd.f32 v49, v36;
	v35 =	vadd.f32 v37, v35;
	v44 =	vld [tilespmem:s8+$0x8040]  }
0x4c0: {  	v34 =	vadd.f32 v39, v34;
	v37 =	vld [tilespmem:s8+$0x1A030];
	[tilespmem:s8+$0x8040] =	vst v2  }
0x4c1: {  	v39 =	vld [tilespmem:s8+$0x8030]  }
0x4c2: {  	v45 =	vld [tilespmem:s8+$0x1A010];
	[tilespmem:s8+$0x8030] =	vst v2;
	v38 =	vsub.f32 v41, v38  }
0x4c3: {  	v41 =	vld [tilespmem:s8+$0x1A020]  }
0x4c4: {  	v40 =	vsub.f32 v47, v40;
	v48 =	vld [tilespmem:s8+$0x8020];
	v43 =	vsub.f32 v44, v43;
	v38 =	vand.u32 $0x7FFFFFFF, v38  }
0x4c5: {  	v44 =	vld [tilespmem:s8+$0x8010];
	vm0 =	vlt.f32 v38, $2.000000030e-01;
	[tilespmem:s8+$0x8090] =	vst v2  }
0x4c6: {  	v51 =	vsub.f32 v54, v51;
	v49 =	vand.u32 $0x7FFFFFFF, v40;
	v47 =	vld [tilespmem:s8+$0x1A000];
	[tilespmem:s8+$0x8010] =	vst v2;
	v39 =	vsub.f32 v39, v37  }
0x4c7: {  	v43 =	vand.u32 $0x7FFFFFFF, v43;
	v37 =	vnsel vm0, $0x0, v38;
	vm0 =	vlt.f32 v49, $2.000000030e-01;
	v53 =	vld [tilespmem:s8+$0x8000];
	[tilespmem:s8+$0x80B0] =	vst v2  }
0x4c8: {  	v46 =	vsub.f32 v50, v46;
	[tilespmem:s8+$0x8000] =	vst v2;
	v40 =	vand.u32 $0x7FFFFFFF, v39;
	v39 =	vand.u32 $0x7FFFFFFF, v51;
	v55 =	vld [tilespmem:s8+$0x80A0]  }
0x4c9: {  	v38 =	vnsel vm0, $0x0, v49;
	v41 =	vsub.f32 v48, v41;
	vm1 =	vlt.f32 v39, $2.000000030e-01;
	[tilespmem:s8+$0x80A0] =	vst v2;
	v51 =	vld [tilespmem:s8+$0x80E0]  }
0x4ca: {  	v46 =	vand.u32 $0x7FFFFFFF, v46;
	vm0 =	vlt.f32 v40, $2.000000030e-01;
	v39 =	vnsel vm1, $0x0, v39;
	v54 =	vld [tilespmem:s8+$0x1A0E0];
	[tilespmem:s8+$0x80E0] =	vst v2  }
0x4cb: {  	v44 =	vsub.f32 v44, v45;
	vm1 =	vlt.f32 v46, $2.000000030e-01;
	v56 =	vand.u32 $0x7FFFFFFF, v41;
	[tilespmem:s8+$0x8020] =	vst v2;
	v59 =	vld [tilespmem:s8+$0x1A0A0]  }
.Ltmp15:
0x4cc: {  	v48 =	vsub.f32 v58, v57;
	v41 =	vnsel vm1, $0x0, v46;
	v47 =	vsub.f32 v53, v47;
	v45 =	vld [tilespmem:s8+$0x80F0];
	(pc) =	sbr.rel @p0 .LBB2_32-.Ltmp15, $4  }
0x4cd: {  	vm2 =	vlt.f32 v43, $2.000000030e-01;
	v49 =	vand.u32 $0x7FFFFFFF, v44;
	vm1 =	vlt.f32 v56, $2.000000030e-01;
	v46 =	vld [tilespmem:s8+$0x1A0F0];
	[tilespmem:s8+$0x80F0] =	vst v2  }
0x4ce: {  	v42 =	vsub.f32 v52, v42;
	v53 =	vand.u32 $0x7FFFFFFF, v48;
	v50 =	vand.u32 $0x7FFFFFFF, v47;
	v47 =	vld [tilespmem:s8+$0x80C0]  }
0x4cf: {  	v44 =	vnsel vm2, $0x0, v43;
	vm2 =	vlt.f32 v53, $2.000000030e-01;
	[tilespmem:s8+$0x80C0] =	vst v2;
	v48 =	vld [tilespmem:s8+$0x80D0];
	v51 =	vsub.f32 v51, v54  }
0x4d0: {  	s10 =	sadd.s32 $0x400, s10;
	v43 =	vnsel vm2, $0x0, v53;
	v54 =	vnsel vm1, $0x0, v56;
	v53 =	vsub.f32 v55, v59;
	v52 =	vld [tilespmem:s8+$0x1A0C0];
	[tilespmem:s8+$0x80D0] =	vst v2  }
0x4d1: {  	v55 =	vld [tilespmem:s8+$0x1A0D0];
	[tilespmem:s1], [sflag:$0x2] =	stream.strided.gather [hbm4b:s21+s31], $0x2000, s26, s31, $0x38  }
0x4d2: {  	_ =	swait.ge [sflag:s6], $0x2000  }
0x4d3: {  	[sflag:s6] =	ssyncset.done $0x0  }
0x4d4: {  	s8 =	simm.s32 $0x0;
	[sflag:s6] =	ssyncadd.s32 $0xFFFFE000  }
0x4d5: {  	v56 =	vld [tilespmem:s8+$0x1C0B0]  }
0x4d6: {  	v57 =	vld [tilespmem:s8+$0x1C090]  }
0x4d7: {  	v58 =	vld [tilespmem:s8+$0xA090]  }
0x4d8: {  	v59 =	vld [tilespmem:s8+$0x1C070]  }
0x4d9: {  	vm1 =	vlt.f32 v49, $2.000000030e-01;
	vm2 =	vlt.f32 v50, $2.000000030e-01;
	v36 =	vadd.f32 v54, v36;
	v60 =	vld [tilespmem:s8+$0xA070]  }
0x4da: {  	v40 =	vnsel vm0, $0x0, v40;
	v63 =	vand.u32 $0x7FFFFFFF, v42;
	v45 =	vsub.f32 v45, v46;
	v46 =	vld [tilespmem:s8+$0x1C060]  }
0x4db: {  	v49 =	vnsel vm1, $0x0, v49;
	v50 =	vnsel vm2, $0x0, v50;
	v34 =	vadd.f32 v40, v34;
	v54 =	vld [tilespmem:s8+$0x1C080]  }
0x4dc: {  	v62 =	vand.u32 $0x7FFFFFFF, v53;
	v33 =	vadd.f32 v50, v33;
	v47 =	vsub.f32 v47, v52;
	v52 =	vld [tilespmem:s8+$0xA060]  }
0x4dd: {  	vm0 =	vlt.f32 v63, $2.000000030e-01;
	v35 =	vadd.f32 v49, v35;
	v36 =	vadd.f32 v38, v36;
	v49 =	vld [tilespmem:s8+$0x1C050]  }
0x4de: {  	vm1 =	vlt.f32 v62, $2.000000030e-01;
	v40 =	vnsel vm0, $0x0, v63;
	v34 =	vadd.f32 v39, v34;
	v50 =	vld [tilespmem:s8+$0xA080]  }
0x4df: {  	v33 =	vadd.f32 v44, v33;
	v35 =	vadd.f32 v37, v35;
	v37 =	vld [tilespmem:s8+$0xA050];
	v44 =	vnsel vm1, $0x0, v62  }
0x4e0: {  	v61 =	vand.u32 $0x7FFFFFFF, v45;
	v38 =	vld [tilespmem:s8+$0x1C040];
	v48 =	vsub.f32 v48, v55;
	v36 =	vadd.f32 v44, v36  }
0x4e1: {  	v39 =	vld [tilespmem:s8+$0x1C030];
	v55 =	vand.u32 $0x7FFFFFFF, v51;
	v34 =	vadd.f32 v40, v34;
	v33 =	vadd.f32 v41, v33  }
0x4e2: {  	v63 =	vld [tilespmem:s8+$0xA040];
	v47 =	vand.u32 $0x7FFFFFFF, v47;
	v35 =	vadd.f32 v43, v35;
	vm0 =	vlt.f32 v55, $2.000000030e-01  }
0x4e3: {  	v45 =	vld [tilespmem:s8+$0xA020];
	vm1 =	vlt.f32 v47, $2.000000030e-01;
	v48 =	vand.u32 $0x7FFFFFFF, v48;
	v42 =	vnsel vm0, $0x0, v55  }
0x4e4: {  	[tilespmem:s8+$0xA070] =	vst v2;
	v51 =	vld [tilespmem:s8+$0x1C020];
	vm0 =	vlt.f32 v61, $2.000000030e-01;
	v47 =	vnsel vm1, $0x0, v47;
	v36 =	vadd.f32 v42, v36  }
0x4e5: {  	[tilespmem:s8+$0xA060] =	vst v2;
	v41 =	vld [tilespmem:s8+$0xA030];
	v40 =	vnsel vm0, $0x0, v61;
	v33 =	vadd.f32 v47, v33;
	v37 =	vsub.f32 v37, v49  }
0x4e6: {  	[tilespmem:s8+$0xA050] =	vst v2;
	v53 =	vld [tilespmem:s8+$0xA0E0];
	vm1 =	vlt.f32 v48, $2.000000030e-01;
	v46 =	vsub.f32 v52, v46;
	v34 =	vadd.f32 v40, v34  }
0x4e7: {  	[tilespmem:s8+$0xA080] =	vst v2;
	v44 =	vld [tilespmem:s8+$0xA000];
	v62 =	vnsel vm1, $0x0, v48;
	v38 =	vsub.f32 v63, v38;
	v63 =	vsub.f32 v60, v59  }
0x4e8: {  	[tilespmem:s8+$0xA090] =	vst v2;
	v42 =	vld [tilespmem:s8+$0x1C000];
	v49 =	vsub.f32 v50, v54;
	v35 =	vadd.f32 v62, v35  }
0x4e9: {  	[tilespmem:s8+$0xA0E0] =	vst v2;
	v43 =	vld [tilespmem:s8+$0x1C010];
	v50 =	vsub.f32 v45, v51;
	v62 =	vsub.f32 v58, v57;
	v37 =	vand.u32 $0x7FFFFFFF, v37  }
0x4ea: {  	[tilespmem:s8+$0xA040] =	vst v2;
	v48 =	vld [tilespmem:s8+$0xA010];
	v39 =	vsub.f32 v41, v39;
	v41 =	vand.u32 $0x7FFFFFFF, v46;
	v55 =	vand.u32 $0x7FFFFFFF, v38  }
0x4eb: {  	[tilespmem:s8+$0xA020] =	vst v2;
	v61 =	vld [tilespmem:s8+$0x1C0A0];
	v51 =	vand.u32 $0x7FFFFFFF, v49;
	vm0 =	vlt.f32 v37, $2.000000030e-01;
	v54 =	vand.u32 $0x7FFFFFFF, v50  }
0x4ec: {  	[tilespmem:s8+$0xA000] =	vst v2;
	v52 =	vld [tilespmem:s8+$0xA0B0];
	vm2 =	vlt.f32 v55, $2.000000030e-01;
	v37 =	vnsel vm0, $0x0, v37;
	vm0 =	vlt.f32 v41, $2.000000030e-01  }
0x4ed: {  	[tilespmem:s8+$0xA030] =	vst v2;
	v59 =	vld [tilespmem:s8+$0x1C0E0];
	v40 =	vand.u32 $0x7FFFFFFF, v39;
	v39 =	vand.u32 $0x7FFFFFFF, v63;
	v42 =	vsub.f32 v44, v42  }
0x4ee: {  	[tilespmem:s8+$0xA010] =	vst v2;
	v60 =	vld [tilespmem:s8+$0xA0A0];
	v63 =	vand.u32 $0x7FFFFFFF, v62;
	v44 =	vnsel vm2, $0x0, v55;
	v38 =	vnsel vm0, $0x0, v41  }
0x4ef: {  	[tilespmem:s8+$0xA0B0] =	vst v2;
	v47 =	vld [tilespmem:s8+$0xA0C0];
	vm1 =	vlt.f32 v39, $2.000000030e-01;
	vm0 =	vlt.f32 v40, $2.000000030e-01;
	v43 =	vsub.f32 v48, v43  }
0x4f0: {  	[tilespmem:s8+$0xA0A0] =	vst v2;
	v45 =	vld [tilespmem:s8+$0xA0F0];
	vm2 =	vlt.f32 v63, $2.000000030e-01;
	v39 =	vnsel vm1, $0x0, v39;
	vm1 =	vlt.f32 v51, $2.000000030e-01  }
0x4f1: {  	[tilespmem:s8+$0xA0C0] =	vst v2;
	v46 =	vld [tilespmem:s8+$0x1C0F0];
	v50 =	vand.u32 $0x7FFFFFFF, v42;
	v42 =	vsub.f32 v52, v56;
	v41 =	vnsel vm1, $0x0, v51  }
0x4f2: {  	[tilespmem:s8+$0xA0F0] =	vst v2;
	v48 =	vld [tilespmem:s8+$0xA0D0];
	v49 =	vand.u32 $0x7FFFFFFF, v43;
	vm1 =	vlt.f32 v54, $2.000000030e-01;
	v51 =	vsub.f32 v53, v59  }
0x4f3: {  	s9 =	simm.s32 $0x0;
	s10 =	simm.s32 $0x400;
	[tilespmem:s8+$0xA0D0] =	vst v2;
	v52 =	vld [tilespmem:s8+$0x1C0C0];
	v43 =	vnsel vm2, $0x0, v63;
	v53 =	vsub.f32 v60, v61;
	v54 =	vnsel vm1, $0x0, v54  }
.LBB2_34:
0x4f4: {  	s9 =	sadd.s32 $0x4, s9;
	vm1 =	vlt.f32 v49, $2.000000030e-01;
	v55 =	vand.u32 $0x7FFFFFFF, v42;
	v56 =	vld [tilespmem:s8+$0x1C0D0];
	s8 =	sshra.s32 s10, $0x2;
	v51 =	vand.u32 $0x7FFFFFFF, v51  }
0x4f5: {  	v42 =	vld [tilespmem:s8+$0x1C0B0];
	p0 =	slt.u32 s9, $0x7C;
	v49 =	vnsel vm1, $0x0, v49;
	v53 =	vand.u32 $0x7FFFFFFF, v53;
	vm1 =	vlt.f32 v55, $2.000000030e-01  }
0x4f6: {  	vm2 =	vlt.f32 v50, $2.000000030e-01;
	v57 =	vld [tilespmem:s8+$0x1C090];
	vm3 =	vlt.f32 v53, $2.000000030e-01;
	v55 =	vnsel vm1, $0x0, v55  }
0x4f7: {  	v50 =	vnsel vm2, $0x0, v50;
	v45 =	vsub.f32 v45, v46;
	v58 =	vld [tilespmem:s8+$0xA090];
	v53 =	vnsel vm3, $0x0, v53  }
0x4f8: {  	v36 =	vadd.f32 v54, v36;
	vm1 =	vlt.f32 v51, $2.000000030e-01;
	v46 =	vld [tilespmem:s8+$0x1C080];
	v47 =	vsub.f32 v47, v52  }
0x4f9: {  	v33 =	vadd.f32 v50, v33;
	v45 =	vand.u32 $0x7FFFFFFF, v45;
	v52 =	vld [tilespmem:s8+$0xA0B0];
	v48 =	vsub.f32 v48, v56  }
0x4fa: {  	v35 =	vadd.f32 v49, v35;
	v49 =	vnsel vm1, $0x0, v51;
	v50 =	vld [tilespmem:s8+$0xA080];
	v47 =	vand.u32 $0x7FFFFFFF, v47  }
0x4fb: {  	v40 =	vnsel vm0, $0x0, v40;
	vm0 =	vlt.f32 v45, $2.000000030e-01;
	v51 =	vld [tilespmem:s8+$0x1C070];
	[tilespmem:s8+$0xA080] =	vst v2;
	v48 =	vand.u32 $0x7FFFFFFF, v48  }
0x4fc: {  	v34 =	vadd.f32 v40, v34;
	vm1 =	vlt.f32 v47, $2.000000030e-01;
	v54 =	vld [tilespmem:s8+$0xA070];
	vm2 =	vlt.f32 v48, $2.000000030e-01  }
0x4fd: {  	v33 =	vadd.f32 v44, v33;
	v44 =	vnsel vm1, $0x0, v47;
	v40 =	vld [tilespmem:s8+$0x1C060];
	[tilespmem:s8+$0xA070] =	vst v2  }
0x4fe: {  	v36 =	vadd.f32 v38, v36;
	v35 =	vadd.f32 v37, v35;
	v37 =	vnsel vm2, $0x0, v48;
	v47 =	vld [tilespmem:s8+$0xA060]  }
0x4ff: {  	v34 =	vadd.f32 v39, v34;
	v39 =	vnsel vm0, $0x0, v45;
	v33 =	vadd.f32 v41, v33;
	v38 =	vld [tilespmem:s8+$0x1C050];
	[tilespmem:s8+$0xA060] =	vst v2  }
0x500: {  	v36 =	vadd.f32 v53, v36;
	v35 =	vadd.f32 v43, v35;
	v41 =	vld [tilespmem:s8+$0xA050]  }
0x501: {  	v34 =	vadd.f32 v55, v34;
	v33 =	vadd.f32 v44, v33;
	v43 =	vld [tilespmem:s8+$0x1C040];
	[tilespmem:s8+$0xA050] =	vst v2  }
0x502: {  	v36 =	vadd.f32 v49, v36;
	v35 =	vadd.f32 v37, v35;
	v44 =	vld [tilespmem:s8+$0xA040]  }
0x503: {  	v34 =	vadd.f32 v39, v34;
	v37 =	vld [tilespmem:s8+$0x1C030];
	[tilespmem:s8+$0xA040] =	vst v2  }
0x504: {  	v39 =	vld [tilespmem:s8+$0xA030]  }
0x505: {  	v45 =	vld [tilespmem:s8+$0x1C010];
	[tilespmem:s8+$0xA030] =	vst v2;
	v38 =	vsub.f32 v41, v38  }
0x506: {  	v41 =	vld [tilespmem:s8+$0x1C020]  }
0x507: {  	v40 =	vsub.f32 v47, v40;
	v48 =	vld [tilespmem:s8+$0xA020];
	v43 =	vsub.f32 v44, v43;
	v38 =	vand.u32 $0x7FFFFFFF, v38  }
0x508: {  	v44 =	vld [tilespmem:s8+$0xA010];
	vm0 =	vlt.f32 v38, $2.000000030e-01;
	[tilespmem:s8+$0xA090] =	vst v2  }
0x509: {  	v51 =	vsub.f32 v54, v51;
	v49 =	vand.u32 $0x7FFFFFFF, v40;
	v47 =	vld [tilespmem:s8+$0x1C000];
	[tilespmem:s8+$0xA010] =	vst v2;
	v39 =	vsub.f32 v39, v37  }
0x50a: {  	v43 =	vand.u32 $0x7FFFFFFF, v43;
	v37 =	vnsel vm0, $0x0, v38;
	vm0 =	vlt.f32 v49, $2.000000030e-01;
	v53 =	vld [tilespmem:s8+$0xA000];
	[tilespmem:s8+$0xA0B0] =	vst v2  }
0x50b: {  	v46 =	vsub.f32 v50, v46;
	[tilespmem:s8+$0xA000] =	vst v2;
	v40 =	vand.u32 $0x7FFFFFFF, v39;
	v39 =	vand.u32 $0x7FFFFFFF, v51;
	v55 =	vld [tilespmem:s8+$0xA0A0]  }
0x50c: {  	v38 =	vnsel vm0, $0x0, v49;
	v41 =	vsub.f32 v48, v41;
	vm1 =	vlt.f32 v39, $2.000000030e-01;
	[tilespmem:s8+$0xA0A0] =	vst v2;
	v51 =	vld [tilespmem:s8+$0xA0E0]  }
0x50d: {  	v46 =	vand.u32 $0x7FFFFFFF, v46;
	vm0 =	vlt.f32 v40, $2.000000030e-01;
	v39 =	vnsel vm1, $0x0, v39;
	v54 =	vld [tilespmem:s8+$0x1C0E0];
	[tilespmem:s8+$0xA0E0] =	vst v2  }
0x50e: {  	v44 =	vsub.f32 v44, v45;
	vm1 =	vlt.f32 v46, $2.000000030e-01;
	v56 =	vand.u32 $0x7FFFFFFF, v41;
	[tilespmem:s8+$0xA020] =	vst v2;
	v59 =	vld [tilespmem:s8+$0x1C0A0]  }
.Ltmp16:
0x50f: {  	v48 =	vsub.f32 v58, v57;
	v41 =	vnsel vm1, $0x0, v46;
	v47 =	vsub.f32 v53, v47;
	v45 =	vld [tilespmem:s8+$0xA0F0];
	(pc) =	sbr.rel @p0 .LBB2_34-.Ltmp16, $4  }
0x510: {  	vm2 =	vlt.f32 v43, $2.000000030e-01;
	v49 =	vand.u32 $0x7FFFFFFF, v44;
	vm1 =	vlt.f32 v56, $2.000000030e-01;
	v46 =	vld [tilespmem:s8+$0x1C0F0];
	[tilespmem:s8+$0xA0F0] =	vst v2  }
0x511: {  	v42 =	vsub.f32 v52, v42;
	v53 =	vand.u32 $0x7FFFFFFF, v48;
	v50 =	vand.u32 $0x7FFFFFFF, v47;
	v47 =	vld [tilespmem:s8+$0xA0C0]  }
0x512: {  	v44 =	vnsel vm2, $0x0, v43;
	vm2 =	vlt.f32 v53, $2.000000030e-01;
	[tilespmem:s8+$0xA0C0] =	vst v2;
	v48 =	vld [tilespmem:s8+$0xA0D0];
	v51 =	vsub.f32 v51, v54  }
0x513: {  	s10 =	sadd.s32 $0x400, s10;
	v43 =	vnsel vm2, $0x0, v53;
	v54 =	vnsel vm1, $0x0, v56;
	v53 =	vsub.f32 v55, v59;
	v52 =	vld [tilespmem:s8+$0x1C0C0];
	[tilespmem:s8+$0xA0D0] =	vst v2  }
0x514: {  	v55 =	vld [tilespmem:s8+$0x1C0D0];
	_ =	swait.ge [sflag:s28], $0x2000  }
0x515: {  	[sflag:s28] =	ssyncset.done $0x0  }
0x516: {  	s8 =	simm.s32 $0x0;
	[sflag:s28] =	ssyncadd.s32 $0xFFFFE000  }
0x517: {  	v56 =	vld [tilespmem:s8+$0x180B0]  }
0x518: {  	v57 =	vld [tilespmem:s8+$0x18090]  }
0x519: {  	v58 =	vld [tilespmem:s8+$0xC090]  }
0x51a: {  	v59 =	vld [tilespmem:s8+$0x18070]  }
0x51b: {  	vm1 =	vlt.f32 v49, $2.000000030e-01;
	vm2 =	vlt.f32 v50, $2.000000030e-01;
	v36 =	vadd.f32 v54, v36;
	v60 =	vld [tilespmem:s8+$0xC070]  }
0x51c: {  	v40 =	vnsel vm0, $0x0, v40;
	v63 =	vand.u32 $0x7FFFFFFF, v42;
	v45 =	vsub.f32 v45, v46;
	v46 =	vld [tilespmem:s8+$0x18060]  }
0x51d: {  	v49 =	vnsel vm1, $0x0, v49;
	v50 =	vnsel vm2, $0x0, v50;
	v34 =	vadd.f32 v40, v34;
	v54 =	vld [tilespmem:s8+$0x18080]  }
0x51e: {  	v62 =	vand.u32 $0x7FFFFFFF, v53;
	vm0 =	vlt.f32 v63, $2.000000030e-01;
	v35 =	vadd.f32 v49, v35;
	v49 =	vld [tilespmem:s8+$0x18050]  }
0x51f: {  	v33 =	vadd.f32 v50, v33;
	v36 =	vadd.f32 v38, v36;
	vm1 =	vlt.f32 v62, $2.000000030e-01;
	v50 =	vld [tilespmem:s8+$0xC080]  }
0x520: {  	v40 =	vnsel vm0, $0x0, v63;
	v38 =	vld [tilespmem:s8+$0x18040];
	v34 =	vadd.f32 v39, v34;
	v47 =	vsub.f32 v47, v52  }
0x521: {  	v39 =	vld [tilespmem:s8+$0x18030];
	v33 =	vadd.f32 v44, v33;
	v35 =	vadd.f32 v37, v35;
	v44 =	vnsel vm1, $0x0, v62  }
0x522: {  	v63 =	vld [tilespmem:s8+$0xC040];
	v61 =	vand.u32 $0x7FFFFFFF, v45;
	v48 =	vsub.f32 v48, v55;
	v36 =	vadd.f32 v44, v36  }
0x523: {  	v37 =	vld [tilespmem:s8+$0xC050];
	v55 =	vand.u32 $0x7FFFFFFF, v51;
	v34 =	vadd.f32 v40, v34;
	v33 =	vadd.f32 v41, v33  }
0x524: {  	v52 =	vld [tilespmem:s8+$0xC060];
	v47 =	vand.u32 $0x7FFFFFFF, v47;
	v35 =	vadd.f32 v43, v35;
	vm0 =	vlt.f32 v55, $2.000000030e-01  }
0x525: {  	v45 =	vld [tilespmem:s8+$0xC020];
	vm1 =	vlt.f32 v47, $2.000000030e-01;
	v48 =	vand.u32 $0x7FFFFFFF, v48;
	v42 =	vnsel vm0, $0x0, v55  }
0x526: {  	[tilespmem:s8+$0xC070] =	vst v2;
	v51 =	vld [tilespmem:s8+$0x18020];
	vm0 =	vlt.f32 v61, $2.000000030e-01;
	v47 =	vnsel vm1, $0x0, v47;
	v36 =	vadd.f32 v42, v36  }
0x527: {  	[tilespmem:s8+$0xC080] =	vst v2;
	v41 =	vld [tilespmem:s8+$0xC030];
	vm1 =	vlt.f32 v48, $2.000000030e-01;
	v38 =	vsub.f32 v63, v38;
	v63 =	vsub.f32 v60, v59  }
0x528: {  	[tilespmem:s8+$0xC090] =	vst v2;
	v53 =	vld [tilespmem:s8+$0xC0E0];
	v40 =	vnsel vm0, $0x0, v61;
	v33 =	vadd.f32 v47, v33;
	v37 =	vsub.f32 v37, v49  }
0x529: {  	[tilespmem:s8+$0xC0E0] =	vst v2;
	v44 =	vld [tilespmem:s8+$0xC000];
	v62 =	vnsel vm1, $0x0, v48;
	v46 =	vsub.f32 v52, v46;
	v34 =	vadd.f32 v40, v34  }
0x52a: {  	[tilespmem:s8+$0xC040] =	vst v2;
	v42 =	vld [tilespmem:s8+$0x18000];
	v49 =	vsub.f32 v50, v54;
	v35 =	vadd.f32 v62, v35  }
0x52b: {  	[tilespmem:s8+$0xC020] =	vst v2;
	v43 =	vld [tilespmem:s8+$0x18010];
	v55 =	vand.u32 $0x7FFFFFFF, v38;
	v50 =	vsub.f32 v45, v51;
	v62 =	vsub.f32 v58, v57  }
0x52c: {  	[tilespmem:s8+$0xC060] =	vst v2;
	v48 =	vld [tilespmem:s8+$0xC010];
	v37 =	vand.u32 $0x7FFFFFFF, v37;
	v39 =	vsub.f32 v41, v39;
	v41 =	vand.u32 $0x7FFFFFFF, v46  }
0x52d: {  	[tilespmem:s8+$0xC050] =	vst v2;
	v59 =	vld [tilespmem:s8+$0x180E0];
	v51 =	vand.u32 $0x7FFFFFFF, v49;
	vm2 =	vlt.f32 v55, $2.000000030e-01;
	vm0 =	vlt.f32 v37, $2.000000030e-01  }
0x52e: {  	[tilespmem:s8+$0xC000] =	vst v2;
	v52 =	vld [tilespmem:s8+$0xC0B0];
	v54 =	vand.u32 $0x7FFFFFFF, v50;
	v37 =	vnsel vm0, $0x0, v37;
	vm0 =	vlt.f32 v41, $2.000000030e-01  }
0x52f: {  	[tilespmem:s8+$0xC030] =	vst v2;
	v60 =	vld [tilespmem:s8+$0xC0A0];
	v40 =	vand.u32 $0x7FFFFFFF, v39;
	v39 =	vand.u32 $0x7FFFFFFF, v63;
	v42 =	vsub.f32 v44, v42  }
0x530: {  	[tilespmem:s8+$0xC0A0] =	vst v2;
	v61 =	vld [tilespmem:s8+$0x180A0];
	v63 =	vand.u32 $0x7FFFFFFF, v62;
	v44 =	vnsel vm2, $0x0, v55;
	v38 =	vnsel vm0, $0x0, v41  }
0x531: {  	[tilespmem:s8+$0xC010] =	vst v2;
	v47 =	vld [tilespmem:s8+$0xC0C0];
	vm1 =	vlt.f32 v39, $2.000000030e-01;
	vm0 =	vlt.f32 v40, $2.000000030e-01;
	v43 =	vsub.f32 v48, v43  }
0x532: {  	[tilespmem:s8+$0xC0B0] =	vst v2;
	v45 =	vld [tilespmem:s8+$0xC0F0];
	vm2 =	vlt.f32 v63, $2.000000030e-01;
	v39 =	vnsel vm1, $0x0, v39;
	vm1 =	vlt.f32 v51, $2.000000030e-01  }
0x533: {  	[tilespmem:s8+$0xC0C0] =	vst v2;
	v46 =	vld [tilespmem:s8+$0x180F0];
	v50 =	vand.u32 $0x7FFFFFFF, v42;
	v42 =	vsub.f32 v52, v56;
	v41 =	vnsel vm1, $0x0, v51  }
0x534: {  	[tilespmem:s8+$0xC0F0] =	vst v2;
	v48 =	vld [tilespmem:s8+$0xC0D0];
	v49 =	vand.u32 $0x7FFFFFFF, v43;
	vm1 =	vlt.f32 v54, $2.000000030e-01;
	v51 =	vsub.f32 v53, v59  }
0x535: {  	s9 =	simm.s32 $0x0;
	s10 =	simm.s32 $0x400;
	[tilespmem:s8+$0xC0D0] =	vst v2;
	v52 =	vld [tilespmem:s8+$0x180C0];
	v43 =	vnsel vm2, $0x0, v63;
	v53 =	vsub.f32 v60, v61;
	v54 =	vnsel vm1, $0x0, v54  }
.LBB2_36:
0x536: {  	s9 =	sadd.s32 $0x4, s9;
	vm1 =	vlt.f32 v49, $2.000000030e-01;
	v55 =	vand.u32 $0x7FFFFFFF, v42;
	v56 =	vld [tilespmem:s8+$0x180D0];
	s8 =	sshra.s32 s10, $0x2;
	v51 =	vand.u32 $0x7FFFFFFF, v51  }
0x537: {  	v42 =	vld [tilespmem:s8+$0x180B0];
	p0 =	slt.u32 s9, $0x7C;
	v49 =	vnsel vm1, $0x0, v49;
	v53 =	vand.u32 $0x7FFFFFFF, v53;
	vm1 =	vlt.f32 v55, $2.000000030e-01  }
0x538: {  	vm2 =	vlt.f32 v50, $2.000000030e-01;
	v57 =	vld [tilespmem:s8+$0x18090];
	vm3 =	vlt.f32 v53, $2.000000030e-01;
	v55 =	vnsel vm1, $0x0, v55  }
0x539: {  	v50 =	vnsel vm2, $0x0, v50;
	v45 =	vsub.f32 v45, v46;
	v58 =	vld [tilespmem:s8+$0xC090];
	v53 =	vnsel vm3, $0x0, v53  }
0x53a: {  	v36 =	vadd.f32 v54, v36;
	vm1 =	vlt.f32 v51, $2.000000030e-01;
	v46 =	vld [tilespmem:s8+$0x18080];
	v47 =	vsub.f32 v47, v52  }
0x53b: {  	v33 =	vadd.f32 v50, v33;
	v45 =	vand.u32 $0x7FFFFFFF, v45;
	v52 =	vld [tilespmem:s8+$0xC0B0];
	v48 =	vsub.f32 v48, v56  }
0x53c: {  	v35 =	vadd.f32 v49, v35;
	v49 =	vnsel vm1, $0x0, v51;
	v50 =	vld [tilespmem:s8+$0xC080];
	v47 =	vand.u32 $0x7FFFFFFF, v47  }
0x53d: {  	v40 =	vnsel vm0, $0x0, v40;
	vm0 =	vlt.f32 v45, $2.000000030e-01;
	v51 =	vld [tilespmem:s8+$0x18070];
	[tilespmem:s8+$0xC080] =	vst v2;
	v48 =	vand.u32 $0x7FFFFFFF, v48  }
0x53e: {  	v34 =	vadd.f32 v40, v34;
	vm1 =	vlt.f32 v47, $2.000000030e-01;
	v54 =	vld [tilespmem:s8+$0xC070];
	vm2 =	vlt.f32 v48, $2.000000030e-01  }
0x53f: {  	v33 =	vadd.f32 v44, v33;
	v44 =	vnsel vm1, $0x0, v47;
	v40 =	vld [tilespmem:s8+$0x18060];
	[tilespmem:s8+$0xC070] =	vst v2  }
0x540: {  	v36 =	vadd.f32 v38, v36;
	v35 =	vadd.f32 v37, v35;
	v37 =	vnsel vm2, $0x0, v48;
	v47 =	vld [tilespmem:s8+$0xC060]  }
0x541: {  	v34 =	vadd.f32 v39, v34;
	v39 =	vnsel vm0, $0x0, v45;
	v33 =	vadd.f32 v41, v33;
	v38 =	vld [tilespmem:s8+$0x18050];
	[tilespmem:s8+$0xC060] =	vst v2  }
0x542: {  	v36 =	vadd.f32 v53, v36;
	v35 =	vadd.f32 v43, v35;
	v41 =	vld [tilespmem:s8+$0xC050]  }
0x543: {  	v34 =	vadd.f32 v55, v34;
	v33 =	vadd.f32 v44, v33;
	v43 =	vld [tilespmem:s8+$0x18040];
	[tilespmem:s8+$0xC050] =	vst v2  }
0x544: {  	v36 =	vadd.f32 v49, v36;
	v35 =	vadd.f32 v37, v35;
	v44 =	vld [tilespmem:s8+$0xC040]  }
0x545: {  	v34 =	vadd.f32 v39, v34;
	v37 =	vld [tilespmem:s8+$0x18030];
	[tilespmem:s8+$0xC040] =	vst v2  }
0x546: {  	v39 =	vld [tilespmem:s8+$0xC030]  }
0x547: {  	v45 =	vld [tilespmem:s8+$0x18010];
	[tilespmem:s8+$0xC030] =	vst v2;
	v38 =	vsub.f32 v41, v38  }
0x548: {  	v41 =	vld [tilespmem:s8+$0x18020]  }
0x549: {  	v40 =	vsub.f32 v47, v40;
	v48 =	vld [tilespmem:s8+$0xC020];
	v43 =	vsub.f32 v44, v43;
	v38 =	vand.u32 $0x7FFFFFFF, v38  }
0x54a: {  	v44 =	vld [tilespmem:s8+$0xC010];
	vm0 =	vlt.f32 v38, $2.000000030e-01;
	[tilespmem:s8+$0xC090] =	vst v2  }
0x54b: {  	v51 =	vsub.f32 v54, v51;
	v49 =	vand.u32 $0x7FFFFFFF, v40;
	v47 =	vld [tilespmem:s8+$0x18000];
	[tilespmem:s8+$0xC010] =	vst v2;
	v39 =	vsub.f32 v39, v37  }
0x54c: {  	v43 =	vand.u32 $0x7FFFFFFF, v43;
	v37 =	vnsel vm0, $0x0, v38;
	vm0 =	vlt.f32 v49, $2.000000030e-01;
	v53 =	vld [tilespmem:s8+$0xC000];
	[tilespmem:s8+$0xC0B0] =	vst v2  }
0x54d: {  	v46 =	vsub.f32 v50, v46;
	[tilespmem:s8+$0xC000] =	vst v2;
	v40 =	vand.u32 $0x7FFFFFFF, v39;
	v39 =	vand.u32 $0x7FFFFFFF, v51;
	v55 =	vld [tilespmem:s8+$0xC0A0]  }
0x54e: {  	v38 =	vnsel vm0, $0x0, v49;
	v41 =	vsub.f32 v48, v41;
	vm1 =	vlt.f32 v39, $2.000000030e-01;
	[tilespmem:s8+$0xC0A0] =	vst v2;
	v51 =	vld [tilespmem:s8+$0xC0E0]  }
0x54f: {  	v46 =	vand.u32 $0x7FFFFFFF, v46;
	vm0 =	vlt.f32 v40, $2.000000030e-01;
	v39 =	vnsel vm1, $0x0, v39;
	v54 =	vld [tilespmem:s8+$0x180E0];
	[tilespmem:s8+$0xC0E0] =	vst v2  }
0x550: {  	v44 =	vsub.f32 v44, v45;
	vm1 =	vlt.f32 v46, $2.000000030e-01;
	v56 =	vand.u32 $0x7FFFFFFF, v41;
	[tilespmem:s8+$0xC020] =	vst v2;
	v59 =	vld [tilespmem:s8+$0x180A0]  }
.Ltmp17:
0x551: {  	v48 =	vsub.f32 v58, v57;
	v41 =	vnsel vm1, $0x0, v46;
	v47 =	vsub.f32 v53, v47;
	v45 =	vld [tilespmem:s8+$0xC0F0];
	(pc) =	sbr.rel @p0 .LBB2_36-.Ltmp17, $4  }
0x552: {  	vm2 =	vlt.f32 v43, $2.000000030e-01;
	v49 =	vand.u32 $0x7FFFFFFF, v44;
	vm1 =	vlt.f32 v56, $2.000000030e-01;
	v46 =	vld [tilespmem:s8+$0x180F0];
	[tilespmem:s8+$0xC0F0] =	vst v2  }
0x553: {  	v42 =	vsub.f32 v52, v42;
	v53 =	vand.u32 $0x7FFFFFFF, v48;
	v50 =	vand.u32 $0x7FFFFFFF, v47;
	v47 =	vld [tilespmem:s8+$0xC0C0]  }
0x554: {  	v44 =	vnsel vm2, $0x0, v43;
	vm2 =	vlt.f32 v53, $2.000000030e-01;
	[tilespmem:s8+$0xC0C0] =	vst v2;
	v48 =	vld [tilespmem:s8+$0xC0D0];
	v51 =	vsub.f32 v51, v54  }
0x555: {  	s10 =	sadd.s32 $0x400, s10;
	v43 =	vnsel vm2, $0x0, v53;
	v54 =	vnsel vm1, $0x0, v56;
	v53 =	vsub.f32 v55, v59;
	v52 =	vld [tilespmem:s8+$0x180C0];
	[tilespmem:s8+$0xC0D0] =	vst v2  }
0x556: {  	v55 =	vld [tilespmem:s8+$0x180D0];
	_ =	swait.ge [sflag:s4], $0x2000  }
0x557: {  	[sflag:s4] =	ssyncset.done $0x0  }
0x558: {  	s8 =	simm.s32 $0x0;
	[sflag:s4] =	ssyncadd.s32 $0xFFFFE000  }
0x559: {  	v57 =	vld [tilespmem:s8+$0x1A090]  }
0x55a: {  	v58 =	vld [tilespmem:s8+$0xE090]  }
0x55b: {  	v59 =	vld [tilespmem:s8+$0x1A070]  }
0x55c: {  	v60 =	vld [tilespmem:s8+$0xE070]  }
0x55d: {  	vm1 =	vlt.f32 v49, $2.000000030e-01;
	v45 =	vsub.f32 v45, v46;
	v46 =	vld [tilespmem:s8+$0x1A060]  }
0x55e: {  	vm2 =	vlt.f32 v50, $2.000000030e-01;
	v36 =	vadd.f32 v54, v36;
	v49 =	vnsel vm1, $0x0, v49;
	v54 =	vld [tilespmem:s8+$0x1A080]  }
0x55f: {  	v40 =	vnsel vm0, $0x0, v40;
	v50 =	vnsel vm2, $0x0, v50;
	v35 =	vadd.f32 v49, v35;
	v49 =	vld [tilespmem:s8+$0x1A050]  }
0x560: {  	v34 =	vadd.f32 v40, v34;
	v33 =	vadd.f32 v50, v33;
	v50 =	vld [tilespmem:s8+$0xE080]  }
0x561: {  	v36 =	vadd.f32 v38, v36;
	v38 =	vld [tilespmem:s8+$0x1A040]  }
0x562: {  	v34 =	vadd.f32 v39, v34;
	v39 =	vld [tilespmem:s8+$0x1A030]  }
0x563: {  	v62 =	vand.u32 $0x7FFFFFFF, v42;
	v63 =	vand.u32 $0x7FFFFFFF, v51;
	v51 =	vld [tilespmem:s8+$0x1A020]  }
0x564: {  	vm0 =	vlt.f32 v62, $2.000000030e-01;
	v42 =	vld [tilespmem:s8+$0x1A000]  }
0x565: {  	v40 =	vnsel vm0, $0x0, v62;
	vm0 =	vlt.f32 v63, $2.000000030e-01;
	v47 =	vsub.f32 v47, v52;
	v52 =	vld [tilespmem:s8+$0xE060]  }
0x566: {  	v45 =	vand.u32 $0x7FFFFFFF, v45;
	v33 =	vadd.f32 v44, v33;
	v35 =	vadd.f32 v37, v35;
	v37 =	vld [tilespmem:s8+$0xE050]  }
0x567: {  	v61 =	vnsel vm0, $0x0, v63;
	v48 =	vsub.f32 v48, v55;
	v55 =	vand.u32 $0x7FFFFFFF, v53;
	v53 =	vld [tilespmem:s8+$0xE0E0]  }
0x568: {  	vm0 =	vlt.f32 v45, $2.000000030e-01;
	vm1 =	vlt.f32 v55, $2.000000030e-01;
	v33 =	vadd.f32 v41, v33;
	v41 =	vld [tilespmem:s8+$0xE030]  }
0x569: {  	v47 =	vand.u32 $0x7FFFFFFF, v47;
	v35 =	vadd.f32 v43, v35;
	v43 =	vld [tilespmem:s8+$0x1A010];
	v44 =	vnsel vm1, $0x0, v55  }
0x56a: {  	v40 =	vadd.f32 v40, v34;
	vm1 =	vlt.f32 v47, $2.000000030e-01;
	v36 =	vadd.f32 v44, v36;
	v44 =	vld [tilespmem:s8+$0xE040]  }
0x56b: {  	[tilespmem:s8+$0xE070] =	vst v2;
	v48 =	vand.u32 $0x7FFFFFFF, v48;
	v47 =	vnsel vm1, $0x0, v47;
	v50 =	vsub.f32 v50, v54;
	v54 =	vld [tilespmem:s8+$0xE0A0]  }
0x56c: {  	[tilespmem:s8+$0xE080] =	vst v2;
	v63 =	vnsel vm0, $0x0, v45;
	vm1 =	vlt.f32 v48, $2.000000030e-01;
	v34 =	vadd.f32 v47, v33;
	v47 =	vld [tilespmem:s8+$0xE020]  }
0x56d: {  	[tilespmem:s8+$0xE090] =	vst v2;
	v62 =	vnsel vm1, $0x0, v48;
	v37 =	vsub.f32 v37, v49;
	v48 =	vld [tilespmem:s8+$0xE010];
	v49 =	vsub.f32 v52, v46  }
0x56e: {  	[tilespmem:s8+$0xE060] =	vst v2;
	v33 =	vadd.f32 v63, v40;
	v63 =	vsub.f32 v60, v59;
	v59 =	vld [tilespmem:s8+$0x1A0E0]  }
0x56f: {  	[tilespmem:s8+$0xE050] =	vst v2;
	v60 =	vld [tilespmem:s8+$0x1A0A0];
	v35 =	vadd.f32 v62, v35;
	v36 =	vadd.f32 v61, v36;
	v37 =	vand.u32 $0x7FFFFFFF, v37  }
0x570: {  	[tilespmem:s8+$0xE0E0] =	vst v2;
	v45 =	vld [tilespmem:s8+$0xE0F0];
	v39 =	vsub.f32 v41, v39;
	v62 =	vand.u32 $0x7FFFFFFF, v49;
	v49 =	vand.u32 $0x7FFFFFFF, v63  }
0x571: {  	[tilespmem:s8+$0xE0F0] =	vst v2;
	v61 =	vld [tilespmem:s8+$0xE000];
	vm0 =	vlt.f32 v37, $2.000000030e-01;
	vm1 =	vlt.f32 v49, $2.000000030e-01;
	v38 =	vsub.f32 v44, v38  }
0x572: {  	[tilespmem:s8+$0xE030] =	vst v2;
	v37 =	vnsel vm0, $0x0, v37;
	vm0 =	vlt.f32 v62, $2.000000030e-01;
	v40 =	vand.u32 $0x7FFFFFFF, v39  }
0x573: {  	v56 =	vld [tilespmem:s8+$0x1A0B0];
	[tilespmem:s8+$0xE0A0] =	vst v2;
	v39 =	vnsel vm1, $0x0, v49;
	v47 =	vsub.f32 v47, v51;
	v43 =	vsub.f32 v48, v43  }
0x574: {  	[tilespmem:s8+$0xE040] =	vst v2;
	v52 =	vld [tilespmem:s8+$0xE0B0];
	v51 =	vand.u32 $0x7FFFFFFF, v50;
	v53 =	vsub.f32 v53, v59;
	v54 =	vsub.f32 v54, v60  }
0x575: {  	[tilespmem:s8+$0xE010] =	vst v2;
	v55 =	vand.u32 $0x7FFFFFFF, v38;
	v38 =	vnsel vm0, $0x0, v62;
	vm0 =	vlt.f32 v40, $2.000000030e-01  }
0x576: {  	[tilespmem:s8+$0xE0B0] =	vst v2;
	vm1 =	vlt.f32 v51, $2.000000030e-01;
	v42 =	vsub.f32 v61, v42;
	v62 =	vsub.f32 v58, v57  }
0x577: {  	v46 =	vld [tilespmem:s8+$0x1A0F0];
	[tilespmem:s8+$0xE020] =	vst v2;
	v61 =	vand.u32 $0x7FFFFFFF, v47;
	v41 =	vnsel vm1, $0x0, v51;
	vm2 =	vlt.f32 v55, $2.000000030e-01  }
0x578: {  	[tilespmem:s8+$0xE000] =	vst v2;
	v48 =	vld [tilespmem:s8+$0xE0D0];
	vm1 =	vlt.f32 v61, $2.000000030e-01;
	v49 =	vand.u32 $0x7FFFFFFF, v42;
	v63 =	vand.u32 $0x7FFFFFFF, v62  }
0x579: {  	[tilespmem:s8+$0xE0D0] =	vst v2;
	v47 =	vld [tilespmem:s8+$0xE0C0];
	v42 =	vsub.f32 v52, v56;
	v44 =	vnsel vm2, $0x0, v55;
	vm2 =	vlt.f32 v63, $2.000000030e-01  }
0x57a: {  	s9 =	simm.s32 $0x0;
	s10 =	simm.s32 $0x400;
	v50 =	vand.u32 $0x7FFFFFFF, v43;
	[tilespmem:s8+$0xE0C0] =	vst v2;
	v51 =	vld [tilespmem:s8+$0x1A0C0];
	v52 =	vnsel vm1, $0x0, v61;
	v43 =	vnsel vm2, $0x0, v63  }
.LBB2_38:
0x57b: {  	s9 =	sadd.s32 $0x4, s9;
	vm1 =	vlt.f32 v50, $2.000000030e-01;
	v55 =	vand.u32 $0x7FFFFFFF, v42;
	v56 =	vld [tilespmem:s8+$0x1A0D0];
	s8 =	sshra.s32 s10, $0x2;
	v53 =	vand.u32 $0x7FFFFFFF, v53  }
0x57c: {  	v42 =	vld [tilespmem:s8+$0x1A0B0];
	p0 =	slt.u32 s9, $0x7C;
	v50 =	vnsel vm1, $0x0, v50;
	v54 =	vand.u32 $0x7FFFFFFF, v54;
	vm1 =	vlt.f32 v55, $2.000000030e-01  }
0x57d: {  	vm2 =	vlt.f32 v49, $2.000000030e-01;
	v57 =	vld [tilespmem:s8+$0x1A090];
	vm3 =	vlt.f32 v54, $2.000000030e-01;
	v55 =	vnsel vm1, $0x0, v55  }
0x57e: {  	v49 =	vnsel vm2, $0x0, v49;
	v45 =	vsub.f32 v45, v46;
	v58 =	vld [tilespmem:s8+$0xE090];
	v54 =	vnsel vm3, $0x0, v54  }
0x57f: {  	v36 =	vadd.f32 v52, v36;
	vm1 =	vlt.f32 v53, $2.000000030e-01;
	v46 =	vld [tilespmem:s8+$0x1A080];
	v47 =	vsub.f32 v47, v51  }
0x580: {  	v34 =	vadd.f32 v49, v34;
	v45 =	vand.u32 $0x7FFFFFFF, v45;
	v51 =	vld [tilespmem:s8+$0xE0B0];
	v48 =	vsub.f32 v48, v56  }
0x581: {  	v35 =	vadd.f32 v50, v35;
	v50 =	vnsel vm1, $0x0, v53;
	v49 =	vld [tilespmem:s8+$0xE080];
	v47 =	vand.u32 $0x7FFFFFFF, v47  }
0x582: {  	v40 =	vnsel vm0, $0x0, v40;
	vm0 =	vlt.f32 v45, $2.000000030e-01;
	v52 =	vld [tilespmem:s8+$0x1A070];
	[tilespmem:s8+$0xE080] =	vst v2;
	v48 =	vand.u32 $0x7FFFFFFF, v48  }
0x583: {  	v33 =	vadd.f32 v40, v33;
	vm1 =	vlt.f32 v47, $2.000000030e-01;
	v53 =	vld [tilespmem:s8+$0xE070];
	vm2 =	vlt.f32 v48, $2.000000030e-01  }
0x584: {  	v34 =	vadd.f32 v44, v34;
	v44 =	vnsel vm1, $0x0, v47;
	v40 =	vld [tilespmem:s8+$0x1A060];
	[tilespmem:s8+$0xE070] =	vst v2  }
0x585: {  	v36 =	vadd.f32 v38, v36;
	v35 =	vadd.f32 v37, v35;
	v37 =	vnsel vm2, $0x0, v48;
	v47 =	vld [tilespmem:s8+$0xE060]  }
0x586: {  	v33 =	vadd.f32 v39, v33;
	v39 =	vnsel vm0, $0x0, v45;
	v34 =	vadd.f32 v41, v34;
	v38 =	vld [tilespmem:s8+$0x1A050];
	[tilespmem:s8+$0xE060] =	vst v2  }
0x587: {  	v36 =	vadd.f32 v54, v36;
	v35 =	vadd.f32 v43, v35;
	v41 =	vld [tilespmem:s8+$0xE050]  }
0x588: {  	v33 =	vadd.f32 v55, v33;
	v34 =	vadd.f32 v44, v34;
	v43 =	vld [tilespmem:s8+$0x1A040];
	[tilespmem:s8+$0xE050] =	vst v2  }
0x589: {  	v36 =	vadd.f32 v50, v36;
	v35 =	vadd.f32 v37, v35;
	v44 =	vld [tilespmem:s8+$0xE040]  }
0x58a: {  	v33 =	vadd.f32 v39, v33;
	v37 =	vld [tilespmem:s8+$0x1A030];
	[tilespmem:s8+$0xE040] =	vst v2  }
0x58b: {  	v39 =	vld [tilespmem:s8+$0xE030]  }
0x58c: {  	v45 =	vld [tilespmem:s8+$0x1A010];
	[tilespmem:s8+$0xE030] =	vst v2;
	v38 =	vsub.f32 v41, v38  }
0x58d: {  	v41 =	vld [tilespmem:s8+$0x1A020]  }
0x58e: {  	v40 =	vsub.f32 v47, v40;
	v48 =	vld [tilespmem:s8+$0xE020];
	v43 =	vsub.f32 v44, v43;
	v38 =	vand.u32 $0x7FFFFFFF, v38  }
0x58f: {  	v44 =	vld [tilespmem:s8+$0xE010];
	vm0 =	vlt.f32 v38, $2.000000030e-01;
	[tilespmem:s8+$0xE090] =	vst v2  }
0x590: {  	v52 =	vsub.f32 v53, v52;
	v50 =	vand.u32 $0x7FFFFFFF, v40;
	v47 =	vld [tilespmem:s8+$0x1A000];
	[tilespmem:s8+$0xE010] =	vst v2;
	v39 =	vsub.f32 v39, v37  }
0x591: {  	v43 =	vand.u32 $0x7FFFFFFF, v43;
	v37 =	vnsel vm0, $0x0, v38;
	vm0 =	vlt.f32 v50, $2.000000030e-01;
	v53 =	vld [tilespmem:s8+$0xE000];
	[tilespmem:s8+$0xE0B0] =	vst v2  }
0x592: {  	v46 =	vsub.f32 v49, v46;
	[tilespmem:s8+$0xE000] =	vst v2;
	v40 =	vand.u32 $0x7FFFFFFF, v39;
	v39 =	vand.u32 $0x7FFFFFFF, v52;
	v54 =	vld [tilespmem:s8+$0xE0A0]  }
0x593: {  	v38 =	vnsel vm0, $0x0, v50;
	v41 =	vsub.f32 v48, v41;
	vm1 =	vlt.f32 v39, $2.000000030e-01;
	[tilespmem:s8+$0xE0A0] =	vst v2;
	v52 =	vld [tilespmem:s8+$0xE0E0]  }
0x594: {  	v46 =	vand.u32 $0x7FFFFFFF, v46;
	vm0 =	vlt.f32 v40, $2.000000030e-01;
	v39 =	vnsel vm1, $0x0, v39;
	v55 =	vld [tilespmem:s8+$0x1A0E0];
	[tilespmem:s8+$0xE0E0] =	vst v2  }
0x595: {  	v44 =	vsub.f32 v44, v45;
	vm1 =	vlt.f32 v46, $2.000000030e-01;
	v56 =	vand.u32 $0x7FFFFFFF, v41;
	[tilespmem:s8+$0xE020] =	vst v2;
	v59 =	vld [tilespmem:s8+$0x1A0A0]  }
.Ltmp18:
0x596: {  	v48 =	vsub.f32 v58, v57;
	v41 =	vnsel vm1, $0x0, v46;
	v47 =	vsub.f32 v53, v47;
	v45 =	vld [tilespmem:s8+$0xE0F0];
	(pc) =	sbr.rel @p0 .LBB2_38-.Ltmp18, $4  }
0x597: {  	vm2 =	vlt.f32 v43, $2.000000030e-01;
	v50 =	vand.u32 $0x7FFFFFFF, v44;
	vm1 =	vlt.f32 v56, $2.000000030e-01;
	v46 =	vld [tilespmem:s8+$0x1A0F0];
	[tilespmem:s8+$0xE0F0] =	vst v2  }
0x598: {  	v42 =	vsub.f32 v51, v42;
	v57 =	vand.u32 $0x7FFFFFFF, v48;
	v49 =	vand.u32 $0x7FFFFFFF, v47;
	v47 =	vld [tilespmem:s8+$0xE0C0]  }
0x599: {  	v44 =	vnsel vm2, $0x0, v43;
	vm2 =	vlt.f32 v57, $2.000000030e-01;
	[tilespmem:s8+$0xE0C0] =	vst v2;
	v48 =	vld [tilespmem:s8+$0xE0D0];
	v53 =	vsub.f32 v52, v55  }
0x59a: {  	s10 =	sadd.s32 $0x400, s10;
	v43 =	vnsel vm2, $0x0, v57;
	v52 =	vnsel vm1, $0x0, v56;
	v54 =	vsub.f32 v54, v59;
	v51 =	vld [tilespmem:s8+$0x1A0C0];
	[tilespmem:s8+$0xE0D0] =	vst v2  }
0x59b: {  	vm1 =	vlt.f32 v50, $2.000000030e-01  }
0x59c: {  	v42 =	vand.u32 $0x7FFFFFFF, v42;
	v53 =	vand.u32 $0x7FFFFFFF, v53;
	vm2 =	vlt.f32 v49, $2.000000030e-01  }
0x59d: {  	v36 =	vadd.f32 v52, v36;
	v40 =	vnsel vm0, $0x0, v40;
	v50 =	vnsel vm1, $0x0, v50  }
0x59e: {  	v54 =	vand.u32 $0x7FFFFFFF, v54;
	vm11 =	vlt.f32 v42, $2.000000030e-01;
	v49 =	vnsel vm2, $0x0, v49  }
0x59f: {  	v55 =	vld [tilespmem:s8+$0x1A0D0];
	v45 =	vsub.f32 v45, v46;
	vm12 =	vlt.f32 v53, $2.000000030e-01;
	v33 =	vadd.f32 v40, v33  }
0x5a0: {  	vm3 =	vlt.f32 v54, $2.000000030e-01;
	v42 =	vnsel vm11, $0x0, v42;
	v34 =	vadd.f32 v49, v34  }
0x5a1: {  	v35 =	vadd.f32 v50, v35;
	v60 =	vnsel vm12, $0x0, v53;
	v36 =	vadd.f32 v38, v36  }
0x5a2: {  	v54 =	vnsel vm3, $0x0, v54;
	v33 =	vadd.f32 v39, v33;
	v58 =	vsub.f32 v47, v51  }
0x5a3: {  	v45 =	vand.u32 $0x7FFFFFFF, v45;
	v34 =	vadd.f32 v44, v34;
	v35 =	vadd.f32 v37, v35  }
0x5a4: {  	vm13 =	vlt.f32 v45, $2.000000030e-01;
	v36 =	vadd.f32 v54, v36;
	v59 =	vsub.f32 v48, v55  }
0x5a5: {  	v33 =	vadd.f32 v42, v33;
	v63 =	vnsel vm13, $0x0, v45;
	v46 =	vand.u32 $0x7FFFFFFF, v58  }
0x5a6: {  	v34 =	vadd.f32 v41, v34;
	v35 =	vadd.f32 v43, v35;
	v47 =	vand.u32 $0x7FFFFFFF, v59  }
0x5a7: {  	v36 =	vadd.f32 v60, v36;
	vm14 =	vlt.f32 v46, $2.000000030e-01;
	vm15 =	vlt.f32 v47, $2.000000030e-01  }
0x5a8: {  	v33 =	vadd.f32 v63, v33;
	v61 =	vnsel vm14, $0x0, v46;
	v62 =	vnsel vm15, $0x0, v47  }
0x5a9: {  	v34 =	vadd.f32 v61, v34;
	v35 =	vadd.f32 v62, v35;
	_ =	sdelay $0x1  }
0x5aa: {  	v33 =	vadd.f32 v33, v36;
	v34 =	vadd.f32 v35, v34;
	_ =	sdelay $0x1  }
0x5ab: {  	s7 =	sadd.s32 $0x1, s7;
	v33 =	vadd.f32 v33, v34  }
0x5ac: {  	p0 =	sne.s32 s7, s23  }
.Ltmp19:
0x5ad: {  	s11 =	simm.s32 $0x1E080;
	[tilespmem:$0x1E080] =	vst v33;
	(pc) =	sbr.rel @p0 .LBB2_1-.Ltmp19, $4  }
0x5ae: {  	[hbm4b:s22+s3] =	stream.linear.scatter [tilespmem:s11], [sflag:$0x5], $0x80, $0x38;
	[tilespmem:$0x1E100] =	vst v63  }
0x5af: {  	_ =	swait.ge [sflag:s25], $0x80  }
0x5b0: {  	[sflag:s25] =	ssyncset.done $0x0  }
0x5b1: {  	s10 =	simm.s32 $0x800;
	[sflag:s25] =	ssyncadd.s32 $0xFFFFFF80  }
0x5b2: {  	_ =	sfence.sel $0x180000  }
0x5b3: {  	[bflag:$0x0] =	sbarrier.arrive $0xFFFF  }
0x5b4: {  	_ =	strace $0x90000047  }
0x5b5: {  	s0 =	stileid.u32;
	[bflag:$0x2] =	sbarrier.arrive $0xFFFF  }
0x5b6: {  	p0 =	sne.s32 s0, $0x0;
	s0 =	rddreg [dreg:$0x3]  }
0x5b7: {  	s0 =	sadd.s32 @!p0 $0x100000, s0  }
0x5b8: {  	[sflag:s0] =	ssyncadd.tile.s32 @!p0 $0x1;
	_ =	shalt  }
.Lfunc_end2:
_tile_overlayer_lowered:
.L_overlay_start_2:
0x5b9: {  	(tag) =	ssettag $0x2  }
0x5ba: {  	s0 =	rddreg [dreg:$0x0];
	s2 =	stileid.u32  }
0x5bb: {  	s1 =	rddreg [dreg:$0x1];
	p0 =	sne.s32 s2, $0x0  }
0x5bc: {  	s3 =	rddreg [dreg:$0x2];
	[bflag:$0x3] =	sbarrier.arrive $0xFFFF;
	s2 =	simm.s32 @!p0 $0x1C05  }
0x5bd: {  	[timem:s3], [sflag:s2] =	dma.local @!p0 [hbm:s0], s1  }
0x5be: {  	s0 =	simm.s32 @!p0 $0x5  }
0x5bf: {  	_ =	swait.ge @!p0 [sflag:s0], s1  }
0x5c0: {  	s1 =	ssub.s32 @!p0 $0x0, s1;
	[sflag:s0] =	ssyncset.done @!p0 $0x0  }
0x5c1: {  	[sflag:s0] =	ssyncadd.s32 @!p0 s1  }
0x5c2: {  	[bflag:$0x3] =	sbarrier.arrive $0xFFFF  }
0x5c3: {  	_ =	shalt  }

</sc_bundles>
